<compile_context>
chip_gen: v7x
topology: tpu7x:2x2x1
jax: 0.10.2.dev20260603
libtpu: 0.0.44.dev20260713+nightly
codegen_flags: <defaults>
</compile_context>

<pallas_src>
import functools

import jax
import jax.numpy as jnp
from jax import lax
from jax.experimental import pallas as pl
from jax.experimental.pallas import tpu as pltpu
from jax.experimental.pallas import tpu_sc as plsc

_SLEN = 20
_VOCAB = 100000
_PAD = 32
_LANES = 16


def _log16(x):
    bits = lax.bitcast_convert_type(x, jnp.int32)
    e = (bits >> 23) - 127
    m = lax.bitcast_convert_type((bits & 0x007FFFFF) | 0x3F800000, jnp.float32)
    big = m > 1.41421356237
    m = jnp.where(big, m * 0.5, m)
    ef = jnp.where(big, e + 1, e).astype(jnp.float32)
    t = m - 1.0
    z = t * t
    p = jnp.full((_LANES,), 7.0376836292e-2, jnp.float32)
    for c in (-1.1514610310e-1, 1.1676998740e-1, -1.2420140846e-1,
              1.4249322787e-1, -1.6668057665e-1, 2.0000714765e-1,
              -2.4999993993e-1, 3.3333331174e-1):
        p = p * t + c
    y = t * z * p - 0.5 * z
    return t + y + ef * 0.69314718056


@functools.partial(
    pl.kernel,
    out_type=jax.ShapeDtypeStruct((_LANES,), jnp.float32),
    mesh=plsc.VectorSubcoreMesh(core_axis_name="c", subcore_axis_name="s"),
    compiler_params=pltpu.CompilerParams(use_tc_tiling_on_sc=True),
    scratch_types=[
        pltpu.VMEM((_PAD,), jnp.int32),
        pltpu.VMEM((_SLEN, 8, 128), jnp.float32),
        pltpu.VMEM((_LANES,), jnp.float32),
        pltpu.SemaphoreType.DMA,
    ],
)
def _pll_score(probs_hbm, ids_hbm, out_hbm, ids_v, tiles_v, out_v, sem):
    cid = lax.axis_index("c")
    sid = lax.axis_index("s")

    @pl.when(jnp.logical_and(cid == 0, sid == 0))
    def _():
        pltpu.sync_copy(ids_hbm, ids_v)
        iv = [ids_v[pl.ds(0, _LANES)], ids_v[pl.ds(_LANES, _LANES)]]
        copies = []
        for k in range(_SLEN):
            idv = iv[k // _LANES][k % _LANES]
            c0 = pl.multiple_of(
                (jnp.maximum(idv, 0) >> 7) << 7, 128)
            r0 = ((k + 1) // 8) * 8
            nr = min(8, _SLEN + 1 - r0)
            copies.append(pltpu.async_copy(
                probs_hbm.at[k, pl.ds(r0, nr), pl.ds(c0, 128)],
                tiles_v.at[k, pl.ds(0, nr)], sem))
        for c in copies:
            c.wait()

        kio = lax.iota(jnp.int32, _LANES)
        lgsum = jnp.zeros((_LANES,), jnp.float32)
        count = jnp.float32(0.0)
        for g in range(4):
            acc = jnp.ones((_LANES,), jnp.float32)
            for k in range(g * 5, g * 5 + 5):
                idv = iv[k // _LANES][k % _LANES]
                valid = idv >= 0
                off = jnp.where(valid, jnp.maximum(idv, 0) & 127, 128)
                row = (k + 1) % 8
                for c in range(8):
                    x = tiles_v[k, row, pl.ds(c * 16, _LANES)]
                    sel = (c * 16 + kio) == off
                    acc = acc * jnp.where(sel, x, 1.0)
                count = count + jnp.where(valid, 1.0, 0.0)
            lgsum = lgsum + _log16(acc)
        total = lgsum[0]
        for i in range(1, _LANES):
            total = total + lgsum[i]
        out_v[...] = (jnp.full((_LANES,), total, jnp.float32) /
                      jnp.full((_LANES,), count, jnp.float32))
        pltpu.sync_copy(out_v, out_hbm)


def kernel(probs, origids):
    ids = jnp.full((_PAD,), -1, jnp.int32).at[:_SLEN].set(
        origids.astype(jnp.int32))
    probs_t = jnp.transpose(probs, (1, 0, 2))
    out = _pll_score(probs_t, ids)
    return out[0]

# --- scband reference (transcript-rebuilt; emitter-appended) ---
"""Pipeline reference for scband-pll-scoring-method-84404697301269 (READ-ONLY COPY).

The authoritative reference and input builder live on the scoring server;
editing this copy changes nothing except your own understanding.
"""

import jax, jax.numpy as jnp
import numpy as np


def setup_inputs(seed: int = 0) -> dict:
    key = jax.random.key(seed)
    k1, k2 = jax.random.split(key)
    slen = 20
    vocab = 100000
    probs = jax.random.uniform(k1, (slen + 1, slen, vocab), dtype=jnp.float32, minval=1e-6, maxval=1.0)
    origids = jax.random.randint(k2, (slen,), 0, vocab, dtype=jnp.int64)
    return {"probs": probs, "origids": origids}


def reference(probs, origids):
    # mask of valid (non-negative) original ids
    mask = origids >= 0
    ids = jnp.where(mask, origids, 0)
    slen = probs.shape[0] - 1
    # probs[1:] : [slen, slen, vocab]; gather token prob of origids at every position
    idx = jnp.broadcast_to(ids[None, :], (slen, slen))[..., None]  # [slen, slen, 1]
    gathered = jnp.take_along_axis(probs[1:], idx, axis=-1).squeeze(-1)  # [slen, slen]
    # diagonal: prob of the original token at the position that was masked in that step
    dia = jnp.diagonal(gathered)  # [slen]
    logdia = jnp.where(mask, jnp.log(dia), 0.0)
    prob = jnp.sum(logdia, axis=-1) / jnp.sum(mask, axis=-1)
    return prob

if __name__ == "__main__":
    import jax
    _d = setup_inputs()
    print(jax.jit(kernel)(*tuple(_d.values())))

</pallas_src>

<mosaic_0001>
#map = affine_map<(d0, d1) -> (0, 0, 0)>
#map1 = affine_map<(d0, d1) -> (0)>
module attributes {stable_mosaic.version = 14 : i64} {
  func.func @_pll_score(%arg0: i32, %arg1: i32, %arg2: memref<20x21x100000xf32, #tpu.memory_space<hbm>>, %arg3: memref<32xi32, #tpu.memory_space<hbm>>, %arg4: memref<16xf32, #tpu.memory_space<hbm>>, %arg5: memref<32xi32, #tpu.memory_space<vmem>>, %arg6: memref<20x8x128xf32, #tpu.memory_space<vmem>>, %arg7: memref<16xf32, #tpu.memory_space<vmem>>, %arg8: memref<!tpu.dma_semaphore, #tpu.memory_space<semaphore_mem>>) attributes {dimension_semantics = [#tpu.dimension_semantics<core_parallel>, #tpu.dimension_semantics<subcore_parallel>], iteration_bounds = array<i64: 2, 16>, scalar_prefetch = 0 : i64, scratch_operands = 4 : i64, tpu.core_type = #tpu.core_type<sc_vector_subcore>, window_params = [{transform_indices = #map}, {transform_indices = #map1}, {transform_indices = #map1}]} {
    %eq3A = arith.constant 0 : i32
    %eq3A_0 = arith.cmpi eq, %arg0, %eq3A : i32
    %eq3A_1 = arith.constant 0 : i32
    %eq3A_2 = arith.cmpi eq, %arg1, %eq3A_1 : i32
    %and3A = arith.andi %eq3A_0, %eq3A_2 : i1
    %convert_element_type3A = arith.extui %and3A : i1 to i32
    %cond3A = arith.constant 0 : i32
    %cond3A_3 = arith.cmpi ne, %convert_element_type3A, %cond3A : i32
    scf.if %cond3A_3 {
      "tpu.region"() ({
        %run_scoped3A = tpu.sem_alloc : memref<!tpu.dma_semaphore, #tpu.memory_space<semaphore_mem>>
        tpu.enqueue_dma source(%arg3 : memref<32xi32, #tpu.memory_space<hbm>>) target(%arg5 : memref<32xi32, #tpu.memory_space<vmem>>) target_semaphore(%run_scoped3A : memref<!tpu.dma_semaphore, #tpu.memory_space<semaphore_mem>>)
        tpu.wait_dma2 semaphore(%run_scoped3A : memref<!tpu.dma_semaphore, #tpu.memory_space<semaphore_mem>>) src(%arg3 : memref<32xi32, #tpu.memory_space<hbm>>) dst(%arg5 : memref<32xi32, #tpu.memory_space<vmem>>)
        tpu.yield
      }) : () -> ()
      %get3A = arith.constant 0 : index
      %get3A_4 = tpu.vector_load %arg5[%get3A] {strides = array<i32>} : memref<32xi32, #tpu.memory_space<vmem>>, vector<16xi32>,
      %get3A_5 = vector.shape_cast %get3A_4 : vector<16xi32> to vector<16xi32>
      %get3A_6 = arith.constant 16 : index
      %get3A_7 = tpu.vector_load %arg5[%get3A_6] {strides = array<i32>} : memref<32xi32, #tpu.memory_space<vmem>>, vector<16xi32>,
      %get3A_8 = vector.shape_cast %get3A_7 : vector<16xi32> to vector<16xi32>
      %slice3A = vector.extract_strided_slice %get3A_5 {offsets = [0], sizes = [1], strides = [1]} : vector<16xi32> to vector<1xi32>
      %squeeze3A = vector.extract %slice3A[0] : i32 from vector<1xi32>
      %max3A = arith.constant 0 : i32
      %max3A_9 = arith.maxsi %squeeze3A, %max3A : i32
      %shift_right_arithmetic3A = arith.constant 7 : i32
      %shift_right_arithmetic3A_10 = arith.shrsi %max3A_9, %shift_right_arithmetic3A : i32
      %shift_left3A = arith.constant 7 : i32
      %shift_left3A_11 = arith.shli %shift_right_arithmetic3A_10, %shift_left3A : i32
      %multiple_of3A = tpu.assume_multiple %shift_left3A_11, 128 : i32
      %dma_start3A = arith.constant 0 : i32
      %dma_start3A_12 = arith.constant 0 : i32
      %dma_start3A_13 = arith.constant 0 : i32
      %dma_start3A_14 = arith.constant 0 : i32
      %dma_start3A_15 = tpu.memref_slice %arg6[%dma_start3A_12, %dma_start3A_13, %dma_start3A_14] : memref<20x8x128xf32, #tpu.memory_space<vmem>> -> memref<1x8x128xf32, #tpu.memory_space<vmem>>
      %dma_start3A_16 = tpu.memref_squeeze %dma_start3A_15 : memref<1x8x128xf32, #tpu.memory_space<vmem>> -> memref<8x128xf32, #tpu.memory_space<vmem>>
      %dma_start3A_17 = arith.constant 0 : i32
      %dma_start3A_18 = tpu.memref_slice %arg2[%dma_start3A, %dma_start3A_17, %multiple_of3A] : memref<20x21x100000xf32, #tpu.memory_space<hbm>> -> memref<1x8x128xf32, #tpu.memory_space<hbm>>
      %dma_start3A_19 = tpu.memref_squeeze %dma_start3A_18 : memref<1x8x128xf32, #tpu.memory_space<hbm>> -> memref<8x128xf32, #tpu.memory_space<hbm>>
      %dma_start3A_20 = arith.constant 0 : i32
      %dma_start3A_21 = arith.constant 0 : i32
      %dma_start3A_22 = tpu.memref_slice %arg6[%dma_start3A_12, %dma_start3A_20, %dma_start3A_21] : memref<20x8x128xf32, #tpu.memory_space<vmem>> -> memref<1x8x128xf32, #tpu.memory_space<vmem>>
      %dma_start3A_23 = tpu.memref_squeeze %dma_start3A_22 : memref<1x8x128xf32, #tpu.memory_space<vmem>> -> memref<8x128xf32, #tpu.memory_space<vmem>>
      %dma_start3A_24 = arith.constant 0 : i32
      %dma_start3A_25 = tpu.memref_slice %arg2[%dma_start3A, %dma_start3A_24, %multiple_of3A] : memref<20x21x100000xf32, #tpu.memory_space<hbm>> -> memref<1x8x128xf32, #tpu.memory_space<hbm>>
      %dma_start3A_26 = tpu.memref_squeeze %dma_start3A_25 : memref<1x8x128xf32, #tpu.memory_space<hbm>> -> memref<8x128xf32, #tpu.memory_space<hbm>>
      tpu.enqueue_dma source(%dma_start3A_26 : memref<8x128xf32, #tpu.memory_space<hbm>>) target(%dma_start3A_23 : memref<8x128xf32, #tpu.memory_space<vmem>>) target_semaphore(%arg8 : memref<!tpu.dma_semaphore, #tpu.memory_space<semaphore_mem>>)
      %slice3A_27 = vector.extract_strided_slice %get3A_5 {offsets = [1], sizes = [1], strides = [1]} : vector<16xi32> to vector<1xi32>
      %squeeze3A_28 = vector.extract %slice3A_27[0] : i32 from vector<1xi32>
      %max3A_29 = arith.constant 0 : i32
      %max3A_30 = arith.maxsi %squeeze3A_28, %max3A_29 : i32
      %shift_right_arithmetic3A_31 = arith.constant 7 : i32
      %shift_right_arithmetic3A_32 = arith.shrsi %max3A_30, %shift_right_arithmetic3A_31 : i32
      %shift_left3A_33 = arith.constant 7 : i32
      %shift_left3A_34 = arith.shli %shift_right_arithmetic3A_32, %shift_left3A_33 : i32
      %multiple_of3A_35 = tpu.assume_multiple %shift_left3A_34, 128 : i32
      %dma_start3A_36 = arith.constant 1 : i32
      %dma_start3A_37 = arith.constant 1 : i32
      %dma_start3A_38 = arith.constant 0 : i32
      %dma_start3A_39 = arith.constant 0 : i32
      %dma_start3A_40 = tpu.memref_slice %arg6[%dma_start3A_37, %dma_start3A_38, %dma_start3A_39] : memref<20x8x128xf32, #tpu.memory_space<vmem>> -> memref<1x8x128xf32, #tpu.memory_space<vmem>>
      %dma_start3A_41 = tpu.memref_squeeze %dma_start3A_40 : memref<1x8x128xf32, #tpu.memory_space<vmem>> -> memref<8x128xf32, #tpu.memory_space<vmem>>
      %dma_start3A_42 = arith.constant 0 : i32
      %dma_start3A_43 = tpu.memref_slice %arg2[%dma_start3A_36, %dma_start3A_42, %multiple_of3A_35] : memref<20x21x100000xf32, #tpu.memory_space<hbm>> -> memref<1x8x128xf32, #tpu.memory_space<hbm>>
      %dma_start3A_44 = tpu.memref_squeeze %dma_start3A_43 : memref<1x8x128xf32, #tpu.memory_space<hbm>> -> memref<8x128xf32, #tpu.memory_space<hbm>>
      %dma_start3A_45 = arith.constant 0 : i32
      %dma_start3A_46 = arith.constant 0 : i32
      %dma_start3A_47 = tpu.memref_slice %arg6[%dma_start3A_37, %dma_start3A_45, %dma_start3A_46] : memref<20x8x128xf32, #tpu.memory_space<vmem>> -> memref<1x8x128xf32, #tpu.memory_space<vmem>>
      %dma_start3A_48 = tpu.memref_squeeze %dma_start3A_47 : memref<1x8x128xf32, #tpu.memory_space<vmem>> -> memref<8x128xf32, #tpu.memory_space<vmem>>
      %dma_start3A_49 = arith.constant 0 : i32
      %dma_start3A_50 = tpu.memref_slice %arg2[%dma_start3A_36, %dma_start3A_49, %multiple_of3A_35] : memref<20x21x100000xf32, #tpu.memory_space<hbm>> -> memref<1x8x128xf32, #tpu.memory_space<hbm>>
      %dma_start3A_51 = tpu.memref_squeeze %dma_start3A_50 : memref<1x8x128xf32, #tpu.memory_space<hbm>> -> memref<8x128xf32, #tpu.memory_space<hbm>>
      tpu.enqueue_dma source(%dma_start3A_51 : memref<8x128xf32, #tpu.memory_space<hbm>>) target(%dma_start3A_48 : memref<8x128xf32, #tpu.memory_space<vmem>>) target_semaphore(%arg8 : memref<!tpu.dma_semaphore, #tpu.memory_space<semaphore_mem>>)
      %slice3A_52 = vector.extract_strided_slice %get3A_5 {offsets = [2], sizes = [1], strides = [1]} : vector<16xi32> to vector<1xi32>
      %squeeze3A_53 = vector.extract %slice3A_52[0] : i32 from vector<1xi32>
      %max3A_54 = arith.constant 0 : i32
      %max3A_55 = arith.maxsi %squeeze3A_53, %max3A_54 : i32
      %shift_right_arithmetic3A_56 = arith.constant 7 : i32
      %shift_right_arithmetic3A_57 = arith.shrsi %max3A_55, %shift_right_arithmetic3A_56 : i32
      %shift_left3A_58 = arith.constant 7 : i32
      %shift_left3A_59 = arith.shli %shift_right_arithmetic3A_57, %shift_left3A_58 : i32
      %multiple_of3A_60 = tpu.assume_multiple %shift_left3A_59, 128 : i32
      %dma_start3A_61 = arith.constant 2 : i32
      %dma_start3A_62 = arith.constant 2 : i32
      %dma_start3A_63 = arith.constant 0 : i32
      %dma_start3A_64 = arith.constant 0 : i32
      %dma_start3A_65 = tpu.memref_slice %arg6[%dma_start3A_62, %dma_start3A_63, %dma_start3A_64] : memref<20x8x128xf32, #tpu.memory_space<vmem>> -> memref<1x8x128xf32, #tpu.memory_space<vmem>>
      %dma_start3A_66 = tpu.memref_squeeze %dma_start3A_65 : memref<1x8x128xf32, #tpu.memory_space<vmem>> -> memref<8x128xf32, #tpu.memory_space<vmem>>
      %dma_start3A_67 = arith.constant 0 : i32
      %dma_start3A_68 = tpu.memref_slice %arg2[%dma_start3A_61, %dma_start3A_67, %multiple_of3A_60] : memref<20x21x100000xf32, #tpu.memory_space<hbm>> -> memref<1x8x128xf32, #tpu.memory_space<hbm>>
      %dma_start3A_69 = tpu.memref_squeeze %dma_start3A_68 : memref<1x8x128xf32, #tpu.memory_space<hbm>> -> memref<8x128xf32, #tpu.memory_space<hbm>>
      %dma_start3A_70 = arith.constant 0 : i32
      %dma_start3A_71 = arith.constant 0 : i32
      %dma_start3A_72 = tpu.memref_slice %arg6[%dma_start3A_62, %dma_start3A_70, %dma_start3A_71] : memref<20x8x128xf32, #tpu.memory_space<vmem>> -> memref<1x8x128xf32, #tpu.memory_space<vmem>>
      %dma_start3A_73 = tpu.memref_squeeze %dma_start3A_72 : memref<1x8x128xf32, #tpu.memory_space<vmem>> -> memref<8x128xf32, #tpu.memory_space<vmem>>
      %dma_start3A_74 = arith.constant 0 : i32
      %dma_start3A_75 = tpu.memref_slice %arg2[%dma_start3A_61, %dma_start3A_74, %multiple_of3A_60] : memref<20x21x100000xf32, #tpu.memory_space<hbm>> -> memref<1x8x128xf32, #tpu.memory_space<hbm>>
      %dma_start3A_76 = tpu.memref_squeeze %dma_start3A_75 : memref<1x8x128xf32, #tpu.memory_space<hbm>> -> memref<8x128xf32, #tpu.memory_space<hbm>>
      tpu.enqueue_dma source(%dma_start3A_76 : memref<8x128xf32, #tpu.memory_space<hbm>>) target(%dma_start3A_73 : memref<8x128xf32, #tpu.memory_space<vmem>>) target_semaphore(%arg8 : memref<!tpu.dma_semaphore, #tpu.memory_space<semaphore_mem>>)
      %slice3A_77 = vector.extract_strided_slice %get3A_5 {offsets = [3], sizes = [1], strides = [1]} : vector<16xi32> to vector<1xi32>
      %squeeze3A_78 = vector.extract %slice3A_77[0] : i32 from vector<1xi32>
      %max3A_79 = arith.constant 0 : i32
      %max3A_80 = arith.maxsi %squeeze3A_78, %max3A_79 : i32
      %shift_right_arithmetic3A_81 = arith.constant 7 : i32
      %shift_right_arithmetic3A_82 = arith.shrsi %max3A_80, %shift_right_arithmetic3A_81 : i32
      %shift_left3A_83 = arith.constant 7 : i32
      %shift_left3A_84 = arith.shli %shift_right_arithmetic3A_82, %shift_left3A_83 : i32
      %multiple_of3A_85 = tpu.assume_multiple %shift_left3A_84, 128 : i32
      %dma_start3A_86 = arith.constant 3 : i32
      %dma_start3A_87 = arith.constant 3 : i32
      %dma_start3A_88 = arith.constant 0 : i32
      %dma_start3A_89 = arith.constant 0 : i32
      %dma_start3A_90 = tpu.memref_slice %arg6[%dma_start3A_87, %dma_start3A_88, %dma_start3A_89] : memref<20x8x128xf32, #tpu.memory_space<vmem>> -> memref<1x8x128xf32, #tpu.memory_space<vmem>>
      %dma_start3A_91 = tpu.memref_squeeze %dma_start3A_90 : memref<1x8x128xf32, #tpu.memory_space<vmem>> -> memref<8x128xf32, #tpu.memory_space<vmem>>
      %dma_start3A_92 = arith.constant 0 : i32
      %dma_start3A_93 = tpu.memref_slice %arg2[%dma_start3A_86, %dma_start3A_92, %multiple_of3A_85] : memref<20x21x100000xf32, #tpu.memory_space<hbm>> -> memref<1x8x128xf32, #tpu.memory_space<hbm>>
      %dma_start3A_94 = tpu.memref_squeeze %dma_start3A_93 : memref<1x8x128xf32, #tpu.memory_space<hbm>> -> memref<8x128xf32, #tpu.memory_space<hbm>>
      %dma_start3A_95 = arith.constant 0 : i32
      %dma_start3A_96 = arith.constant 0 : i32
      %dma_start3A_97 = tpu.memref_slice %arg6[%dma_start3A_87, %dma_start3A_95, %dma_start3A_96] : memref<20x8x128xf32, #tpu.memory_space<vmem>> -> memref<1x8x128xf32, #tpu.memory_space<vmem>>
      %dma_start3A_98 = tpu.memref_squeeze %dma_start3A_97 : memref<1x8x128xf32, #tpu.memory_space<vmem>> -> memref<8x128xf32, #tpu.memory_space<vmem>>
      %dma_start3A_99 = arith.constant 0 : i32
      %dma_start3A_100 = tpu.memref_slice %arg2[%dma_start3A_86, %dma_start3A_99, %multiple_of3A_85] : memref<20x21x100000xf32, #tpu.memory_space<hbm>> -> memref<1x8x128xf32, #tpu.memory_space<hbm>>
      %dma_start3A_101 = tpu.memref_squeeze %dma_start3A_100 : memref<1x8x128xf32, #tpu.memory_space<hbm>> -> memref<8x128xf32, #tpu.memory_space<hbm>>
      tpu.enqueue_dma source(%dma_start3A_101 : memref<8x128xf32, #tpu.memory_space<hbm>>) target(%dma_start3A_98 : memref<8x128xf32, #tpu.memory_space<vmem>>) target_semaphore(%arg8 : memref<!tpu.dma_semaphore, #tpu.memory_space<semaphore_mem>>)
      %slice3A_102 = vector.extract_strided_slice %get3A_5 {offsets = [4], sizes = [1], strides = [1]} : vector<16xi32> to vector<1xi32>
      %squeeze3A_103 = vector.extract %slice3A_102[0] : i32 from vector<1xi32>
      %max3A_104 = arith.constant 0 : i32
      %max3A_105 = arith.maxsi %squeeze3A_103, %max3A_104 : i32
      %shift_right_arithmetic3A_106 = arith.constant 7 : i32
      %shift_right_arithmetic3A_107 = arith.shrsi %max3A_105, %shift_right_arithmetic3A_106 : i32
      %shift_left3A_108 = arith.constant 7 : i32
      %shift_left3A_109 = arith.shli %shift_right_arithmetic3A_107, %shift_left3A_108 : i32
      %multiple_of3A_110 = tpu.assume_multiple %shift_left3A_109, 128 : i32
      %dma_start3A_111 = arith.constant 4 : i32
      %dma_start3A_112 = arith.constant 4 : i32
      %dma_start3A_113 = arith.constant 0 : i32
      %dma_start3A_114 = arith.constant 0 : i32
      %dma_start3A_115 = tpu.memref_slice %arg6[%dma_start3A_112, %dma_start3A_113, %dma_start3A_114] : memref<20x8x128xf32, #tpu.memory_space<vmem>> -> memref<1x8x128xf32, #tpu.memory_space<vmem>>
      %dma_start3A_116 = tpu.memref_squeeze %dma_start3A_115 : memref<1x8x128xf32, #tpu.memory_space<vmem>> -> memref<8x128xf32, #tpu.memory_space<vmem>>
      %dma_start3A_117 = arith.constant 0 : i32
      %dma_start3A_118 = tpu.memref_slice %arg2[%dma_start3A_111, %dma_start3A_117, %multiple_of3A_110] : memref<20x21x100000xf32, #tpu.memory_space<hbm>> -> memref<1x8x128xf32, #tpu.memory_space<hbm>>
      %dma_start3A_119 = tpu.memref_squeeze %dma_start3A_118 : memref<1x8x128xf32, #tpu.memory_space<hbm>> -> memref<8x128xf32, #tpu.memory_space<hbm>>
      %dma_start3A_120 = arith.constant 0 : i32
      %dma_start3A_121 = arith.constant 0 : i32
      %dma_start3A_122 = tpu.memref_slice %arg6[%dma_start3A_112, %dma_start3A_120, %dma_start3A_121] : memref<20x8x128xf32, #tpu.memory_space<vmem>> -> memref<1x8x128xf32, #tpu.memory_space<vmem>>
      %dma_start3A_123 = tpu.memref_squeeze %dma_start3A_122 : memref<1x8x128xf32, #tpu.memory_space<vmem>> -> memref<8x128xf32, #tpu.memory_space<vmem>>
      %dma_start3A_124 = arith.constant 0 : i32
      %dma_start3A_125 = tpu.memref_slice %arg2[%dma_start3A_111, %dma_start3A_124, %multiple_of3A_110] : memref<20x21x100000xf32, #tpu.memory_space<hbm>> -> memref<1x8x128xf32, #tpu.memory_space<hbm>>
      %dma_start3A_126 = tpu.memref_squeeze %dma_start3A_125 : memref<1x8x128xf32, #tpu.memory_space<hbm>> -> memref<8x128xf32, #tpu.memory_space<hbm>>
      tpu.enqueue_dma source(%dma_start3A_126 : memref<8x128xf32, #tpu.memory_space<hbm>>) target(%dma_start3A_123 : memref<8x128xf32, #tpu.memory_space<vmem>>) target_semaphore(%arg8 : memref<!tpu.dma_semaphore, #tpu.memory_space<semaphore_mem>>)
      %slice3A_127 = vector.extract_strided_slice %get3A_5 {offsets = [5], sizes = [1], strides = [1]} : vector<16xi32> to vector<1xi32>
      %squeeze3A_128 = vector.extract %slice3A_127[0] : i32 from vector<1xi32>
      %max3A_129 = arith.constant 0 : i32
      %max3A_130 = arith.maxsi %squeeze3A_128, %max3A_129 : i32
      %shift_right_arithmetic3A_131 = arith.constant 7 : i32
      %shift_right_arithmetic3A_132 = arith.shrsi %max3A_130, %shift_right_arithmetic3A_131 : i32
      %shift_left3A_133 = arith.constant 7 : i32
      %shift_left3A_134 = arith.shli %shift_right_arithmetic3A_132, %shift_left3A_133 : i32
      %multiple_of3A_135 = tpu.assume_multiple %shift_left3A_134, 128 : i32
      %dma_start3A_136 = arith.constant 5 : i32
      %dma_start3A_137 = arith.constant 5 : i32
      %dma_start3A_138 = arith.constant 0 : i32
      %dma_start3A_139 = arith.constant 0 : i32
      %dma_start3A_140 = tpu.memref_slice %arg6[%dma_start3A_137, %dma_start3A_138, %dma_start3A_139] : memref<20x8x128xf32, #tpu.memory_space<vmem>> -> memref<1x8x128xf32, #tpu.memory_space<vmem>>
      %dma_start3A_141 = tpu.memref_squeeze %dma_start3A_140 : memref<1x8x128xf32, #tpu.memory_space<vmem>> -> memref<8x128xf32, #tpu.memory_space<vmem>>
      %dma_start3A_142 = arith.constant 0 : i32
      %dma_start3A_143 = tpu.memref_slice %arg2[%dma_start3A_136, %dma_start3A_142, %multiple_of3A_135] : memref<20x21x100000xf32, #tpu.memory_space<hbm>> -> memref<1x8x128xf32, #tpu.memory_space<hbm>>
      %dma_start3A_144 = tpu.memref_squeeze %dma_start3A_143 : memref<1x8x128xf32, #tpu.memory_space<hbm>> -> memref<8x128xf32, #tpu.memory_space<hbm>>
      %dma_start3A_145 = arith.constant 0 : i32
      %dma_start3A_146 = arith.constant 0 : i32
      %dma_start3A_147 = tpu.memref_slice %arg6[%dma_start3A_137, %dma_start3A_145, %dma_start3A_146] : memref<20x8x128xf32, #tpu.memory_space<vmem>> -> memref<1x8x128xf32, #tpu.memory_space<vmem>>
      %dma_start3A_148 = tpu.memref_squeeze %dma_start3A_147 : memref<1x8x128xf32, #tpu.memory_space<vmem>> -> memref<8x128xf32, #tpu.memory_space<vmem>>
      %dma_start3A_149 = arith.constant 0 : i32
      %dma_start3A_150 = tpu.memref_slice %arg2[%dma_start3A_136, %dma_start3A_149, %multiple_of3A_135] : memref<20x21x100000xf32, #tpu.memory_space<hbm>> -> memref<1x8x128xf32, #tpu.memory_space<hbm>>
      %dma_start3A_151 = tpu.memref_squeeze %dma_start3A_150 : memref<1x8x128xf32, #tpu.memory_space<hbm>> -> memref<8x128xf32, #tpu.memory_space<hbm>>
      tpu.enqueue_dma source(%dma_start3A_151 : memref<8x128xf32, #tpu.memory_space<hbm>>) target(%dma_start3A_148 : memref<8x128xf32, #tpu.memory_space<vmem>>) target_semaphore(%arg8 : memref<!tpu.dma_semaphore, #tpu.memory_space<semaphore_mem>>)
      %slice3A_152 = vector.extract_strided_slice %get3A_5 {offsets = [6], sizes = [1], strides = [1]} : vector<16xi32> to vector<1xi32>
      %squeeze3A_153 = vector.extract %slice3A_152[0] : i32 from vector<1xi32>
      %max3A_154 = arith.constant 0 : i32
      %max3A_155 = arith.maxsi %squeeze3A_153, %max3A_154 : i32
      %shift_right_arithmetic3A_156 = arith.constant 7 : i32
      %shift_right_arithmetic3A_157 = arith.shrsi %max3A_155, %shift_right_arithmetic3A_156 : i32
      %shift_left3A_158 = arith.constant 7 : i32
      %shift_left3A_159 = arith.shli %shift_right_arithmetic3A_157, %shift_left3A_158 : i32
      %multiple_of3A_160 = tpu.assume_multiple %shift_left3A_159, 128 : i32
      %dma_start3A_161 = arith.constant 6 : i32
      %dma_start3A_162 = arith.constant 6 : i32
      %dma_start3A_163 = arith.constant 0 : i32
      %dma_start3A_164 = arith.constant 0 : i32
      %dma_start3A_165 = tpu.memref_slice %arg6[%dma_start3A_162, %dma_start3A_163, %dma_start3A_164] : memref<20x8x128xf32, #tpu.memory_space<vmem>> -> memref<1x8x128xf32, #tpu.memory_space<vmem>>
      %dma_start3A_166 = tpu.memref_squeeze %dma_start3A_165 : memref<1x8x128xf32, #tpu.memory_space<vmem>> -> memref<8x128xf32, #tpu.memory_space<vmem>>
      %dma_start3A_167 = arith.constant 0 : i32
      %dma_start3A_168 = tpu.memref_slice %arg2[%dma_start3A_161, %dma_start3A_167, %multiple_of3A_160] : memref<20x21x100000xf32, #tpu.memory_space<hbm>> -> memref<1x8x128xf32, #tpu.memory_space<hbm>>
      %dma_start3A_169 = tpu.memref_squeeze %dma_start3A_168 : memref<1x8x128xf32, #tpu.memory_space<hbm>> -> memref<8x128xf32, #tpu.memory_space<hbm>>
      %dma_start3A_170 = arith.constant 0 : i32
      %dma_start3A_171 = arith.constant 0 : i32
      %dma_start3A_172 = tpu.memref_slice %arg6[%dma_start3A_162, %dma_start3A_170, %dma_start3A_171] : memref<20x8x128xf32, #tpu.memory_space<vmem>> -> memref<1x8x128xf32, #tpu.memory_space<vmem>>
      %dma_start3A_173 = tpu.memref_squeeze %dma_start3A_172 : memref<1x8x128xf32, #tpu.memory_space<vmem>> -> memref<8x128xf32, #tpu.memory_space<vmem>>
      %dma_start3A_174 = arith.constant 0 : i32
      %dma_start3A_175 = tpu.memref_slice %arg2[%dma_start3A_161, %dma_start3A_174, %multiple_of3A_160] : memref<20x21x100000xf32, #tpu.memory_space<hbm>> -> memref<1x8x128xf32, #tpu.memory_space<hbm>>
      %dma_start3A_176 = tpu.memref_squeeze %dma_start3A_175 : memref<1x8x128xf32, #tpu.memory_space<hbm>> -> memref<8x128xf32, #tpu.memory_space<hbm>>
      tpu.enqueue_dma source(%dma_start3A_176 : memref<8x128xf32, #tpu.memory_space<hbm>>) target(%dma_start3A_173 : memref<8x128xf32, #tpu.memory_space<vmem>>) target_semaphore(%arg8 : memref<!tpu.dma_semaphore, #tpu.memory_space<semaphore_mem>>)
      %slice3A_177 = vector.extract_strided_slice %get3A_5 {offsets = [7], sizes = [1], strides = [1]} : vector<16xi32> to vector<1xi32>
      %squeeze3A_178 = vector.extract %slice3A_177[0] : i32 from vector<1xi32>
      %max3A_179 = arith.constant 0 : i32
      %max3A_180 = arith.maxsi %squeeze3A_178, %max3A_179 : i32
      %shift_right_arithmetic3A_181 = arith.constant 7 : i32
      %shift_right_arithmetic3A_182 = arith.shrsi %max3A_180, %shift_right_arithmetic3A_181 : i32
      %shift_left3A_183 = arith.constant 7 : i32
      %shift_left3A_184 = arith.shli %shift_right_arithmetic3A_182, %shift_left3A_183 : i32
      %multiple_of3A_185 = tpu.assume_multiple %shift_left3A_184, 128 : i32
      %dma_start3A_186 = arith.constant 7 : i32
      %dma_start3A_187 = arith.constant 7 : i32
      %dma_start3A_188 = arith.constant 0 : i32
      %dma_start3A_189 = arith.constant 0 : i32
      %dma_start3A_190 = tpu.memref_slice %arg6[%dma_start3A_187, %dma_start3A_188, %dma_start3A_189] : memref<20x8x128xf32, #tpu.memory_space<vmem>> -> memref<1x8x128xf32, #tpu.memory_space<vmem>>
      %dma_start3A_191 = tpu.memref_squeeze %dma_start3A_190 : memref<1x8x128xf32, #tpu.memory_space<vmem>> -> memref<8x128xf32, #tpu.memory_space<vmem>>
      %dma_start3A_192 = arith.constant 8 : i32
      %dma_start3A_193 = tpu.memref_slice %arg2[%dma_start3A_186, %dma_start3A_192, %multiple_of3A_185] : memref<20x21x100000xf32, #tpu.memory_space<hbm>> -> memref<1x8x128xf32, #tpu.memory_space<hbm>>
      %dma_start3A_194 = tpu.memref_squeeze %dma_start3A_193 : memref<1x8x128xf32, #tpu.memory_space<hbm>> -> memref<8x128xf32, #tpu.memory_space<hbm>>
      %dma_start3A_195 = arith.constant 0 : i32
      %dma_start3A_196 = arith.constant 0 : i32
      %dma_start3A_197 = tpu.memref_slice %arg6[%dma_start3A_187, %dma_start3A_195, %dma_start3A_196] : memref<20x8x128xf32, #tpu.memory_space<vmem>> -> memref<1x8x128xf32, #tpu.memory_space<vmem>>
      %dma_start3A_198 = tpu.memref_squeeze %dma_start3A_197 : memref<1x8x128xf32, #tpu.memory_space<vmem>> -> memref<8x128xf32, #tpu.memory_space<vmem>>
      %dma_start3A_199 = arith.constant 8 : i32
      %dma_start3A_200 = tpu.memref_slice %arg2[%dma_start3A_186, %dma_start3A_199, %multiple_of3A_185] : memref<20x21x100000xf32, #tpu.memory_space<hbm>> -> memref<1x8x128xf32, #tpu.memory_space<hbm>>
      %dma_start3A_201 = tpu.memref_squeeze %dma_start3A_200 : memref<1x8x128xf32, #tpu.memory_space<hbm>> -> memref<8x128xf32, #tpu.memory_space<hbm>>
      tpu.enqueue_dma source(%dma_start3A_201 : memref<8x128xf32, #tpu.memory_space<hbm>>) target(%dma_start3A_198 : memref<8x128xf32, #tpu.memory_space<vmem>>) target_semaphore(%arg8 : memref<!tpu.dma_semaphore, #tpu.memory_space<semaphore_mem>>)
      %slice3A_202 = vector.extract_strided_slice %get3A_5 {offsets = [8], sizes = [1], strides = [1]} : vector<16xi32> to vector<1xi32>
      %squeeze3A_203 = vector.extract %slice3A_202[0] : i32 from vector<1xi32>
      %max3A_204 = arith.constant 0 : i32
      %max3A_205 = arith.maxsi %squeeze3A_203, %max3A_204 : i32
      %shift_right_arithmetic3A_206 = arith.constant 7 : i32
      %shift_right_arithmetic3A_207 = arith.shrsi %max3A_205, %shift_right_arithmetic3A_206 : i32
      %shift_left3A_208 = arith.constant 7 : i32
      %shift_left3A_209 = arith.shli %shift_right_arithmetic3A_207, %shift_left3A_208 : i32
      %multiple_of3A_210 = tpu.assume_multiple %shift_left3A_209, 128 : i32
      %dma_start3A_211 = arith.constant 8 : i32
      %dma_start3A_212 = arith.constant 8 : i32
      %dma_start3A_213 = arith.constant 0 : i32
      %dma_start3A_214 = arith.constant 0 : i32
      %dma_start3A_215 = tpu.memref_slice %arg6[%dma_start3A_212, %dma_start3A_213, %dma_start3A_214] : memref<20x8x128xf32, #tpu.memory_space<vmem>> -> memref<1x8x128xf32, #tpu.memory_space<vmem>>
      %dma_start3A_216 = tpu.memref_squeeze %dma_start3A_215 : memref<1x8x128xf32, #tpu.memory_space<vmem>> -> memref<8x128xf32, #tpu.memory_space<vmem>>
      %dma_start3A_217 = arith.constant 8 : i32
      %dma_start3A_218 = tpu.memref_slice %arg2[%dma_start3A_211, %dma_start3A_217, %multiple_of3A_210] : memref<20x21x100000xf32, #tpu.memory_space<hbm>> -> memref<1x8x128xf32, #tpu.memory_space<hbm>>
      %dma_start3A_219 = tpu.memref_squeeze %dma_start3A_218 : memref<1x8x128xf32, #tpu.memory_space<hbm>> -> memref<8x128xf32, #tpu.memory_space<hbm>>
      %dma_start3A_220 = arith.constant 0 : i32
      %dma_start3A_221 = arith.constant 0 : i32
      %dma_start3A_222 = tpu.memref_slice %arg6[%dma_start3A_212, %dma_start3A_220, %dma_start3A_221] : memref<20x8x128xf32, #tpu.memory_space<vmem>> -> memref<1x8x128xf32, #tpu.memory_space<vmem>>
      %dma_start3A_223 = tpu.memref_squeeze %dma_start3A_222 : memref<1x8x128xf32, #tpu.memory_space<vmem>> -> memref<8x128xf32, #tpu.memory_space<vmem>>
      %dma_start3A_224 = arith.constant 8 : i32
      %dma_start3A_225 = tpu.memref_slice %arg2[%dma_start3A_211, %dma_start3A_224, %multiple_of3A_210] : memref<20x21x100000xf32, #tpu.memory_space<hbm>> -> memref<1x8x128xf32, #tpu.memory_space<hbm>>
      %dma_start3A_226 = tpu.memref_squeeze %dma_start3A_225 : memref<1x8x128xf32, #tpu.memory_space<hbm>> -> memref<8x128xf32, #tpu.memory_space<hbm>>
      tpu.enqueue_dma source(%dma_start3A_226 : memref<8x128xf32, #tpu.memory_space<hbm>>) target(%dma_start3A_223 : memref<8x128xf32, #tpu.memory_space<vmem>>) target_semaphore(%arg8 : memref<!tpu.dma_semaphore, #tpu.memory_space<semaphore_mem>>)
      %slice3A_227 = vector.extract_strided_slice %get3A_5 {offsets = [9], sizes = [1], strides = [1]} : vector<16xi32> to vector<1xi32>
      %squeeze3A_228 = vector.extract %slice3A_227[0] : i32 from vector<1xi32>
      %max3A_229 = arith.constant 0 : i32
      %max3A_230 = arith.maxsi %squeeze3A_228, %max3A_229 : i32
      %shift_right_arithmetic3A_231 = arith.constant 7 : i32
      %shift_right_arithmetic3A_232 = arith.shrsi %max3A_230, %shift_right_arithmetic3A_231 : i32
      %shift_left3A_233 = arith.constant 7 : i32
      %shift_left3A_234 = arith.shli %shift_right_arithmetic3A_232, %shift_left3A_233 : i32
      %multiple_of3A_235 = tpu.assume_multiple %shift_left3A_234, 128 : i32
      %dma_start3A_236 = arith.constant 9 : i32
      %dma_start3A_237 = arith.constant 9 : i32
      %dma_start3A_238 = arith.constant 0 : i32
      %dma_start3A_239 = arith.constant 0 : i32
      %dma_start3A_240 = tpu.memref_slice %arg6[%dma_start3A_237, %dma_start3A_238, %dma_start3A_239] : memref<20x8x128xf32, #tpu.memory_space<vmem>> -> memref<1x8x128xf32, #tpu.memory_space<vmem>>
      %dma_start3A_241 = tpu.memref_squeeze %dma_start3A_240 : memref<1x8x128xf32, #tpu.memory_space<vmem>> -> memref<8x128xf32, #tpu.memory_space<vmem>>
      %dma_start3A_242 = arith.constant 8 : i32
      %dma_start3A_243 = tpu.memref_slice %arg2[%dma_start3A_236, %dma_start3A_242, %multiple_of3A_235] : memref<20x21x100000xf32, #tpu.memory_space<hbm>> -> memref<1x8x128xf32, #tpu.memory_space<hbm>>
      %dma_start3A_244 = tpu.memref_squeeze %dma_start3A_243 : memref<1x8x128xf32, #tpu.memory_space<hbm>> -> memref<8x128xf32, #tpu.memory_space<hbm>>
      %dma_start3A_245 = arith.constant 0 : i32
      %dma_start3A_246 = arith.constant 0 : i32
      %dma_start3A_247 = tpu.memref_slice %arg6[%dma_start3A_237, %dma_start3A_245, %dma_start3A_246] : memref<20x8x128xf32, #tpu.memory_space<vmem>> -> memref<1x8x128xf32, #tpu.memory_space<vmem>>
      %dma_start3A_248 = tpu.memref_squeeze %dma_start3A_247 : memref<1x8x128xf32, #tpu.memory_space<vmem>> -> memref<8x128xf32, #tpu.memory_space<vmem>>
      %dma_start3A_249 = arith.constant 8 : i32
      %dma_start3A_250 = tpu.memref_slice %arg2[%dma_start3A_236, %dma_start3A_249, %multiple_of3A_235] : memref<20x21x100000xf32, #tpu.memory_space<hbm>> -> memref<1x8x128xf32, #tpu.memory_space<hbm>>
      %dma_start3A_251 = tpu.memref_squeeze %dma_start3A_250 : memref<1x8x128xf32, #tpu.memory_space<hbm>> -> memref<8x128xf32, #tpu.memory_space<hbm>>
      tpu.enqueue_dma source(%dma_start3A_251 : memref<8x128xf32, #tpu.memory_space<hbm>>) target(%dma_start3A_248 : memref<8x128xf32, #tpu.memory_space<vmem>>) target_semaphore(%arg8 : memref<!tpu.dma_semaphore, #tpu.memory_space<semaphore_mem>>)
      %slice3A_252 = vector.extract_strided_slice %get3A_5 {offsets = [10], sizes = [1], strides = [1]} : vector<16xi32> to vector<1xi32>
      %squeeze3A_253 = vector.extract %slice3A_252[0] : i32 from vector<1xi32>
      %max3A_254 = arith.constant 0 : i32
      %max3A_255 = arith.maxsi %squeeze3A_253, %max3A_254 : i32
      %shift_right_arithmetic3A_256 = arith.constant 7 : i32
      %shift_right_arithmetic3A_257 = arith.shrsi %max3A_255, %shift_right_arithmetic3A_256 : i32
      %shift_left3A_258 = arith.constant 7 : i32
      %shift_left3A_259 = arith.shli %shift_right_arithmetic3A_257, %shift_left3A_258 : i32
      %multiple_of3A_260 = tpu.assume_multiple %shift_left3A_259, 128 : i32
      %dma_start3A_261 = arith.constant 10 : i32
      %dma_start3A_262 = arith.constant 10 : i32
      %dma_start3A_263 = arith.constant 0 : i32
      %dma_start3A_264 = arith.constant 0 : i32
      %dma_start3A_265 = tpu.memref_slice %arg6[%dma_start3A_262, %dma_start3A_263, %dma_start3A_264] : memref<20x8x128xf32, #tpu.memory_space<vmem>> -> memref<1x8x128xf32, #tpu.memory_space<vmem>>
      %dma_start3A_266 = tpu.memref_squeeze %dma_start3A_265 : memref<1x8x128xf32, #tpu.memory_space<vmem>> -> memref<8x128xf32, #tpu.memory_space<vmem>>
      %dma_start3A_267 = arith.constant 8 : i32
      %dma_start3A_268 = tpu.memref_slice %arg2[%dma_start3A_261, %dma_start3A_267, %multiple_of3A_260] : memref<20x21x100000xf32, #tpu.memory_space<hbm>> -> memref<1x8x128xf32, #tpu.memory_space<hbm>>
      %dma_start3A_269 = tpu.memref_squeeze %dma_start3A_268 : memref<1x8x128xf32, #tpu.memory_space<hbm>> -> memref<8x128xf32, #tpu.memory_space<hbm>>
      %dma_start3A_270 = arith.constant 0 : i32
      %dma_start3A_271 = arith.constant 0 : i32
      %dma_start3A_272 = tpu.memref_slice %arg6[%dma_start3A_262, %dma_start3A_270, %dma_start3A_271] : memref<20x8x128xf32, #tpu.memory_space<vmem>> -> memref<1x8x128xf32, #tpu.memory_space<vmem>>
      %dma_start3A_273 = tpu.memref_squeeze %dma_start3A_272 : memref<1x8x128xf32, #tpu.memory_space<vmem>> -> memref<8x128xf32, #tpu.memory_space<vmem>>
      %dma_start3A_274 = arith.constant 8 : i32
      %dma_start3A_275 = tpu.memref_slice %arg2[%dma_start3A_261, %dma_start3A_274, %multiple_of3A_260] : memref<20x21x100000xf32, #tpu.memory_space<hbm>> -> memref<1x8x128xf32, #tpu.memory_space<hbm>>
      %dma_start3A_276 = tpu.memref_squeeze %dma_start3A_275 : memref<1x8x128xf32, #tpu.memory_space<hbm>> -> memref<8x128xf32, #tpu.memory_space<hbm>>
      tpu.enqueue_dma source(%dma_start3A_276 : memref<8x128xf32, #tpu.memory_space<hbm>>) target(%dma_start3A_273 : memref<8x128xf32, #tpu.memory_space<vmem>>) target_semaphore(%arg8 : memref<!tpu.dma_semaphore, #tpu.memory_space<semaphore_mem>>)
      %slice3A_277 = vector.extract_strided_slice %get3A_5 {offsets = [11], sizes = [1], strides = [1]} : vector<16xi32> to vector<1xi32>
      %squeeze3A_278 = vector.extract %slice3A_277[0] : i32 from vector<1xi32>
      %max3A_279 = arith.constant 0 : i32
      %max3A_280 = arith.maxsi %squeeze3A_278, %max3A_279 : i32
      %shift_right_arithmetic3A_281 = arith.constant 7 : i32
      %shift_right_arithmetic3A_282 = arith.shrsi %max3A_280, %shift_right_arithmetic3A_281 : i32
      %shift_left3A_283 = arith.constant 7 : i32
      %shift_left3A_284 = arith.shli %shift_right_arithmetic3A_282, %shift_left3A_283 : i32
      %multiple_of3A_285 = tpu.assume_multiple %shift_left3A_284, 128 : i32
      %dma_start3A_286 = arith.constant 11 : i32
      %dma_start3A_287 = arith.constant 11 : i32
      %dma_start3A_288 = arith.constant 0 : i32
      %dma_start3A_289 = arith.constant 0 : i32
      %dma_start3A_290 = tpu.memref_slice %arg6[%dma_start3A_287, %dma_start3A_288, %dma_start3A_289] : memref<20x8x128xf32, #tpu.memory_space<vmem>> -> memref<1x8x128xf32, #tpu.memory_space<vmem>>
      %dma_start3A_291 = tpu.memref_squeeze %dma_start3A_290 : memref<1x8x128xf32, #tpu.memory_space<vmem>> -> memref<8x128xf32, #tpu.memory_space<vmem>>
      %dma_start3A_292 = arith.constant 8 : i32
      %dma_start3A_293 = tpu.memref_slice %arg2[%dma_start3A_286, %dma_start3A_292, %multiple_of3A_285] : memref<20x21x100000xf32, #tpu.memory_space<hbm>> -> memref<1x8x128xf32, #tpu.memory_space<hbm>>
      %dma_start3A_294 = tpu.memref_squeeze %dma_start3A_293 : memref<1x8x128xf32, #tpu.memory_space<hbm>> -> memref<8x128xf32, #tpu.memory_space<hbm>>
      %dma_start3A_295 = arith.constant 0 : i32
      %dma_start3A_296 = arith.constant 0 : i32
      %dma_start3A_297 = tpu.memref_slice %arg6[%dma_start3A_287, %dma_start3A_295, %dma_start3A_296] : memref<20x8x128xf32, #tpu.memory_space<vmem>> -> memref<1x8x128xf32, #tpu.memory_space<vmem>>
      %dma_start3A_298 = tpu.memref_squeeze %dma_start3A_297 : memref<1x8x128xf32, #tpu.memory_space<vmem>> -> memref<8x128xf32, #tpu.memory_space<vmem>>
      %dma_start3A_299 = arith.constant 8 : i32
      %dma_start3A_300 = tpu.memref_slice %arg2[%dma_start3A_286, %dma_start3A_299, %multiple_of3A_285] : memref<20x21x100000xf32, #tpu.memory_space<hbm>> -> memref<1x8x128xf32, #tpu.memory_space<hbm>>
      %dma_start3A_301 = tpu.memref_squeeze %dma_start3A_300 : memref<1x8x128xf32, #tpu.memory_space<hbm>> -> memref<8x128xf32, #tpu.memory_space<hbm>>
      tpu.enqueue_dma source(%dma_start3A_301 : memref<8x128xf32, #tpu.memory_space<hbm>>) target(%dma_start3A_298 : memref<8x128xf32, #tpu.memory_space<vmem>>) target_semaphore(%arg8 : memref<!tpu.dma_semaphore, #tpu.memory_space<semaphore_mem>>)
      %slice3A_302 = vector.extract_strided_slice %get3A_5 {offsets = [12], sizes = [1], strides = [1]} : vector<16xi32> to vector<1xi32>
      %squeeze3A_303 = vector.extract %slice3A_302[0] : i32 from vector<1xi32>
      %max3A_304 = arith.constant 0 : i32
      %max3A_305 = arith.maxsi %squeeze3A_303, %max3A_304 : i32
      %shift_right_arithmetic3A_306 = arith.constant 7 : i32
      %shift_right_arithmetic3A_307 = arith.shrsi %max3A_305, %shift_right_arithmetic3A_306 : i32
      %shift_left3A_308 = arith.constant 7 : i32
      %shift_left3A_309 = arith.shli %shift_right_arithmetic3A_307, %shift_left3A_308 : i32
      %multiple_of3A_310 = tpu.assume_multiple %shift_left3A_309, 128 : i32
      %dma_start3A_311 = arith.constant 12 : i32
      %dma_start3A_312 = arith.constant 12 : i32
      %dma_start3A_313 = arith.constant 0 : i32
      %dma_start3A_314 = arith.constant 0 : i32
      %dma_start3A_315 = tpu.memref_slice %arg6[%dma_start3A_312, %dma_start3A_313, %dma_start3A_314] : memref<20x8x128xf32, #tpu.memory_space<vmem>> -> memref<1x8x128xf32, #tpu.memory_space<vmem>>
      %dma_start3A_316 = tpu.memref_squeeze %dma_start3A_315 : memref<1x8x128xf32, #tpu.memory_space<vmem>> -> memref<8x128xf32, #tpu.memory_space<vmem>>
      %dma_start3A_317 = arith.constant 8 : i32
      %dma_start3A_318 = tpu.memref_slice %arg2[%dma_start3A_311, %dma_start3A_317, %multiple_of3A_310] : memref<20x21x100000xf32, #tpu.memory_space<hbm>> -> memref<1x8x128xf32, #tpu.memory_space<hbm>>
      %dma_start3A_319 = tpu.memref_squeeze %dma_start3A_318 : memref<1x8x128xf32, #tpu.memory_space<hbm>> -> memref<8x128xf32, #tpu.memory_space<hbm>>
      %dma_start3A_320 = arith.constant 0 : i32
      %dma_start3A_321 = arith.constant 0 : i32
      %dma_start3A_322 = tpu.memref_slice %arg6[%dma_start3A_312, %dma_start3A_320, %dma_start3A_321] : memref<20x8x128xf32, #tpu.memory_space<vmem>> -> memref<1x8x128xf32, #tpu.memory_space<vmem>>
      %dma_start3A_323 = tpu.memref_squeeze %dma_start3A_322 : memref<1x8x128xf32, #tpu.memory_space<vmem>> -> memref<8x128xf32, #tpu.memory_space<vmem>>
      %dma_start3A_324 = arith.constant 8 : i32
      %dma_start3A_325 = tpu.memref_slice %arg2[%dma_start3A_311, %dma_start3A_324, %multiple_of3A_310] : memref<20x21x100000xf32, #tpu.memory_space<hbm>> -> memref<1x8x128xf32, #tpu.memory_space<hbm>>
      %dma_start3A_326 = tpu.memref_squeeze %dma_start3A_325 : memref<1x8x128xf32, #tpu.memory_space<hbm>> -> memref<8x128xf32, #tpu.memory_space<hbm>>
      tpu.enqueue_dma source(%dma_start3A_326 : memref<8x128xf32, #tpu.memory_space<hbm>>) target(%dma_start3A_323 : memref<8x128xf32, #tpu.memory_space<vmem>>) target_semaphore(%arg8 : memref<!tpu.dma_semaphore, #tpu.memory_space<semaphore_mem>>)
      %slice3A_327 = vector.extract_strided_slice %get3A_5 {offsets = [13], sizes = [1], strides = [1]} : vector<16xi32> to vector<1xi32>
      %squeeze3A_328 = vector.extract %slice3A_327[0] : i32 from vector<1xi32>
      %max3A_329 = arith.constant 0 : i32
      %max3A_330 = arith.maxsi %squeeze3A_328, %max3A_329 : i32
      %shift_right_arithmetic3A_331 = arith.constant 7 : i32
      %shift_right_arithmetic3A_332 = arith.shrsi %max3A_330, %shift_right_arithmetic3A_331 : i32
      %shift_left3A_333 = arith.constant 7 : i32
      %shift_left3A_334 = arith.shli %shift_right_arithmetic3A_332, %shift_left3A_333 : i32
      %multiple_of3A_335 = tpu.assume_multiple %shift_left3A_334, 128 : i32
      %dma_start3A_336 = arith.constant 13 : i32
      %dma_start3A_337 = arith.constant 13 : i32
      %dma_start3A_338 = arith.constant 0 : i32
      %dma_start3A_339 = arith.constant 0 : i32
      %dma_start3A_340 = tpu.memref_slice %arg6[%dma_start3A_337, %dma_start3A_338, %dma_start3A_339] : memref<20x8x128xf32, #tpu.memory_space<vmem>> -> memref<1x8x128xf32, #tpu.memory_space<vmem>>
      %dma_start3A_341 = tpu.memref_squeeze %dma_start3A_340 : memref<1x8x128xf32, #tpu.memory_space<vmem>> -> memref<8x128xf32, #tpu.memory_space<vmem>>
      %dma_start3A_342 = arith.constant 8 : i32
      %dma_start3A_343 = tpu.memref_slice %arg2[%dma_start3A_336, %dma_start3A_342, %multiple_of3A_335] : memref<20x21x100000xf32, #tpu.memory_space<hbm>> -> memref<1x8x128xf32, #tpu.memory_space<hbm>>
      %dma_start3A_344 = tpu.memref_squeeze %dma_start3A_343 : memref<1x8x128xf32, #tpu.memory_space<hbm>> -> memref<8x128xf32, #tpu.memory_space<hbm>>
      %dma_start3A_345 = arith.constant 0 : i32
      %dma_start3A_346 = arith.constant 0 : i32
      %dma_start3A_347 = tpu.memref_slice %arg6[%dma_start3A_337, %dma_start3A_345, %dma_start3A_346] : memref<20x8x128xf32, #tpu.memory_space<vmem>> -> memref<1x8x128xf32, #tpu.memory_space<vmem>>
      %dma_start3A_348 = tpu.memref_squeeze %dma_start3A_347 : memref<1x8x128xf32, #tpu.memory_space<vmem>> -> memref<8x128xf32, #tpu.memory_space<vmem>>
      %dma_start3A_349 = arith.constant 8 : i32
      %dma_start3A_350 = tpu.memref_slice %arg2[%dma_start3A_336, %dma_start3A_349, %multiple_of3A_335] : memref<20x21x100000xf32, #tpu.memory_space<hbm>> -> memref<1x8x128xf32, #tpu.memory_space<hbm>>
      %dma_start3A_351 = tpu.memref_squeeze %dma_start3A_350 : memref<1x8x128xf32, #tpu.memory_space<hbm>> -> memref<8x128xf32, #tpu.memory_space<hbm>>
      tpu.enqueue_dma source(%dma_start3A_351 : memref<8x128xf32, #tpu.memory_space<hbm>>) target(%dma_start3A_348 : memref<8x128xf32, #tpu.memory_space<vmem>>) target_semaphore(%arg8 : memref<!tpu.dma_semaphore, #tpu.memory_space<semaphore_mem>>)
      %slice3A_352 = vector.extract_strided_slice %get3A_5 {offsets = [14], sizes = [1], strides = [1]} : vector<16xi32> to vector<1xi32>
      %squeeze3A_353 = vector.extract %slice3A_352[0] : i32 from vector<1xi32>
      %max3A_354 = arith.constant 0 : i32
      %max3A_355 = arith.maxsi %squeeze3A_353, %max3A_354 : i32
      %shift_right_arithmetic3A_356 = arith.constant 7 : i32
      %shift_right_arithmetic3A_357 = arith.shrsi %max3A_355, %shift_right_arithmetic3A_356 : i32
      %shift_left3A_358 = arith.constant 7 : i32
      %shift_left3A_359 = arith.shli %shift_right_arithmetic3A_357, %shift_left3A_358 : i32
      %multiple_of3A_360 = tpu.assume_multiple %shift_left3A_359, 128 : i32
      %dma_start3A_361 = arith.constant 14 : i32
      %dma_start3A_362 = arith.constant 14 : i32
      %dma_start3A_363 = arith.constant 0 : i32
      %dma_start3A_364 = arith.constant 0 : i32
      %dma_start3A_365 = tpu.memref_slice %arg6[%dma_start3A_362, %dma_start3A_363, %dma_start3A_364] : memref<20x8x128xf32, #tpu.memory_space<vmem>> -> memref<1x8x128xf32, #tpu.memory_space<vmem>>
      %dma_start3A_366 = tpu.memref_squeeze %dma_start3A_365 : memref<1x8x128xf32, #tpu.memory_space<vmem>> -> memref<8x128xf32, #tpu.memory_space<vmem>>
      %dma_start3A_367 = arith.constant 8 : i32
      %dma_start3A_368 = tpu.memref_slice %arg2[%dma_start3A_361, %dma_start3A_367, %multiple_of3A_360] : memref<20x21x100000xf32, #tpu.memory_space<hbm>> -> memref<1x8x128xf32, #tpu.memory_space<hbm>>
      %dma_start3A_369 = tpu.memref_squeeze %dma_start3A_368 : memref<1x8x128xf32, #tpu.memory_space<hbm>> -> memref<8x128xf32, #tpu.memory_space<hbm>>
      %dma_start3A_370 = arith.constant 0 : i32
      %dma_start3A_371 = arith.constant 0 : i32
      %dma_start3A_372 = tpu.memref_slice %arg6[%dma_start3A_362, %dma_start3A_370, %dma_start3A_371] : memref<20x8x128xf32, #tpu.memory_space<vmem>> -> memref<1x8x128xf32, #tpu.memory_space<vmem>>
      %dma_start3A_373 = tpu.memref_squeeze %dma_start3A_372 : memref<1x8x128xf32, #tpu.memory_space<vmem>> -> memref<8x128xf32, #tpu.memory_space<vmem>>
      %dma_start3A_374 = arith.constant 8 : i32
      %dma_start3A_375 = tpu.memref_slice %arg2[%dma_start3A_361, %dma_start3A_374, %multiple_of3A_360] : memref<20x21x100000xf32, #tpu.memory_space<hbm>> -> memref<1x8x128xf32, #tpu.memory_space<hbm>>
      %dma_start3A_376 = tpu.memref_squeeze %dma_start3A_375 : memref<1x8x128xf32, #tpu.memory_space<hbm>> -> memref<8x128xf32, #tpu.memory_space<hbm>>
      tpu.enqueue_dma source(%dma_start3A_376 : memref<8x128xf32, #tpu.memory_space<hbm>>) target(%dma_start3A_373 : memref<8x128xf32, #tpu.memory_space<vmem>>) target_semaphore(%arg8 : memref<!tpu.dma_semaphore, #tpu.memory_space<semaphore_mem>>)
      %slice3A_377 = vector.extract_strided_slice %get3A_5 {offsets = [15], sizes = [1], strides = [1]} : vector<16xi32> to vector<1xi32>
      %squeeze3A_378 = vector.extract %slice3A_377[0] : i32 from vector<1xi32>
      %max3A_379 = arith.constant 0 : i32
      %max3A_380 = arith.maxsi %squeeze3A_378, %max3A_379 : i32
      %shift_right_arithmetic3A_381 = arith.constant 7 : i32
      %shift_right_arithmetic3A_382 = arith.shrsi %max3A_380, %shift_right_arithmetic3A_381 : i32
      %shift_left3A_383 = arith.constant 7 : i32
      %shift_left3A_384 = arith.shli %shift_right_arithmetic3A_382, %shift_left3A_383 : i32
      %multiple_of3A_385 = tpu.assume_multiple %shift_left3A_384, 128 : i32
      %dma_start3A_386 = arith.constant 15 : i32
      %dma_start3A_387 = arith.constant 15 : i32
      %dma_start3A_388 = arith.constant 0 : i32
      %dma_start3A_389 = arith.constant 0 : i32
      %dma_start3A_390 = tpu.memref_slice %arg6[%dma_start3A_387, %dma_start3A_388, %dma_start3A_389] : memref<20x8x128xf32, #tpu.memory_space<vmem>> -> memref<1x5x128xf32, #tpu.memory_space<vmem>>
      %dma_start3A_391 = tpu.memref_squeeze %dma_start3A_390 : memref<1x5x128xf32, #tpu.memory_space<vmem>> -> memref<5x128xf32, #tpu.memory_space<vmem>>
      %dma_start3A_392 = arith.constant 16 : i32
      %dma_start3A_393 = tpu.memref_slice %arg2[%dma_start3A_386, %dma_start3A_392, %multiple_of3A_385] : memref<20x21x100000xf32, #tpu.memory_space<hbm>> -> memref<1x5x128xf32, #tpu.memory_space<hbm>>
      %dma_start3A_394 = tpu.memref_squeeze %dma_start3A_393 : memref<1x5x128xf32, #tpu.memory_space<hbm>> -> memref<5x128xf32, #tpu.memory_space<hbm>>
      %dma_start3A_395 = arith.constant 0 : i32
      %dma_start3A_396 = arith.constant 0 : i32
      %dma_start3A_397 = tpu.memref_slice %arg6[%dma_start3A_387, %dma_start3A_395, %dma_start3A_396] : memref<20x8x128xf32, #tpu.memory_space<vmem>> -> memref<1x5x128xf32, #tpu.memory_space<vmem>>
      %dma_start3A_398 = tpu.memref_squeeze %dma_start3A_397 : memref<1x5x128xf32, #tpu.memory_space<vmem>> -> memref<5x128xf32, #tpu.memory_space<vmem>>
      %dma_start3A_399 = arith.constant 16 : i32
      %dma_start3A_400 = tpu.memref_slice %arg2[%dma_start3A_386, %dma_start3A_399, %multiple_of3A_385] : memref<20x21x100000xf32, #tpu.memory_space<hbm>> -> memref<1x5x128xf32, #tpu.memory_space<hbm>>
      %dma_start3A_401 = tpu.memref_squeeze %dma_start3A_400 : memref<1x5x128xf32, #tpu.memory_space<hbm>> -> memref<5x128xf32, #tpu.memory_space<hbm>>
      tpu.enqueue_dma source(%dma_start3A_401 : memref<5x128xf32, #tpu.memory_space<hbm>>) target(%dma_start3A_398 : memref<5x128xf32, #tpu.memory_space<vmem>>) target_semaphore(%arg8 : memref<!tpu.dma_semaphore, #tpu.memory_space<semaphore_mem>>)
      %slice3A_402 = vector.extract_strided_slice %get3A_8 {offsets = [0], sizes = [1], strides = [1]} : vector<16xi32> to vector<1xi32>
      %squeeze3A_403 = vector.extract %slice3A_402[0] : i32 from vector<1xi32>
      %max3A_404 = arith.constant 0 : i32
      %max3A_405 = arith.maxsi %squeeze3A_403, %max3A_404 : i32
      %shift_right_arithmetic3A_406 = arith.constant 7 : i32
      %shift_right_arithmetic3A_407 = arith.shrsi %max3A_405, %shift_right_arithmetic3A_406 : i32
      %shift_left3A_408 = arith.constant 7 : i32
      %shift_left3A_409 = arith.shli %shift_right_arithmetic3A_407, %shift_left3A_408 : i32
      %multiple_of3A_410 = tpu.assume_multiple %shift_left3A_409, 128 : i32
      %dma_start3A_411 = arith.constant 16 : i32
      %dma_start3A_412 = arith.constant 16 : i32
      %dma_start3A_413 = arith.constant 0 : i32
      %dma_start3A_414 = arith.constant 0 : i32
      %dma_start3A_415 = tpu.memref_slice %arg6[%dma_start3A_412, %dma_start3A_413, %dma_start3A_414] : memref<20x8x128xf32, #tpu.memory_space<vmem>> -> memref<1x5x128xf32, #tpu.memory_space<vmem>>
      %dma_start3A_416 = tpu.memref_squeeze %dma_start3A_415 : memref<1x5x128xf32, #tpu.memory_space<vmem>> -> memref<5x128xf32, #tpu.memory_space<vmem>>
      %dma_start3A_417 = arith.constant 16 : i32
      %dma_start3A_418 = tpu.memref_slice %arg2[%dma_start3A_411, %dma_start3A_417, %multiple_of3A_410] : memref<20x21x100000xf32, #tpu.memory_space<hbm>> -> memref<1x5x128xf32, #tpu.memory_space<hbm>>
      %dma_start3A_419 = tpu.memref_squeeze %dma_start3A_418 : memref<1x5x128xf32, #tpu.memory_space<hbm>> -> memref<5x128xf32, #tpu.memory_space<hbm>>
      %dma_start3A_420 = arith.constant 0 : i32
      %dma_start3A_421 = arith.constant 0 : i32
      %dma_start3A_422 = tpu.memref_slice %arg6[%dma_start3A_412, %dma_start3A_420, %dma_start3A_421] : memref<20x8x128xf32, #tpu.memory_space<vmem>> -> memref<1x5x128xf32, #tpu.memory_space<vmem>>
      %dma_start3A_423 = tpu.memref_squeeze %dma_start3A_422 : memref<1x5x128xf32, #tpu.memory_space<vmem>> -> memref<5x128xf32, #tpu.memory_space<vmem>>
      %dma_start3A_424 = arith.constant 16 : i32
      %dma_start3A_425 = tpu.memref_slice %arg2[%dma_start3A_411, %dma_start3A_424, %multiple_of3A_410] : memref<20x21x100000xf32, #tpu.memory_space<hbm>> -> memref<1x5x128xf32, #tpu.memory_space<hbm>>
      %dma_start3A_426 = tpu.memref_squeeze %dma_start3A_425 : memref<1x5x128xf32, #tpu.memory_space<hbm>> -> memref<5x128xf32, #tpu.memory_space<hbm>>
      tpu.enqueue_dma source(%dma_start3A_426 : memref<5x128xf32, #tpu.memory_space<hbm>>) target(%dma_start3A_423 : memref<5x128xf32, #tpu.memory_space<vmem>>) target_semaphore(%arg8 : memref<!tpu.dma_semaphore, #tpu.memory_space<semaphore_mem>>)
      %slice3A_427 = vector.extract_strided_slice %get3A_8 {offsets = [1], sizes = [1], strides = [1]} : vector<16xi32> to vector<1xi32>
      %squeeze3A_428 = vector.extract %slice3A_427[0] : i32 from vector<1xi32>
      %max3A_429 = arith.constant 0 : i32
      %max3A_430 = arith.maxsi %squeeze3A_428, %max3A_429 : i32
      %shift_right_arithmetic3A_431 = arith.constant 7 : i32
      %shift_right_arithmetic3A_432 = arith.shrsi %max3A_430, %shift_right_arithmetic3A_431 : i32
      %shift_left3A_433 = arith.constant 7 : i32
      %shift_left3A_434 = arith.shli %shift_right_arithmetic3A_432, %shift_left3A_433 : i32
      %multiple_of3A_435 = tpu.assume_multiple %shift_left3A_434, 128 : i32
      %dma_start3A_436 = arith.constant 17 : i32
      %dma_start3A_437 = arith.constant 17 : i32
      %dma_start3A_438 = arith.constant 0 : i32
      %dma_start3A_439 = arith.constant 0 : i32
      %dma_start3A_440 = tpu.memref_slice %arg6[%dma_start3A_437, %dma_start3A_438, %dma_start3A_439] : memref<20x8x128xf32, #tpu.memory_space<vmem>> -> memref<1x5x128xf32, #tpu.memory_space<vmem>>
      %dma_start3A_441 = tpu.memref_squeeze %dma_start3A_440 : memref<1x5x128xf32, #tpu.memory_space<vmem>> -> memref<5x128xf32, #tpu.memory_space<vmem>>
      %dma_start3A_442 = arith.constant 16 : i32
      %dma_start3A_443 = tpu.memref_slice %arg2[%dma_start3A_436, %dma_start3A_442, %multiple_of3A_435] : memref<20x21x100000xf32, #tpu.memory_space<hbm>> -> memref<1x5x128xf32, #tpu.memory_space<hbm>>
      %dma_start3A_444 = tpu.memref_squeeze %dma_start3A_443 : memref<1x5x128xf32, #tpu.memory_space<hbm>> -> memref<5x128xf32, #tpu.memory_space<hbm>>
      %dma_start3A_445 = arith.constant 0 : i32
      %dma_start3A_446 = arith.constant 0 : i32
      %dma_start3A_447 = tpu.memref_slice %arg6[%dma_start3A_437, %dma_start3A_445, %dma_start3A_446] : memref<20x8x128xf32, #tpu.memory_space<vmem>> -> memref<1x5x128xf32, #tpu.memory_space<vmem>>
      %dma_start3A_448 = tpu.memref_squeeze %dma_start3A_447 : memref<1x5x128xf32, #tpu.memory_space<vmem>> -> memref<5x128xf32, #tpu.memory_space<vmem>>
      %dma_start3A_449 = arith.constant 16 : i32
      %dma_start3A_450 = tpu.memref_slice %arg2[%dma_start3A_436, %dma_start3A_449, %multiple_of3A_435] : memref<20x21x100000xf32, #tpu.memory_space<hbm>> -> memref<1x5x128xf32, #tpu.memory_space<hbm>>
      %dma_start3A_451 = tpu.memref_squeeze %dma_start3A_450 : memref<1x5x128xf32, #tpu.memory_space<hbm>> -> memref<5x128xf32, #tpu.memory_space<hbm>>
      tpu.enqueue_dma source(%dma_start3A_451 : memref<5x128xf32, #tpu.memory_space<hbm>>) target(%dma_start3A_448 : memref<5x128xf32, #tpu.memory_space<vmem>>) target_semaphore(%arg8 : memref<!tpu.dma_semaphore, #tpu.memory_space<semaphore_mem>>)
      %slice3A_452 = vector.extract_strided_slice %get3A_8 {offsets = [2], sizes = [1], strides = [1]} : vector<16xi32> to vector<1xi32>
      %squeeze3A_453 = vector.extract %slice3A_452[0] : i32 from vector<1xi32>
      %max3A_454 = arith.constant 0 : i32
      %max3A_455 = arith.maxsi %squeeze3A_453, %max3A_454 : i32
      %shift_right_arithmetic3A_456 = arith.constant 7 : i32
      %shift_right_arithmetic3A_457 = arith.shrsi %max3A_455, %shift_right_arithmetic3A_456 : i32
      %shift_left3A_458 = arith.constant 7 : i32
      %shift_left3A_459 = arith.shli %shift_right_arithmetic3A_457, %shift_left3A_458 : i32
      %multiple_of3A_460 = tpu.assume_multiple %shift_left3A_459, 128 : i32
      %dma_start3A_461 = arith.constant 18 : i32
      %dma_start3A_462 = arith.constant 18 : i32
      %dma_start3A_463 = arith.constant 0 : i32
      %dma_start3A_464 = arith.constant 0 : i32
      %dma_start3A_465 = tpu.memref_slice %arg6[%dma_start3A_462, %dma_start3A_463, %dma_start3A_464] : memref<20x8x128xf32, #tpu.memory_space<vmem>> -> memref<1x5x128xf32, #tpu.memory_space<vmem>>
      %dma_start3A_466 = tpu.memref_squeeze %dma_start3A_465 : memref<1x5x128xf32, #tpu.memory_space<vmem>> -> memref<5x128xf32, #tpu.memory_space<vmem>>
      %dma_start3A_467 = arith.constant 16 : i32
      %dma_start3A_468 = tpu.memref_slice %arg2[%dma_start3A_461, %dma_start3A_467, %multiple_of3A_460] : memref<20x21x100000xf32, #tpu.memory_space<hbm>> -> memref<1x5x128xf32, #tpu.memory_space<hbm>>
      %dma_start3A_469 = tpu.memref_squeeze %dma_start3A_468 : memref<1x5x128xf32, #tpu.memory_space<hbm>> -> memref<5x128xf32, #tpu.memory_space<hbm>>
      %dma_start3A_470 = arith.constant 0 : i32
      %dma_start3A_471 = arith.constant 0 : i32
      %dma_start3A_472 = tpu.memref_slice %arg6[%dma_start3A_462, %dma_start3A_470, %dma_start3A_471] : memref<20x8x128xf32, #tpu.memory_space<vmem>> -> memref<1x5x128xf32, #tpu.memory_space<vmem>>
      %dma_start3A_473 = tpu.memref_squeeze %dma_start3A_472 : memref<1x5x128xf32, #tpu.memory_space<vmem>> -> memref<5x128xf32, #tpu.memory_space<vmem>>
      %dma_start3A_474 = arith.constant 16 : i32
      %dma_start3A_475 = tpu.memref_slice %arg2[%dma_start3A_461, %dma_start3A_474, %multiple_of3A_460] : memref<20x21x100000xf32, #tpu.memory_space<hbm>> -> memref<1x5x128xf32, #tpu.memory_space<hbm>>
      %dma_start3A_476 = tpu.memref_squeeze %dma_start3A_475 : memref<1x5x128xf32, #tpu.memory_space<hbm>> -> memref<5x128xf32, #tpu.memory_space<hbm>>
      tpu.enqueue_dma source(%dma_start3A_476 : memref<5x128xf32, #tpu.memory_space<hbm>>) target(%dma_start3A_473 : memref<5x128xf32, #tpu.memory_space<vmem>>) target_semaphore(%arg8 : memref<!tpu.dma_semaphore, #tpu.memory_space<semaphore_mem>>)
      %slice3A_477 = vector.extract_strided_slice %get3A_8 {offsets = [3], sizes = [1], strides = [1]} : vector<16xi32> to vector<1xi32>
      %squeeze3A_478 = vector.extract %slice3A_477[0] : i32 from vector<1xi32>
      %max3A_479 = arith.constant 0 : i32
      %max3A_480 = arith.maxsi %squeeze3A_478, %max3A_479 : i32
      %shift_right_arithmetic3A_481 = arith.constant 7 : i32
      %shift_right_arithmetic3A_482 = arith.shrsi %max3A_480, %shift_right_arithmetic3A_481 : i32
      %shift_left3A_483 = arith.constant 7 : i32
      %shift_left3A_484 = arith.shli %shift_right_arithmetic3A_482, %shift_left3A_483 : i32
      %multiple_of3A_485 = tpu.assume_multiple %shift_left3A_484, 128 : i32
      %dma_start3A_486 = arith.constant 19 : i32
      %dma_start3A_487 = arith.constant 19 : i32
      %dma_start3A_488 = arith.constant 0 : i32
      %dma_start3A_489 = arith.constant 0 : i32
      %dma_start3A_490 = tpu.memref_slice %arg6[%dma_start3A_487, %dma_start3A_488, %dma_start3A_489] : memref<20x8x128xf32, #tpu.memory_space<vmem>> -> memref<1x5x128xf32, #tpu.memory_space<vmem>>
      %dma_start3A_491 = tpu.memref_squeeze %dma_start3A_490 : memref<1x5x128xf32, #tpu.memory_space<vmem>> -> memref<5x128xf32, #tpu.memory_space<vmem>>
      %dma_start3A_492 = arith.constant 16 : i32
      %dma_start3A_493 = tpu.memref_slice %arg2[%dma_start3A_486, %dma_start3A_492, %multiple_of3A_485] : memref<20x21x100000xf32, #tpu.memory_space<hbm>> -> memref<1x5x128xf32, #tpu.memory_space<hbm>>
      %dma_start3A_494 = tpu.memref_squeeze %dma_start3A_493 : memref<1x5x128xf32, #tpu.memory_space<hbm>> -> memref<5x128xf32, #tpu.memory_space<hbm>>
      %dma_start3A_495 = arith.constant 0 : i32
      %dma_start3A_496 = arith.constant 0 : i32
      %dma_start3A_497 = tpu.memref_slice %arg6[%dma_start3A_487, %dma_start3A_495, %dma_start3A_496] : memref<20x8x128xf32, #tpu.memory_space<vmem>> -> memref<1x5x128xf32, #tpu.memory_space<vmem>>
      %dma_start3A_498 = tpu.memref_squeeze %dma_start3A_497 : memref<1x5x128xf32, #tpu.memory_space<vmem>> -> memref<5x128xf32, #tpu.memory_space<vmem>>
      %dma_start3A_499 = arith.constant 16 : i32
      %dma_start3A_500 = tpu.memref_slice %arg2[%dma_start3A_486, %dma_start3A_499, %multiple_of3A_485] : memref<20x21x100000xf32, #tpu.memory_space<hbm>> -> memref<1x5x128xf32, #tpu.memory_space<hbm>>
      %dma_start3A_501 = tpu.memref_squeeze %dma_start3A_500 : memref<1x5x128xf32, #tpu.memory_space<hbm>> -> memref<5x128xf32, #tpu.memory_space<hbm>>
      tpu.enqueue_dma source(%dma_start3A_501 : memref<5x128xf32, #tpu.memory_space<hbm>>) target(%dma_start3A_498 : memref<5x128xf32, #tpu.memory_space<vmem>>) target_semaphore(%arg8 : memref<!tpu.dma_semaphore, #tpu.memory_space<semaphore_mem>>)
      %dma_wait3A = arith.constant 0 : i32
      %dma_wait3A_502 = arith.constant 0 : i32
      %dma_wait3A_503 = arith.constant 0 : i32
      %dma_wait3A_504 = arith.constant 0 : i32
      %dma_wait3A_505 = tpu.memref_slice %arg6[%dma_wait3A_502, %dma_wait3A_503, %dma_wait3A_504] : memref<20x8x128xf32, #tpu.memory_space<vmem>> -> memref<1x8x128xf32, #tpu.memory_space<vmem>>
      %dma_wait3A_506 = tpu.memref_squeeze %dma_wait3A_505 : memref<1x8x128xf32, #tpu.memory_space<vmem>> -> memref<8x128xf32, #tpu.memory_space<vmem>>
      %dma_wait3A_507 = arith.constant 0 : i32
      %dma_wait3A_508 = tpu.memref_slice %arg2[%dma_wait3A, %dma_wait3A_507, %multiple_of3A] : memref<20x21x100000xf32, #tpu.memory_space<hbm>> -> memref<1x8x128xf32, #tpu.memory_space<hbm>>
      %dma_wait3A_509 = tpu.memref_squeeze %dma_wait3A_508 : memref<1x8x128xf32, #tpu.memory_space<hbm>> -> memref<8x128xf32, #tpu.memory_space<hbm>>
      %dma_wait3A_510 = arith.constant 0 : i32
      %dma_wait3A_511 = arith.constant 0 : i32
      %dma_wait3A_512 = tpu.memref_slice %arg6[%dma_wait3A_502, %dma_wait3A_510, %dma_wait3A_511] : memref<20x8x128xf32, #tpu.memory_space<vmem>> -> memref<1x8x128xf32, #tpu.memory_space<vmem>>
      %dma_wait3A_513 = tpu.memref_squeeze %dma_wait3A_512 : memref<1x8x128xf32, #tpu.memory_space<vmem>> -> memref<8x128xf32, #tpu.memory_space<vmem>>
      %dma_wait3A_514 = arith.constant 0 : i32
      %dma_wait3A_515 = tpu.memref_slice %arg2[%dma_wait3A, %dma_wait3A_514, %multiple_of3A] : memref<20x21x100000xf32, #tpu.memory_space<hbm>> -> memref<1x8x128xf32, #tpu.memory_space<hbm>>
      %dma_wait3A_516 = tpu.memref_squeeze %dma_wait3A_515 : memref<1x8x128xf32, #tpu.memory_space<hbm>> -> memref<8x128xf32, #tpu.memory_space<hbm>>
      tpu.wait_dma2 semaphore(%arg8 : memref<!tpu.dma_semaphore, #tpu.memory_space<semaphore_mem>>) src(%dma_wait3A_516 : memref<8x128xf32, #tpu.memory_space<hbm>>) dst(%dma_wait3A_513 : memref<8x128xf32, #tpu.memory_space<vmem>>)
      %dma_wait3A_517 = arith.constant 1 : i32
      %dma_wait3A_518 = arith.constant 1 : i32
      %dma_wait3A_519 = arith.constant 0 : i32
      %dma_wait3A_520 = arith.constant 0 : i32
      %dma_wait3A_521 = tpu.memref_slice %arg6[%dma_wait3A_518, %dma_wait3A_519, %dma_wait3A_520] : memref<20x8x128xf32, #tpu.memory_space<vmem>> -> memref<1x8x128xf32, #tpu.memory_space<vmem>>
      %dma_wait3A_522 = tpu.memref_squeeze %dma_wait3A_521 : memref<1x8x128xf32, #tpu.memory_space<vmem>> -> memref<8x128xf32, #tpu.memory_space<vmem>>
      %dma_wait3A_523 = arith.constant 0 : i32
      %dma_wait3A_524 = tpu.memref_slice %arg2[%dma_wait3A_517, %dma_wait3A_523, %multiple_of3A_35] : memref<20x21x100000xf32, #tpu.memory_space<hbm>> -> memref<1x8x128xf32, #tpu.memory_space<hbm>>
      %dma_wait3A_525 = tpu.memref_squeeze %dma_wait3A_524 : memref<1x8x128xf32, #tpu.memory_space<hbm>> -> memref<8x128xf32, #tpu.memory_space<hbm>>
      %dma_wait3A_526 = arith.constant 0 : i32
      %dma_wait3A_527 = arith.constant 0 : i32
      %dma_wait3A_528 = tpu.memref_slice %arg6[%dma_wait3A_518, %dma_wait3A_526, %dma_wait3A_527] : memref<20x8x128xf32, #tpu.memory_space<vmem>> -> memref<1x8x128xf32, #tpu.memory_space<vmem>>
      %dma_wait3A_529 = tpu.memref_squeeze %dma_wait3A_528 : memref<1x8x128xf32, #tpu.memory_space<vmem>> -> memref<8x128xf32, #tpu.memory_space<vmem>>
      %dma_wait3A_530 = arith.constant 0 : i32
      %dma_wait3A_531 = tpu.memref_slice %arg2[%dma_wait3A_517, %dma_wait3A_530, %multiple_of3A_35] : memref<20x21x100000xf32, #tpu.memory_space<hbm>> -> memref<1x8x128xf32, #tpu.memory_space<hbm>>
      %dma_wait3A_532 = tpu.memref_squeeze %dma_wait3A_531 : memref<1x8x128xf32, #tpu.memory_space<hbm>> -> memref<8x128xf32, #tpu.memory_space<hbm>>
      tpu.wait_dma2 semaphore(%arg8 : memref<!tpu.dma_semaphore, #tpu.memory_space<semaphore_mem>>) src(%dma_wait3A_532 : memref<8x128xf32, #tpu.memory_space<hbm>>) dst(%dma_wait3A_529 : memref<8x128xf32, #tpu.memory_space<vmem>>)
      %dma_wait3A_533 = arith.constant 2 : i32
      %dma_wait3A_534 = arith.constant 2 : i32
      %dma_wait3A_535 = arith.constant 0 : i32
      %dma_wait3A_536 = arith.constant 0 : i32
      %dma_wait3A_537 = tpu.memref_slice %arg6[%dma_wait3A_534, %dma_wait3A_535, %dma_wait3A_536] : memref<20x8x128xf32, #tpu.memory_space<vmem>> -> memref<1x8x128xf32, #tpu.memory_space<vmem>>
      %dma_wait3A_538 = tpu.memref_squeeze %dma_wait3A_537 : memref<1x8x128xf32, #tpu.memory_space<vmem>> -> memref<8x128xf32, #tpu.memory_space<vmem>>
      %dma_wait3A_539 = arith.constant 0 : i32
      %dma_wait3A_540 = tpu.memref_slice %arg2[%dma_wait3A_533, %dma_wait3A_539, %multiple_of3A_60] : memref<20x21x100000xf32, #tpu.memory_space<hbm>> -> memref<1x8x128xf32, #tpu.memory_space<hbm>>
      %dma_wait3A_541 = tpu.memref_squeeze %dma_wait3A_540 : memref<1x8x128xf32, #tpu.memory_space<hbm>> -> memref<8x128xf32, #tpu.memory_space<hbm>>
      %dma_wait3A_542 = arith.constant 0 : i32
      %dma_wait3A_543 = arith.constant 0 : i32
      %dma_wait3A_544 = tpu.memref_slice %arg6[%dma_wait3A_534, %dma_wait3A_542, %dma_wait3A_543] : memref<20x8x128xf32, #tpu.memory_space<vmem>> -> memref<1x8x128xf32, #tpu.memory_space<vmem>>
      %dma_wait3A_545 = tpu.memref_squeeze %dma_wait3A_544 : memref<1x8x128xf32, #tpu.memory_space<vmem>> -> memref<8x128xf32, #tpu.memory_space<vmem>>
      %dma_wait3A_546 = arith.constant 0 : i32
      %dma_wait3A_547 = tpu.memref_slice %arg2[%dma_wait3A_533, %dma_wait3A_546, %multiple_of3A_60] : memref<20x21x100000xf32, #tpu.memory_space<hbm>> -> memref<1x8x128xf32, #tpu.memory_space<hbm>>
      %dma_wait3A_548 = tpu.memref_squeeze %dma_wait3A_547 : memref<1x8x128xf32, #tpu.memory_space<hbm>> -> memref<8x128xf32, #tpu.memory_space<hbm>>
      tpu.wait_dma2 semaphore(%arg8 : memref<!tpu.dma_semaphore, #tpu.memory_space<semaphore_mem>>) src(%dma_wait3A_548 : memref<8x128xf32, #tpu.memory_space<hbm>>) dst(%dma_wait3A_545 : memref<8x128xf32, #tpu.memory_space<vmem>>)
      %dma_wait3A_549 = arith.constant 3 : i32
      %dma_wait3A_550 = arith.constant 3 : i32
      %dma_wait3A_551 = arith.constant 0 : i32
      %dma_wait3A_552 = arith.constant 0 : i32
      %dma_wait3A_553 = tpu.memref_slice %arg6[%dma_wait3A_550, %dma_wait3A_551, %dma_wait3A_552] : memref<20x8x128xf32, #tpu.memory_space<vmem>> -> memref<1x8x128xf32, #tpu.memory_space<vmem>>
      %dma_wait3A_554 = tpu.memref_squeeze %dma_wait3A_553 : memref<1x8x128xf32, #tpu.memory_space<vmem>> -> memref<8x128xf32, #tpu.memory_space<vmem>>
      %dma_wait3A_555 = arith.constant 0 : i32
      %dma_wait3A_556 = tpu.memref_slice %arg2[%dma_wait3A_549, %dma_wait3A_555, %multiple_of3A_85] : memref<20x21x100000xf32, #tpu.memory_space<hbm>> -> memref<1x8x128xf32, #tpu.memory_space<hbm>>
      %dma_wait3A_557 = tpu.memref_squeeze %dma_wait3A_556 : memref<1x8x128xf32, #tpu.memory_space<hbm>> -> memref<8x128xf32, #tpu.memory_space<hbm>>
      %dma_wait3A_558 = arith.constant 0 : i32
      %dma_wait3A_559 = arith.constant 0 : i32
      %dma_wait3A_560 = tpu.memref_slice %arg6[%dma_wait3A_550, %dma_wait3A_558, %dma_wait3A_559] : memref<20x8x128xf32, #tpu.memory_space<vmem>> -> memref<1x8x128xf32, #tpu.memory_space<vmem>>
      %dma_wait3A_561 = tpu.memref_squeeze %dma_wait3A_560 : memref<1x8x128xf32, #tpu.memory_space<vmem>> -> memref<8x128xf32, #tpu.memory_space<vmem>>
      %dma_wait3A_562 = arith.constant 0 : i32
      %dma_wait3A_563 = tpu.memref_slice %arg2[%dma_wait3A_549, %dma_wait3A_562, %multiple_of3A_85] : memref<20x21x100000xf32, #tpu.memory_space<hbm>> -> memref<1x8x128xf32, #tpu.memory_space<hbm>>
      %dma_wait3A_564 = tpu.memref_squeeze %dma_wait3A_563 : memref<1x8x128xf32, #tpu.memory_space<hbm>> -> memref<8x128xf32, #tpu.memory_space<hbm>>
      tpu.wait_dma2 semaphore(%arg8 : memref<!tpu.dma_semaphore, #tpu.memory_space<semaphore_mem>>) src(%dma_wait3A_564 : memref<8x128xf32, #tpu.memory_space<hbm>>) dst(%dma_wait3A_561 : memref<8x128xf32, #tpu.memory_space<vmem>>)
      %dma_wait3A_565 = arith.constant 4 : i32
      %dma_wait3A_566 = arith.constant 4 : i32
      %dma_wait3A_567 = arith.constant 0 : i32
      %dma_wait3A_568 = arith.constant 0 : i32
      %dma_wait3A_569 = tpu.memref_slice %arg6[%dma_wait3A_566, %dma_wait3A_567, %dma_wait3A_568] : memref<20x8x128xf32, #tpu.memory_space<vmem>> -> memref<1x8x128xf32, #tpu.memory_space<vmem>>
      %dma_wait3A_570 = tpu.memref_squeeze %dma_wait3A_569 : memref<1x8x128xf32, #tpu.memory_space<vmem>> -> memref<8x128xf32, #tpu.memory_space<vmem>>
      %dma_wait3A_571 = arith.constant 0 : i32
      %dma_wait3A_572 = tpu.memref_slice %arg2[%dma_wait3A_565, %dma_wait3A_571, %multiple_of3A_110] : memref<20x21x100000xf32, #tpu.memory_space<hbm>> -> memref<1x8x128xf32, #tpu.memory_space<hbm>>
      %dma_wait3A_573 = tpu.memref_squeeze %dma_wait3A_572 : memref<1x8x128xf32, #tpu.memory_space<hbm>> -> memref<8x128xf32, #tpu.memory_space<hbm>>
      %dma_wait3A_574 = arith.constant 0 : i32
      %dma_wait3A_575 = arith.constant 0 : i32
      %dma_wait3A_576 = tpu.memref_slice %arg6[%dma_wait3A_566, %dma_wait3A_574, %dma_wait3A_575] : memref<20x8x128xf32, #tpu.memory_space<vmem>> -> memref<1x8x128xf32, #tpu.memory_space<vmem>>
      %dma_wait3A_577 = tpu.memref_squeeze %dma_wait3A_576 : memref<1x8x128xf32, #tpu.memory_space<vmem>> -> memref<8x128xf32, #tpu.memory_space<vmem>>
      %dma_wait3A_578 = arith.constant 0 : i32
      %dma_wait3A_579 = tpu.memref_slice %arg2[%dma_wait3A_565, %dma_wait3A_578, %multiple_of3A_110] : memref<20x21x100000xf32, #tpu.memory_space<hbm>> -> memref<1x8x128xf32, #tpu.memory_space<hbm>>
      %dma_wait3A_580 = tpu.memref_squeeze %dma_wait3A_579 : memref<1x8x128xf32, #tpu.memory_space<hbm>> -> memref<8x128xf32, #tpu.memory_space<hbm>>
      tpu.wait_dma2 semaphore(%arg8 : memref<!tpu.dma_semaphore, #tpu.memory_space<semaphore_mem>>) src(%dma_wait3A_580 : memref<8x128xf32, #tpu.memory_space<hbm>>) dst(%dma_wait3A_577 : memref<8x128xf32, #tpu.memory_space<vmem>>)
      %dma_wait3A_581 = arith.constant 5 : i32
      %dma_wait3A_582 = arith.constant 5 : i32
      %dma_wait3A_583 = arith.constant 0 : i32
      %dma_wait3A_584 = arith.constant 0 : i32
      %dma_wait3A_585 = tpu.memref_slice %arg6[%dma_wait3A_582, %dma_wait3A_583, %dma_wait3A_584] : memref<20x8x128xf32, #tpu.memory_space<vmem>> -> memref<1x8x128xf32, #tpu.memory_space<vmem>>
      %dma_wait3A_586 = tpu.memref_squeeze %dma_wait3A_585 : memref<1x8x128xf32, #tpu.memory_space<vmem>> -> memref<8x128xf32, #tpu.memory_space<vmem>>
      %dma_wait3A_587 = arith.constant 0 : i32
      %dma_wait3A_588 = tpu.memref_slice %arg2[%dma_wait3A_581, %dma_wait3A_587, %multiple_of3A_135] : memref<20x21x100000xf32, #tpu.memory_space<hbm>> -> memref<1x8x128xf32, #tpu.memory_space<hbm>>
      %dma_wait3A_589 = tpu.memref_squeeze %dma_wait3A_588 : memref<1x8x128xf32, #tpu.memory_space<hbm>> -> memref<8x128xf32, #tpu.memory_space<hbm>>
      %dma_wait3A_590 = arith.constant 0 : i32
      %dma_wait3A_591 = arith.constant 0 : i32
      %dma_wait3A_592 = tpu.memref_slice %arg6[%dma_wait3A_582, %dma_wait3A_590, %dma_wait3A_591] : memref<20x8x128xf32, #tpu.memory_space<vmem>> -> memref<1x8x128xf32, #tpu.memory_space<vmem>>
      %dma_wait3A_593 = tpu.memref_squeeze %dma_wait3A_592 : memref<1x8x128xf32, #tpu.memory_space<vmem>> -> memref<8x128xf32, #tpu.memory_space<vmem>>
      %dma_wait3A_594 = arith.constant 0 : i32
      %dma_wait3A_595 = tpu.memref_slice %arg2[%dma_wait3A_581, %dma_wait3A_594, %multiple_of3A_135] : memref<20x21x100000xf32, #tpu.memory_space<hbm>> -> memref<1x8x128xf32, #tpu.memory_space<hbm>>
      %dma_wait3A_596 = tpu.memref_squeeze %dma_wait3A_595 : memref<1x8x128xf32, #tpu.memory_space<hbm>> -> memref<8x128xf32, #tpu.memory_space<hbm>>
      tpu.wait_dma2 semaphore(%arg8 : memref<!tpu.dma_semaphore, #tpu.memory_space<semaphore_mem>>) src(%dma_wait3A_596 : memref<8x128xf32, #tpu.memory_space<hbm>>) dst(%dma_wait3A_593 : memref<8x128xf32, #tpu.memory_space<vmem>>)
      %dma_wait3A_597 = arith.constant 6 : i32
      %dma_wait3A_598 = arith.constant 6 : i32
      %dma_wait3A_599 = arith.constant 0 : i32
      %dma_wait3A_600 = arith.constant 0 : i32
      %dma_wait3A_601 = tpu.memref_slice %arg6[%dma_wait3A_598, %dma_wait3A_599, %dma_wait3A_600] : memref<20x8x128xf32, #tpu.memory_space<vmem>> -> memref<1x8x128xf32, #tpu.memory_space<vmem>>
      %dma_wait3A_602 = tpu.memref_squeeze %dma_wait3A_601 : memref<1x8x128xf32, #tpu.memory_space<vmem>> -> memref<8x128xf32, #tpu.memory_space<vmem>>
      %dma_wait3A_603 = arith.constant 0 : i32
      %dma_wait3A_604 = tpu.memref_slice %arg2[%dma_wait3A_597, %dma_wait3A_603, %multiple_of3A_160] : memref<20x21x100000xf32, #tpu.memory_space<hbm>> -> memref<1x8x128xf32, #tpu.memory_space<hbm>>
      %dma_wait3A_605 = tpu.memref_squeeze %dma_wait3A_604 : memref<1x8x128xf32, #tpu.memory_space<hbm>> -> memref<8x128xf32, #tpu.memory_space<hbm>>
      %dma_wait3A_606 = arith.constant 0 : i32
      %dma_wait3A_607 = arith.constant 0 : i32
      %dma_wait3A_608 = tpu.memref_slice %arg6[%dma_wait3A_598, %dma_wait3A_606, %dma_wait3A_607] : memref<20x8x128xf32, #tpu.memory_space<vmem>> -> memref<1x8x128xf32, #tpu.memory_space<vmem>>
      %dma_wait3A_609 = tpu.memref_squeeze %dma_wait3A_608 : memref<1x8x128xf32, #tpu.memory_space<vmem>> -> memref<8x128xf32, #tpu.memory_space<vmem>>
      %dma_wait3A_610 = arith.constant 0 : i32
      %dma_wait3A_611 = tpu.memref_slice %arg2[%dma_wait3A_597, %dma_wait3A_610, %multiple_of3A_160] : memref<20x21x100000xf32, #tpu.memory_space<hbm>> -> memref<1x8x128xf32, #tpu.memory_space<hbm>>
      %dma_wait3A_612 = tpu.memref_squeeze %dma_wait3A_611 : memref<1x8x128xf32, #tpu.memory_space<hbm>> -> memref<8x128xf32, #tpu.memory_space<hbm>>
      tpu.wait_dma2 semaphore(%arg8 : memref<!tpu.dma_semaphore, #tpu.memory_space<semaphore_mem>>) src(%dma_wait3A_612 : memref<8x128xf32, #tpu.memory_space<hbm>>) dst(%dma_wait3A_609 : memref<8x128xf32, #tpu.memory_space<vmem>>)
      %dma_wait3A_613 = arith.constant 7 : i32
      %dma_wait3A_614 = arith.constant 7 : i32
      %dma_wait3A_615 = arith.constant 0 : i32
      %dma_wait3A_616 = arith.constant 0 : i32
      %dma_wait3A_617 = tpu.memref_slice %arg6[%dma_wait3A_614, %dma_wait3A_615, %dma_wait3A_616] : memref<20x8x128xf32, #tpu.memory_space<vmem>> -> memref<1x8x128xf32, #tpu.memory_space<vmem>>
      %dma_wait3A_618 = tpu.memref_squeeze %dma_wait3A_617 : memref<1x8x128xf32, #tpu.memory_space<vmem>> -> memref<8x128xf32, #tpu.memory_space<vmem>>
      %dma_wait3A_619 = arith.constant 8 : i32
      %dma_wait3A_620 = tpu.memref_slice %arg2[%dma_wait3A_613, %dma_wait3A_619, %multiple_of3A_185] : memref<20x21x100000xf32, #tpu.memory_space<hbm>> -> memref<1x8x128xf32, #tpu.memory_space<hbm>>
      %dma_wait3A_621 = tpu.memref_squeeze %dma_wait3A_620 : memref<1x8x128xf32, #tpu.memory_space<hbm>> -> memref<8x128xf32, #tpu.memory_space<hbm>>
      %dma_wait3A_622 = arith.constant 0 : i32
      %dma_wait3A_623 = arith.constant 0 : i32
      %dma_wait3A_624 = tpu.memref_slice %arg6[%dma_wait3A_614, %dma_wait3A_622, %dma_wait3A_623] : memref<20x8x128xf32, #tpu.memory_space<vmem>> -> memref<1x8x128xf32, #tpu.memory_space<vmem>>
      %dma_wait3A_625 = tpu.memref_squeeze %dma_wait3A_624 : memref<1x8x128xf32, #tpu.memory_space<vmem>> -> memref<8x128xf32, #tpu.memory_space<vmem>>
      %dma_wait3A_626 = arith.constant 8 : i32
      %dma_wait3A_627 = tpu.memref_slice %arg2[%dma_wait3A_613, %dma_wait3A_626, %multiple_of3A_185] : memref<20x21x100000xf32, #tpu.memory_space<hbm>> -> memref<1x8x128xf32, #tpu.memory_space<hbm>>
      %dma_wait3A_628 = tpu.memref_squeeze %dma_wait3A_627 : memref<1x8x128xf32, #tpu.memory_space<hbm>> -> memref<8x128xf32, #tpu.memory_space<hbm>>
      tpu.wait_dma2 semaphore(%arg8 : memref<!tpu.dma_semaphore, #tpu.memory_space<semaphore_mem>>) src(%dma_wait3A_628 : memref<8x128xf32, #tpu.memory_space<hbm>>) dst(%dma_wait3A_625 : memref<8x128xf32, #tpu.memory_space<vmem>>)
      %dma_wait3A_629 = arith.constant 8 : i32
      %dma_wait3A_630 = arith.constant 8 : i32
      %dma_wait3A_631 = arith.constant 0 : i32
      %dma_wait3A_632 = arith.constant 0 : i32
      %dma_wait3A_633 = tpu.memref_slice %arg6[%dma_wait3A_630, %dma_wait3A_631, %dma_wait3A_632] : memref<20x8x128xf32, #tpu.memory_space<vmem>> -> memref<1x8x128xf32, #tpu.memory_space<vmem>>
      %dma_wait3A_634 = tpu.memref_squeeze %dma_wait3A_633 : memref<1x8x128xf32, #tpu.memory_space<vmem>> -> memref<8x128xf32, #tpu.memory_space<vmem>>
      %dma_wait3A_635 = arith.constant 8 : i32
      %dma_wait3A_636 = tpu.memref_slice %arg2[%dma_wait3A_629, %dma_wait3A_635, %multiple_of3A_210] : memref<20x21x100000xf32, #tpu.memory_space<hbm>> -> memref<1x8x128xf32, #tpu.memory_space<hbm>>
      %dma_wait3A_637 = tpu.memref_squeeze %dma_wait3A_636 : memref<1x8x128xf32, #tpu.memory_space<hbm>> -> memref<8x128xf32, #tpu.memory_space<hbm>>
      %dma_wait3A_638 = arith.constant 0 : i32
      %dma_wait3A_639 = arith.constant 0 : i32
      %dma_wait3A_640 = tpu.memref_slice %arg6[%dma_wait3A_630, %dma_wait3A_638, %dma_wait3A_639] : memref<20x8x128xf32, #tpu.memory_space<vmem>> -> memref<1x8x128xf32, #tpu.memory_space<vmem>>
      %dma_wait3A_641 = tpu.memref_squeeze %dma_wait3A_640 : memref<1x8x128xf32, #tpu.memory_space<vmem>> -> memref<8x128xf32, #tpu.memory_space<vmem>>
      %dma_wait3A_642 = arith.constant 8 : i32
      %dma_wait3A_643 = tpu.memref_slice %arg2[%dma_wait3A_629, %dma_wait3A_642, %multiple_of3A_210] : memref<20x21x100000xf32, #tpu.memory_space<hbm>> -> memref<1x8x128xf32, #tpu.memory_space<hbm>>
      %dma_wait3A_644 = tpu.memref_squeeze %dma_wait3A_643 : memref<1x8x128xf32, #tpu.memory_space<hbm>> -> memref<8x128xf32, #tpu.memory_space<hbm>>
      tpu.wait_dma2 semaphore(%arg8 : memref<!tpu.dma_semaphore, #tpu.memory_space<semaphore_mem>>) src(%dma_wait3A_644 : memref<8x128xf32, #tpu.memory_space<hbm>>) dst(%dma_wait3A_641 : memref<8x128xf32, #tpu.memory_space<vmem>>)
      %dma_wait3A_645 = arith.constant 9 : i32
      %dma_wait3A_646 = arith.constant 9 : i32
      %dma_wait3A_647 = arith.constant 0 : i32
      %dma_wait3A_648 = arith.constant 0 : i32
      %dma_wait3A_649 = tpu.memref_slice %arg6[%dma_wait3A_646, %dma_wait3A_647, %dma_wait3A_648] : memref<20x8x128xf32, #tpu.memory_space<vmem>> -> memref<1x8x128xf32, #tpu.memory_space<vmem>>
      %dma_wait3A_650 = tpu.memref_squeeze %dma_wait3A_649 : memref<1x8x128xf32, #tpu.memory_space<vmem>> -> memref<8x128xf32, #tpu.memory_space<vmem>>
      %dma_wait3A_651 = arith.constant 8 : i32
      %dma_wait3A_652 = tpu.memref_slice %arg2[%dma_wait3A_645, %dma_wait3A_651, %multiple_of3A_235] : memref<20x21x100000xf32, #tpu.memory_space<hbm>> -> memref<1x8x128xf32, #tpu.memory_space<hbm>>
      %dma_wait3A_653 = tpu.memref_squeeze %dma_wait3A_652 : memref<1x8x128xf32, #tpu.memory_space<hbm>> -> memref<8x128xf32, #tpu.memory_space<hbm>>
      %dma_wait3A_654 = arith.constant 0 : i32
      %dma_wait3A_655 = arith.constant 0 : i32
      %dma_wait3A_656 = tpu.memref_slice %arg6[%dma_wait3A_646, %dma_wait3A_654, %dma_wait3A_655] : memref<20x8x128xf32, #tpu.memory_space<vmem>> -> memref<1x8x128xf32, #tpu.memory_space<vmem>>
      %dma_wait3A_657 = tpu.memref_squeeze %dma_wait3A_656 : memref<1x8x128xf32, #tpu.memory_space<vmem>> -> memref<8x128xf32, #tpu.memory_space<vmem>>
      %dma_wait3A_658 = arith.constant 8 : i32
      %dma_wait3A_659 = tpu.memref_slice %arg2[%dma_wait3A_645, %dma_wait3A_658, %multiple_of3A_235] : memref<20x21x100000xf32, #tpu.memory_space<hbm>> -> memref<1x8x128xf32, #tpu.memory_space<hbm>>
      %dma_wait3A_660 = tpu.memref_squeeze %dma_wait3A_659 : memref<1x8x128xf32, #tpu.memory_space<hbm>> -> memref<8x128xf32, #tpu.memory_space<hbm>>
      tpu.wait_dma2 semaphore(%arg8 : memref<!tpu.dma_semaphore, #tpu.memory_space<semaphore_mem>>) src(%dma_wait3A_660 : memref<8x128xf32, #tpu.memory_space<hbm>>) dst(%dma_wait3A_657 : memref<8x128xf32, #tpu.memory_space<vmem>>)
      %dma_wait3A_661 = arith.constant 10 : i32
      %dma_wait3A_662 = arith.constant 10 : i32
      %dma_wait3A_663 = arith.constant 0 : i32
      %dma_wait3A_664 = arith.constant 0 : i32
      %dma_wait3A_665 = tpu.memref_slice %arg6[%dma_wait3A_662, %dma_wait3A_663, %dma_wait3A_664] : memref<20x8x128xf32, #tpu.memory_space<vmem>> -> memref<1x8x128xf32, #tpu.memory_space<vmem>>
      %dma_wait3A_666 = tpu.memref_squeeze %dma_wait3A_665 : memref<1x8x128xf32, #tpu.memory_space<vmem>> -> memref<8x128xf32, #tpu.memory_space<vmem>>
      %dma_wait3A_667 = arith.constant 8 : i32
      %dma_wait3A_668 = tpu.memref_slice %arg2[%dma_wait3A_661, %dma_wait3A_667, %multiple_of3A_260] : memref<20x21x100000xf32, #tpu.memory_space<hbm>> -> memref<1x8x128xf32, #tpu.memory_space<hbm>>
      %dma_wait3A_669 = tpu.memref_squeeze %dma_wait3A_668 : memref<1x8x128xf32, #tpu.memory_space<hbm>> -> memref<8x128xf32, #tpu.memory_space<hbm>>
      %dma_wait3A_670 = arith.constant 0 : i32
      %dma_wait3A_671 = arith.constant 0 : i32
      %dma_wait3A_672 = tpu.memref_slice %arg6[%dma_wait3A_662, %dma_wait3A_670, %dma_wait3A_671] : memref<20x8x128xf32, #tpu.memory_space<vmem>> -> memref<1x8x128xf32, #tpu.memory_space<vmem>>
      %dma_wait3A_673 = tpu.memref_squeeze %dma_wait3A_672 : memref<1x8x128xf32, #tpu.memory_space<vmem>> -> memref<8x128xf32, #tpu.memory_space<vmem>>
      %dma_wait3A_674 = arith.constant 8 : i32
      %dma_wait3A_675 = tpu.memref_slice %arg2[%dma_wait3A_661, %dma_wait3A_674, %multiple_of3A_260] : memref<20x21x100000xf32, #tpu.memory_space<hbm>> -> memref<1x8x128xf32, #tpu.memory_space<hbm>>
      %dma_wait3A_676 = tpu.memref_squeeze %dma_wait3A_675 : memref<1x8x128xf32, #tpu.memory_space<hbm>> -> memref<8x128xf32, #tpu.memory_space<hbm>>
      tpu.wait_dma2 semaphore(%arg8 : memref<!tpu.dma_semaphore, #tpu.memory_space<semaphore_mem>>) src(%dma_wait3A_676 : memref<8x128xf32, #tpu.memory_space<hbm>>) dst(%dma_wait3A_673 : memref<8x128xf32, #tpu.memory_space<vmem>>)
      %dma_wait3A_677 = arith.constant 11 : i32
      %dma_wait3A_678 = arith.constant 11 : i32
      %dma_wait3A_679 = arith.constant 0 : i32
      %dma_wait3A_680 = arith.constant 0 : i32
      %dma_wait3A_681 = tpu.memref_slice %arg6[%dma_wait3A_678, %dma_wait3A_679, %dma_wait3A_680] : memref<20x8x128xf32, #tpu.memory_space<vmem>> -> memref<1x8x128xf32, #tpu.memory_space<vmem>>
      %dma_wait3A_682 = tpu.memref_squeeze %dma_wait3A_681 : memref<1x8x128xf32, #tpu.memory_space<vmem>> -> memref<8x128xf32, #tpu.memory_space<vmem>>
      %dma_wait3A_683 = arith.constant 8 : i32
      %dma_wait3A_684 = tpu.memref_slice %arg2[%dma_wait3A_677, %dma_wait3A_683, %multiple_of3A_285] : memref<20x21x100000xf32, #tpu.memory_space<hbm>> -> memref<1x8x128xf32, #tpu.memory_space<hbm>>
      %dma_wait3A_685 = tpu.memref_squeeze %dma_wait3A_684 : memref<1x8x128xf32, #tpu.memory_space<hbm>> -> memref<8x128xf32, #tpu.memory_space<hbm>>
      %dma_wait3A_686 = arith.constant 0 : i32
      %dma_wait3A_687 = arith.constant 0 : i32
      %dma_wait3A_688 = tpu.memref_slice %arg6[%dma_wait3A_678, %dma_wait3A_686, %dma_wait3A_687] : memref<20x8x128xf32, #tpu.memory_space<vmem>> -> memref<1x8x128xf32, #tpu.memory_space<vmem>>
      %dma_wait3A_689 = tpu.memref_squeeze %dma_wait3A_688 : memref<1x8x128xf32, #tpu.memory_space<vmem>> -> memref<8x128xf32, #tpu.memory_space<vmem>>
      %dma_wait3A_690 = arith.constant 8 : i32
      %dma_wait3A_691 = tpu.memref_slice %arg2[%dma_wait3A_677, %dma_wait3A_690, %multiple_of3A_285] : memref<20x21x100000xf32, #tpu.memory_space<hbm>> -> memref<1x8x128xf32, #tpu.memory_space<hbm>>
      %dma_wait3A_692 = tpu.memref_squeeze %dma_wait3A_691 : memref<1x8x128xf32, #tpu.memory_space<hbm>> -> memref<8x128xf32, #tpu.memory_space<hbm>>
      tpu.wait_dma2 semaphore(%arg8 : memref<!tpu.dma_semaphore, #tpu.memory_space<semaphore_mem>>) src(%dma_wait3A_692 : memref<8x128xf32, #tpu.memory_space<hbm>>) dst(%dma_wait3A_689 : memref<8x128xf32, #tpu.memory_space<vmem>>)
      %dma_wait3A_693 = arith.constant 12 : i32
      %dma_wait3A_694 = arith.constant 12 : i32
      %dma_wait3A_695 = arith.constant 0 : i32
      %dma_wait3A_696 = arith.constant 0 : i32
      %dma_wait3A_697 = tpu.memref_slice %arg6[%dma_wait3A_694, %dma_wait3A_695, %dma_wait3A_696] : memref<20x8x128xf32, #tpu.memory_space<vmem>> -> memref<1x8x128xf32, #tpu.memory_space<vmem>>
      %dma_wait3A_698 = tpu.memref_squeeze %dma_wait3A_697 : memref<1x8x128xf32, #tpu.memory_space<vmem>> -> memref<8x128xf32, #tpu.memory_space<vmem>>
      %dma_wait3A_699 = arith.constant 8 : i32
      %dma_wait3A_700 = tpu.memref_slice %arg2[%dma_wait3A_693, %dma_wait3A_699, %multiple_of3A_310] : memref<20x21x100000xf32, #tpu.memory_space<hbm>> -> memref<1x8x128xf32, #tpu.memory_space<hbm>>
      %dma_wait3A_701 = tpu.memref_squeeze %dma_wait3A_700 : memref<1x8x128xf32, #tpu.memory_space<hbm>> -> memref<8x128xf32, #tpu.memory_space<hbm>>
      %dma_wait3A_702 = arith.constant 0 : i32
      %dma_wait3A_703 = arith.constant 0 : i32
      %dma_wait3A_704 = tpu.memref_slice %arg6[%dma_wait3A_694, %dma_wait3A_702, %dma_wait3A_703] : memref<20x8x128xf32, #tpu.memory_space<vmem>> -> memref<1x8x128xf32, #tpu.memory_space<vmem>>
      %dma_wait3A_705 = tpu.memref_squeeze %dma_wait3A_704 : memref<1x8x128xf32, #tpu.memory_space<vmem>> -> memref<8x128xf32, #tpu.memory_space<vmem>>
      %dma_wait3A_706 = arith.constant 8 : i32
      %dma_wait3A_707 = tpu.memref_slice %arg2[%dma_wait3A_693, %dma_wait3A_706, %multiple_of3A_310] : memref<20x21x100000xf32, #tpu.memory_space<hbm>> -> memref<1x8x128xf32, #tpu.memory_space<hbm>>
      %dma_wait3A_708 = tpu.memref_squeeze %dma_wait3A_707 : memref<1x8x128xf32, #tpu.memory_space<hbm>> -> memref<8x128xf32, #tpu.memory_space<hbm>>
      tpu.wait_dma2 semaphore(%arg8 : memref<!tpu.dma_semaphore, #tpu.memory_space<semaphore_mem>>) src(%dma_wait3A_708 : memref<8x128xf32, #tpu.memory_space<hbm>>) dst(%dma_wait3A_705 : memref<8x128xf32, #tpu.memory_space<vmem>>)
      %dma_wait3A_709 = arith.constant 13 : i32
      %dma_wait3A_710 = arith.constant 13 : i32
      %dma_wait3A_711 = arith.constant 0 : i32
      %dma_wait3A_712 = arith.constant 0 : i32
      %dma_wait3A_713 = tpu.memref_slice %arg6[%dma_wait3A_710, %dma_wait3A_711, %dma_wait3A_712] : memref<20x8x128xf32, #tpu.memory_space<vmem>> -> memref<1x8x128xf32, #tpu.memory_space<vmem>>
      %dma_wait3A_714 = tpu.memref_squeeze %dma_wait3A_713 : memref<1x8x128xf32, #tpu.memory_space<vmem>> -> memref<8x128xf32, #tpu.memory_space<vmem>>
      %dma_wait3A_715 = arith.constant 8 : i32
      %dma_wait3A_716 = tpu.memref_slice %arg2[%dma_wait3A_709, %dma_wait3A_715, %multiple_of3A_335] : memref<20x21x100000xf32, #tpu.memory_space<hbm>> -> memref<1x8x128xf32, #tpu.memory_space<hbm>>
      %dma_wait3A_717 = tpu.memref_squeeze %dma_wait3A_716 : memref<1x8x128xf32, #tpu.memory_space<hbm>> -> memref<8x128xf32, #tpu.memory_space<hbm>>
      %dma_wait3A_718 = arith.constant 0 : i32
      %dma_wait3A_719 = arith.constant 0 : i32
      %dma_wait3A_720 = tpu.memref_slice %arg6[%dma_wait3A_710, %dma_wait3A_718, %dma_wait3A_719] : memref<20x8x128xf32, #tpu.memory_space<vmem>> -> memref<1x8x128xf32, #tpu.memory_space<vmem>>
      %dma_wait3A_721 = tpu.memref_squeeze %dma_wait3A_720 : memref<1x8x128xf32, #tpu.memory_space<vmem>> -> memref<8x128xf32, #tpu.memory_space<vmem>>
      %dma_wait3A_722 = arith.constant 8 : i32
      %dma_wait3A_723 = tpu.memref_slice %arg2[%dma_wait3A_709, %dma_wait3A_722, %multiple_of3A_335] : memref<20x21x100000xf32, #tpu.memory_space<hbm>> -> memref<1x8x128xf32, #tpu.memory_space<hbm>>
      %dma_wait3A_724 = tpu.memref_squeeze %dma_wait3A_723 : memref<1x8x128xf32, #tpu.memory_space<hbm>> -> memref<8x128xf32, #tpu.memory_space<hbm>>
      tpu.wait_dma2 semaphore(%arg8 : memref<!tpu.dma_semaphore, #tpu.memory_space<semaphore_mem>>) src(%dma_wait3A_724 : memref<8x128xf32, #tpu.memory_space<hbm>>) dst(%dma_wait3A_721 : memref<8x128xf32, #tpu.memory_space<vmem>>)
      %dma_wait3A_725 = arith.constant 14 : i32
      %dma_wait3A_726 = arith.constant 14 : i32
      %dma_wait3A_727 = arith.constant 0 : i32
      %dma_wait3A_728 = arith.constant 0 : i32
      %dma_wait3A_729 = tpu.memref_slice %arg6[%dma_wait3A_726, %dma_wait3A_727, %dma_wait3A_728] : memref<20x8x128xf32, #tpu.memory_space<vmem>> -> memref<1x8x128xf32, #tpu.memory_space<vmem>>
      %dma_wait3A_730 = tpu.memref_squeeze %dma_wait3A_729 : memref<1x8x128xf32, #tpu.memory_space<vmem>> -> memref<8x128xf32, #tpu.memory_space<vmem>>
      %dma_wait3A_731 = arith.constant 8 : i32
      %dma_wait3A_732 = tpu.memref_slice %arg2[%dma_wait3A_725, %dma_wait3A_731, %multiple_of3A_360] : memref<20x21x100000xf32, #tpu.memory_space<hbm>> -> memref<1x8x128xf32, #tpu.memory_space<hbm>>
      %dma_wait3A_733 = tpu.memref_squeeze %dma_wait3A_732 : memref<1x8x128xf32, #tpu.memory_space<hbm>> -> memref<8x128xf32, #tpu.memory_space<hbm>>
      %dma_wait3A_734 = arith.constant 0 : i32
      %dma_wait3A_735 = arith.constant 0 : i32
      %dma_wait3A_736 = tpu.memref_slice %arg6[%dma_wait3A_726, %dma_wait3A_734, %dma_wait3A_735] : memref<20x8x128xf32, #tpu.memory_space<vmem>> -> memref<1x8x128xf32, #tpu.memory_space<vmem>>
      %dma_wait3A_737 = tpu.memref_squeeze %dma_wait3A_736 : memref<1x8x128xf32, #tpu.memory_space<vmem>> -> memref<8x128xf32, #tpu.memory_space<vmem>>
      %dma_wait3A_738 = arith.constant 8 : i32
      %dma_wait3A_739 = tpu.memref_slice %arg2[%dma_wait3A_725, %dma_wait3A_738, %multiple_of3A_360] : memref<20x21x100000xf32, #tpu.memory_space<hbm>> -> memref<1x8x128xf32, #tpu.memory_space<hbm>>
      %dma_wait3A_740 = tpu.memref_squeeze %dma_wait3A_739 : memref<1x8x128xf32, #tpu.memory_space<hbm>> -> memref<8x128xf32, #tpu.memory_space<hbm>>
      tpu.wait_dma2 semaphore(%arg8 : memref<!tpu.dma_semaphore, #tpu.memory_space<semaphore_mem>>) src(%dma_wait3A_740 : memref<8x128xf32, #tpu.memory_space<hbm>>) dst(%dma_wait3A_737 : memref<8x128xf32, #tpu.memory_space<vmem>>)
      %dma_wait3A_741 = arith.constant 15 : i32
      %dma_wait3A_742 = arith.constant 15 : i32
      %dma_wait3A_743 = arith.constant 0 : i32
      %dma_wait3A_744 = arith.constant 0 : i32
      %dma_wait3A_745 = tpu.memref_slice %arg6[%dma_wait3A_742, %dma_wait3A_743, %dma_wait3A_744] : memref<20x8x128xf32, #tpu.memory_space<vmem>> -> memref<1x5x128xf32, #tpu.memory_space<vmem>>
      %dma_wait3A_746 = tpu.memref_squeeze %dma_wait3A_745 : memref<1x5x128xf32, #tpu.memory_space<vmem>> -> memref<5x128xf32, #tpu.memory_space<vmem>>
      %dma_wait3A_747 = arith.constant 16 : i32
      %dma_wait3A_748 = tpu.memref_slice %arg2[%dma_wait3A_741, %dma_wait3A_747, %multiple_of3A_385] : memref<20x21x100000xf32, #tpu.memory_space<hbm>> -> memref<1x5x128xf32, #tpu.memory_space<hbm>>
      %dma_wait3A_749 = tpu.memref_squeeze %dma_wait3A_748 : memref<1x5x128xf32, #tpu.memory_space<hbm>> -> memref<5x128xf32, #tpu.memory_space<hbm>>
      %dma_wait3A_750 = arith.constant 0 : i32
      %dma_wait3A_751 = arith.constant 0 : i32
      %dma_wait3A_752 = tpu.memref_slice %arg6[%dma_wait3A_742, %dma_wait3A_750, %dma_wait3A_751] : memref<20x8x128xf32, #tpu.memory_space<vmem>> -> memref<1x5x128xf32, #tpu.memory_space<vmem>>
      %dma_wait3A_753 = tpu.memref_squeeze %dma_wait3A_752 : memref<1x5x128xf32, #tpu.memory_space<vmem>> -> memref<5x128xf32, #tpu.memory_space<vmem>>
      %dma_wait3A_754 = arith.constant 16 : i32
      %dma_wait3A_755 = tpu.memref_slice %arg2[%dma_wait3A_741, %dma_wait3A_754, %multiple_of3A_385] : memref<20x21x100000xf32, #tpu.memory_space<hbm>> -> memref<1x5x128xf32, #tpu.memory_space<hbm>>
      %dma_wait3A_756 = tpu.memref_squeeze %dma_wait3A_755 : memref<1x5x128xf32, #tpu.memory_space<hbm>> -> memref<5x128xf32, #tpu.memory_space<hbm>>
      tpu.wait_dma2 semaphore(%arg8 : memref<!tpu.dma_semaphore, #tpu.memory_space<semaphore_mem>>) src(%dma_wait3A_756 : memref<5x128xf32, #tpu.memory_space<hbm>>) dst(%dma_wait3A_753 : memref<5x128xf32, #tpu.memory_space<vmem>>)
      %dma_wait3A_757 = arith.constant 16 : i32
      %dma_wait3A_758 = arith.constant 16 : i32
      %dma_wait3A_759 = arith.constant 0 : i32
      %dma_wait3A_760 = arith.constant 0 : i32
      %dma_wait3A_761 = tpu.memref_slice %arg6[%dma_wait3A_758, %dma_wait3A_759, %dma_wait3A_760] : memref<20x8x128xf32, #tpu.memory_space<vmem>> -> memref<1x5x128xf32, #tpu.memory_space<vmem>>
      %dma_wait3A_762 = tpu.memref_squeeze %dma_wait3A_761 : memref<1x5x128xf32, #tpu.memory_space<vmem>> -> memref<5x128xf32, #tpu.memory_space<vmem>>
      %dma_wait3A_763 = arith.constant 16 : i32
      %dma_wait3A_764 = tpu.memref_slice %arg2[%dma_wait3A_757, %dma_wait3A_763, %multiple_of3A_410] : memref<20x21x100000xf32, #tpu.memory_space<hbm>> -> memref<1x5x128xf32, #tpu.memory_space<hbm>>
      %dma_wait3A_765 = tpu.memref_squeeze %dma_wait3A_764 : memref<1x5x128xf32, #tpu.memory_space<hbm>> -> memref<5x128xf32, #tpu.memory_space<hbm>>
      %dma_wait3A_766 = arith.constant 0 : i32
      %dma_wait3A_767 = arith.constant 0 : i32
      %dma_wait3A_768 = tpu.memref_slice %arg6[%dma_wait3A_758, %dma_wait3A_766, %dma_wait3A_767] : memref<20x8x128xf32, #tpu.memory_space<vmem>> -> memref<1x5x128xf32, #tpu.memory_space<vmem>>
      %dma_wait3A_769 = tpu.memref_squeeze %dma_wait3A_768 : memref<1x5x128xf32, #tpu.memory_space<vmem>> -> memref<5x128xf32, #tpu.memory_space<vmem>>
      %dma_wait3A_770 = arith.constant 16 : i32
      %dma_wait3A_771 = tpu.memref_slice %arg2[%dma_wait3A_757, %dma_wait3A_770, %multiple_of3A_410] : memref<20x21x100000xf32, #tpu.memory_space<hbm>> -> memref<1x5x128xf32, #tpu.memory_space<hbm>>
      %dma_wait3A_772 = tpu.memref_squeeze %dma_wait3A_771 : memref<1x5x128xf32, #tpu.memory_space<hbm>> -> memref<5x128xf32, #tpu.memory_space<hbm>>
      tpu.wait_dma2 semaphore(%arg8 : memref<!tpu.dma_semaphore, #tpu.memory_space<semaphore_mem>>) src(%dma_wait3A_772 : memref<5x128xf32, #tpu.memory_space<hbm>>) dst(%dma_wait3A_769 : memref<5x128xf32, #tpu.memory_space<vmem>>)
      %dma_wait3A_773 = arith.constant 17 : i32
      %dma_wait3A_774 = arith.constant 17 : i32
      %dma_wait3A_775 = arith.constant 0 : i32
      %dma_wait3A_776 = arith.constant 0 : i32
      %dma_wait3A_777 = tpu.memref_slice %arg6[%dma_wait3A_774, %dma_wait3A_775, %dma_wait3A_776] : memref<20x8x128xf32, #tpu.memory_space<vmem>> -> memref<1x5x128xf32, #tpu.memory_space<vmem>>
      %dma_wait3A_778 = tpu.memref_squeeze %dma_wait3A_777 : memref<1x5x128xf32, #tpu.memory_space<vmem>> -> memref<5x128xf32, #tpu.memory_space<vmem>>
      %dma_wait3A_779 = arith.constant 16 : i32
      %dma_wait3A_780 = tpu.memref_slice %arg2[%dma_wait3A_773, %dma_wait3A_779, %multiple_of3A_435] : memref<20x21x100000xf32, #tpu.memory_space<hbm>> -> memref<1x5x128xf32, #tpu.memory_space<hbm>>
      %dma_wait3A_781 = tpu.memref_squeeze %dma_wait3A_780 : memref<1x5x128xf32, #tpu.memory_space<hbm>> -> memref<5x128xf32, #tpu.memory_space<hbm>>
      %dma_wait3A_782 = arith.constant 0 : i32
      %dma_wait3A_783 = arith.constant 0 : i32
      %dma_wait3A_784 = tpu.memref_slice %arg6[%dma_wait3A_774, %dma_wait3A_782, %dma_wait3A_783] : memref<20x8x128xf32, #tpu.memory_space<vmem>> -> memref<1x5x128xf32, #tpu.memory_space<vmem>>
      %dma_wait3A_785 = tpu.memref_squeeze %dma_wait3A_784 : memref<1x5x128xf32, #tpu.memory_space<vmem>> -> memref<5x128xf32, #tpu.memory_space<vmem>>
      %dma_wait3A_786 = arith.constant 16 : i32
      %dma_wait3A_787 = tpu.memref_slice %arg2[%dma_wait3A_773, %dma_wait3A_786, %multiple_of3A_435] : memref<20x21x100000xf32, #tpu.memory_space<hbm>> -> memref<1x5x128xf32, #tpu.memory_space<hbm>>
      %dma_wait3A_788 = tpu.memref_squeeze %dma_wait3A_787 : memref<1x5x128xf32, #tpu.memory_space<hbm>> -> memref<5x128xf32, #tpu.memory_space<hbm>>
      tpu.wait_dma2 semaphore(%arg8 : memref<!tpu.dma_semaphore, #tpu.memory_space<semaphore_mem>>) src(%dma_wait3A_788 : memref<5x128xf32, #tpu.memory_space<hbm>>) dst(%dma_wait3A_785 : memref<5x128xf32, #tpu.memory_space<vmem>>)
      %dma_wait3A_789 = arith.constant 18 : i32
      %dma_wait3A_790 = arith.constant 18 : i32
      %dma_wait3A_791 = arith.constant 0 : i32
      %dma_wait3A_792 = arith.constant 0 : i32
      %dma_wait3A_793 = tpu.memref_slice %arg6[%dma_wait3A_790, %dma_wait3A_791, %dma_wait3A_792] : memref<20x8x128xf32, #tpu.memory_space<vmem>> -> memref<1x5x128xf32, #tpu.memory_space<vmem>>
      %dma_wait3A_794 = tpu.memref_squeeze %dma_wait3A_793 : memref<1x5x128xf32, #tpu.memory_space<vmem>> -> memref<5x128xf32, #tpu.memory_space<vmem>>
      %dma_wait3A_795 = arith.constant 16 : i32
      %dma_wait3A_796 = tpu.memref_slice %arg2[%dma_wait3A_789, %dma_wait3A_795, %multiple_of3A_460] : memref<20x21x100000xf32, #tpu.memory_space<hbm>> -> memref<1x5x128xf32, #tpu.memory_space<hbm>>
      %dma_wait3A_797 = tpu.memref_squeeze %dma_wait3A_796 : memref<1x5x128xf32, #tpu.memory_space<hbm>> -> memref<5x128xf32, #tpu.memory_space<hbm>>
      %dma_wait3A_798 = arith.constant 0 : i32
      %dma_wait3A_799 = arith.constant 0 : i32
      %dma_wait3A_800 = tpu.memref_slice %arg6[%dma_wait3A_790, %dma_wait3A_798, %dma_wait3A_799] : memref<20x8x128xf32, #tpu.memory_space<vmem>> -> memref<1x5x128xf32, #tpu.memory_space<vmem>>
      %dma_wait3A_801 = tpu.memref_squeeze %dma_wait3A_800 : memref<1x5x128xf32, #tpu.memory_space<vmem>> -> memref<5x128xf32, #tpu.memory_space<vmem>>
      %dma_wait3A_802 = arith.constant 16 : i32
      %dma_wait3A_803 = tpu.memref_slice %arg2[%dma_wait3A_789, %dma_wait3A_802, %multiple_of3A_460] : memref<20x21x100000xf32, #tpu.memory_space<hbm>> -> memref<1x5x128xf32, #tpu.memory_space<hbm>>
      %dma_wait3A_804 = tpu.memref_squeeze %dma_wait3A_803 : memref<1x5x128xf32, #tpu.memory_space<hbm>> -> memref<5x128xf32, #tpu.memory_space<hbm>>
      tpu.wait_dma2 semaphore(%arg8 : memref<!tpu.dma_semaphore, #tpu.memory_space<semaphore_mem>>) src(%dma_wait3A_804 : memref<5x128xf32, #tpu.memory_space<hbm>>) dst(%dma_wait3A_801 : memref<5x128xf32, #tpu.memory_space<vmem>>)
      %dma_wait3A_805 = arith.constant 19 : i32
      %dma_wait3A_806 = arith.constant 19 : i32
      %dma_wait3A_807 = arith.constant 0 : i32
      %dma_wait3A_808 = arith.constant 0 : i32
      %dma_wait3A_809 = tpu.memref_slice %arg6[%dma_wait3A_806, %dma_wait3A_807, %dma_wait3A_808] : memref<20x8x128xf32, #tpu.memory_space<vmem>> -> memref<1x5x128xf32, #tpu.memory_space<vmem>>
      %dma_wait3A_810 = tpu.memref_squeeze %dma_wait3A_809 : memref<1x5x128xf32, #tpu.memory_space<vmem>> -> memref<5x128xf32, #tpu.memory_space<vmem>>
      %dma_wait3A_811 = arith.constant 16 : i32
      %dma_wait3A_812 = tpu.memref_slice %arg2[%dma_wait3A_805, %dma_wait3A_811, %multiple_of3A_485] : memref<20x21x100000xf32, #tpu.memory_space<hbm>> -> memref<1x5x128xf32, #tpu.memory_space<hbm>>
      %dma_wait3A_813 = tpu.memref_squeeze %dma_wait3A_812 : memref<1x5x128xf32, #tpu.memory_space<hbm>> -> memref<5x128xf32, #tpu.memory_space<hbm>>
      %dma_wait3A_814 = arith.constant 0 : i32
      %dma_wait3A_815 = arith.constant 0 : i32
      %dma_wait3A_816 = tpu.memref_slice %arg6[%dma_wait3A_806, %dma_wait3A_814, %dma_wait3A_815] : memref<20x8x128xf32, #tpu.memory_space<vmem>> -> memref<1x5x128xf32, #tpu.memory_space<vmem>>
      %dma_wait3A_817 = tpu.memref_squeeze %dma_wait3A_816 : memref<1x5x128xf32, #tpu.memory_space<vmem>> -> memref<5x128xf32, #tpu.memory_space<vmem>>
      %dma_wait3A_818 = arith.constant 16 : i32
      %dma_wait3A_819 = tpu.memref_slice %arg2[%dma_wait3A_805, %dma_wait3A_818, %multiple_of3A_485] : memref<20x21x100000xf32, #tpu.memory_space<hbm>> -> memref<1x5x128xf32, #tpu.memory_space<hbm>>
      %dma_wait3A_820 = tpu.memref_squeeze %dma_wait3A_819 : memref<1x5x128xf32, #tpu.memory_space<hbm>> -> memref<5x128xf32, #tpu.memory_space<hbm>>
      tpu.wait_dma2 semaphore(%arg8 : memref<!tpu.dma_semaphore, #tpu.memory_space<semaphore_mem>>) src(%dma_wait3A_820 : memref<5x128xf32, #tpu.memory_space<hbm>>) dst(%dma_wait3A_817 : memref<5x128xf32, #tpu.memory_space<vmem>>)
      %iota3A = tpu.iota {dimensions = array<i32: 0>} : vector<16xi32>
      %broadcast_in_dim3A = arith.constant 0.000000e+00 : f32
      %broadcast_in_dim3A_821 = vector.broadcast %broadcast_in_dim3A : f32 to vector<16xf32>
      %broadcast_in_dim3A_822 = arith.constant 1.000000e+00 : f32
      %broadcast_in_dim3A_823 = vector.broadcast %broadcast_in_dim3A_822 : f32 to vector<16xf32>
      %slice3A_824 = vector.extract_strided_slice %get3A_5 {offsets = [0], sizes = [1], strides = [1]} : vector<16xi32> to vector<1xi32>
      %squeeze3A_825 = vector.extract %slice3A_824[0] : i32 from vector<1xi32>
      %ge3A = arith.constant 0 : i32
      %ge3A_826 = arith.cmpi sge, %squeeze3A_825, %ge3A : i32
      %max3A_827 = arith.constant 0 : i32
      %max3A_828 = arith.maxsi %squeeze3A_825, %max3A_827 : i32
      %and3A_829 = arith.constant 127 : i32
      %and3A_830 = arith.andi %max3A_828, %and3A_829 : i32
      %jit3A = arith.constant 128 : i32
      %select_n3A = arith.select %ge3A_826, %and3A_830, %jit3A : i32
      %get3A_831 = arith.constant 0 : i32
      %get3A_832 = arith.constant 1 : i32
      %get3A_833 = arith.index_cast %get3A_831 : i32 to index
      %get3A_834 = arith.index_cast %get3A_832 : i32 to index
      %get3A_835 = arith.constant 0 : index
      %get3A_836 = tpu.vector_load %arg6[%get3A_833, %get3A_834, %get3A_835] {strides = array<i32>} : memref<20x8x128xf32, #tpu.memory_space<vmem>>, vector<1x1x16xf32>,
      %get3A_837 = vector.shape_cast %get3A_836 : vector<1x1x16xf32> to vector<16xf32>
      %add3A = arith.constant 0 : i32
      %add3A_838 = vector.broadcast %add3A : i32 to vector<16xi32>
      %add3A_839 = arith.addi %add3A_838, %iota3A : vector<16xi32>
      %eq3A_840 = vector.broadcast %select_n3A : i32 to vector<16xi32>
      %eq3A_841 = arith.cmpi eq, %add3A_839, %eq3A_840 : vector<16xi32>
      %jit3A_842 = arith.constant 1.000000e+00 : f32
      %broadcast_in_dim3A_843 = vector.broadcast %jit3A_842 : f32 to vector<16xf32>
      %select_n3A_844 = arith.select %eq3A_841, %get3A_837, %broadcast_in_dim3A_843 : vector<16xi1>, vector<16xf32>
      %mul3A = arith.mulf %broadcast_in_dim3A_823, %select_n3A_844 : vector<16xf32>
      %get3A_845 = arith.constant 0 : i32
      %get3A_846 = arith.constant 1 : i32
      %get3A_847 = arith.index_cast %get3A_845 : i32 to index
      %get3A_848 = arith.index_cast %get3A_846 : i32 to index
      %get3A_849 = arith.constant 16 : index
      %get3A_850 = tpu.vector_load %arg6[%get3A_847, %get3A_848, %get3A_849] {strides = array<i32>} : memref<20x8x128xf32, #tpu.memory_space<vmem>>, vector<1x1x16xf32>,
      %get3A_851 = vector.shape_cast %get3A_850 : vector<1x1x16xf32> to vector<16xf32>
      %add3A_852 = arith.constant 16 : i32
      %add3A_853 = vector.broadcast %add3A_852 : i32 to vector<16xi32>
      %add3A_854 = arith.addi %add3A_853, %iota3A : vector<16xi32>
      %eq3A_855 = vector.broadcast %select_n3A : i32 to vector<16xi32>
      %eq3A_856 = arith.cmpi eq, %add3A_854, %eq3A_855 : vector<16xi32>
      %jit3A_857 = arith.constant 1.000000e+00 : f32
      %broadcast_in_dim3A_858 = vector.broadcast %jit3A_857 : f32 to vector<16xf32>
      %select_n3A_859 = arith.select %eq3A_856, %get3A_851, %broadcast_in_dim3A_858 : vector<16xi1>, vector<16xf32>
      %mul3A_860 = arith.mulf %mul3A, %select_n3A_859 : vector<16xf32>
      %get3A_861 = arith.constant 0 : i32
      %get3A_862 = arith.constant 1 : i32
      %get3A_863 = arith.index_cast %get3A_861 : i32 to index
      %get3A_864 = arith.index_cast %get3A_862 : i32 to index
      %get3A_865 = arith.constant 32 : index
      %get3A_866 = tpu.vector_load %arg6[%get3A_863, %get3A_864, %get3A_865] {strides = array<i32>} : memref<20x8x128xf32, #tpu.memory_space<vmem>>, vector<1x1x16xf32>,
      %get3A_867 = vector.shape_cast %get3A_866 : vector<1x1x16xf32> to vector<16xf32>
      %add3A_868 = arith.constant 32 : i32
      %add3A_869 = vector.broadcast %add3A_868 : i32 to vector<16xi32>
      %add3A_870 = arith.addi %add3A_869, %iota3A : vector<16xi32>
      %eq3A_871 = vector.broadcast %select_n3A : i32 to vector<16xi32>
      %eq3A_872 = arith.cmpi eq, %add3A_870, %eq3A_871 : vector<16xi32>
      %jit3A_873 = arith.constant 1.000000e+00 : f32
      %broadcast_in_dim3A_874 = vector.broadcast %jit3A_873 : f32 to vector<16xf32>
      %select_n3A_875 = arith.select %eq3A_872, %get3A_867, %broadcast_in_dim3A_874 : vector<16xi1>, vector<16xf32>
      %mul3A_876 = arith.mulf %mul3A_860, %select_n3A_875 : vector<16xf32>
      %get3A_877 = arith.constant 0 : i32
      %get3A_878 = arith.constant 1 : i32
      %get3A_879 = arith.index_cast %get3A_877 : i32 to index
      %get3A_880 = arith.index_cast %get3A_878 : i32 to index
      %get3A_881 = arith.constant 48 : index
      %get3A_882 = tpu.vector_load %arg6[%get3A_879, %get3A_880, %get3A_881] {strides = array<i32>} : memref<20x8x128xf32, #tpu.memory_space<vmem>>, vector<1x1x16xf32>,
      %get3A_883 = vector.shape_cast %get3A_882 : vector<1x1x16xf32> to vector<16xf32>
      %add3A_884 = arith.constant 48 : i32
      %add3A_885 = vector.broadcast %add3A_884 : i32 to vector<16xi32>
      %add3A_886 = arith.addi %add3A_885, %iota3A : vector<16xi32>
      %eq3A_887 = vector.broadcast %select_n3A : i32 to vector<16xi32>
      %eq3A_888 = arith.cmpi eq, %add3A_886, %eq3A_887 : vector<16xi32>
      %jit3A_889 = arith.constant 1.000000e+00 : f32
      %broadcast_in_dim3A_890 = vector.broadcast %jit3A_889 : f32 to vector<16xf32>
      %select_n3A_891 = arith.select %eq3A_888, %get3A_883, %broadcast_in_dim3A_890 : vector<16xi1>, vector<16xf32>
      %mul3A_892 = arith.mulf %mul3A_876, %select_n3A_891 : vector<16xf32>
      %get3A_893 = arith.constant 0 : i32
      %get3A_894 = arith.constant 1 : i32
      %get3A_895 = arith.index_cast %get3A_893 : i32 to index
      %get3A_896 = arith.index_cast %get3A_894 : i32 to index
      %get3A_897 = arith.constant 64 : index
      %get3A_898 = tpu.vector_load %arg6[%get3A_895, %get3A_896, %get3A_897] {strides = array<i32>} : memref<20x8x128xf32, #tpu.memory_space<vmem>>, vector<1x1x16xf32>,
      %get3A_899 = vector.shape_cast %get3A_898 : vector<1x1x16xf32> to vector<16xf32>
      %add3A_900 = arith.constant 64 : i32
      %add3A_901 = vector.broadcast %add3A_900 : i32 to vector<16xi32>
      %add3A_902 = arith.addi %add3A_901, %iota3A : vector<16xi32>
      %eq3A_903 = vector.broadcast %select_n3A : i32 to vector<16xi32>
      %eq3A_904 = arith.cmpi eq, %add3A_902, %eq3A_903 : vector<16xi32>
      %jit3A_905 = arith.constant 1.000000e+00 : f32
      %broadcast_in_dim3A_906 = vector.broadcast %jit3A_905 : f32 to vector<16xf32>
      %select_n3A_907 = arith.select %eq3A_904, %get3A_899, %broadcast_in_dim3A_906 : vector<16xi1>, vector<16xf32>
      %mul3A_908 = arith.mulf %mul3A_892, %select_n3A_907 : vector<16xf32>
      %get3A_909 = arith.constant 0 : i32
      %get3A_910 = arith.constant 1 : i32
      %get3A_911 = arith.index_cast %get3A_909 : i32 to index
      %get3A_912 = arith.index_cast %get3A_910 : i32 to index
      %get3A_913 = arith.constant 80 : index
      %get3A_914 = tpu.vector_load %arg6[%get3A_911, %get3A_912, %get3A_913] {strides = array<i32>} : memref<20x8x128xf32, #tpu.memory_space<vmem>>, vector<1x1x16xf32>,
      %get3A_915 = vector.shape_cast %get3A_914 : vector<1x1x16xf32> to vector<16xf32>
      %add3A_916 = arith.constant 80 : i32
      %add3A_917 = vector.broadcast %add3A_916 : i32 to vector<16xi32>
      %add3A_918 = arith.addi %add3A_917, %iota3A : vector<16xi32>
      %eq3A_919 = vector.broadcast %select_n3A : i32 to vector<16xi32>
      %eq3A_920 = arith.cmpi eq, %add3A_918, %eq3A_919 : vector<16xi32>
      %jit3A_921 = arith.constant 1.000000e+00 : f32
      %broadcast_in_dim3A_922 = vector.broadcast %jit3A_921 : f32 to vector<16xf32>
      %select_n3A_923 = arith.select %eq3A_920, %get3A_915, %broadcast_in_dim3A_922 : vector<16xi1>, vector<16xf32>
      %mul3A_924 = arith.mulf %mul3A_908, %select_n3A_923 : vector<16xf32>
      %get3A_925 = arith.constant 0 : i32
      %get3A_926 = arith.constant 1 : i32
      %get3A_927 = arith.index_cast %get3A_925 : i32 to index
      %get3A_928 = arith.index_cast %get3A_926 : i32 to index
      %get3A_929 = arith.constant 96 : index
      %get3A_930 = tpu.vector_load %arg6[%get3A_927, %get3A_928, %get3A_929] {strides = array<i32>} : memref<20x8x128xf32, #tpu.memory_space<vmem>>, vector<1x1x16xf32>,
      %get3A_931 = vector.shape_cast %get3A_930 : vector<1x1x16xf32> to vector<16xf32>
      %add3A_932 = arith.constant 96 : i32
      %add3A_933 = vector.broadcast %add3A_932 : i32 to vector<16xi32>
      %add3A_934 = arith.addi %add3A_933, %iota3A : vector<16xi32>
      %eq3A_935 = vector.broadcast %select_n3A : i32 to vector<16xi32>
      %eq3A_936 = arith.cmpi eq, %add3A_934, %eq3A_935 : vector<16xi32>
      %jit3A_937 = arith.constant 1.000000e+00 : f32
      %broadcast_in_dim3A_938 = vector.broadcast %jit3A_937 : f32 to vector<16xf32>
      %select_n3A_939 = arith.select %eq3A_936, %get3A_931, %broadcast_in_dim3A_938 : vector<16xi1>, vector<16xf32>
      %mul3A_940 = arith.mulf %mul3A_924, %select_n3A_939 : vector<16xf32>
      %get3A_941 = arith.constant 0 : i32
      %get3A_942 = arith.constant 1 : i32
      %get3A_943 = arith.index_cast %get3A_941 : i32 to index
      %get3A_944 = arith.index_cast %get3A_942 : i32 to index
      %get3A_945 = arith.constant 112 : index
      %get3A_946 = tpu.vector_load %arg6[%get3A_943, %get3A_944, %get3A_945] {strides = array<i32>} : memref<20x8x128xf32, #tpu.memory_space<vmem>>, vector<1x1x16xf32>,
      %get3A_947 = vector.shape_cast %get3A_946 : vector<1x1x16xf32> to vector<16xf32>
      %add3A_948 = arith.constant 112 : i32
      %add3A_949 = vector.broadcast %add3A_948 : i32 to vector<16xi32>
      %add3A_950 = arith.addi %add3A_949, %iota3A : vector<16xi32>
      %eq3A_951 = vector.broadcast %select_n3A : i32 to vector<16xi32>
      %eq3A_952 = arith.cmpi eq, %add3A_950, %eq3A_951 : vector<16xi32>
      %jit3A_953 = arith.constant 1.000000e+00 : f32
      %broadcast_in_dim3A_954 = vector.broadcast %jit3A_953 : f32 to vector<16xf32>
      %select_n3A_955 = arith.select %eq3A_952, %get3A_947, %broadcast_in_dim3A_954 : vector<16xi1>, vector<16xf32>
      %mul3A_956 = arith.mulf %mul3A_940, %select_n3A_955 : vector<16xf32>
      %jit3A_957 = arith.constant 1.000000e+00 : f32
      %jit3A_958 = arith.constant 0.000000e+00 : f32
      %select_n3A_959 = arith.select %ge3A_826, %jit3A_957, %jit3A_958 : f32
      %add3A_960 = arith.constant 0.000000e+00 : f32
      %add3A_961 = arith.addf %add3A_960, %select_n3A_959 : f32
      %slice3A_962 = vector.extract_strided_slice %get3A_5 {offsets = [1], sizes = [1], strides = [1]} : vector<16xi32> to vector<1xi32>
      %squeeze3A_963 = vector.extract %slice3A_962[0] : i32 from vector<1xi32>
      %ge3A_964 = arith.constant 0 : i32
      %ge3A_965 = arith.cmpi sge, %squeeze3A_963, %ge3A_964 : i32
      %max3A_966 = arith.constant 0 : i32
      %max3A_967 = arith.maxsi %squeeze3A_963, %max3A_966 : i32
      %and3A_968 = arith.constant 127 : i32
      %and3A_969 = arith.andi %max3A_967, %and3A_968 : i32
      %jit3A_970 = arith.constant 128 : i32
      %select_n3A_971 = arith.select %ge3A_965, %and3A_969, %jit3A_970 : i32
      %get3A_972 = arith.constant 1 : i32
      %get3A_973 = arith.constant 2 : i32
      %get3A_974 = arith.index_cast %get3A_972 : i32 to index
      %get3A_975 = arith.index_cast %get3A_973 : i32 to index
      %get3A_976 = arith.constant 0 : index
      %get3A_977 = tpu.vector_load %arg6[%get3A_974, %get3A_975, %get3A_976] {strides = array<i32>} : memref<20x8x128xf32, #tpu.memory_space<vmem>>, vector<1x1x16xf32>,
      %get3A_978 = vector.shape_cast %get3A_977 : vector<1x1x16xf32> to vector<16xf32>
      %add3A_979 = arith.constant 0 : i32
      %add3A_980 = vector.broadcast %add3A_979 : i32 to vector<16xi32>
      %add3A_981 = arith.addi %add3A_980, %iota3A : vector<16xi32>
      %eq3A_982 = vector.broadcast %select_n3A_971 : i32 to vector<16xi32>
      %eq3A_983 = arith.cmpi eq, %add3A_981, %eq3A_982 : vector<16xi32>
      %jit3A_984 = arith.constant 1.000000e+00 : f32
      %broadcast_in_dim3A_985 = vector.broadcast %jit3A_984 : f32 to vector<16xf32>
      %select_n3A_986 = arith.select %eq3A_983, %get3A_978, %broadcast_in_dim3A_985 : vector<16xi1>, vector<16xf32>
      %mul3A_987 = arith.mulf %mul3A_956, %select_n3A_986 : vector<16xf32>
      %get3A_988 = arith.constant 1 : i32
      %get3A_989 = arith.constant 2 : i32
      %get3A_990 = arith.index_cast %get3A_988 : i32 to index
      %get3A_991 = arith.index_cast %get3A_989 : i32 to index
      %get3A_992 = arith.constant 16 : index
      %get3A_993 = tpu.vector_load %arg6[%get3A_990, %get3A_991, %get3A_992] {strides = array<i32>} : memref<20x8x128xf32, #tpu.memory_space<vmem>>, vector<1x1x16xf32>,
      %get3A_994 = vector.shape_cast %get3A_993 : vector<1x1x16xf32> to vector<16xf32>
      %add3A_995 = arith.constant 16 : i32
      %add3A_996 = vector.broadcast %add3A_995 : i32 to vector<16xi32>
      %add3A_997 = arith.addi %add3A_996, %iota3A : vector<16xi32>
      %eq3A_998 = vector.broadcast %select_n3A_971 : i32 to vector<16xi32>
      %eq3A_999 = arith.cmpi eq, %add3A_997, %eq3A_998 : vector<16xi32>
      %jit3A_1000 = arith.constant 1.000000e+00 : f32
      %broadcast_in_dim3A_1001 = vector.broadcast %jit3A_1000 : f32 to vector<16xf32>
      %select_n3A_1002 = arith.select %eq3A_999, %get3A_994, %broadcast_in_dim3A_1001 : vector<16xi1>, vector<16xf32>
      %mul3A_1003 = arith.mulf %mul3A_987, %select_n3A_1002 : vector<16xf32>
      %get3A_1004 = arith.constant 1 : i32
      %get3A_1005 = arith.constant 2 : i32
      %get3A_1006 = arith.index_cast %get3A_1004 : i32 to index
      %get3A_1007 = arith.index_cast %get3A_1005 : i32 to index
      %get3A_1008 = arith.constant 32 : index
      %get3A_1009 = tpu.vector_load %arg6[%get3A_1006, %get3A_1007, %get3A_1008] {strides = array<i32>} : memref<20x8x128xf32, #tpu.memory_space<vmem>>, vector<1x1x16xf32>,
      %get3A_1010 = vector.shape_cast %get3A_1009 : vector<1x1x16xf32> to vector<16xf32>
      %add3A_1011 = arith.constant 32 : i32
      %add3A_1012 = vector.broadcast %add3A_1011 : i32 to vector<16xi32>
      %add3A_1013 = arith.addi %add3A_1012, %iota3A : vector<16xi32>
      %eq3A_1014 = vector.broadcast %select_n3A_971 : i32 to vector<16xi32>
      %eq3A_1015 = arith.cmpi eq, %add3A_1013, %eq3A_1014 : vector<16xi32>
      %jit3A_1016 = arith.constant 1.000000e+00 : f32
      %broadcast_in_dim3A_1017 = vector.broadcast %jit3A_1016 : f32 to vector<16xf32>
      %select_n3A_1018 = arith.select %eq3A_1015, %get3A_1010, %broadcast_in_dim3A_1017 : vector<16xi1>, vector<16xf32>
      %mul3A_1019 = arith.mulf %mul3A_1003, %select_n3A_1018 : vector<16xf32>
      %get3A_1020 = arith.constant 1 : i32
      %get3A_1021 = arith.constant 2 : i32
      %get3A_1022 = arith.index_cast %get3A_1020 : i32 to index
      %get3A_1023 = arith.index_cast %get3A_1021 : i32 to index
      %get3A_1024 = arith.constant 48 : index
      %get3A_1025 = tpu.vector_load %arg6[%get3A_1022, %get3A_1023, %get3A_1024] {strides = array<i32>} : memref<20x8x128xf32, #tpu.memory_space<vmem>>, vector<1x1x16xf32>,
      %get3A_1026 = vector.shape_cast %get3A_1025 : vector<1x1x16xf32> to vector<16xf32>
      %add3A_1027 = arith.constant 48 : i32
      %add3A_1028 = vector.broadcast %add3A_1027 : i32 to vector<16xi32>
      %add3A_1029 = arith.addi %add3A_1028, %iota3A : vector<16xi32>
      %eq3A_1030 = vector.broadcast %select_n3A_971 : i32 to vector<16xi32>
      %eq3A_1031 = arith.cmpi eq, %add3A_1029, %eq3A_1030 : vector<16xi32>
      %jit3A_1032 = arith.constant 1.000000e+00 : f32
      %broadcast_in_dim3A_1033 = vector.broadcast %jit3A_1032 : f32 to vector<16xf32>
      %select_n3A_1034 = arith.select %eq3A_1031, %get3A_1026, %broadcast_in_dim3A_1033 : vector<16xi1>, vector<16xf32>
      %mul3A_1035 = arith.mulf %mul3A_1019, %select_n3A_1034 : vector<16xf32>
      %get3A_1036 = arith.constant 1 : i32
      %get3A_1037 = arith.constant 2 : i32
      %get3A_1038 = arith.index_cast %get3A_1036 : i32 to index
      %get3A_1039 = arith.index_cast %get3A_1037 : i32 to index
      %get3A_1040 = arith.constant 64 : index
      %get3A_1041 = tpu.vector_load %arg6[%get3A_1038, %get3A_1039, %get3A_1040] {strides = array<i32>} : memref<20x8x128xf32, #tpu.memory_space<vmem>>, vector<1x1x16xf32>,
      %get3A_1042 = vector.shape_cast %get3A_1041 : vector<1x1x16xf32> to vector<16xf32>
      %add3A_1043 = arith.constant 64 : i32
      %add3A_1044 = vector.broadcast %add3A_1043 : i32 to vector<16xi32>
      %add3A_1045 = arith.addi %add3A_1044, %iota3A : vector<16xi32>
      %eq3A_1046 = vector.broadcast %select_n3A_971 : i32 to vector<16xi32>
      %eq3A_1047 = arith.cmpi eq, %add3A_1045, %eq3A_1046 : vector<16xi32>
      %jit3A_1048 = arith.constant 1.000000e+00 : f32
      %broadcast_in_dim3A_1049 = vector.broadcast %jit3A_1048 : f32 to vector<16xf32>
      %select_n3A_1050 = arith.select %eq3A_1047, %get3A_1042, %broadcast_in_dim3A_1049 : vector<16xi1>, vector<16xf32>
      %mul3A_1051 = arith.mulf %mul3A_1035, %select_n3A_1050 : vector<16xf32>
      %get3A_1052 = arith.constant 1 : i32
      %get3A_1053 = arith.constant 2 : i32
      %get3A_1054 = arith.index_cast %get3A_1052 : i32 to index
      %get3A_1055 = arith.index_cast %get3A_1053 : i32 to index
      %get3A_1056 = arith.constant 80 : index
      %get3A_1057 = tpu.vector_load %arg6[%get3A_1054, %get3A_1055, %get3A_1056] {strides = array<i32>} : memref<20x8x128xf32, #tpu.memory_space<vmem>>, vector<1x1x16xf32>,
      %get3A_1058 = vector.shape_cast %get3A_1057 : vector<1x1x16xf32> to vector<16xf32>
      %add3A_1059 = arith.constant 80 : i32
      %add3A_1060 = vector.broadcast %add3A_1059 : i32 to vector<16xi32>
      %add3A_1061 = arith.addi %add3A_1060, %iota3A : vector<16xi32>
      %eq3A_1062 = vector.broadcast %select_n3A_971 : i32 to vector<16xi32>
      %eq3A_1063 = arith.cmpi eq, %add3A_1061, %eq3A_1062 : vector<16xi32>
      %jit3A_1064 = arith.constant 1.000000e+00 : f32
      %broadcast_in_dim3A_1065 = vector.broadcast %jit3A_1064 : f32 to vector<16xf32>
      %select_n3A_1066 = arith.select %eq3A_1063, %get3A_1058, %broadcast_in_dim3A_1065 : vector<16xi1>, vector<16xf32>
      %mul3A_1067 = arith.mulf %mul3A_1051, %select_n3A_1066 : vector<16xf32>
      %get3A_1068 = arith.constant 1 : i32
      %get3A_1069 = arith.constant 2 : i32
      %get3A_1070 = arith.index_cast %get3A_1068 : i32 to index
      %get3A_1071 = arith.index_cast %get3A_1069 : i32 to index
      %get3A_1072 = arith.constant 96 : index
      %get3A_1073 = tpu.vector_load %arg6[%get3A_1070, %get3A_1071, %get3A_1072] {strides = array<i32>} : memref<20x8x128xf32, #tpu.memory_space<vmem>>, vector<1x1x16xf32>,
      %get3A_1074 = vector.shape_cast %get3A_1073 : vector<1x1x16xf32> to vector<16xf32>
      %add3A_1075 = arith.constant 96 : i32
      %add3A_1076 = vector.broadcast %add3A_1075 : i32 to vector<16xi32>
      %add3A_1077 = arith.addi %add3A_1076, %iota3A : vector<16xi32>
      %eq3A_1078 = vector.broadcast %select_n3A_971 : i32 to vector<16xi32>
      %eq3A_1079 = arith.cmpi eq, %add3A_1077, %eq3A_1078 : vector<16xi32>
      %jit3A_1080 = arith.constant 1.000000e+00 : f32
      %broadcast_in_dim3A_1081 = vector.broadcast %jit3A_1080 : f32 to vector<16xf32>
      %select_n3A_1082 = arith.select %eq3A_1079, %get3A_1074, %broadcast_in_dim3A_1081 : vector<16xi1>, vector<16xf32>
      %mul3A_1083 = arith.mulf %mul3A_1067, %select_n3A_1082 : vector<16xf32>
      %get3A_1084 = arith.constant 1 : i32
      %get3A_1085 = arith.constant 2 : i32
      %get3A_1086 = arith.index_cast %get3A_1084 : i32 to index
      %get3A_1087 = arith.index_cast %get3A_1085 : i32 to index
      %get3A_1088 = arith.constant 112 : index
      %get3A_1089 = tpu.vector_load %arg6[%get3A_1086, %get3A_1087, %get3A_1088] {strides = array<i32>} : memref<20x8x128xf32, #tpu.memory_space<vmem>>, vector<1x1x16xf32>,
      %get3A_1090 = vector.shape_cast %get3A_1089 : vector<1x1x16xf32> to vector<16xf32>
      %add3A_1091 = arith.constant 112 : i32
      %add3A_1092 = vector.broadcast %add3A_1091 : i32 to vector<16xi32>
      %add3A_1093 = arith.addi %add3A_1092, %iota3A : vector<16xi32>
      %eq3A_1094 = vector.broadcast %select_n3A_971 : i32 to vector<16xi32>
      %eq3A_1095 = arith.cmpi eq, %add3A_1093, %eq3A_1094 : vector<16xi32>
      %jit3A_1096 = arith.constant 1.000000e+00 : f32
      %broadcast_in_dim3A_1097 = vector.broadcast %jit3A_1096 : f32 to vector<16xf32>
      %select_n3A_1098 = arith.select %eq3A_1095, %get3A_1090, %broadcast_in_dim3A_1097 : vector<16xi1>, vector<16xf32>
      %mul3A_1099 = arith.mulf %mul3A_1083, %select_n3A_1098 : vector<16xf32>
      %jit3A_1100 = arith.constant 1.000000e+00 : f32
      %jit3A_1101 = arith.constant 0.000000e+00 : f32
      %select_n3A_1102 = arith.select %ge3A_965, %jit3A_1100, %jit3A_1101 : f32
      %add3A_1103 = arith.addf %add3A_961, %select_n3A_1102 : f32
      %slice3A_1104 = vector.extract_strided_slice %get3A_5 {offsets = [2], sizes = [1], strides = [1]} : vector<16xi32> to vector<1xi32>
      %squeeze3A_1105 = vector.extract %slice3A_1104[0] : i32 from vector<1xi32>
      %ge3A_1106 = arith.constant 0 : i32
      %ge3A_1107 = arith.cmpi sge, %squeeze3A_1105, %ge3A_1106 : i32
      %max3A_1108 = arith.constant 0 : i32
      %max3A_1109 = arith.maxsi %squeeze3A_1105, %max3A_1108 : i32
      %and3A_1110 = arith.constant 127 : i32
      %and3A_1111 = arith.andi %max3A_1109, %and3A_1110 : i32
      %jit3A_1112 = arith.constant 128 : i32
      %select_n3A_1113 = arith.select %ge3A_1107, %and3A_1111, %jit3A_1112 : i32
      %get3A_1114 = arith.constant 2 : i32
      %get3A_1115 = arith.constant 3 : i32
      %get3A_1116 = arith.index_cast %get3A_1114 : i32 to index
      %get3A_1117 = arith.index_cast %get3A_1115 : i32 to index
      %get3A_1118 = arith.constant 0 : index
      %get3A_1119 = tpu.vector_load %arg6[%get3A_1116, %get3A_1117, %get3A_1118] {strides = array<i32>} : memref<20x8x128xf32, #tpu.memory_space<vmem>>, vector<1x1x16xf32>,
      %get3A_1120 = vector.shape_cast %get3A_1119 : vector<1x1x16xf32> to vector<16xf32>
      %add3A_1121 = arith.constant 0 : i32
      %add3A_1122 = vector.broadcast %add3A_1121 : i32 to vector<16xi32>
      %add3A_1123 = arith.addi %add3A_1122, %iota3A : vector<16xi32>
      %eq3A_1124 = vector.broadcast %select_n3A_1113 : i32 to vector<16xi32>
      %eq3A_1125 = arith.cmpi eq, %add3A_1123, %eq3A_1124 : vector<16xi32>
      %jit3A_1126 = arith.constant 1.000000e+00 : f32
      %broadcast_in_dim3A_1127 = vector.broadcast %jit3A_1126 : f32 to vector<16xf32>
      %select_n3A_1128 = arith.select %eq3A_1125, %get3A_1120, %broadcast_in_dim3A_1127 : vector<16xi1>, vector<16xf32>
      %mul3A_1129 = arith.mulf %mul3A_1099, %select_n3A_1128 : vector<16xf32>
      %get3A_1130 = arith.constant 2 : i32
      %get3A_1131 = arith.constant 3 : i32
      %get3A_1132 = arith.index_cast %get3A_1130 : i32 to index
      %get3A_1133 = arith.index_cast %get3A_1131 : i32 to index
      %get3A_1134 = arith.constant 16 : index
      %get3A_1135 = tpu.vector_load %arg6[%get3A_1132, %get3A_1133, %get3A_1134] {strides = array<i32>} : memref<20x8x128xf32, #tpu.memory_space<vmem>>, vector<1x1x16xf32>,
      %get3A_1136 = vector.shape_cast %get3A_1135 : vector<1x1x16xf32> to vector<16xf32>
      %add3A_1137 = arith.constant 16 : i32
      %add3A_1138 = vector.broadcast %add3A_1137 : i32 to vector<16xi32>
      %add3A_1139 = arith.addi %add3A_1138, %iota3A : vector<16xi32>
      %eq3A_1140 = vector.broadcast %select_n3A_1113 : i32 to vector<16xi32>
      %eq3A_1141 = arith.cmpi eq, %add3A_1139, %eq3A_1140 : vector<16xi32>
      %jit3A_1142 = arith.constant 1.000000e+00 : f32
      %broadcast_in_dim3A_1143 = vector.broadcast %jit3A_1142 : f32 to vector<16xf32>
      %select_n3A_1144 = arith.select %eq3A_1141, %get3A_1136, %broadcast_in_dim3A_1143 : vector<16xi1>, vector<16xf32>
      %mul3A_1145 = arith.mulf %mul3A_1129, %select_n3A_1144 : vector<16xf32>
      %get3A_1146 = arith.constant 2 : i32
      %get3A_1147 = arith.constant 3 : i32
      %get3A_1148 = arith.index_cast %get3A_1146 : i32 to index
      %get3A_1149 = arith.index_cast %get3A_1147 : i32 to index
      %get3A_1150 = arith.constant 32 : index
      %get3A_1151 = tpu.vector_load %arg6[%get3A_1148, %get3A_1149, %get3A_1150] {strides = array<i32>} : memref<20x8x128xf32, #tpu.memory_space<vmem>>, vector<1x1x16xf32>,
      %get3A_1152 = vector.shape_cast %get3A_1151 : vector<1x1x16xf32> to vector<16xf32>
      %add3A_1153 = arith.constant 32 : i32
      %add3A_1154 = vector.broadcast %add3A_1153 : i32 to vector<16xi32>
      %add3A_1155 = arith.addi %add3A_1154, %iota3A : vector<16xi32>
      %eq3A_1156 = vector.broadcast %select_n3A_1113 : i32 to vector<16xi32>
      %eq3A_1157 = arith.cmpi eq, %add3A_1155, %eq3A_1156 : vector<16xi32>
      %jit3A_1158 = arith.constant 1.000000e+00 : f32
      %broadcast_in_dim3A_1159 = vector.broadcast %jit3A_1158 : f32 to vector<16xf32>
      %select_n3A_1160 = arith.select %eq3A_1157, %get3A_1152, %broadcast_in_dim3A_1159 : vector<16xi1>, vector<16xf32>
      %mul3A_1161 = arith.mulf %mul3A_1145, %select_n3A_1160 : vector<16xf32>
      %get3A_1162 = arith.constant 2 : i32
      %get3A_1163 = arith.constant 3 : i32
      %get3A_1164 = arith.index_cast %get3A_1162 : i32 to index
      %get3A_1165 = arith.index_cast %get3A_1163 : i32 to index
      %get3A_1166 = arith.constant 48 : index
      %get3A_1167 = tpu.vector_load %arg6[%get3A_1164, %get3A_1165, %get3A_1166] {strides = array<i32>} : memref<20x8x128xf32, #tpu.memory_space<vmem>>, vector<1x1x16xf32>,
      %get3A_1168 = vector.shape_cast %get3A_1167 : vector<1x1x16xf32> to vector<16xf32>
      %add3A_1169 = arith.constant 48 : i32
      %add3A_1170 = vector.broadcast %add3A_1169 : i32 to vector<16xi32>
      %add3A_1171 = arith.addi %add3A_1170, %iota3A : vector<16xi32>
      %eq3A_1172 = vector.broadcast %select_n3A_1113 : i32 to vector<16xi32>
      %eq3A_1173 = arith.cmpi eq, %add3A_1171, %eq3A_1172 : vector<16xi32>
      %jit3A_1174 = arith.constant 1.000000e+00 : f32
      %broadcast_in_dim3A_1175 = vector.broadcast %jit3A_1174 : f32 to vector<16xf32>
      %select_n3A_1176 = arith.select %eq3A_1173, %get3A_1168, %broadcast_in_dim3A_1175 : vector<16xi1>, vector<16xf32>
      %mul3A_1177 = arith.mulf %mul3A_1161, %select_n3A_1176 : vector<16xf32>
      %get3A_1178 = arith.constant 2 : i32
      %get3A_1179 = arith.constant 3 : i32
      %get3A_1180 = arith.index_cast %get3A_1178 : i32 to index
      %get3A_1181 = arith.index_cast %get3A_1179 : i32 to index
      %get3A_1182 = arith.constant 64 : index
      %get3A_1183 = tpu.vector_load %arg6[%get3A_1180, %get3A_1181, %get3A_1182] {strides = array<i32>} : memref<20x8x128xf32, #tpu.memory_space<vmem>>, vector<1x1x16xf32>,
      %get3A_1184 = vector.shape_cast %get3A_1183 : vector<1x1x16xf32> to vector<16xf32>
      %add3A_1185 = arith.constant 64 : i32
      %add3A_1186 = vector.broadcast %add3A_1185 : i32 to vector<16xi32>
      %add3A_1187 = arith.addi %add3A_1186, %iota3A : vector<16xi32>
      %eq3A_1188 = vector.broadcast %select_n3A_1113 : i32 to vector<16xi32>
      %eq3A_1189 = arith.cmpi eq, %add3A_1187, %eq3A_1188 : vector<16xi32>
      %jit3A_1190 = arith.constant 1.000000e+00 : f32
      %broadcast_in_dim3A_1191 = vector.broadcast %jit3A_1190 : f32 to vector<16xf32>
      %select_n3A_1192 = arith.select %eq3A_1189, %get3A_1184, %broadcast_in_dim3A_1191 : vector<16xi1>, vector<16xf32>
      %mul3A_1193 = arith.mulf %mul3A_1177, %select_n3A_1192 : vector<16xf32>
      %get3A_1194 = arith.constant 2 : i32
      %get3A_1195 = arith.constant 3 : i32
      %get3A_1196 = arith.index_cast %get3A_1194 : i32 to index
      %get3A_1197 = arith.index_cast %get3A_1195 : i32 to index
      %get3A_1198 = arith.constant 80 : index
      %get3A_1199 = tpu.vector_load %arg6[%get3A_1196, %get3A_1197, %get3A_1198] {strides = array<i32>} : memref<20x8x128xf32, #tpu.memory_space<vmem>>, vector<1x1x16xf32>,
      %get3A_1200 = vector.shape_cast %get3A_1199 : vector<1x1x16xf32> to vector<16xf32>
      %add3A_1201 = arith.constant 80 : i32
      %add3A_1202 = vector.broadcast %add3A_1201 : i32 to vector<16xi32>
      %add3A_1203 = arith.addi %add3A_1202, %iota3A : vector<16xi32>
      %eq3A_1204 = vector.broadcast %select_n3A_1113 : i32 to vector<16xi32>
      %eq3A_1205 = arith.cmpi eq, %add3A_1203, %eq3A_1204 : vector<16xi32>
      %jit3A_1206 = arith.constant 1.000000e+00 : f32
      %broadcast_in_dim3A_1207 = vector.broadcast %jit3A_1206 : f32 to vector<16xf32>
      %select_n3A_1208 = arith.select %eq3A_1205, %get3A_1200, %broadcast_in_dim3A_1207 : vector<16xi1>, vector<16xf32>
      %mul3A_1209 = arith.mulf %mul3A_1193, %select_n3A_1208 : vector<16xf32>
      %get3A_1210 = arith.constant 2 : i32
      %get3A_1211 = arith.constant 3 : i32
      %get3A_1212 = arith.index_cast %get3A_1210 : i32 to index
      %get3A_1213 = arith.index_cast %get3A_1211 : i32 to index
      %get3A_1214 = arith.constant 96 : index
      %get3A_1215 = tpu.vector_load %arg6[%get3A_1212, %get3A_1213, %get3A_1214] {strides = array<i32>} : memref<20x8x128xf32, #tpu.memory_space<vmem>>, vector<1x1x16xf32>,
      %get3A_1216 = vector.shape_cast %get3A_1215 : vector<1x1x16xf32> to vector<16xf32>
      %add3A_1217 = arith.constant 96 : i32
      %add3A_1218 = vector.broadcast %add3A_1217 : i32 to vector<16xi32>
      %add3A_1219 = arith.addi %add3A_1218, %iota3A : vector<16xi32>
      %eq3A_1220 = vector.broadcast %select_n3A_1113 : i32 to vector<16xi32>
      %eq3A_1221 = arith.cmpi eq, %add3A_1219, %eq3A_1220 : vector<16xi32>
      %jit3A_1222 = arith.constant 1.000000e+00 : f32
      %broadcast_in_dim3A_1223 = vector.broadcast %jit3A_1222 : f32 to vector<16xf32>
      %select_n3A_1224 = arith.select %eq3A_1221, %get3A_1216, %broadcast_in_dim3A_1223 : vector<16xi1>, vector<16xf32>
      %mul3A_1225 = arith.mulf %mul3A_1209, %select_n3A_1224 : vector<16xf32>
      %get3A_1226 = arith.constant 2 : i32
      %get3A_1227 = arith.constant 3 : i32
      %get3A_1228 = arith.index_cast %get3A_1226 : i32 to index
      %get3A_1229 = arith.index_cast %get3A_1227 : i32 to index
      %get3A_1230 = arith.constant 112 : index
      %get3A_1231 = tpu.vector_load %arg6[%get3A_1228, %get3A_1229, %get3A_1230] {strides = array<i32>} : memref<20x8x128xf32, #tpu.memory_space<vmem>>, vector<1x1x16xf32>,
      %get3A_1232 = vector.shape_cast %get3A_1231 : vector<1x1x16xf32> to vector<16xf32>
      %add3A_1233 = arith.constant 112 : i32
      %add3A_1234 = vector.broadcast %add3A_1233 : i32 to vector<16xi32>
      %add3A_1235 = arith.addi %add3A_1234, %iota3A : vector<16xi32>
      %eq3A_1236 = vector.broadcast %select_n3A_1113 : i32 to vector<16xi32>
      %eq3A_1237 = arith.cmpi eq, %add3A_1235, %eq3A_1236 : vector<16xi32>
      %jit3A_1238 = arith.constant 1.000000e+00 : f32
      %broadcast_in_dim3A_1239 = vector.broadcast %jit3A_1238 : f32 to vector<16xf32>
      %select_n3A_1240 = arith.select %eq3A_1237, %get3A_1232, %broadcast_in_dim3A_1239 : vector<16xi1>, vector<16xf32>
      %mul3A_1241 = arith.mulf %mul3A_1225, %select_n3A_1240 : vector<16xf32>
      %jit3A_1242 = arith.constant 1.000000e+00 : f32
      %jit3A_1243 = arith.constant 0.000000e+00 : f32
      %select_n3A_1244 = arith.select %ge3A_1107, %jit3A_1242, %jit3A_1243 : f32
      %add3A_1245 = arith.addf %add3A_1103, %select_n3A_1244 : f32
      %slice3A_1246 = vector.extract_strided_slice %get3A_5 {offsets = [3], sizes = [1], strides = [1]} : vector<16xi32> to vector<1xi32>
      %squeeze3A_1247 = vector.extract %slice3A_1246[0] : i32 from vector<1xi32>
      %ge3A_1248 = arith.constant 0 : i32
      %ge3A_1249 = arith.cmpi sge, %squeeze3A_1247, %ge3A_1248 : i32
      %max3A_1250 = arith.constant 0 : i32
      %max3A_1251 = arith.maxsi %squeeze3A_1247, %max3A_1250 : i32
      %and3A_1252 = arith.constant 127 : i32
      %and3A_1253 = arith.andi %max3A_1251, %and3A_1252 : i32
      %jit3A_1254 = arith.constant 128 : i32
      %select_n3A_1255 = arith.select %ge3A_1249, %and3A_1253, %jit3A_1254 : i32
      %get3A_1256 = arith.constant 3 : i32
      %get3A_1257 = arith.constant 4 : i32
      %get3A_1258 = arith.index_cast %get3A_1256 : i32 to index
      %get3A_1259 = arith.index_cast %get3A_1257 : i32 to index
      %get3A_1260 = arith.constant 0 : index
      %get3A_1261 = tpu.vector_load %arg6[%get3A_1258, %get3A_1259, %get3A_1260] {strides = array<i32>} : memref<20x8x128xf32, #tpu.memory_space<vmem>>, vector<1x1x16xf32>,
      %get3A_1262 = vector.shape_cast %get3A_1261 : vector<1x1x16xf32> to vector<16xf32>
      %add3A_1263 = arith.constant 0 : i32
      %add3A_1264 = vector.broadcast %add3A_1263 : i32 to vector<16xi32>
      %add3A_1265 = arith.addi %add3A_1264, %iota3A : vector<16xi32>
      %eq3A_1266 = vector.broadcast %select_n3A_1255 : i32 to vector<16xi32>
      %eq3A_1267 = arith.cmpi eq, %add3A_1265, %eq3A_1266 : vector<16xi32>
      %jit3A_1268 = arith.constant 1.000000e+00 : f32
      %broadcast_in_dim3A_1269 = vector.broadcast %jit3A_1268 : f32 to vector<16xf32>
      %select_n3A_1270 = arith.select %eq3A_1267, %get3A_1262, %broadcast_in_dim3A_1269 : vector<16xi1>, vector<16xf32>
      %mul3A_1271 = arith.mulf %mul3A_1241, %select_n3A_1270 : vector<16xf32>
      %get3A_1272 = arith.constant 3 : i32
      %get3A_1273 = arith.constant 4 : i32
      %get3A_1274 = arith.index_cast %get3A_1272 : i32 to index
      %get3A_1275 = arith.index_cast %get3A_1273 : i32 to index
      %get3A_1276 = arith.constant 16 : index
      %get3A_1277 = tpu.vector_load %arg6[%get3A_1274, %get3A_1275, %get3A_1276] {strides = array<i32>} : memref<20x8x128xf32, #tpu.memory_space<vmem>>, vector<1x1x16xf32>,
      %get3A_1278 = vector.shape_cast %get3A_1277 : vector<1x1x16xf32> to vector<16xf32>
      %add3A_1279 = arith.constant 16 : i32
      %add3A_1280 = vector.broadcast %add3A_1279 : i32 to vector<16xi32>
      %add3A_1281 = arith.addi %add3A_1280, %iota3A : vector<16xi32>
      %eq3A_1282 = vector.broadcast %select_n3A_1255 : i32 to vector<16xi32>
      %eq3A_1283 = arith.cmpi eq, %add3A_1281, %eq3A_1282 : vector<16xi32>
      %jit3A_1284 = arith.constant 1.000000e+00 : f32
      %broadcast_in_dim3A_1285 = vector.broadcast %jit3A_1284 : f32 to vector<16xf32>
      %select_n3A_1286 = arith.select %eq3A_1283, %get3A_1278, %broadcast_in_dim3A_1285 : vector<16xi1>, vector<16xf32>
      %mul3A_1287 = arith.mulf %mul3A_1271, %select_n3A_1286 : vector<16xf32>
      %get3A_1288 = arith.constant 3 : i32
      %get3A_1289 = arith.constant 4 : i32
      %get3A_1290 = arith.index_cast %get3A_1288 : i32 to index
      %get3A_1291 = arith.index_cast %get3A_1289 : i32 to index
      %get3A_1292 = arith.constant 32 : index
      %get3A_1293 = tpu.vector_load %arg6[%get3A_1290, %get3A_1291, %get3A_1292] {strides = array<i32>} : memref<20x8x128xf32, #tpu.memory_space<vmem>>, vector<1x1x16xf32>,
      %get3A_1294 = vector.shape_cast %get3A_1293 : vector<1x1x16xf32> to vector<16xf32>
      %add3A_1295 = arith.constant 32 : i32
      %add3A_1296 = vector.broadcast %add3A_1295 : i32 to vector<16xi32>
      %add3A_1297 = arith.addi %add3A_1296, %iota3A : vector<16xi32>
      %eq3A_1298 = vector.broadcast %select_n3A_1255 : i32 to vector<16xi32>
      %eq3A_1299 = arith.cmpi eq, %add3A_1297, %eq3A_1298 : vector<16xi32>
      %jit3A_1300 = arith.constant 1.000000e+00 : f32
      %broadcast_in_dim3A_1301 = vector.broadcast %jit3A_1300 : f32 to vector<16xf32>
      %select_n3A_1302 = arith.select %eq3A_1299, %get3A_1294, %broadcast_in_dim3A_1301 : vector<16xi1>, vector<16xf32>
      %mul3A_1303 = arith.mulf %mul3A_1287, %select_n3A_1302 : vector<16xf32>
      %get3A_1304 = arith.constant 3 : i32
      %get3A_1305 = arith.constant 4 : i32
      %get3A_1306 = arith.index_cast %get3A_1304 : i32 to index
      %get3A_1307 = arith.index_cast %get3A_1305 : i32 to index
      %get3A_1308 = arith.constant 48 : index
      %get3A_1309 = tpu.vector_load %arg6[%get3A_1306, %get3A_1307, %get3A_1308] {strides = array<i32>} : memref<20x8x128xf32, #tpu.memory_space<vmem>>, vector<1x1x16xf32>,
      %get3A_1310 = vector.shape_cast %get3A_1309 : vector<1x1x16xf32> to vector<16xf32>
      %add3A_1311 = arith.constant 48 : i32
      %add3A_1312 = vector.broadcast %add3A_1311 : i32 to vector<16xi32>
      %add3A_1313 = arith.addi %add3A_1312, %iota3A : vector<16xi32>
      %eq3A_1314 = vector.broadcast %select_n3A_1255 : i32 to vector<16xi32>
      %eq3A_1315 = arith.cmpi eq, %add3A_1313, %eq3A_1314 : vector<16xi32>
      %jit3A_1316 = arith.constant 1.000000e+00 : f32
      %broadcast_in_dim3A_1317 = vector.broadcast %jit3A_1316 : f32 to vector<16xf32>
      %select_n3A_1318 = arith.select %eq3A_1315, %get3A_1310, %broadcast_in_dim3A_1317 : vector<16xi1>, vector<16xf32>
      %mul3A_1319 = arith.mulf %mul3A_1303, %select_n3A_1318 : vector<16xf32>
      %get3A_1320 = arith.constant 3 : i32
      %get3A_1321 = arith.constant 4 : i32
      %get3A_1322 = arith.index_cast %get3A_1320 : i32 to index
      %get3A_1323 = arith.index_cast %get3A_1321 : i32 to index
      %get3A_1324 = arith.constant 64 : index
      %get3A_1325 = tpu.vector_load %arg6[%get3A_1322, %get3A_1323, %get3A_1324] {strides = array<i32>} : memref<20x8x128xf32, #tpu.memory_space<vmem>>, vector<1x1x16xf32>,
      %get3A_1326 = vector.shape_cast %get3A_1325 : vector<1x1x16xf32> to vector<16xf32>
      %add3A_1327 = arith.constant 64 : i32
      %add3A_1328 = vector.broadcast %add3A_1327 : i32 to vector<16xi32>
      %add3A_1329 = arith.addi %add3A_1328, %iota3A : vector<16xi32>
      %eq3A_1330 = vector.broadcast %select_n3A_1255 : i32 to vector<16xi32>
      %eq3A_1331 = arith.cmpi eq, %add3A_1329, %eq3A_1330 : vector<16xi32>
      %jit3A_1332 = arith.constant 1.000000e+00 : f32
      %broadcast_in_dim3A_1333 = vector.broadcast %jit3A_1332 : f32 to vector<16xf32>
      %select_n3A_1334 = arith.select %eq3A_1331, %get3A_1326, %broadcast_in_dim3A_1333 : vector<16xi1>, vector<16xf32>
      %mul3A_1335 = arith.mulf %mul3A_1319, %select_n3A_1334 : vector<16xf32>
      %get3A_1336 = arith.constant 3 : i32
      %get3A_1337 = arith.constant 4 : i32
      %get3A_1338 = arith.index_cast %get3A_1336 : i32 to index
      %get3A_1339 = arith.index_cast %get3A_1337 : i32 to index
      %get3A_1340 = arith.constant 80 : index
      %get3A_1341 = tpu.vector_load %arg6[%get3A_1338, %get3A_1339, %get3A_1340] {strides = array<i32>} : memref<20x8x128xf32, #tpu.memory_space<vmem>>, vector<1x1x16xf32>,
      %get3A_1342 = vector.shape_cast %get3A_1341 : vector<1x1x16xf32> to vector<16xf32>
      %add3A_1343 = arith.constant 80 : i32
      %add3A_1344 = vector.broadcast %add3A_1343 : i32 to vector<16xi32>
      %add3A_1345 = arith.addi %add3A_1344, %iota3A : vector<16xi32>
      %eq3A_1346 = vector.broadcast %select_n3A_1255 : i32 to vector<16xi32>
      %eq3A_1347 = arith.cmpi eq, %add3A_1345, %eq3A_1346 : vector<16xi32>
      %jit3A_1348 = arith.constant 1.000000e+00 : f32
      %broadcast_in_dim3A_1349 = vector.broadcast %jit3A_1348 : f32 to vector<16xf32>
      %select_n3A_1350 = arith.select %eq3A_1347, %get3A_1342, %broadcast_in_dim3A_1349 : vector<16xi1>, vector<16xf32>
      %mul3A_1351 = arith.mulf %mul3A_1335, %select_n3A_1350 : vector<16xf32>
      %get3A_1352 = arith.constant 3 : i32
      %get3A_1353 = arith.constant 4 : i32
      %get3A_1354 = arith.index_cast %get3A_1352 : i32 to index
      %get3A_1355 = arith.index_cast %get3A_1353 : i32 to index
      %get3A_1356 = arith.constant 96 : index
      %get3A_1357 = tpu.vector_load %arg6[%get3A_1354, %get3A_1355, %get3A_1356] {strides = array<i32>} : memref<20x8x128xf32, #tpu.memory_space<vmem>>, vector<1x1x16xf32>,
      %get3A_1358 = vector.shape_cast %get3A_1357 : vector<1x1x16xf32> to vector<16xf32>
      %add3A_1359 = arith.constant 96 : i32
      %add3A_1360 = vector.broadcast %add3A_1359 : i32 to vector<16xi32>
      %add3A_1361 = arith.addi %add3A_1360, %iota3A : vector<16xi32>
      %eq3A_1362 = vector.broadcast %select_n3A_1255 : i32 to vector<16xi32>
      %eq3A_1363 = arith.cmpi eq, %add3A_1361, %eq3A_1362 : vector<16xi32>
      %jit3A_1364 = arith.constant 1.000000e+00 : f32
      %broadcast_in_dim3A_1365 = vector.broadcast %jit3A_1364 : f32 to vector<16xf32>
      %select_n3A_1366 = arith.select %eq3A_1363, %get3A_1358, %broadcast_in_dim3A_1365 : vector<16xi1>, vector<16xf32>
      %mul3A_1367 = arith.mulf %mul3A_1351, %select_n3A_1366 : vector<16xf32>
      %get3A_1368 = arith.constant 3 : i32
      %get3A_1369 = arith.constant 4 : i32
      %get3A_1370 = arith.index_cast %get3A_1368 : i32 to index
      %get3A_1371 = arith.index_cast %get3A_1369 : i32 to index
      %get3A_1372 = arith.constant 112 : index
      %get3A_1373 = tpu.vector_load %arg6[%get3A_1370, %get3A_1371, %get3A_1372] {strides = array<i32>} : memref<20x8x128xf32, #tpu.memory_space<vmem>>, vector<1x1x16xf32>,
      %get3A_1374 = vector.shape_cast %get3A_1373 : vector<1x1x16xf32> to vector<16xf32>
      %add3A_1375 = arith.constant 112 : i32
      %add3A_1376 = vector.broadcast %add3A_1375 : i32 to vector<16xi32>
      %add3A_1377 = arith.addi %add3A_1376, %iota3A : vector<16xi32>
      %eq3A_1378 = vector.broadcast %select_n3A_1255 : i32 to vector<16xi32>
      %eq3A_1379 = arith.cmpi eq, %add3A_1377, %eq3A_1378 : vector<16xi32>
      %jit3A_1380 = arith.constant 1.000000e+00 : f32
      %broadcast_in_dim3A_1381 = vector.broadcast %jit3A_1380 : f32 to vector<16xf32>
      %select_n3A_1382 = arith.select %eq3A_1379, %get3A_1374, %broadcast_in_dim3A_1381 : vector<16xi1>, vector<16xf32>
      %mul3A_1383 = arith.mulf %mul3A_1367, %select_n3A_1382 : vector<16xf32>
      %jit3A_1384 = arith.constant 1.000000e+00 : f32
      %jit3A_1385 = arith.constant 0.000000e+00 : f32
      %select_n3A_1386 = arith.select %ge3A_1249, %jit3A_1384, %jit3A_1385 : f32
      %add3A_1387 = arith.addf %add3A_1245, %select_n3A_1386 : f32
      %slice3A_1388 = vector.extract_strided_slice %get3A_5 {offsets = [4], sizes = [1], strides = [1]} : vector<16xi32> to vector<1xi32>
      %squeeze3A_1389 = vector.extract %slice3A_1388[0] : i32 from vector<1xi32>
      %ge3A_1390 = arith.constant 0 : i32
      %ge3A_1391 = arith.cmpi sge, %squeeze3A_1389, %ge3A_1390 : i32
      %max3A_1392 = arith.constant 0 : i32
      %max3A_1393 = arith.maxsi %squeeze3A_1389, %max3A_1392 : i32
      %and3A_1394 = arith.constant 127 : i32
      %and3A_1395 = arith.andi %max3A_1393, %and3A_1394 : i32
      %jit3A_1396 = arith.constant 128 : i32
      %select_n3A_1397 = arith.select %ge3A_1391, %and3A_1395, %jit3A_1396 : i32
      %get3A_1398 = arith.constant 4 : i32
      %get3A_1399 = arith.constant 5 : i32
      %get3A_1400 = arith.index_cast %get3A_1398 : i32 to index
      %get3A_1401 = arith.index_cast %get3A_1399 : i32 to index
      %get3A_1402 = arith.constant 0 : index
      %get3A_1403 = tpu.vector_load %arg6[%get3A_1400, %get3A_1401, %get3A_1402] {strides = array<i32>} : memref<20x8x128xf32, #tpu.memory_space<vmem>>, vector<1x1x16xf32>,
      %get3A_1404 = vector.shape_cast %get3A_1403 : vector<1x1x16xf32> to vector<16xf32>
      %add3A_1405 = arith.constant 0 : i32
      %add3A_1406 = vector.broadcast %add3A_1405 : i32 to vector<16xi32>
      %add3A_1407 = arith.addi %add3A_1406, %iota3A : vector<16xi32>
      %eq3A_1408 = vector.broadcast %select_n3A_1397 : i32 to vector<16xi32>
      %eq3A_1409 = arith.cmpi eq, %add3A_1407, %eq3A_1408 : vector<16xi32>
      %jit3A_1410 = arith.constant 1.000000e+00 : f32
      %broadcast_in_dim3A_1411 = vector.broadcast %jit3A_1410 : f32 to vector<16xf32>
      %select_n3A_1412 = arith.select %eq3A_1409, %get3A_1404, %broadcast_in_dim3A_1411 : vector<16xi1>, vector<16xf32>
      %mul3A_1413 = arith.mulf %mul3A_1383, %select_n3A_1412 : vector<16xf32>
      %get3A_1414 = arith.constant 4 : i32
      %get3A_1415 = arith.constant 5 : i32
      %get3A_1416 = arith.index_cast %get3A_1414 : i32 to index
      %get3A_1417 = arith.index_cast %get3A_1415 : i32 to index
      %get3A_1418 = arith.constant 16 : index
      %get3A_1419 = tpu.vector_load %arg6[%get3A_1416, %get3A_1417, %get3A_1418] {strides = array<i32>} : memref<20x8x128xf32, #tpu.memory_space<vmem>>, vector<1x1x16xf32>,
      %get3A_1420 = vector.shape_cast %get3A_1419 : vector<1x1x16xf32> to vector<16xf32>
      %add3A_1421 = arith.constant 16 : i32
      %add3A_1422 = vector.broadcast %add3A_1421 : i32 to vector<16xi32>
      %add3A_1423 = arith.addi %add3A_1422, %iota3A : vector<16xi32>
      %eq3A_1424 = vector.broadcast %select_n3A_1397 : i32 to vector<16xi32>
      %eq3A_1425 = arith.cmpi eq, %add3A_1423, %eq3A_1424 : vector<16xi32>
      %jit3A_1426 = arith.constant 1.000000e+00 : f32
      %broadcast_in_dim3A_1427 = vector.broadcast %jit3A_1426 : f32 to vector<16xf32>
      %select_n3A_1428 = arith.select %eq3A_1425, %get3A_1420, %broadcast_in_dim3A_1427 : vector<16xi1>, vector<16xf32>
      %mul3A_1429 = arith.mulf %mul3A_1413, %select_n3A_1428 : vector<16xf32>
      %get3A_1430 = arith.constant 4 : i32
      %get3A_1431 = arith.constant 5 : i32
      %get3A_1432 = arith.index_cast %get3A_1430 : i32 to index
      %get3A_1433 = arith.index_cast %get3A_1431 : i32 to index
      %get3A_1434 = arith.constant 32 : index
      %get3A_1435 = tpu.vector_load %arg6[%get3A_1432, %get3A_1433, %get3A_1434] {strides = array<i32>} : memref<20x8x128xf32, #tpu.memory_space<vmem>>, vector<1x1x16xf32>,
      %get3A_1436 = vector.shape_cast %get3A_1435 : vector<1x1x16xf32> to vector<16xf32>
      %add3A_1437 = arith.constant 32 : i32
      %add3A_1438 = vector.broadcast %add3A_1437 : i32 to vector<16xi32>
      %add3A_1439 = arith.addi %add3A_1438, %iota3A : vector<16xi32>
      %eq3A_1440 = vector.broadcast %select_n3A_1397 : i32 to vector<16xi32>
      %eq3A_1441 = arith.cmpi eq, %add3A_1439, %eq3A_1440 : vector<16xi32>
      %jit3A_1442 = arith.constant 1.000000e+00 : f32
      %broadcast_in_dim3A_1443 = vector.broadcast %jit3A_1442 : f32 to vector<16xf32>
      %select_n3A_1444 = arith.select %eq3A_1441, %get3A_1436, %broadcast_in_dim3A_1443 : vector<16xi1>, vector<16xf32>
      %mul3A_1445 = arith.mulf %mul3A_1429, %select_n3A_1444 : vector<16xf32>
      %get3A_1446 = arith.constant 4 : i32
      %get3A_1447 = arith.constant 5 : i32
      %get3A_1448 = arith.index_cast %get3A_1446 : i32 to index
      %get3A_1449 = arith.index_cast %get3A_1447 : i32 to index
      %get3A_1450 = arith.constant 48 : index
      %get3A_1451 = tpu.vector_load %arg6[%get3A_1448, %get3A_1449, %get3A_1450] {strides = array<i32>} : memref<20x8x128xf32, #tpu.memory_space<vmem>>, vector<1x1x16xf32>,
      %get3A_1452 = vector.shape_cast %get3A_1451 : vector<1x1x16xf32> to vector<16xf32>
      %add3A_1453 = arith.constant 48 : i32
      %add3A_1454 = vector.broadcast %add3A_1453 : i32 to vector<16xi32>
      %add3A_1455 = arith.addi %add3A_1454, %iota3A : vector<16xi32>
      %eq3A_1456 = vector.broadcast %select_n3A_1397 : i32 to vector<16xi32>
      %eq3A_1457 = arith.cmpi eq, %add3A_1455, %eq3A_1456 : vector<16xi32>
      %jit3A_1458 = arith.constant 1.000000e+00 : f32
      %broadcast_in_dim3A_1459 = vector.broadcast %jit3A_1458 : f32 to vector<16xf32>
      %select_n3A_1460 = arith.select %eq3A_1457, %get3A_1452, %broadcast_in_dim3A_1459 : vector<16xi1>, vector<16xf32>
      %mul3A_1461 = arith.mulf %mul3A_1445, %select_n3A_1460 : vector<16xf32>
      %get3A_1462 = arith.constant 4 : i32
      %get3A_1463 = arith.constant 5 : i32
      %get3A_1464 = arith.index_cast %get3A_1462 : i32 to index
      %get3A_1465 = arith.index_cast %get3A_1463 : i32 to index
      %get3A_1466 = arith.constant 64 : index
      %get3A_1467 = tpu.vector_load %arg6[%get3A_1464, %get3A_1465, %get3A_1466] {strides = array<i32>} : memref<20x8x128xf32, #tpu.memory_space<vmem>>, vector<1x1x16xf32>,
      %get3A_1468 = vector.shape_cast %get3A_1467 : vector<1x1x16xf32> to vector<16xf32>
      %add3A_1469 = arith.constant 64 : i32
      %add3A_1470 = vector.broadcast %add3A_1469 : i32 to vector<16xi32>
      %add3A_1471 = arith.addi %add3A_1470, %iota3A : vector<16xi32>
      %eq3A_1472 = vector.broadcast %select_n3A_1397 : i32 to vector<16xi32>
      %eq3A_1473 = arith.cmpi eq, %add3A_1471, %eq3A_1472 : vector<16xi32>
      %jit3A_1474 = arith.constant 1.000000e+00 : f32
      %broadcast_in_dim3A_1475 = vector.broadcast %jit3A_1474 : f32 to vector<16xf32>
      %select_n3A_1476 = arith.select %eq3A_1473, %get3A_1468, %broadcast_in_dim3A_1475 : vector<16xi1>, vector<16xf32>
      %mul3A_1477 = arith.mulf %mul3A_1461, %select_n3A_1476 : vector<16xf32>
      %get3A_1478 = arith.constant 4 : i32
      %get3A_1479 = arith.constant 5 : i32
      %get3A_1480 = arith.index_cast %get3A_1478 : i32 to index
      %get3A_1481 = arith.index_cast %get3A_1479 : i32 to index
      %get3A_1482 = arith.constant 80 : index
      %get3A_1483 = tpu.vector_load %arg6[%get3A_1480, %get3A_1481, %get3A_1482] {strides = array<i32>} : memref<20x8x128xf32, #tpu.memory_space<vmem>>, vector<1x1x16xf32>,
      %get3A_1484 = vector.shape_cast %get3A_1483 : vector<1x1x16xf32> to vector<16xf32>
      %add3A_1485 = arith.constant 80 : i32
      %add3A_1486 = vector.broadcast %add3A_1485 : i32 to vector<16xi32>
      %add3A_1487 = arith.addi %add3A_1486, %iota3A : vector<16xi32>
      %eq3A_1488 = vector.broadcast %select_n3A_1397 : i32 to vector<16xi32>
      %eq3A_1489 = arith.cmpi eq, %add3A_1487, %eq3A_1488 : vector<16xi32>
      %jit3A_1490 = arith.constant 1.000000e+00 : f32
      %broadcast_in_dim3A_1491 = vector.broadcast %jit3A_1490 : f32 to vector<16xf32>
      %select_n3A_1492 = arith.select %eq3A_1489, %get3A_1484, %broadcast_in_dim3A_1491 : vector<16xi1>, vector<16xf32>
      %mul3A_1493 = arith.mulf %mul3A_1477, %select_n3A_1492 : vector<16xf32>
      %get3A_1494 = arith.constant 4 : i32
      %get3A_1495 = arith.constant 5 : i32
      %get3A_1496 = arith.index_cast %get3A_1494 : i32 to index
      %get3A_1497 = arith.index_cast %get3A_1495 : i32 to index
      %get3A_1498 = arith.constant 96 : index
      %get3A_1499 = tpu.vector_load %arg6[%get3A_1496, %get3A_1497, %get3A_1498] {strides = array<i32>} : memref<20x8x128xf32, #tpu.memory_space<vmem>>, vector<1x1x16xf32>,
      %get3A_1500 = vector.shape_cast %get3A_1499 : vector<1x1x16xf32> to vector<16xf32>
      %add3A_1501 = arith.constant 96 : i32
      %add3A_1502 = vector.broadcast %add3A_1501 : i32 to vector<16xi32>
      %add3A_1503 = arith.addi %add3A_1502, %iota3A : vector<16xi32>
      %eq3A_1504 = vector.broadcast %select_n3A_1397 : i32 to vector<16xi32>
      %eq3A_1505 = arith.cmpi eq, %add3A_1503, %eq3A_1504 : vector<16xi32>
      %jit3A_1506 = arith.constant 1.000000e+00 : f32
      %broadcast_in_dim3A_1507 = vector.broadcast %jit3A_1506 : f32 to vector<16xf32>
      %select_n3A_1508 = arith.select %eq3A_1505, %get3A_1500, %broadcast_in_dim3A_1507 : vector<16xi1>, vector<16xf32>
      %mul3A_1509 = arith.mulf %mul3A_1493, %select_n3A_1508 : vector<16xf32>
      %get3A_1510 = arith.constant 4 : i32
      %get3A_1511 = arith.constant 5 : i32
      %get3A_1512 = arith.index_cast %get3A_1510 : i32 to index
      %get3A_1513 = arith.index_cast %get3A_1511 : i32 to index
      %get3A_1514 = arith.constant 112 : index
      %get3A_1515 = tpu.vector_load %arg6[%get3A_1512, %get3A_1513, %get3A_1514] {strides = array<i32>} : memref<20x8x128xf32, #tpu.memory_space<vmem>>, vector<1x1x16xf32>,
      %get3A_1516 = vector.shape_cast %get3A_1515 : vector<1x1x16xf32> to vector<16xf32>
      %add3A_1517 = arith.constant 112 : i32
      %add3A_1518 = vector.broadcast %add3A_1517 : i32 to vector<16xi32>
      %add3A_1519 = arith.addi %add3A_1518, %iota3A : vector<16xi32>
      %eq3A_1520 = vector.broadcast %select_n3A_1397 : i32 to vector<16xi32>
      %eq3A_1521 = arith.cmpi eq, %add3A_1519, %eq3A_1520 : vector<16xi32>
      %jit3A_1522 = arith.constant 1.000000e+00 : f32
      %broadcast_in_dim3A_1523 = vector.broadcast %jit3A_1522 : f32 to vector<16xf32>
      %select_n3A_1524 = arith.select %eq3A_1521, %get3A_1516, %broadcast_in_dim3A_1523 : vector<16xi1>, vector<16xf32>
      %mul3A_1525 = arith.mulf %mul3A_1509, %select_n3A_1524 : vector<16xf32>
      %jit3A_1526 = arith.constant 1.000000e+00 : f32
      %jit3A_1527 = arith.constant 0.000000e+00 : f32
      %select_n3A_1528 = arith.select %ge3A_1391, %jit3A_1526, %jit3A_1527 : f32
      %add3A_1529 = arith.addf %add3A_1387, %select_n3A_1528 : f32
      %bitcast_convert_type3A = tpu.bitcast %mul3A_1525 : vector<16xf32> -> vector<16xi32>
      %shift_right_arithmetic3A_1530 = arith.constant 23 : i32
      %shift_right_arithmetic3A_1531 = vector.broadcast %shift_right_arithmetic3A_1530 : i32 to vector<16xi32>
      %shift_right_arithmetic3A_1532 = arith.shrsi %bitcast_convert_type3A, %shift_right_arithmetic3A_1531 : vector<16xi32>
      %sub3A = arith.constant 127 : i32
      %sub3A_1533 = vector.broadcast %sub3A : i32 to vector<16xi32>
      %sub3A_1534 = arith.subi %shift_right_arithmetic3A_1532, %sub3A_1533 : vector<16xi32>
      %and3A_1535 = arith.constant 8388607 : i32
      %and3A_1536 = vector.broadcast %and3A_1535 : i32 to vector<16xi32>
      %and3A_1537 = arith.andi %bitcast_convert_type3A, %and3A_1536 : vector<16xi32>
      %or3A = arith.constant 1065353216 : i32
      %or3A_1538 = vector.broadcast %or3A : i32 to vector<16xi32>
      %or3A_1539 = arith.ori %and3A_1537, %or3A_1538 : vector<16xi32>
      %bitcast_convert_type3A_1540 = tpu.bitcast %or3A_1539 : vector<16xi32> -> vector<16xf32>
      %gt3A = arith.constant 1.41421354 : f32
      %gt3A_1541 = vector.broadcast %gt3A : f32 to vector<16xf32>
      %gt3A_1542 = arith.cmpf ogt, %bitcast_convert_type3A_1540, %gt3A_1541 : vector<16xf32>
      %mul3A_1543 = arith.constant 5.000000e-01 : f32
      %mul3A_1544 = vector.broadcast %mul3A_1543 : f32 to vector<16xf32>
      %mul3A_1545 = arith.mulf %bitcast_convert_type3A_1540, %mul3A_1544 : vector<16xf32>
      %select_n3A_1546 = arith.select %gt3A_1542, %mul3A_1545, %bitcast_convert_type3A_1540 : vector<16xi1>, vector<16xf32>
      %add3A_1547 = arith.constant 1 : i32
      %add3A_1548 = vector.broadcast %add3A_1547 : i32 to vector<16xi32>
      %add3A_1549 = arith.addi %sub3A_1534, %add3A_1548 : vector<16xi32>
      %select_n3A_1550 = arith.select %gt3A_1542, %add3A_1549, %sub3A_1534 : vector<16xi1>, vector<16xi32>
      %convert_element_type3A_1551 = arith.sitofp %select_n3A_1550 : vector<16xi32> to vector<16xf32>
      %sub3A_1552 = arith.constant 1.000000e+00 : f32
      %sub3A_1553 = vector.broadcast %sub3A_1552 : f32 to vector<16xf32>
      %sub3A_1554 = arith.subf %select_n3A_1546, %sub3A_1553 : vector<16xf32>
      %mul3A_1555 = arith.mulf %sub3A_1554, %sub3A_1554 : vector<16xf32>
      %broadcast_in_dim3A_1556 = arith.constant 0.0703768358 : f32
      %broadcast_in_dim3A_1557 = vector.broadcast %broadcast_in_dim3A_1556 : f32 to vector<16xf32>
      %mul3A_1558 = arith.mulf %broadcast_in_dim3A_1557, %sub3A_1554 : vector<16xf32>
      %add3A_1559 = arith.constant -0.115146101 : f32
      %add3A_1560 = vector.broadcast %add3A_1559 : f32 to vector<16xf32>
      %add3A_1561 = arith.addf %mul3A_1558, %add3A_1560 : vector<16xf32>
      %mul3A_1562 = arith.mulf %add3A_1561, %sub3A_1554 : vector<16xf32>
      %add3A_1563 = arith.constant 0.116769984 : f32
      %add3A_1564 = vector.broadcast %add3A_1563 : f32 to vector<16xf32>
      %add3A_1565 = arith.addf %mul3A_1562, %add3A_1564 : vector<16xf32>
      %mul3A_1566 = arith.mulf %add3A_1565, %sub3A_1554 : vector<16xf32>
      %add3A_1567 = arith.constant -0.12420141 : f32
      %add3A_1568 = vector.broadcast %add3A_1567 : f32 to vector<16xf32>
      %add3A_1569 = arith.addf %mul3A_1566, %add3A_1568 : vector<16xf32>
      %mul3A_1570 = arith.mulf %add3A_1569, %sub3A_1554 : vector<16xf32>
      %add3A_1571 = arith.constant 0.142493233 : f32
      %add3A_1572 = vector.broadcast %add3A_1571 : f32 to vector<16xf32>
      %add3A_1573 = arith.addf %mul3A_1570, %add3A_1572 : vector<16xf32>
      %mul3A_1574 = arith.mulf %add3A_1573, %sub3A_1554 : vector<16xf32>
      %add3A_1575 = arith.constant -0.166680574 : f32
      %add3A_1576 = vector.broadcast %add3A_1575 : f32 to vector<16xf32>
      %add3A_1577 = arith.addf %mul3A_1574, %add3A_1576 : vector<16xf32>
      %mul3A_1578 = arith.mulf %add3A_1577, %sub3A_1554 : vector<16xf32>
      %add3A_1579 = arith.constant 0.200007141 : f32
      %add3A_1580 = vector.broadcast %add3A_1579 : f32 to vector<16xf32>
      %add3A_1581 = arith.addf %mul3A_1578, %add3A_1580 : vector<16xf32>
      %mul3A_1582 = arith.mulf %add3A_1581, %sub3A_1554 : vector<16xf32>
      %add3A_1583 = arith.constant -0.24999994 : f32
      %add3A_1584 = vector.broadcast %add3A_1583 : f32 to vector<16xf32>
      %add3A_1585 = arith.addf %mul3A_1582, %add3A_1584 : vector<16xf32>
      %mul3A_1586 = arith.mulf %add3A_1585, %sub3A_1554 : vector<16xf32>
      %add3A_1587 = arith.constant 0.333333313 : f32
      %add3A_1588 = vector.broadcast %add3A_1587 : f32 to vector<16xf32>
      %add3A_1589 = arith.addf %mul3A_1586, %add3A_1588 : vector<16xf32>
      %mul3A_1590 = arith.mulf %sub3A_1554, %mul3A_1555 : vector<16xf32>
      %mul3A_1591 = arith.mulf %mul3A_1590, %add3A_1589 : vector<16xf32>
      %mul3A_1592 = arith.constant 5.000000e-01 : f32
      %mul3A_1593 = vector.broadcast %mul3A_1592 : f32 to vector<16xf32>
      %mul3A_1594 = arith.mulf %mul3A_1593, %mul3A_1555 : vector<16xf32>
      %sub3A_1595 = arith.subf %mul3A_1591, %mul3A_1594 : vector<16xf32>
      %add3A_1596 = arith.addf %sub3A_1554, %sub3A_1595 : vector<16xf32>
      %mul3A_1597 = arith.constant 0.693147182 : f32
      %mul3A_1598 = vector.broadcast %mul3A_1597 : f32 to vector<16xf32>
      %mul3A_1599 = arith.mulf %convert_element_type3A_1551, %mul3A_1598 : vector<16xf32>
      %add3A_1600 = arith.addf %add3A_1596, %mul3A_1599 : vector<16xf32>
      %add3A_1601 = arith.addf %broadcast_in_dim3A_821, %add3A_1600 : vector<16xf32>
      %broadcast_in_dim3A_1602 = arith.constant 1.000000e+00 : f32
      %broadcast_in_dim3A_1603 = vector.broadcast %broadcast_in_dim3A_1602 : f32 to vector<16xf32>
      %slice3A_1604 = vector.extract_strided_slice %get3A_5 {offsets = [5], sizes = [1], strides = [1]} : vector<16xi32> to vector<1xi32>
      %squeeze3A_1605 = vector.extract %slice3A_1604[0] : i32 from vector<1xi32>
      %ge3A_1606 = arith.constant 0 : i32
      %ge3A_1607 = arith.cmpi sge, %squeeze3A_1605, %ge3A_1606 : i32
      %max3A_1608 = arith.constant 0 : i32
      %max3A_1609 = arith.maxsi %squeeze3A_1605, %max3A_1608 : i32
      %and3A_1610 = arith.constant 127 : i32
      %and3A_1611 = arith.andi %max3A_1609, %and3A_1610 : i32
      %jit3A_1612 = arith.constant 128 : i32
      %select_n3A_1613 = arith.select %ge3A_1607, %and3A_1611, %jit3A_1612 : i32
      %get3A_1614 = arith.constant 5 : i32
      %get3A_1615 = arith.constant 6 : i32
      %get3A_1616 = arith.index_cast %get3A_1614 : i32 to index
      %get3A_1617 = arith.index_cast %get3A_1615 : i32 to index
      %get3A_1618 = arith.constant 0 : index
      %get3A_1619 = tpu.vector_load %arg6[%get3A_1616, %get3A_1617, %get3A_1618] {strides = array<i32>} : memref<20x8x128xf32, #tpu.memory_space<vmem>>, vector<1x1x16xf32>,
      %get3A_1620 = vector.shape_cast %get3A_1619 : vector<1x1x16xf32> to vector<16xf32>
      %add3A_1621 = arith.constant 0 : i32
      %add3A_1622 = vector.broadcast %add3A_1621 : i32 to vector<16xi32>
      %add3A_1623 = arith.addi %add3A_1622, %iota3A : vector<16xi32>
      %eq3A_1624 = vector.broadcast %select_n3A_1613 : i32 to vector<16xi32>
      %eq3A_1625 = arith.cmpi eq, %add3A_1623, %eq3A_1624 : vector<16xi32>
      %jit3A_1626 = arith.constant 1.000000e+00 : f32
      %broadcast_in_dim3A_1627 = vector.broadcast %jit3A_1626 : f32 to vector<16xf32>
      %select_n3A_1628 = arith.select %eq3A_1625, %get3A_1620, %broadcast_in_dim3A_1627 : vector<16xi1>, vector<16xf32>
      %mul3A_1629 = arith.mulf %broadcast_in_dim3A_1603, %select_n3A_1628 : vector<16xf32>
      %get3A_1630 = arith.constant 5 : i32
      %get3A_1631 = arith.constant 6 : i32
      %get3A_1632 = arith.index_cast %get3A_1630 : i32 to index
      %get3A_1633 = arith.index_cast %get3A_1631 : i32 to index
      %get3A_1634 = arith.constant 16 : index
      %get3A_1635 = tpu.vector_load %arg6[%get3A_1632, %get3A_1633, %get3A_1634] {strides = array<i32>} : memref<20x8x128xf32, #tpu.memory_space<vmem>>, vector<1x1x16xf32>,
      %get3A_1636 = vector.shape_cast %get3A_1635 : vector<1x1x16xf32> to vector<16xf32>
      %add3A_1637 = arith.constant 16 : i32
      %add3A_1638 = vector.broadcast %add3A_1637 : i32 to vector<16xi32>
      %add3A_1639 = arith.addi %add3A_1638, %iota3A : vector<16xi32>
      %eq3A_1640 = vector.broadcast %select_n3A_1613 : i32 to vector<16xi32>
      %eq3A_1641 = arith.cmpi eq, %add3A_1639, %eq3A_1640 : vector<16xi32>
      %jit3A_1642 = arith.constant 1.000000e+00 : f32
      %broadcast_in_dim3A_1643 = vector.broadcast %jit3A_1642 : f32 to vector<16xf32>
      %select_n3A_1644 = arith.select %eq3A_1641, %get3A_1636, %broadcast_in_dim3A_1643 : vector<16xi1>, vector<16xf32>
      %mul3A_1645 = arith.mulf %mul3A_1629, %select_n3A_1644 : vector<16xf32>
      %get3A_1646 = arith.constant 5 : i32
      %get3A_1647 = arith.constant 6 : i32
      %get3A_1648 = arith.index_cast %get3A_1646 : i32 to index
      %get3A_1649 = arith.index_cast %get3A_1647 : i32 to index
      %get3A_1650 = arith.constant 32 : index
      %get3A_1651 = tpu.vector_load %arg6[%get3A_1648, %get3A_1649, %get3A_1650] {strides = array<i32>} : memref<20x8x128xf32, #tpu.memory_space<vmem>>, vector<1x1x16xf32>,
      %get3A_1652 = vector.shape_cast %get3A_1651 : vector<1x1x16xf32> to vector<16xf32>
      %add3A_1653 = arith.constant 32 : i32
      %add3A_1654 = vector.broadcast %add3A_1653 : i32 to vector<16xi32>
      %add3A_1655 = arith.addi %add3A_1654, %iota3A : vector<16xi32>
      %eq3A_1656 = vector.broadcast %select_n3A_1613 : i32 to vector<16xi32>
      %eq3A_1657 = arith.cmpi eq, %add3A_1655, %eq3A_1656 : vector<16xi32>
      %jit3A_1658 = arith.constant 1.000000e+00 : f32
      %broadcast_in_dim3A_1659 = vector.broadcast %jit3A_1658 : f32 to vector<16xf32>
      %select_n3A_1660 = arith.select %eq3A_1657, %get3A_1652, %broadcast_in_dim3A_1659 : vector<16xi1>, vector<16xf32>
      %mul3A_1661 = arith.mulf %mul3A_1645, %select_n3A_1660 : vector<16xf32>
      %get3A_1662 = arith.constant 5 : i32
      %get3A_1663 = arith.constant 6 : i32
      %get3A_1664 = arith.index_cast %get3A_1662 : i32 to index
      %get3A_1665 = arith.index_cast %get3A_1663 : i32 to index
      %get3A_1666 = arith.constant 48 : index
      %get3A_1667 = tpu.vector_load %arg6[%get3A_1664, %get3A_1665, %get3A_1666] {strides = array<i32>} : memref<20x8x128xf32, #tpu.memory_space<vmem>>, vector<1x1x16xf32>,
      %get3A_1668 = vector.shape_cast %get3A_1667 : vector<1x1x16xf32> to vector<16xf32>
      %add3A_1669 = arith.constant 48 : i32
      %add3A_1670 = vector.broadcast %add3A_1669 : i32 to vector<16xi32>
      %add3A_1671 = arith.addi %add3A_1670, %iota3A : vector<16xi32>
      %eq3A_1672 = vector.broadcast %select_n3A_1613 : i32 to vector<16xi32>
      %eq3A_1673 = arith.cmpi eq, %add3A_1671, %eq3A_1672 : vector<16xi32>
      %jit3A_1674 = arith.constant 1.000000e+00 : f32
      %broadcast_in_dim3A_1675 = vector.broadcast %jit3A_1674 : f32 to vector<16xf32>
      %select_n3A_1676 = arith.select %eq3A_1673, %get3A_1668, %broadcast_in_dim3A_1675 : vector<16xi1>, vector<16xf32>
      %mul3A_1677 = arith.mulf %mul3A_1661, %select_n3A_1676 : vector<16xf32>
      %get3A_1678 = arith.constant 5 : i32
      %get3A_1679 = arith.constant 6 : i32
      %get3A_1680 = arith.index_cast %get3A_1678 : i32 to index
      %get3A_1681 = arith.index_cast %get3A_1679 : i32 to index
      %get3A_1682 = arith.constant 64 : index
      %get3A_1683 = tpu.vector_load %arg6[%get3A_1680, %get3A_1681, %get3A_1682] {strides = array<i32>} : memref<20x8x128xf32, #tpu.memory_space<vmem>>, vector<1x1x16xf32>,
      %get3A_1684 = vector.shape_cast %get3A_1683 : vector<1x1x16xf32> to vector<16xf32>
      %add3A_1685 = arith.constant 64 : i32
      %add3A_1686 = vector.broadcast %add3A_1685 : i32 to vector<16xi32>
      %add3A_1687 = arith.addi %add3A_1686, %iota3A : vector<16xi32>
      %eq3A_1688 = vector.broadcast %select_n3A_1613 : i32 to vector<16xi32>
      %eq3A_1689 = arith.cmpi eq, %add3A_1687, %eq3A_1688 : vector<16xi32>
      %jit3A_1690 = arith.constant 1.000000e+00 : f32
      %broadcast_in_dim3A_1691 = vector.broadcast %jit3A_1690 : f32 to vector<16xf32>
      %select_n3A_1692 = arith.select %eq3A_1689, %get3A_1684, %broadcast_in_dim3A_1691 : vector<16xi1>, vector<16xf32>
      %mul3A_1693 = arith.mulf %mul3A_1677, %select_n3A_1692 : vector<16xf32>
      %get3A_1694 = arith.constant 5 : i32
      %get3A_1695 = arith.constant 6 : i32
      %get3A_1696 = arith.index_cast %get3A_1694 : i32 to index
      %get3A_1697 = arith.index_cast %get3A_1695 : i32 to index
      %get3A_1698 = arith.constant 80 : index
      %get3A_1699 = tpu.vector_load %arg6[%get3A_1696, %get3A_1697, %get3A_1698] {strides = array<i32>} : memref<20x8x128xf32, #tpu.memory_space<vmem>>, vector<1x1x16xf32>,
      %get3A_1700 = vector.shape_cast %get3A_1699 : vector<1x1x16xf32> to vector<16xf32>
      %add3A_1701 = arith.constant 80 : i32
      %add3A_1702 = vector.broadcast %add3A_1701 : i32 to vector<16xi32>
      %add3A_1703 = arith.addi %add3A_1702, %iota3A : vector<16xi32>
      %eq3A_1704 = vector.broadcast %select_n3A_1613 : i32 to vector<16xi32>
      %eq3A_1705 = arith.cmpi eq, %add3A_1703, %eq3A_1704 : vector<16xi32>
      %jit3A_1706 = arith.constant 1.000000e+00 : f32
      %broadcast_in_dim3A_1707 = vector.broadcast %jit3A_1706 : f32 to vector<16xf32>
      %select_n3A_1708 = arith.select %eq3A_1705, %get3A_1700, %broadcast_in_dim3A_1707 : vector<16xi1>, vector<16xf32>
      %mul3A_1709 = arith.mulf %mul3A_1693, %select_n3A_1708 : vector<16xf32>
      %get3A_1710 = arith.constant 5 : i32
      %get3A_1711 = arith.constant 6 : i32
      %get3A_1712 = arith.index_cast %get3A_1710 : i32 to index
      %get3A_1713 = arith.index_cast %get3A_1711 : i32 to index
      %get3A_1714 = arith.constant 96 : index
      %get3A_1715 = tpu.vector_load %arg6[%get3A_1712, %get3A_1713, %get3A_1714] {strides = array<i32>} : memref<20x8x128xf32, #tpu.memory_space<vmem>>, vector<1x1x16xf32>,
      %get3A_1716 = vector.shape_cast %get3A_1715 : vector<1x1x16xf32> to vector<16xf32>
      %add3A_1717 = arith.constant 96 : i32
      %add3A_1718 = vector.broadcast %add3A_1717 : i32 to vector<16xi32>
      %add3A_1719 = arith.addi %add3A_1718, %iota3A : vector<16xi32>
      %eq3A_1720 = vector.broadcast %select_n3A_1613 : i32 to vector<16xi32>
      %eq3A_1721 = arith.cmpi eq, %add3A_1719, %eq3A_1720 : vector<16xi32>
      %jit3A_1722 = arith.constant 1.000000e+00 : f32
      %broadcast_in_dim3A_1723 = vector.broadcast %jit3A_1722 : f32 to vector<16xf32>
      %select_n3A_1724 = arith.select %eq3A_1721, %get3A_1716, %broadcast_in_dim3A_1723 : vector<16xi1>, vector<16xf32>
      %mul3A_1725 = arith.mulf %mul3A_1709, %select_n3A_1724 : vector<16xf32>
      %get3A_1726 = arith.constant 5 : i32
      %get3A_1727 = arith.constant 6 : i32
      %get3A_1728 = arith.index_cast %get3A_1726 : i32 to index
      %get3A_1729 = arith.index_cast %get3A_1727 : i32 to index
      %get3A_1730 = arith.constant 112 : index
      %get3A_1731 = tpu.vector_load %arg6[%get3A_1728, %get3A_1729, %get3A_1730] {strides = array<i32>} : memref<20x8x128xf32, #tpu.memory_space<vmem>>, vector<1x1x16xf32>,
      %get3A_1732 = vector.shape_cast %get3A_1731 : vector<1x1x16xf32> to vector<16xf32>
      %add3A_1733 = arith.constant 112 : i32
      %add3A_1734 = vector.broadcast %add3A_1733 : i32 to vector<16xi32>
      %add3A_1735 = arith.addi %add3A_1734, %iota3A : vector<16xi32>
      %eq3A_1736 = vector.broadcast %select_n3A_1613 : i32 to vector<16xi32>
      %eq3A_1737 = arith.cmpi eq, %add3A_1735, %eq3A_1736 : vector<16xi32>
      %jit3A_1738 = arith.constant 1.000000e+00 : f32
      %broadcast_in_dim3A_1739 = vector.broadcast %jit3A_1738 : f32 to vector<16xf32>
      %select_n3A_1740 = arith.select %eq3A_1737, %get3A_1732, %broadcast_in_dim3A_1739 : vector<16xi1>, vector<16xf32>
      %mul3A_1741 = arith.mulf %mul3A_1725, %select_n3A_1740 : vector<16xf32>
      %jit3A_1742 = arith.constant 1.000000e+00 : f32
      %jit3A_1743 = arith.constant 0.000000e+00 : f32
      %select_n3A_1744 = arith.select %ge3A_1607, %jit3A_1742, %jit3A_1743 : f32
      %add3A_1745 = arith.addf %add3A_1529, %select_n3A_1744 : f32
      %slice3A_1746 = vector.extract_strided_slice %get3A_5 {offsets = [6], sizes = [1], strides = [1]} : vector<16xi32> to vector<1xi32>
      %squeeze3A_1747 = vector.extract %slice3A_1746[0] : i32 from vector<1xi32>
      %ge3A_1748 = arith.constant 0 : i32
      %ge3A_1749 = arith.cmpi sge, %squeeze3A_1747, %ge3A_1748 : i32
      %max3A_1750 = arith.constant 0 : i32
      %max3A_1751 = arith.maxsi %squeeze3A_1747, %max3A_1750 : i32
      %and3A_1752 = arith.constant 127 : i32
      %and3A_1753 = arith.andi %max3A_1751, %and3A_1752 : i32
      %jit3A_1754 = arith.constant 128 : i32
      %select_n3A_1755 = arith.select %ge3A_1749, %and3A_1753, %jit3A_1754 : i32
      %get3A_1756 = arith.constant 6 : i32
      %get3A_1757 = arith.constant 7 : i32
      %get3A_1758 = arith.index_cast %get3A_1756 : i32 to index
      %get3A_1759 = arith.index_cast %get3A_1757 : i32 to index
      %get3A_1760 = arith.constant 0 : index
      %get3A_1761 = tpu.vector_load %arg6[%get3A_1758, %get3A_1759, %get3A_1760] {strides = array<i32>} : memref<20x8x128xf32, #tpu.memory_space<vmem>>, vector<1x1x16xf32>,
      %get3A_1762 = vector.shape_cast %get3A_1761 : vector<1x1x16xf32> to vector<16xf32>
      %add3A_1763 = arith.constant 0 : i32
      %add3A_1764 = vector.broadcast %add3A_1763 : i32 to vector<16xi32>
      %add3A_1765 = arith.addi %add3A_1764, %iota3A : vector<16xi32>
      %eq3A_1766 = vector.broadcast %select_n3A_1755 : i32 to vector<16xi32>
      %eq3A_1767 = arith.cmpi eq, %add3A_1765, %eq3A_1766 : vector<16xi32>
      %jit3A_1768 = arith.constant 1.000000e+00 : f32
      %broadcast_in_dim3A_1769 = vector.broadcast %jit3A_1768 : f32 to vector<16xf32>
      %select_n3A_1770 = arith.select %eq3A_1767, %get3A_1762, %broadcast_in_dim3A_1769 : vector<16xi1>, vector<16xf32>
      %mul3A_1771 = arith.mulf %mul3A_1741, %select_n3A_1770 : vector<16xf32>
      %get3A_1772 = arith.constant 6 : i32
      %get3A_1773 = arith.constant 7 : i32
      %get3A_1774 = arith.index_cast %get3A_1772 : i32 to index
      %get3A_1775 = arith.index_cast %get3A_1773 : i32 to index
      %get3A_1776 = arith.constant 16 : index
      %get3A_1777 = tpu.vector_load %arg6[%get3A_1774, %get3A_1775, %get3A_1776] {strides = array<i32>} : memref<20x8x128xf32, #tpu.memory_space<vmem>>, vector<1x1x16xf32>,
      %get3A_1778 = vector.shape_cast %get3A_1777 : vector<1x1x16xf32> to vector<16xf32>
      %add3A_1779 = arith.constant 16 : i32
      %add3A_1780 = vector.broadcast %add3A_1779 : i32 to vector<16xi32>
      %add3A_1781 = arith.addi %add3A_1780, %iota3A : vector<16xi32>
      %eq3A_1782 = vector.broadcast %select_n3A_1755 : i32 to vector<16xi32>
      %eq3A_1783 = arith.cmpi eq, %add3A_1781, %eq3A_1782 : vector<16xi32>
      %jit3A_1784 = arith.constant 1.000000e+00 : f32
      %broadcast_in_dim3A_1785 = vector.broadcast %jit3A_1784 : f32 to vector<16xf32>
      %select_n3A_1786 = arith.select %eq3A_1783, %get3A_1778, %broadcast_in_dim3A_1785 : vector<16xi1>, vector<16xf32>
      %mul3A_1787 = arith.mulf %mul3A_1771, %select_n3A_1786 : vector<16xf32>
      %get3A_1788 = arith.constant 6 : i32
      %get3A_1789 = arith.constant 7 : i32
      %get3A_1790 = arith.index_cast %get3A_1788 : i32 to index
      %get3A_1791 = arith.index_cast %get3A_1789 : i32 to index
      %get3A_1792 = arith.constant 32 : index
      %get3A_1793 = tpu.vector_load %arg6[%get3A_1790, %get3A_1791, %get3A_1792] {strides = array<i32>} : memref<20x8x128xf32, #tpu.memory_space<vmem>>, vector<1x1x16xf32>,
      %get3A_1794 = vector.shape_cast %get3A_1793 : vector<1x1x16xf32> to vector<16xf32>
      %add3A_1795 = arith.constant 32 : i32
      %add3A_1796 = vector.broadcast %add3A_1795 : i32 to vector<16xi32>
      %add3A_1797 = arith.addi %add3A_1796, %iota3A : vector<16xi32>
      %eq3A_1798 = vector.broadcast %select_n3A_1755 : i32 to vector<16xi32>
      %eq3A_1799 = arith.cmpi eq, %add3A_1797, %eq3A_1798 : vector<16xi32>
      %jit3A_1800 = arith.constant 1.000000e+00 : f32
      %broadcast_in_dim3A_1801 = vector.broadcast %jit3A_1800 : f32 to vector<16xf32>
      %select_n3A_1802 = arith.select %eq3A_1799, %get3A_1794, %broadcast_in_dim3A_1801 : vector<16xi1>, vector<16xf32>
      %mul3A_1803 = arith.mulf %mul3A_1787, %select_n3A_1802 : vector<16xf32>
      %get3A_1804 = arith.constant 6 : i32
      %get3A_1805 = arith.constant 7 : i32
      %get3A_1806 = arith.index_cast %get3A_1804 : i32 to index
      %get3A_1807 = arith.index_cast %get3A_1805 : i32 to index
      %get3A_1808 = arith.constant 48 : index
      %get3A_1809 = tpu.vector_load %arg6[%get3A_1806, %get3A_1807, %get3A_1808] {strides = array<i32>} : memref<20x8x128xf32, #tpu.memory_space<vmem>>, vector<1x1x16xf32>,
      %get3A_1810 = vector.shape_cast %get3A_1809 : vector<1x1x16xf32> to vector<16xf32>
      %add3A_1811 = arith.constant 48 : i32
      %add3A_1812 = vector.broadcast %add3A_1811 : i32 to vector<16xi32>
      %add3A_1813 = arith.addi %add3A_1812, %iota3A : vector<16xi32>
      %eq3A_1814 = vector.broadcast %select_n3A_1755 : i32 to vector<16xi32>
      %eq3A_1815 = arith.cmpi eq, %add3A_1813, %eq3A_1814 : vector<16xi32>
      %jit3A_1816 = arith.constant 1.000000e+00 : f32
      %broadcast_in_dim3A_1817 = vector.broadcast %jit3A_1816 : f32 to vector<16xf32>
      %select_n3A_1818 = arith.select %eq3A_1815, %get3A_1810, %broadcast_in_dim3A_1817 : vector<16xi1>, vector<16xf32>
      %mul3A_1819 = arith.mulf %mul3A_1803, %select_n3A_1818 : vector<16xf32>
      %get3A_1820 = arith.constant 6 : i32
      %get3A_1821 = arith.constant 7 : i32
      %get3A_1822 = arith.index_cast %get3A_1820 : i32 to index
      %get3A_1823 = arith.index_cast %get3A_1821 : i32 to index
      %get3A_1824 = arith.constant 64 : index
      %get3A_1825 = tpu.vector_load %arg6[%get3A_1822, %get3A_1823, %get3A_1824] {strides = array<i32>} : memref<20x8x128xf32, #tpu.memory_space<vmem>>, vector<1x1x16xf32>,
      %get3A_1826 = vector.shape_cast %get3A_1825 : vector<1x1x16xf32> to vector<16xf32>
      %add3A_1827 = arith.constant 64 : i32
      %add3A_1828 = vector.broadcast %add3A_1827 : i32 to vector<16xi32>
      %add3A_1829 = arith.addi %add3A_1828, %iota3A : vector<16xi32>
      %eq3A_1830 = vector.broadcast %select_n3A_1755 : i32 to vector<16xi32>
      %eq3A_1831 = arith.cmpi eq, %add3A_1829, %eq3A_1830 : vector<16xi32>
      %jit3A_1832 = arith.constant 1.000000e+00 : f32
      %broadcast_in_dim3A_1833 = vector.broadcast %jit3A_1832 : f32 to vector<16xf32>
      %select_n3A_1834 = arith.select %eq3A_1831, %get3A_1826, %broadcast_in_dim3A_1833 : vector<16xi1>, vector<16xf32>
      %mul3A_1835 = arith.mulf %mul3A_1819, %select_n3A_1834 : vector<16xf32>
      %get3A_1836 = arith.constant 6 : i32
      %get3A_1837 = arith.constant 7 : i32
      %get3A_1838 = arith.index_cast %get3A_1836 : i32 to index
      %get3A_1839 = arith.index_cast %get3A_1837 : i32 to index
      %get3A_1840 = arith.constant 80 : index
      %get3A_1841 = tpu.vector_load %arg6[%get3A_1838, %get3A_1839, %get3A_1840] {strides = array<i32>} : memref<20x8x128xf32, #tpu.memory_space<vmem>>, vector<1x1x16xf32>,
      %get3A_1842 = vector.shape_cast %get3A_1841 : vector<1x1x16xf32> to vector<16xf32>
      %add3A_1843 = arith.constant 80 : i32
      %add3A_1844 = vector.broadcast %add3A_1843 : i32 to vector<16xi32>
      %add3A_1845 = arith.addi %add3A_1844, %iota3A : vector<16xi32>
      %eq3A_1846 = vector.broadcast %select_n3A_1755 : i32 to vector<16xi32>
      %eq3A_1847 = arith.cmpi eq, %add3A_1845, %eq3A_1846 : vector<16xi32>
      %jit3A_1848 = arith.constant 1.000000e+00 : f32
      %broadcast_in_dim3A_1849 = vector.broadcast %jit3A_1848 : f32 to vector<16xf32>
      %select_n3A_1850 = arith.select %eq3A_1847, %get3A_1842, %broadcast_in_dim3A_1849 : vector<16xi1>, vector<16xf32>
      %mul3A_1851 = arith.mulf %mul3A_1835, %select_n3A_1850 : vector<16xf32>
      %get3A_1852 = arith.constant 6 : i32
      %get3A_1853 = arith.constant 7 : i32
      %get3A_1854 = arith.index_cast %get3A_1852 : i32 to index
      %get3A_1855 = arith.index_cast %get3A_1853 : i32 to index
      %get3A_1856 = arith.constant 96 : index
      %get3A_1857 = tpu.vector_load %arg6[%get3A_1854, %get3A_1855, %get3A_1856] {strides = array<i32>} : memref<20x8x128xf32, #tpu.memory_space<vmem>>, vector<1x1x16xf32>,
      %get3A_1858 = vector.shape_cast %get3A_1857 : vector<1x1x16xf32> to vector<16xf32>
      %add3A_1859 = arith.constant 96 : i32
      %add3A_1860 = vector.broadcast %add3A_1859 : i32 to vector<16xi32>
      %add3A_1861 = arith.addi %add3A_1860, %iota3A : vector<16xi32>
      %eq3A_1862 = vector.broadcast %select_n3A_1755 : i32 to vector<16xi32>
      %eq3A_1863 = arith.cmpi eq, %add3A_1861, %eq3A_1862 : vector<16xi32>
      %jit3A_1864 = arith.constant 1.000000e+00 : f32
      %broadcast_in_dim3A_1865 = vector.broadcast %jit3A_1864 : f32 to vector<16xf32>
      %select_n3A_1866 = arith.select %eq3A_1863, %get3A_1858, %broadcast_in_dim3A_1865 : vector<16xi1>, vector<16xf32>
      %mul3A_1867 = arith.mulf %mul3A_1851, %select_n3A_1866 : vector<16xf32>
      %get3A_1868 = arith.constant 6 : i32
      %get3A_1869 = arith.constant 7 : i32
      %get3A_1870 = arith.index_cast %get3A_1868 : i32 to index
      %get3A_1871 = arith.index_cast %get3A_1869 : i32 to index
      %get3A_1872 = arith.constant 112 : index
      %get3A_1873 = tpu.vector_load %arg6[%get3A_1870, %get3A_1871, %get3A_1872] {strides = array<i32>} : memref<20x8x128xf32, #tpu.memory_space<vmem>>, vector<1x1x16xf32>,
      %get3A_1874 = vector.shape_cast %get3A_1873 : vector<1x1x16xf32> to vector<16xf32>
      %add3A_1875 = arith.constant 112 : i32
      %add3A_1876 = vector.broadcast %add3A_1875 : i32 to vector<16xi32>
      %add3A_1877 = arith.addi %add3A_1876, %iota3A : vector<16xi32>
      %eq3A_1878 = vector.broadcast %select_n3A_1755 : i32 to vector<16xi32>
      %eq3A_1879 = arith.cmpi eq, %add3A_1877, %eq3A_1878 : vector<16xi32>
      %jit3A_1880 = arith.constant 1.000000e+00 : f32
      %broadcast_in_dim3A_1881 = vector.broadcast %jit3A_1880 : f32 to vector<16xf32>
      %select_n3A_1882 = arith.select %eq3A_1879, %get3A_1874, %broadcast_in_dim3A_1881 : vector<16xi1>, vector<16xf32>
      %mul3A_1883 = arith.mulf %mul3A_1867, %select_n3A_1882 : vector<16xf32>
      %jit3A_1884 = arith.constant 1.000000e+00 : f32
      %jit3A_1885 = arith.constant 0.000000e+00 : f32
      %select_n3A_1886 = arith.select %ge3A_1749, %jit3A_1884, %jit3A_1885 : f32
      %add3A_1887 = arith.addf %add3A_1745, %select_n3A_1886 : f32
      %slice3A_1888 = vector.extract_strided_slice %get3A_5 {offsets = [7], sizes = [1], strides = [1]} : vector<16xi32> to vector<1xi32>
      %squeeze3A_1889 = vector.extract %slice3A_1888[0] : i32 from vector<1xi32>
      %ge3A_1890 = arith.constant 0 : i32
      %ge3A_1891 = arith.cmpi sge, %squeeze3A_1889, %ge3A_1890 : i32
      %max3A_1892 = arith.constant 0 : i32
      %max3A_1893 = arith.maxsi %squeeze3A_1889, %max3A_1892 : i32
      %and3A_1894 = arith.constant 127 : i32
      %and3A_1895 = arith.andi %max3A_1893, %and3A_1894 : i32
      %jit3A_1896 = arith.constant 128 : i32
      %select_n3A_1897 = arith.select %ge3A_1891, %and3A_1895, %jit3A_1896 : i32
      %get3A_1898 = arith.constant 7 : i32
      %get3A_1899 = arith.constant 0 : i32
      %get3A_1900 = arith.index_cast %get3A_1898 : i32 to index
      %get3A_1901 = arith.index_cast %get3A_1899 : i32 to index
      %get3A_1902 = arith.constant 0 : index
      %get3A_1903 = tpu.vector_load %arg6[%get3A_1900, %get3A_1901, %get3A_1902] {strides = array<i32>} : memref<20x8x128xf32, #tpu.memory_space<vmem>>, vector<1x1x16xf32>,
      %get3A_1904 = vector.shape_cast %get3A_1903 : vector<1x1x16xf32> to vector<16xf32>
      %add3A_1905 = arith.constant 0 : i32
      %add3A_1906 = vector.broadcast %add3A_1905 : i32 to vector<16xi32>
      %add3A_1907 = arith.addi %add3A_1906, %iota3A : vector<16xi32>
      %eq3A_1908 = vector.broadcast %select_n3A_1897 : i32 to vector<16xi32>
      %eq3A_1909 = arith.cmpi eq, %add3A_1907, %eq3A_1908 : vector<16xi32>
      %jit3A_1910 = arith.constant 1.000000e+00 : f32
      %broadcast_in_dim3A_1911 = vector.broadcast %jit3A_1910 : f32 to vector<16xf32>
      %select_n3A_1912 = arith.select %eq3A_1909, %get3A_1904, %broadcast_in_dim3A_1911 : vector<16xi1>, vector<16xf32>
      %mul3A_1913 = arith.mulf %mul3A_1883, %select_n3A_1912 : vector<16xf32>
      %get3A_1914 = arith.constant 7 : i32
      %get3A_1915 = arith.constant 0 : i32
      %get3A_1916 = arith.index_cast %get3A_1914 : i32 to index
      %get3A_1917 = arith.index_cast %get3A_1915 : i32 to index
      %get3A_1918 = arith.constant 16 : index
      %get3A_1919 = tpu.vector_load %arg6[%get3A_1916, %get3A_1917, %get3A_1918] {strides = array<i32>} : memref<20x8x128xf32, #tpu.memory_space<vmem>>, vector<1x1x16xf32>,
      %get3A_1920 = vector.shape_cast %get3A_1919 : vector<1x1x16xf32> to vector<16xf32>
      %add3A_1921 = arith.constant 16 : i32
      %add3A_1922 = vector.broadcast %add3A_1921 : i32 to vector<16xi32>
      %add3A_1923 = arith.addi %add3A_1922, %iota3A : vector<16xi32>
      %eq3A_1924 = vector.broadcast %select_n3A_1897 : i32 to vector<16xi32>
      %eq3A_1925 = arith.cmpi eq, %add3A_1923, %eq3A_1924 : vector<16xi32>
      %jit3A_1926 = arith.constant 1.000000e+00 : f32
      %broadcast_in_dim3A_1927 = vector.broadcast %jit3A_1926 : f32 to vector<16xf32>
      %select_n3A_1928 = arith.select %eq3A_1925, %get3A_1920, %broadcast_in_dim3A_1927 : vector<16xi1>, vector<16xf32>
      %mul3A_1929 = arith.mulf %mul3A_1913, %select_n3A_1928 : vector<16xf32>
      %get3A_1930 = arith.constant 7 : i32
      %get3A_1931 = arith.constant 0 : i32
      %get3A_1932 = arith.index_cast %get3A_1930 : i32 to index
      %get3A_1933 = arith.index_cast %get3A_1931 : i32 to index
      %get3A_1934 = arith.constant 32 : index
      %get3A_1935 = tpu.vector_load %arg6[%get3A_1932, %get3A_1933, %get3A_1934] {strides = array<i32>} : memref<20x8x128xf32, #tpu.memory_space<vmem>>, vector<1x1x16xf32>,
      %get3A_1936 = vector.shape_cast %get3A_1935 : vector<1x1x16xf32> to vector<16xf32>
      %add3A_1937 = arith.constant 32 : i32
      %add3A_1938 = vector.broadcast %add3A_1937 : i32 to vector<16xi32>
      %add3A_1939 = arith.addi %add3A_1938, %iota3A : vector<16xi32>
      %eq3A_1940 = vector.broadcast %select_n3A_1897 : i32 to vector<16xi32>
      %eq3A_1941 = arith.cmpi eq, %add3A_1939, %eq3A_1940 : vector<16xi32>
      %jit3A_1942 = arith.constant 1.000000e+00 : f32
      %broadcast_in_dim3A_1943 = vector.broadcast %jit3A_1942 : f32 to vector<16xf32>
      %select_n3A_1944 = arith.select %eq3A_1941, %get3A_1936, %broadcast_in_dim3A_1943 : vector<16xi1>, vector<16xf32>
      %mul3A_1945 = arith.mulf %mul3A_1929, %select_n3A_1944 : vector<16xf32>
      %get3A_1946 = arith.constant 7 : i32
      %get3A_1947 = arith.constant 0 : i32
      %get3A_1948 = arith.index_cast %get3A_1946 : i32 to index
      %get3A_1949 = arith.index_cast %get3A_1947 : i32 to index
      %get3A_1950 = arith.constant 48 : index
      %get3A_1951 = tpu.vector_load %arg6[%get3A_1948, %get3A_1949, %get3A_1950] {strides = array<i32>} : memref<20x8x128xf32, #tpu.memory_space<vmem>>, vector<1x1x16xf32>,
      %get3A_1952 = vector.shape_cast %get3A_1951 : vector<1x1x16xf32> to vector<16xf32>
      %add3A_1953 = arith.constant 48 : i32
      %add3A_1954 = vector.broadcast %add3A_1953 : i32 to vector<16xi32>
      %add3A_1955 = arith.addi %add3A_1954, %iota3A : vector<16xi32>
      %eq3A_1956 = vector.broadcast %select_n3A_1897 : i32 to vector<16xi32>
      %eq3A_1957 = arith.cmpi eq, %add3A_1955, %eq3A_1956 : vector<16xi32>
      %jit3A_1958 = arith.constant 1.000000e+00 : f32
      %broadcast_in_dim3A_1959 = vector.broadcast %jit3A_1958 : f32 to vector<16xf32>
      %select_n3A_1960 = arith.select %eq3A_1957, %get3A_1952, %broadcast_in_dim3A_1959 : vector<16xi1>, vector<16xf32>
      %mul3A_1961 = arith.mulf %mul3A_1945, %select_n3A_1960 : vector<16xf32>
      %get3A_1962 = arith.constant 7 : i32
      %get3A_1963 = arith.constant 0 : i32
      %get3A_1964 = arith.index_cast %get3A_1962 : i32 to index
      %get3A_1965 = arith.index_cast %get3A_1963 : i32 to index
      %get3A_1966 = arith.constant 64 : index
      %get3A_1967 = tpu.vector_load %arg6[%get3A_1964, %get3A_1965, %get3A_1966] {strides = array<i32>} : memref<20x8x128xf32, #tpu.memory_space<vmem>>, vector<1x1x16xf32>,
      %get3A_1968 = vector.shape_cast %get3A_1967 : vector<1x1x16xf32> to vector<16xf32>
      %add3A_1969 = arith.constant 64 : i32
      %add3A_1970 = vector.broadcast %add3A_1969 : i32 to vector<16xi32>
      %add3A_1971 = arith.addi %add3A_1970, %iota3A : vector<16xi32>
      %eq3A_1972 = vector.broadcast %select_n3A_1897 : i32 to vector<16xi32>
      %eq3A_1973 = arith.cmpi eq, %add3A_1971, %eq3A_1972 : vector<16xi32>
      %jit3A_1974 = arith.constant 1.000000e+00 : f32
      %broadcast_in_dim3A_1975 = vector.broadcast %jit3A_1974 : f32 to vector<16xf32>
      %select_n3A_1976 = arith.select %eq3A_1973, %get3A_1968, %broadcast_in_dim3A_1975 : vector<16xi1>, vector<16xf32>
      %mul3A_1977 = arith.mulf %mul3A_1961, %select_n3A_1976 : vector<16xf32>
      %get3A_1978 = arith.constant 7 : i32
      %get3A_1979 = arith.constant 0 : i32
      %get3A_1980 = arith.index_cast %get3A_1978 : i32 to index
      %get3A_1981 = arith.index_cast %get3A_1979 : i32 to index
      %get3A_1982 = arith.constant 80 : index
      %get3A_1983 = tpu.vector_load %arg6[%get3A_1980, %get3A_1981, %get3A_1982] {strides = array<i32>} : memref<20x8x128xf32, #tpu.memory_space<vmem>>, vector<1x1x16xf32>,
      %get3A_1984 = vector.shape_cast %get3A_1983 : vector<1x1x16xf32> to vector<16xf32>
      %add3A_1985 = arith.constant 80 : i32
      %add3A_1986 = vector.broadcast %add3A_1985 : i32 to vector<16xi32>
      %add3A_1987 = arith.addi %add3A_1986, %iota3A : vector<16xi32>
      %eq3A_1988 = vector.broadcast %select_n3A_1897 : i32 to vector<16xi32>
      %eq3A_1989 = arith.cmpi eq, %add3A_1987, %eq3A_1988 : vector<16xi32>
      %jit3A_1990 = arith.constant 1.000000e+00 : f32
      %broadcast_in_dim3A_1991 = vector.broadcast %jit3A_1990 : f32 to vector<16xf32>
      %select_n3A_1992 = arith.select %eq3A_1989, %get3A_1984, %broadcast_in_dim3A_1991 : vector<16xi1>, vector<16xf32>
      %mul3A_1993 = arith.mulf %mul3A_1977, %select_n3A_1992 : vector<16xf32>
      %get3A_1994 = arith.constant 7 : i32
      %get3A_1995 = arith.constant 0 : i32
      %get3A_1996 = arith.index_cast %get3A_1994 : i32 to index
      %get3A_1997 = arith.index_cast %get3A_1995 : i32 to index
      %get3A_1998 = arith.constant 96 : index
      %get3A_1999 = tpu.vector_load %arg6[%get3A_1996, %get3A_1997, %get3A_1998] {strides = array<i32>} : memref<20x8x128xf32, #tpu.memory_space<vmem>>, vector<1x1x16xf32>,
      %get3A_2000 = vector.shape_cast %get3A_1999 : vector<1x1x16xf32> to vector<16xf32>
      %add3A_2001 = arith.constant 96 : i32
      %add3A_2002 = vector.broadcast %add3A_2001 : i32 to vector<16xi32>
      %add3A_2003 = arith.addi %add3A_2002, %iota3A : vector<16xi32>
      %eq3A_2004 = vector.broadcast %select_n3A_1897 : i32 to vector<16xi32>
      %eq3A_2005 = arith.cmpi eq, %add3A_2003, %eq3A_2004 : vector<16xi32>
      %jit3A_2006 = arith.constant 1.000000e+00 : f32
      %broadcast_in_dim3A_2007 = vector.broadcast %jit3A_2006 : f32 to vector<16xf32>
      %select_n3A_2008 = arith.select %eq3A_2005, %get3A_2000, %broadcast_in_dim3A_2007 : vector<16xi1>, vector<16xf32>
      %mul3A_2009 = arith.mulf %mul3A_1993, %select_n3A_2008 : vector<16xf32>
      %get3A_2010 = arith.constant 7 : i32
      %get3A_2011 = arith.constant 0 : i32
      %get3A_2012 = arith.index_cast %get3A_2010 : i32 to index
      %get3A_2013 = arith.index_cast %get3A_2011 : i32 to index
      %get3A_2014 = arith.constant 112 : index
      %get3A_2015 = tpu.vector_load %arg6[%get3A_2012, %get3A_2013, %get3A_2014] {strides = array<i32>} : memref<20x8x128xf32, #tpu.memory_space<vmem>>, vector<1x1x16xf32>,
      %get3A_2016 = vector.shape_cast %get3A_2015 : vector<1x1x16xf32> to vector<16xf32>
      %add3A_2017 = arith.constant 112 : i32
      %add3A_2018 = vector.broadcast %add3A_2017 : i32 to vector<16xi32>
      %add3A_2019 = arith.addi %add3A_2018, %iota3A : vector<16xi32>
      %eq3A_2020 = vector.broadcast %select_n3A_1897 : i32 to vector<16xi32>
      %eq3A_2021 = arith.cmpi eq, %add3A_2019, %eq3A_2020 : vector<16xi32>
      %jit3A_2022 = arith.constant 1.000000e+00 : f32
      %broadcast_in_dim3A_2023 = vector.broadcast %jit3A_2022 : f32 to vector<16xf32>
      %select_n3A_2024 = arith.select %eq3A_2021, %get3A_2016, %broadcast_in_dim3A_2023 : vector<16xi1>, vector<16xf32>
      %mul3A_2025 = arith.mulf %mul3A_2009, %select_n3A_2024 : vector<16xf32>
      %jit3A_2026 = arith.constant 1.000000e+00 : f32
      %jit3A_2027 = arith.constant 0.000000e+00 : f32
      %select_n3A_2028 = arith.select %ge3A_1891, %jit3A_2026, %jit3A_2027 : f32
      %add3A_2029 = arith.addf %add3A_1887, %select_n3A_2028 : f32
      %slice3A_2030 = vector.extract_strided_slice %get3A_5 {offsets = [8], sizes = [1], strides = [1]} : vector<16xi32> to vector<1xi32>
      %squeeze3A_2031 = vector.extract %slice3A_2030[0] : i32 from vector<1xi32>
      %ge3A_2032 = arith.constant 0 : i32
      %ge3A_2033 = arith.cmpi sge, %squeeze3A_2031, %ge3A_2032 : i32
      %max3A_2034 = arith.constant 0 : i32
      %max3A_2035 = arith.maxsi %squeeze3A_2031, %max3A_2034 : i32
      %and3A_2036 = arith.constant 127 : i32
      %and3A_2037 = arith.andi %max3A_2035, %and3A_2036 : i32
      %jit3A_2038 = arith.constant 128 : i32
      %select_n3A_2039 = arith.select %ge3A_2033, %and3A_2037, %jit3A_2038 : i32
      %get3A_2040 = arith.constant 8 : i32
      %get3A_2041 = arith.constant 1 : i32
      %get3A_2042 = arith.index_cast %get3A_2040 : i32 to index
      %get3A_2043 = arith.index_cast %get3A_2041 : i32 to index
      %get3A_2044 = arith.constant 0 : index
      %get3A_2045 = tpu.vector_load %arg6[%get3A_2042, %get3A_2043, %get3A_2044] {strides = array<i32>} : memref<20x8x128xf32, #tpu.memory_space<vmem>>, vector<1x1x16xf32>,
      %get3A_2046 = vector.shape_cast %get3A_2045 : vector<1x1x16xf32> to vector<16xf32>
      %add3A_2047 = arith.constant 0 : i32
      %add3A_2048 = vector.broadcast %add3A_2047 : i32 to vector<16xi32>
      %add3A_2049 = arith.addi %add3A_2048, %iota3A : vector<16xi32>
      %eq3A_2050 = vector.broadcast %select_n3A_2039 : i32 to vector<16xi32>
      %eq3A_2051 = arith.cmpi eq, %add3A_2049, %eq3A_2050 : vector<16xi32>
      %jit3A_2052 = arith.constant 1.000000e+00 : f32
      %broadcast_in_dim3A_2053 = vector.broadcast %jit3A_2052 : f32 to vector<16xf32>
      %select_n3A_2054 = arith.select %eq3A_2051, %get3A_2046, %broadcast_in_dim3A_2053 : vector<16xi1>, vector<16xf32>
      %mul3A_2055 = arith.mulf %mul3A_2025, %select_n3A_2054 : vector<16xf32>
      %get3A_2056 = arith.constant 8 : i32
      %get3A_2057 = arith.constant 1 : i32
      %get3A_2058 = arith.index_cast %get3A_2056 : i32 to index
      %get3A_2059 = arith.index_cast %get3A_2057 : i32 to index
      %get3A_2060 = arith.constant 16 : index
      %get3A_2061 = tpu.vector_load %arg6[%get3A_2058, %get3A_2059, %get3A_2060] {strides = array<i32>} : memref<20x8x128xf32, #tpu.memory_space<vmem>>, vector<1x1x16xf32>,
      %get3A_2062 = vector.shape_cast %get3A_2061 : vector<1x1x16xf32> to vector<16xf32>
      %add3A_2063 = arith.constant 16 : i32
      %add3A_2064 = vector.broadcast %add3A_2063 : i32 to vector<16xi32>
      %add3A_2065 = arith.addi %add3A_2064, %iota3A : vector<16xi32>
      %eq3A_2066 = vector.broadcast %select_n3A_2039 : i32 to vector<16xi32>
      %eq3A_2067 = arith.cmpi eq, %add3A_2065, %eq3A_2066 : vector<16xi32>
      %jit3A_2068 = arith.constant 1.000000e+00 : f32
      %broadcast_in_dim3A_2069 = vector.broadcast %jit3A_2068 : f32 to vector<16xf32>
      %select_n3A_2070 = arith.select %eq3A_2067, %get3A_2062, %broadcast_in_dim3A_2069 : vector<16xi1>, vector<16xf32>
      %mul3A_2071 = arith.mulf %mul3A_2055, %select_n3A_2070 : vector<16xf32>
      %get3A_2072 = arith.constant 8 : i32
      %get3A_2073 = arith.constant 1 : i32
      %get3A_2074 = arith.index_cast %get3A_2072 : i32 to index
      %get3A_2075 = arith.index_cast %get3A_2073 : i32 to index
      %get3A_2076 = arith.constant 32 : index
      %get3A_2077 = tpu.vector_load %arg6[%get3A_2074, %get3A_2075, %get3A_2076] {strides = array<i32>} : memref<20x8x128xf32, #tpu.memory_space<vmem>>, vector<1x1x16xf32>,
      %get3A_2078 = vector.shape_cast %get3A_2077 : vector<1x1x16xf32> to vector<16xf32>
      %add3A_2079 = arith.constant 32 : i32
      %add3A_2080 = vector.broadcast %add3A_2079 : i32 to vector<16xi32>
      %add3A_2081 = arith.addi %add3A_2080, %iota3A : vector<16xi32>
      %eq3A_2082 = vector.broadcast %select_n3A_2039 : i32 to vector<16xi32>
      %eq3A_2083 = arith.cmpi eq, %add3A_2081, %eq3A_2082 : vector<16xi32>
      %jit3A_2084 = arith.constant 1.000000e+00 : f32
      %broadcast_in_dim3A_2085 = vector.broadcast %jit3A_2084 : f32 to vector<16xf32>
      %select_n3A_2086 = arith.select %eq3A_2083, %get3A_2078, %broadcast_in_dim3A_2085 : vector<16xi1>, vector<16xf32>
      %mul3A_2087 = arith.mulf %mul3A_2071, %select_n3A_2086 : vector<16xf32>
      %get3A_2088 = arith.constant 8 : i32
      %get3A_2089 = arith.constant 1 : i32
      %get3A_2090 = arith.index_cast %get3A_2088 : i32 to index
      %get3A_2091 = arith.index_cast %get3A_2089 : i32 to index
      %get3A_2092 = arith.constant 48 : index
      %get3A_2093 = tpu.vector_load %arg6[%get3A_2090, %get3A_2091, %get3A_2092] {strides = array<i32>} : memref<20x8x128xf32, #tpu.memory_space<vmem>>, vector<1x1x16xf32>,
      %get3A_2094 = vector.shape_cast %get3A_2093 : vector<1x1x16xf32> to vector<16xf32>
      %add3A_2095 = arith.constant 48 : i32
      %add3A_2096 = vector.broadcast %add3A_2095 : i32 to vector<16xi32>
      %add3A_2097 = arith.addi %add3A_2096, %iota3A : vector<16xi32>
      %eq3A_2098 = vector.broadcast %select_n3A_2039 : i32 to vector<16xi32>
      %eq3A_2099 = arith.cmpi eq, %add3A_2097, %eq3A_2098 : vector<16xi32>
      %jit3A_2100 = arith.constant 1.000000e+00 : f32
      %broadcast_in_dim3A_2101 = vector.broadcast %jit3A_2100 : f32 to vector<16xf32>
      %select_n3A_2102 = arith.select %eq3A_2099, %get3A_2094, %broadcast_in_dim3A_2101 : vector<16xi1>, vector<16xf32>
      %mul3A_2103 = arith.mulf %mul3A_2087, %select_n3A_2102 : vector<16xf32>
      %get3A_2104 = arith.constant 8 : i32
      %get3A_2105 = arith.constant 1 : i32
      %get3A_2106 = arith.index_cast %get3A_2104 : i32 to index
      %get3A_2107 = arith.index_cast %get3A_2105 : i32 to index
      %get3A_2108 = arith.constant 64 : index
      %get3A_2109 = tpu.vector_load %arg6[%get3A_2106, %get3A_2107, %get3A_2108] {strides = array<i32>} : memref<20x8x128xf32, #tpu.memory_space<vmem>>, vector<1x1x16xf32>,
      %get3A_2110 = vector.shape_cast %get3A_2109 : vector<1x1x16xf32> to vector<16xf32>
      %add3A_2111 = arith.constant 64 : i32
      %add3A_2112 = vector.broadcast %add3A_2111 : i32 to vector<16xi32>
      %add3A_2113 = arith.addi %add3A_2112, %iota3A : vector<16xi32>
      %eq3A_2114 = vector.broadcast %select_n3A_2039 : i32 to vector<16xi32>
      %eq3A_2115 = arith.cmpi eq, %add3A_2113, %eq3A_2114 : vector<16xi32>
      %jit3A_2116 = arith.constant 1.000000e+00 : f32
      %broadcast_in_dim3A_2117 = vector.broadcast %jit3A_2116 : f32 to vector<16xf32>
      %select_n3A_2118 = arith.select %eq3A_2115, %get3A_2110, %broadcast_in_dim3A_2117 : vector<16xi1>, vector<16xf32>
      %mul3A_2119 = arith.mulf %mul3A_2103, %select_n3A_2118 : vector<16xf32>
      %get3A_2120 = arith.constant 8 : i32
      %get3A_2121 = arith.constant 1 : i32
      %get3A_2122 = arith.index_cast %get3A_2120 : i32 to index
      %get3A_2123 = arith.index_cast %get3A_2121 : i32 to index
      %get3A_2124 = arith.constant 80 : index
      %get3A_2125 = tpu.vector_load %arg6[%get3A_2122, %get3A_2123, %get3A_2124] {strides = array<i32>} : memref<20x8x128xf32, #tpu.memory_space<vmem>>, vector<1x1x16xf32>,
      %get3A_2126 = vector.shape_cast %get3A_2125 : vector<1x1x16xf32> to vector<16xf32>
      %add3A_2127 = arith.constant 80 : i32
      %add3A_2128 = vector.broadcast %add3A_2127 : i32 to vector<16xi32>
      %add3A_2129 = arith.addi %add3A_2128, %iota3A : vector<16xi32>
      %eq3A_2130 = vector.broadcast %select_n3A_2039 : i32 to vector<16xi32>
      %eq3A_2131 = arith.cmpi eq, %add3A_2129, %eq3A_2130 : vector<16xi32>
      %jit3A_2132 = arith.constant 1.000000e+00 : f32
      %broadcast_in_dim3A_2133 = vector.broadcast %jit3A_2132 : f32 to vector<16xf32>
      %select_n3A_2134 = arith.select %eq3A_2131, %get3A_2126, %broadcast_in_dim3A_2133 : vector<16xi1>, vector<16xf32>
      %mul3A_2135 = arith.mulf %mul3A_2119, %select_n3A_2134 : vector<16xf32>
      %get3A_2136 = arith.constant 8 : i32
      %get3A_2137 = arith.constant 1 : i32
      %get3A_2138 = arith.index_cast %get3A_2136 : i32 to index
      %get3A_2139 = arith.index_cast %get3A_2137 : i32 to index
      %get3A_2140 = arith.constant 96 : index
      %get3A_2141 = tpu.vector_load %arg6[%get3A_2138, %get3A_2139, %get3A_2140] {strides = array<i32>} : memref<20x8x128xf32, #tpu.memory_space<vmem>>, vector<1x1x16xf32>,
      %get3A_2142 = vector.shape_cast %get3A_2141 : vector<1x1x16xf32> to vector<16xf32>
      %add3A_2143 = arith.constant 96 : i32
      %add3A_2144 = vector.broadcast %add3A_2143 : i32 to vector<16xi32>
      %add3A_2145 = arith.addi %add3A_2144, %iota3A : vector<16xi32>
      %eq3A_2146 = vector.broadcast %select_n3A_2039 : i32 to vector<16xi32>
      %eq3A_2147 = arith.cmpi eq, %add3A_2145, %eq3A_2146 : vector<16xi32>
      %jit3A_2148 = arith.constant 1.000000e+00 : f32
      %broadcast_in_dim3A_2149 = vector.broadcast %jit3A_2148 : f32 to vector<16xf32>
      %select_n3A_2150 = arith.select %eq3A_2147, %get3A_2142, %broadcast_in_dim3A_2149 : vector<16xi1>, vector<16xf32>
      %mul3A_2151 = arith.mulf %mul3A_2135, %select_n3A_2150 : vector<16xf32>
      %get3A_2152 = arith.constant 8 : i32
      %get3A_2153 = arith.constant 1 : i32
      %get3A_2154 = arith.index_cast %get3A_2152 : i32 to index
      %get3A_2155 = arith.index_cast %get3A_2153 : i32 to index
      %get3A_2156 = arith.constant 112 : index
      %get3A_2157 = tpu.vector_load %arg6[%get3A_2154, %get3A_2155, %get3A_2156] {strides = array<i32>} : memref<20x8x128xf32, #tpu.memory_space<vmem>>, vector<1x1x16xf32>,
      %get3A_2158 = vector.shape_cast %get3A_2157 : vector<1x1x16xf32> to vector<16xf32>
      %add3A_2159 = arith.constant 112 : i32
      %add3A_2160 = vector.broadcast %add3A_2159 : i32 to vector<16xi32>
      %add3A_2161 = arith.addi %add3A_2160, %iota3A : vector<16xi32>
      %eq3A_2162 = vector.broadcast %select_n3A_2039 : i32 to vector<16xi32>
      %eq3A_2163 = arith.cmpi eq, %add3A_2161, %eq3A_2162 : vector<16xi32>
      %jit3A_2164 = arith.constant 1.000000e+00 : f32
      %broadcast_in_dim3A_2165 = vector.broadcast %jit3A_2164 : f32 to vector<16xf32>
      %select_n3A_2166 = arith.select %eq3A_2163, %get3A_2158, %broadcast_in_dim3A_2165 : vector<16xi1>, vector<16xf32>
      %mul3A_2167 = arith.mulf %mul3A_2151, %select_n3A_2166 : vector<16xf32>
      %jit3A_2168 = arith.constant 1.000000e+00 : f32
      %jit3A_2169 = arith.constant 0.000000e+00 : f32
      %select_n3A_2170 = arith.select %ge3A_2033, %jit3A_2168, %jit3A_2169 : f32
      %add3A_2171 = arith.addf %add3A_2029, %select_n3A_2170 : f32
      %slice3A_2172 = vector.extract_strided_slice %get3A_5 {offsets = [9], sizes = [1], strides = [1]} : vector<16xi32> to vector<1xi32>
      %squeeze3A_2173 = vector.extract %slice3A_2172[0] : i32 from vector<1xi32>
      %ge3A_2174 = arith.constant 0 : i32
      %ge3A_2175 = arith.cmpi sge, %squeeze3A_2173, %ge3A_2174 : i32
      %max3A_2176 = arith.constant 0 : i32
      %max3A_2177 = arith.maxsi %squeeze3A_2173, %max3A_2176 : i32
      %and3A_2178 = arith.constant 127 : i32
      %and3A_2179 = arith.andi %max3A_2177, %and3A_2178 : i32
      %jit3A_2180 = arith.constant 128 : i32
      %select_n3A_2181 = arith.select %ge3A_2175, %and3A_2179, %jit3A_2180 : i32
      %get3A_2182 = arith.constant 9 : i32
      %get3A_2183 = arith.constant 2 : i32
      %get3A_2184 = arith.index_cast %get3A_2182 : i32 to index
      %get3A_2185 = arith.index_cast %get3A_2183 : i32 to index
      %get3A_2186 = arith.constant 0 : index
      %get3A_2187 = tpu.vector_load %arg6[%get3A_2184, %get3A_2185, %get3A_2186] {strides = array<i32>} : memref<20x8x128xf32, #tpu.memory_space<vmem>>, vector<1x1x16xf32>,
      %get3A_2188 = vector.shape_cast %get3A_2187 : vector<1x1x16xf32> to vector<16xf32>
      %add3A_2189 = arith.constant 0 : i32
      %add3A_2190 = vector.broadcast %add3A_2189 : i32 to vector<16xi32>
      %add3A_2191 = arith.addi %add3A_2190, %iota3A : vector<16xi32>
      %eq3A_2192 = vector.broadcast %select_n3A_2181 : i32 to vector<16xi32>
      %eq3A_2193 = arith.cmpi eq, %add3A_2191, %eq3A_2192 : vector<16xi32>
      %jit3A_2194 = arith.constant 1.000000e+00 : f32
      %broadcast_in_dim3A_2195 = vector.broadcast %jit3A_2194 : f32 to vector<16xf32>
      %select_n3A_2196 = arith.select %eq3A_2193, %get3A_2188, %broadcast_in_dim3A_2195 : vector<16xi1>, vector<16xf32>
      %mul3A_2197 = arith.mulf %mul3A_2167, %select_n3A_2196 : vector<16xf32>
      %get3A_2198 = arith.constant 9 : i32
      %get3A_2199 = arith.constant 2 : i32
      %get3A_2200 = arith.index_cast %get3A_2198 : i32 to index
      %get3A_2201 = arith.index_cast %get3A_2199 : i32 to index
      %get3A_2202 = arith.constant 16 : index
      %get3A_2203 = tpu.vector_load %arg6[%get3A_2200, %get3A_2201, %get3A_2202] {strides = array<i32>} : memref<20x8x128xf32, #tpu.memory_space<vmem>>, vector<1x1x16xf32>,
      %get3A_2204 = vector.shape_cast %get3A_2203 : vector<1x1x16xf32> to vector<16xf32>
      %add3A_2205 = arith.constant 16 : i32
      %add3A_2206 = vector.broadcast %add3A_2205 : i32 to vector<16xi32>
      %add3A_2207 = arith.addi %add3A_2206, %iota3A : vector<16xi32>
      %eq3A_2208 = vector.broadcast %select_n3A_2181 : i32 to vector<16xi32>
      %eq3A_2209 = arith.cmpi eq, %add3A_2207, %eq3A_2208 : vector<16xi32>
      %jit3A_2210 = arith.constant 1.000000e+00 : f32
      %broadcast_in_dim3A_2211 = vector.broadcast %jit3A_2210 : f32 to vector<16xf32>
      %select_n3A_2212 = arith.select %eq3A_2209, %get3A_2204, %broadcast_in_dim3A_2211 : vector<16xi1>, vector<16xf32>
      %mul3A_2213 = arith.mulf %mul3A_2197, %select_n3A_2212 : vector<16xf32>
      %get3A_2214 = arith.constant 9 : i32
      %get3A_2215 = arith.constant 2 : i32
      %get3A_2216 = arith.index_cast %get3A_2214 : i32 to index
      %get3A_2217 = arith.index_cast %get3A_2215 : i32 to index
      %get3A_2218 = arith.constant 32 : index
      %get3A_2219 = tpu.vector_load %arg6[%get3A_2216, %get3A_2217, %get3A_2218] {strides = array<i32>} : memref<20x8x128xf32, #tpu.memory_space<vmem>>, vector<1x1x16xf32>,
      %get3A_2220 = vector.shape_cast %get3A_2219 : vector<1x1x16xf32> to vector<16xf32>
      %add3A_2221 = arith.constant 32 : i32
      %add3A_2222 = vector.broadcast %add3A_2221 : i32 to vector<16xi32>
      %add3A_2223 = arith.addi %add3A_2222, %iota3A : vector<16xi32>
      %eq3A_2224 = vector.broadcast %select_n3A_2181 : i32 to vector<16xi32>
      %eq3A_2225 = arith.cmpi eq, %add3A_2223, %eq3A_2224 : vector<16xi32>
      %jit3A_2226 = arith.constant 1.000000e+00 : f32
      %broadcast_in_dim3A_2227 = vector.broadcast %jit3A_2226 : f32 to vector<16xf32>
      %select_n3A_2228 = arith.select %eq3A_2225, %get3A_2220, %broadcast_in_dim3A_2227 : vector<16xi1>, vector<16xf32>
      %mul3A_2229 = arith.mulf %mul3A_2213, %select_n3A_2228 : vector<16xf32>
      %get3A_2230 = arith.constant 9 : i32
      %get3A_2231 = arith.constant 2 : i32
      %get3A_2232 = arith.index_cast %get3A_2230 : i32 to index
      %get3A_2233 = arith.index_cast %get3A_2231 : i32 to index
      %get3A_2234 = arith.constant 48 : index
      %get3A_2235 = tpu.vector_load %arg6[%get3A_2232, %get3A_2233, %get3A_2234] {strides = array<i32>} : memref<20x8x128xf32, #tpu.memory_space<vmem>>, vector<1x1x16xf32>,
      %get3A_2236 = vector.shape_cast %get3A_2235 : vector<1x1x16xf32> to vector<16xf32>
      %add3A_2237 = arith.constant 48 : i32
      %add3A_2238 = vector.broadcast %add3A_2237 : i32 to vector<16xi32>
      %add3A_2239 = arith.addi %add3A_2238, %iota3A : vector<16xi32>
      %eq3A_2240 = vector.broadcast %select_n3A_2181 : i32 to vector<16xi32>
      %eq3A_2241 = arith.cmpi eq, %add3A_2239, %eq3A_2240 : vector<16xi32>
      %jit3A_2242 = arith.constant 1.000000e+00 : f32
      %broadcast_in_dim3A_2243 = vector.broadcast %jit3A_2242 : f32 to vector<16xf32>
      %select_n3A_2244 = arith.select %eq3A_2241, %get3A_2236, %broadcast_in_dim3A_2243 : vector<16xi1>, vector<16xf32>
      %mul3A_2245 = arith.mulf %mul3A_2229, %select_n3A_2244 : vector<16xf32>
      %get3A_2246 = arith.constant 9 : i32
      %get3A_2247 = arith.constant 2 : i32
      %get3A_2248 = arith.index_cast %get3A_2246 : i32 to index
      %get3A_2249 = arith.index_cast %get3A_2247 : i32 to index
      %get3A_2250 = arith.constant 64 : index
      %get3A_2251 = tpu.vector_load %arg6[%get3A_2248, %get3A_2249, %get3A_2250] {strides = array<i32>} : memref<20x8x128xf32, #tpu.memory_space<vmem>>, vector<1x1x16xf32>,
      %get3A_2252 = vector.shape_cast %get3A_2251 : vector<1x1x16xf32> to vector<16xf32>
      %add3A_2253 = arith.constant 64 : i32
      %add3A_2254 = vector.broadcast %add3A_2253 : i32 to vector<16xi32>
      %add3A_2255 = arith.addi %add3A_2254, %iota3A : vector<16xi32>
      %eq3A_2256 = vector.broadcast %select_n3A_2181 : i32 to vector<16xi32>
      %eq3A_2257 = arith.cmpi eq, %add3A_2255, %eq3A_2256 : vector<16xi32>
      %jit3A_2258 = arith.constant 1.000000e+00 : f32
      %broadcast_in_dim3A_2259 = vector.broadcast %jit3A_2258 : f32 to vector<16xf32>
      %select_n3A_2260 = arith.select %eq3A_2257, %get3A_2252, %broadcast_in_dim3A_2259 : vector<16xi1>, vector<16xf32>
      %mul3A_2261 = arith.mulf %mul3A_2245, %select_n3A_2260 : vector<16xf32>
      %get3A_2262 = arith.constant 9 : i32
      %get3A_2263 = arith.constant 2 : i32
      %get3A_2264 = arith.index_cast %get3A_2262 : i32 to index
      %get3A_2265 = arith.index_cast %get3A_2263 : i32 to index
      %get3A_2266 = arith.constant 80 : index
      %get3A_2267 = tpu.vector_load %arg6[%get3A_2264, %get3A_2265, %get3A_2266] {strides = array<i32>} : memref<20x8x128xf32, #tpu.memory_space<vmem>>, vector<1x1x16xf32>,
      %get3A_2268 = vector.shape_cast %get3A_2267 : vector<1x1x16xf32> to vector<16xf32>
      %add3A_2269 = arith.constant 80 : i32
      %add3A_2270 = vector.broadcast %add3A_2269 : i32 to vector<16xi32>
      %add3A_2271 = arith.addi %add3A_2270, %iota3A : vector<16xi32>
      %eq3A_2272 = vector.broadcast %select_n3A_2181 : i32 to vector<16xi32>
      %eq3A_2273 = arith.cmpi eq, %add3A_2271, %eq3A_2272 : vector<16xi32>
      %jit3A_2274 = arith.constant 1.000000e+00 : f32
      %broadcast_in_dim3A_2275 = vector.broadcast %jit3A_2274 : f32 to vector<16xf32>
      %select_n3A_2276 = arith.select %eq3A_2273, %get3A_2268, %broadcast_in_dim3A_2275 : vector<16xi1>, vector<16xf32>
      %mul3A_2277 = arith.mulf %mul3A_2261, %select_n3A_2276 : vector<16xf32>
      %get3A_2278 = arith.constant 9 : i32
      %get3A_2279 = arith.constant 2 : i32
      %get3A_2280 = arith.index_cast %get3A_2278 : i32 to index
      %get3A_2281 = arith.index_cast %get3A_2279 : i32 to index
      %get3A_2282 = arith.constant 96 : index
      %get3A_2283 = tpu.vector_load %arg6[%get3A_2280, %get3A_2281, %get3A_2282] {strides = array<i32>} : memref<20x8x128xf32, #tpu.memory_space<vmem>>, vector<1x1x16xf32>,
      %get3A_2284 = vector.shape_cast %get3A_2283 : vector<1x1x16xf32> to vector<16xf32>
      %add3A_2285 = arith.constant 96 : i32
      %add3A_2286 = vector.broadcast %add3A_2285 : i32 to vector<16xi32>
      %add3A_2287 = arith.addi %add3A_2286, %iota3A : vector<16xi32>
      %eq3A_2288 = vector.broadcast %select_n3A_2181 : i32 to vector<16xi32>
      %eq3A_2289 = arith.cmpi eq, %add3A_2287, %eq3A_2288 : vector<16xi32>
      %jit3A_2290 = arith.constant 1.000000e+00 : f32
      %broadcast_in_dim3A_2291 = vector.broadcast %jit3A_2290 : f32 to vector<16xf32>
      %select_n3A_2292 = arith.select %eq3A_2289, %get3A_2284, %broadcast_in_dim3A_2291 : vector<16xi1>, vector<16xf32>
      %mul3A_2293 = arith.mulf %mul3A_2277, %select_n3A_2292 : vector<16xf32>
      %get3A_2294 = arith.constant 9 : i32
      %get3A_2295 = arith.constant 2 : i32
      %get3A_2296 = arith.index_cast %get3A_2294 : i32 to index
      %get3A_2297 = arith.index_cast %get3A_2295 : i32 to index
      %get3A_2298 = arith.constant 112 : index
      %get3A_2299 = tpu.vector_load %arg6[%get3A_2296, %get3A_2297, %get3A_2298] {strides = array<i32>} : memref<20x8x128xf32, #tpu.memory_space<vmem>>, vector<1x1x16xf32>,
      %get3A_2300 = vector.shape_cast %get3A_2299 : vector<1x1x16xf32> to vector<16xf32>
      %add3A_2301 = arith.constant 112 : i32
      %add3A_2302 = vector.broadcast %add3A_2301 : i32 to vector<16xi32>
      %add3A_2303 = arith.addi %add3A_2302, %iota3A : vector<16xi32>
      %eq3A_2304 = vector.broadcast %select_n3A_2181 : i32 to vector<16xi32>
      %eq3A_2305 = arith.cmpi eq, %add3A_2303, %eq3A_2304 : vector<16xi32>
      %jit3A_2306 = arith.constant 1.000000e+00 : f32
      %broadcast_in_dim3A_2307 = vector.broadcast %jit3A_2306 : f32 to vector<16xf32>
      %select_n3A_2308 = arith.select %eq3A_2305, %get3A_2300, %broadcast_in_dim3A_2307 : vector<16xi1>, vector<16xf32>
      %mul3A_2309 = arith.mulf %mul3A_2293, %select_n3A_2308 : vector<16xf32>
      %jit3A_2310 = arith.constant 1.000000e+00 : f32
      %jit3A_2311 = arith.constant 0.000000e+00 : f32
      %select_n3A_2312 = arith.select %ge3A_2175, %jit3A_2310, %jit3A_2311 : f32
      %add3A_2313 = arith.addf %add3A_2171, %select_n3A_2312 : f32
      %bitcast_convert_type3A_2314 = tpu.bitcast %mul3A_2309 : vector<16xf32> -> vector<16xi32>
      %shift_right_arithmetic3A_2315 = arith.constant 23 : i32
      %shift_right_arithmetic3A_2316 = vector.broadcast %shift_right_arithmetic3A_2315 : i32 to vector<16xi32>
      %shift_right_arithmetic3A_2317 = arith.shrsi %bitcast_convert_type3A_2314, %shift_right_arithmetic3A_2316 : vector<16xi32>
      %sub3A_2318 = arith.constant 127 : i32
      %sub3A_2319 = vector.broadcast %sub3A_2318 : i32 to vector<16xi32>
      %sub3A_2320 = arith.subi %shift_right_arithmetic3A_2317, %sub3A_2319 : vector<16xi32>
      %and3A_2321 = arith.constant 8388607 : i32
      %and3A_2322 = vector.broadcast %and3A_2321 : i32 to vector<16xi32>
      %and3A_2323 = arith.andi %bitcast_convert_type3A_2314, %and3A_2322 : vector<16xi32>
      %or3A_2324 = arith.constant 1065353216 : i32
      %or3A_2325 = vector.broadcast %or3A_2324 : i32 to vector<16xi32>
      %or3A_2326 = arith.ori %and3A_2323, %or3A_2325 : vector<16xi32>
      %bitcast_convert_type3A_2327 = tpu.bitcast %or3A_2326 : vector<16xi32> -> vector<16xf32>
      %gt3A_2328 = arith.constant 1.41421354 : f32
      %gt3A_2329 = vector.broadcast %gt3A_2328 : f32 to vector<16xf32>
      %gt3A_2330 = arith.cmpf ogt, %bitcast_convert_type3A_2327, %gt3A_2329 : vector<16xf32>
      %mul3A_2331 = arith.constant 5.000000e-01 : f32
      %mul3A_2332 = vector.broadcast %mul3A_2331 : f32 to vector<16xf32>
      %mul3A_2333 = arith.mulf %bitcast_convert_type3A_2327, %mul3A_2332 : vector<16xf32>
      %select_n3A_2334 = arith.select %gt3A_2330, %mul3A_2333, %bitcast_convert_type3A_2327 : vector<16xi1>, vector<16xf32>
      %add3A_2335 = arith.constant 1 : i32
      %add3A_2336 = vector.broadcast %add3A_2335 : i32 to vector<16xi32>
      %add3A_2337 = arith.addi %sub3A_2320, %add3A_2336 : vector<16xi32>
      %select_n3A_2338 = arith.select %gt3A_2330, %add3A_2337, %sub3A_2320 : vector<16xi1>, vector<16xi32>
      %convert_element_type3A_2339 = arith.sitofp %select_n3A_2338 : vector<16xi32> to vector<16xf32>
      %sub3A_2340 = arith.constant 1.000000e+00 : f32
      %sub3A_2341 = vector.broadcast %sub3A_2340 : f32 to vector<16xf32>
      %sub3A_2342 = arith.subf %select_n3A_2334, %sub3A_2341 : vector<16xf32>
      %mul3A_2343 = arith.mulf %sub3A_2342, %sub3A_2342 : vector<16xf32>
      %broadcast_in_dim3A_2344 = arith.constant 0.0703768358 : f32
      %broadcast_in_dim3A_2345 = vector.broadcast %broadcast_in_dim3A_2344 : f32 to vector<16xf32>
      %mul3A_2346 = arith.mulf %broadcast_in_dim3A_2345, %sub3A_2342 : vector<16xf32>
      %add3A_2347 = arith.constant -0.115146101 : f32
      %add3A_2348 = vector.broadcast %add3A_2347 : f32 to vector<16xf32>
      %add3A_2349 = arith.addf %mul3A_2346, %add3A_2348 : vector<16xf32>
      %mul3A_2350 = arith.mulf %add3A_2349, %sub3A_2342 : vector<16xf32>
      %add3A_2351 = arith.constant 0.116769984 : f32
      %add3A_2352 = vector.broadcast %add3A_2351 : f32 to vector<16xf32>
      %add3A_2353 = arith.addf %mul3A_2350, %add3A_2352 : vector<16xf32>
      %mul3A_2354 = arith.mulf %add3A_2353, %sub3A_2342 : vector<16xf32>
      %add3A_2355 = arith.constant -0.12420141 : f32
      %add3A_2356 = vector.broadcast %add3A_2355 : f32 to vector<16xf32>
      %add3A_2357 = arith.addf %mul3A_2354, %add3A_2356 : vector<16xf32>
      %mul3A_2358 = arith.mulf %add3A_2357, %sub3A_2342 : vector<16xf32>
      %add3A_2359 = arith.constant 0.142493233 : f32
      %add3A_2360 = vector.broadcast %add3A_2359 : f32 to vector<16xf32>
      %add3A_2361 = arith.addf %mul3A_2358, %add3A_2360 : vector<16xf32>
      %mul3A_2362 = arith.mulf %add3A_2361, %sub3A_2342 : vector<16xf32>
      %add3A_2363 = arith.constant -0.166680574 : f32
      %add3A_2364 = vector.broadcast %add3A_2363 : f32 to vector<16xf32>
      %add3A_2365 = arith.addf %mul3A_2362, %add3A_2364 : vector<16xf32>
      %mul3A_2366 = arith.mulf %add3A_2365, %sub3A_2342 : vector<16xf32>
      %add3A_2367 = arith.constant 0.200007141 : f32
      %add3A_2368 = vector.broadcast %add3A_2367 : f32 to vector<16xf32>
      %add3A_2369 = arith.addf %mul3A_2366, %add3A_2368 : vector<16xf32>
      %mul3A_2370 = arith.mulf %add3A_2369, %sub3A_2342 : vector<16xf32>
      %add3A_2371 = arith.constant -0.24999994 : f32
      %add3A_2372 = vector.broadcast %add3A_2371 : f32 to vector<16xf32>
      %add3A_2373 = arith.addf %mul3A_2370, %add3A_2372 : vector<16xf32>
      %mul3A_2374 = arith.mulf %add3A_2373, %sub3A_2342 : vector<16xf32>
      %add3A_2375 = arith.constant 0.333333313 : f32
      %add3A_2376 = vector.broadcast %add3A_2375 : f32 to vector<16xf32>
      %add3A_2377 = arith.addf %mul3A_2374, %add3A_2376 : vector<16xf32>
      %mul3A_2378 = arith.mulf %sub3A_2342, %mul3A_2343 : vector<16xf32>
      %mul3A_2379 = arith.mulf %mul3A_2378, %add3A_2377 : vector<16xf32>
      %mul3A_2380 = arith.constant 5.000000e-01 : f32
      %mul3A_2381 = vector.broadcast %mul3A_2380 : f32 to vector<16xf32>
      %mul3A_2382 = arith.mulf %mul3A_2381, %mul3A_2343 : vector<16xf32>
      %sub3A_2383 = arith.subf %mul3A_2379, %mul3A_2382 : vector<16xf32>
      %add3A_2384 = arith.addf %sub3A_2342, %sub3A_2383 : vector<16xf32>
      %mul3A_2385 = arith.constant 0.693147182 : f32
      %mul3A_2386 = vector.broadcast %mul3A_2385 : f32 to vector<16xf32>
      %mul3A_2387 = arith.mulf %convert_element_type3A_2339, %mul3A_2386 : vector<16xf32>
      %add3A_2388 = arith.addf %add3A_2384, %mul3A_2387 : vector<16xf32>
      %add3A_2389 = arith.addf %add3A_1601, %add3A_2388 : vector<16xf32>
      %broadcast_in_dim3A_2390 = arith.constant 1.000000e+00 : f32
      %broadcast_in_dim3A_2391 = vector.broadcast %broadcast_in_dim3A_2390 : f32 to vector<16xf32>
      %slice3A_2392 = vector.extract_strided_slice %get3A_5 {offsets = [10], sizes = [1], strides = [1]} : vector<16xi32> to vector<1xi32>
      %squeeze3A_2393 = vector.extract %slice3A_2392[0] : i32 from vector<1xi32>
      %ge3A_2394 = arith.constant 0 : i32
      %ge3A_2395 = arith.cmpi sge, %squeeze3A_2393, %ge3A_2394 : i32
      %max3A_2396 = arith.constant 0 : i32
      %max3A_2397 = arith.maxsi %squeeze3A_2393, %max3A_2396 : i32
      %and3A_2398 = arith.constant 127 : i32
      %and3A_2399 = arith.andi %max3A_2397, %and3A_2398 : i32
      %jit3A_2400 = arith.constant 128 : i32
      %select_n3A_2401 = arith.select %ge3A_2395, %and3A_2399, %jit3A_2400 : i32
      %get3A_2402 = arith.constant 10 : i32
      %get3A_2403 = arith.constant 3 : i32
      %get3A_2404 = arith.index_cast %get3A_2402 : i32 to index
      %get3A_2405 = arith.index_cast %get3A_2403 : i32 to index
      %get3A_2406 = arith.constant 0 : index
      %get3A_2407 = tpu.vector_load %arg6[%get3A_2404, %get3A_2405, %get3A_2406] {strides = array<i32>} : memref<20x8x128xf32, #tpu.memory_space<vmem>>, vector<1x1x16xf32>,
      %get3A_2408 = vector.shape_cast %get3A_2407 : vector<1x1x16xf32> to vector<16xf32>
      %add3A_2409 = arith.constant 0 : i32
      %add3A_2410 = vector.broadcast %add3A_2409 : i32 to vector<16xi32>
      %add3A_2411 = arith.addi %add3A_2410, %iota3A : vector<16xi32>
      %eq3A_2412 = vector.broadcast %select_n3A_2401 : i32 to vector<16xi32>
      %eq3A_2413 = arith.cmpi eq, %add3A_2411, %eq3A_2412 : vector<16xi32>
      %jit3A_2414 = arith.constant 1.000000e+00 : f32
      %broadcast_in_dim3A_2415 = vector.broadcast %jit3A_2414 : f32 to vector<16xf32>
      %select_n3A_2416 = arith.select %eq3A_2413, %get3A_2408, %broadcast_in_dim3A_2415 : vector<16xi1>, vector<16xf32>
      %mul3A_2417 = arith.mulf %broadcast_in_dim3A_2391, %select_n3A_2416 : vector<16xf32>
      %get3A_2418 = arith.constant 10 : i32
      %get3A_2419 = arith.constant 3 : i32
      %get3A_2420 = arith.index_cast %get3A_2418 : i32 to index
      %get3A_2421 = arith.index_cast %get3A_2419 : i32 to index
      %get3A_2422 = arith.constant 16 : index
      %get3A_2423 = tpu.vector_load %arg6[%get3A_2420, %get3A_2421, %get3A_2422] {strides = array<i32>} : memref<20x8x128xf32, #tpu.memory_space<vmem>>, vector<1x1x16xf32>,
      %get3A_2424 = vector.shape_cast %get3A_2423 : vector<1x1x16xf32> to vector<16xf32>
      %add3A_2425 = arith.constant 16 : i32
      %add3A_2426 = vector.broadcast %add3A_2425 : i32 to vector<16xi32>
      %add3A_2427 = arith.addi %add3A_2426, %iota3A : vector<16xi32>
      %eq3A_2428 = vector.broadcast %select_n3A_2401 : i32 to vector<16xi32>
      %eq3A_2429 = arith.cmpi eq, %add3A_2427, %eq3A_2428 : vector<16xi32>
      %jit3A_2430 = arith.constant 1.000000e+00 : f32
      %broadcast_in_dim3A_2431 = vector.broadcast %jit3A_2430 : f32 to vector<16xf32>
      %select_n3A_2432 = arith.select %eq3A_2429, %get3A_2424, %broadcast_in_dim3A_2431 : vector<16xi1>, vector<16xf32>
      %mul3A_2433 = arith.mulf %mul3A_2417, %select_n3A_2432 : vector<16xf32>
      %get3A_2434 = arith.constant 10 : i32
      %get3A_2435 = arith.constant 3 : i32
      %get3A_2436 = arith.index_cast %get3A_2434 : i32 to index
      %get3A_2437 = arith.index_cast %get3A_2435 : i32 to index
      %get3A_2438 = arith.constant 32 : index
      %get3A_2439 = tpu.vector_load %arg6[%get3A_2436, %get3A_2437, %get3A_2438] {strides = array<i32>} : memref<20x8x128xf32, #tpu.memory_space<vmem>>, vector<1x1x16xf32>,
      %get3A_2440 = vector.shape_cast %get3A_2439 : vector<1x1x16xf32> to vector<16xf32>
      %add3A_2441 = arith.constant 32 : i32
      %add3A_2442 = vector.broadcast %add3A_2441 : i32 to vector<16xi32>
      %add3A_2443 = arith.addi %add3A_2442, %iota3A : vector<16xi32>
      %eq3A_2444 = vector.broadcast %select_n3A_2401 : i32 to vector<16xi32>
      %eq3A_2445 = arith.cmpi eq, %add3A_2443, %eq3A_2444 : vector<16xi32>
      %jit3A_2446 = arith.constant 1.000000e+00 : f32
      %broadcast_in_dim3A_2447 = vector.broadcast %jit3A_2446 : f32 to vector<16xf32>
      %select_n3A_2448 = arith.select %eq3A_2445, %get3A_2440, %broadcast_in_dim3A_2447 : vector<16xi1>, vector<16xf32>
      %mul3A_2449 = arith.mulf %mul3A_2433, %select_n3A_2448 : vector<16xf32>
      %get3A_2450 = arith.constant 10 : i32
      %get3A_2451 = arith.constant 3 : i32
      %get3A_2452 = arith.index_cast %get3A_2450 : i32 to index
      %get3A_2453 = arith.index_cast %get3A_2451 : i32 to index
      %get3A_2454 = arith.constant 48 : index
      %get3A_2455 = tpu.vector_load %arg6[%get3A_2452, %get3A_2453, %get3A_2454] {strides = array<i32>} : memref<20x8x128xf32, #tpu.memory_space<vmem>>, vector<1x1x16xf32>,
      %get3A_2456 = vector.shape_cast %get3A_2455 : vector<1x1x16xf32> to vector<16xf32>
      %add3A_2457 = arith.constant 48 : i32
      %add3A_2458 = vector.broadcast %add3A_2457 : i32 to vector<16xi32>
      %add3A_2459 = arith.addi %add3A_2458, %iota3A : vector<16xi32>
      %eq3A_2460 = vector.broadcast %select_n3A_2401 : i32 to vector<16xi32>
      %eq3A_2461 = arith.cmpi eq, %add3A_2459, %eq3A_2460 : vector<16xi32>
      %jit3A_2462 = arith.constant 1.000000e+00 : f32
      %broadcast_in_dim3A_2463 = vector.broadcast %jit3A_2462 : f32 to vector<16xf32>
      %select_n3A_2464 = arith.select %eq3A_2461, %get3A_2456, %broadcast_in_dim3A_2463 : vector<16xi1>, vector<16xf32>
      %mul3A_2465 = arith.mulf %mul3A_2449, %select_n3A_2464 : vector<16xf32>
      %get3A_2466 = arith.constant 10 : i32
      %get3A_2467 = arith.constant 3 : i32
      %get3A_2468 = arith.index_cast %get3A_2466 : i32 to index
      %get3A_2469 = arith.index_cast %get3A_2467 : i32 to index
      %get3A_2470 = arith.constant 64 : index
      %get3A_2471 = tpu.vector_load %arg6[%get3A_2468, %get3A_2469, %get3A_2470] {strides = array<i32>} : memref<20x8x128xf32, #tpu.memory_space<vmem>>, vector<1x1x16xf32>,
      %get3A_2472 = vector.shape_cast %get3A_2471 : vector<1x1x16xf32> to vector<16xf32>
      %add3A_2473 = arith.constant 64 : i32
      %add3A_2474 = vector.broadcast %add3A_2473 : i32 to vector<16xi32>
      %add3A_2475 = arith.addi %add3A_2474, %iota3A : vector<16xi32>
      %eq3A_2476 = vector.broadcast %select_n3A_2401 : i32 to vector<16xi32>
      %eq3A_2477 = arith.cmpi eq, %add3A_2475, %eq3A_2476 : vector<16xi32>
      %jit3A_2478 = arith.constant 1.000000e+00 : f32
      %broadcast_in_dim3A_2479 = vector.broadcast %jit3A_2478 : f32 to vector<16xf32>
      %select_n3A_2480 = arith.select %eq3A_2477, %get3A_2472, %broadcast_in_dim3A_2479 : vector<16xi1>, vector<16xf32>
      %mul3A_2481 = arith.mulf %mul3A_2465, %select_n3A_2480 : vector<16xf32>
      %get3A_2482 = arith.constant 10 : i32
      %get3A_2483 = arith.constant 3 : i32
      %get3A_2484 = arith.index_cast %get3A_2482 : i32 to index
      %get3A_2485 = arith.index_cast %get3A_2483 : i32 to index
      %get3A_2486 = arith.constant 80 : index
      %get3A_2487 = tpu.vector_load %arg6[%get3A_2484, %get3A_2485, %get3A_2486] {strides = array<i32>} : memref<20x8x128xf32, #tpu.memory_space<vmem>>, vector<1x1x16xf32>,
      %get3A_2488 = vector.shape_cast %get3A_2487 : vector<1x1x16xf32> to vector<16xf32>
      %add3A_2489 = arith.constant 80 : i32
      %add3A_2490 = vector.broadcast %add3A_2489 : i32 to vector<16xi32>
      %add3A_2491 = arith.addi %add3A_2490, %iota3A : vector<16xi32>
      %eq3A_2492 = vector.broadcast %select_n3A_2401 : i32 to vector<16xi32>
      %eq3A_2493 = arith.cmpi eq, %add3A_2491, %eq3A_2492 : vector<16xi32>
      %jit3A_2494 = arith.constant 1.000000e+00 : f32
      %broadcast_in_dim3A_2495 = vector.broadcast %jit3A_2494 : f32 to vector<16xf32>
      %select_n3A_2496 = arith.select %eq3A_2493, %get3A_2488, %broadcast_in_dim3A_2495 : vector<16xi1>, vector<16xf32>
      %mul3A_2497 = arith.mulf %mul3A_2481, %select_n3A_2496 : vector<16xf32>
      %get3A_2498 = arith.constant 10 : i32
      %get3A_2499 = arith.constant 3 : i32
      %get3A_2500 = arith.index_cast %get3A_2498 : i32 to index
      %get3A_2501 = arith.index_cast %get3A_2499 : i32 to index
      %get3A_2502 = arith.constant 96 : index
      %get3A_2503 = tpu.vector_load %arg6[%get3A_2500, %get3A_2501, %get3A_2502] {strides = array<i32>} : memref<20x8x128xf32, #tpu.memory_space<vmem>>, vector<1x1x16xf32>,
      %get3A_2504 = vector.shape_cast %get3A_2503 : vector<1x1x16xf32> to vector<16xf32>
      %add3A_2505 = arith.constant 96 : i32
      %add3A_2506 = vector.broadcast %add3A_2505 : i32 to vector<16xi32>
      %add3A_2507 = arith.addi %add3A_2506, %iota3A : vector<16xi32>
      %eq3A_2508 = vector.broadcast %select_n3A_2401 : i32 to vector<16xi32>
      %eq3A_2509 = arith.cmpi eq, %add3A_2507, %eq3A_2508 : vector<16xi32>
      %jit3A_2510 = arith.constant 1.000000e+00 : f32
      %broadcast_in_dim3A_2511 = vector.broadcast %jit3A_2510 : f32 to vector<16xf32>
      %select_n3A_2512 = arith.select %eq3A_2509, %get3A_2504, %broadcast_in_dim3A_2511 : vector<16xi1>, vector<16xf32>
      %mul3A_2513 = arith.mulf %mul3A_2497, %select_n3A_2512 : vector<16xf32>
      %get3A_2514 = arith.constant 10 : i32
      %get3A_2515 = arith.constant 3 : i32
      %get3A_2516 = arith.index_cast %get3A_2514 : i32 to index
      %get3A_2517 = arith.index_cast %get3A_2515 : i32 to index
      %get3A_2518 = arith.constant 112 : index
      %get3A_2519 = tpu.vector_load %arg6[%get3A_2516, %get3A_2517, %get3A_2518] {strides = array<i32>} : memref<20x8x128xf32, #tpu.memory_space<vmem>>, vector<1x1x16xf32>,
      %get3A_2520 = vector.shape_cast %get3A_2519 : vector<1x1x16xf32> to vector<16xf32>
      %add3A_2521 = arith.constant 112 : i32
      %add3A_2522 = vector.broadcast %add3A_2521 : i32 to vector<16xi32>
      %add3A_2523 = arith.addi %add3A_2522, %iota3A : vector<16xi32>
      %eq3A_2524 = vector.broadcast %select_n3A_2401 : i32 to vector<16xi32>
      %eq3A_2525 = arith.cmpi eq, %add3A_2523, %eq3A_2524 : vector<16xi32>
      %jit3A_2526 = arith.constant 1.000000e+00 : f32
      %broadcast_in_dim3A_2527 = vector.broadcast %jit3A_2526 : f32 to vector<16xf32>
      %select_n3A_2528 = arith.select %eq3A_2525, %get3A_2520, %broadcast_in_dim3A_2527 : vector<16xi1>, vector<16xf32>
      %mul3A_2529 = arith.mulf %mul3A_2513, %select_n3A_2528 : vector<16xf32>
      %jit3A_2530 = arith.constant 1.000000e+00 : f32
      %jit3A_2531 = arith.constant 0.000000e+00 : f32
      %select_n3A_2532 = arith.select %ge3A_2395, %jit3A_2530, %jit3A_2531 : f32
      %add3A_2533 = arith.addf %add3A_2313, %select_n3A_2532 : f32
      %slice3A_2534 = vector.extract_strided_slice %get3A_5 {offsets = [11], sizes = [1], strides = [1]} : vector<16xi32> to vector<1xi32>
      %squeeze3A_2535 = vector.extract %slice3A_2534[0] : i32 from vector<1xi32>
      %ge3A_2536 = arith.constant 0 : i32
      %ge3A_2537 = arith.cmpi sge, %squeeze3A_2535, %ge3A_2536 : i32
      %max3A_2538 = arith.constant 0 : i32
      %max3A_2539 = arith.maxsi %squeeze3A_2535, %max3A_2538 : i32
      %and3A_2540 = arith.constant 127 : i32
      %and3A_2541 = arith.andi %max3A_2539, %and3A_2540 : i32
      %jit3A_2542 = arith.constant 128 : i32
      %select_n3A_2543 = arith.select %ge3A_2537, %and3A_2541, %jit3A_2542 : i32
      %get3A_2544 = arith.constant 11 : i32
      %get3A_2545 = arith.constant 4 : i32
      %get3A_2546 = arith.index_cast %get3A_2544 : i32 to index
      %get3A_2547 = arith.index_cast %get3A_2545 : i32 to index
      %get3A_2548 = arith.constant 0 : index
      %get3A_2549 = tpu.vector_load %arg6[%get3A_2546, %get3A_2547, %get3A_2548] {strides = array<i32>} : memref<20x8x128xf32, #tpu.memory_space<vmem>>, vector<1x1x16xf32>,
      %get3A_2550 = vector.shape_cast %get3A_2549 : vector<1x1x16xf32> to vector<16xf32>
      %add3A_2551 = arith.constant 0 : i32
      %add3A_2552 = vector.broadcast %add3A_2551 : i32 to vector<16xi32>
      %add3A_2553 = arith.addi %add3A_2552, %iota3A : vector<16xi32>
      %eq3A_2554 = vector.broadcast %select_n3A_2543 : i32 to vector<16xi32>
      %eq3A_2555 = arith.cmpi eq, %add3A_2553, %eq3A_2554 : vector<16xi32>
      %jit3A_2556 = arith.constant 1.000000e+00 : f32
      %broadcast_in_dim3A_2557 = vector.broadcast %jit3A_2556 : f32 to vector<16xf32>
      %select_n3A_2558 = arith.select %eq3A_2555, %get3A_2550, %broadcast_in_dim3A_2557 : vector<16xi1>, vector<16xf32>
      %mul3A_2559 = arith.mulf %mul3A_2529, %select_n3A_2558 : vector<16xf32>
      %get3A_2560 = arith.constant 11 : i32
      %get3A_2561 = arith.constant 4 : i32
      %get3A_2562 = arith.index_cast %get3A_2560 : i32 to index
      %get3A_2563 = arith.index_cast %get3A_2561 : i32 to index
      %get3A_2564 = arith.constant 16 : index
      %get3A_2565 = tpu.vector_load %arg6[%get3A_2562, %get3A_2563, %get3A_2564] {strides = array<i32>} : memref<20x8x128xf32, #tpu.memory_space<vmem>>, vector<1x1x16xf32>,
      %get3A_2566 = vector.shape_cast %get3A_2565 : vector<1x1x16xf32> to vector<16xf32>
      %add3A_2567 = arith.constant 16 : i32
      %add3A_2568 = vector.broadcast %add3A_2567 : i32 to vector<16xi32>
      %add3A_2569 = arith.addi %add3A_2568, %iota3A : vector<16xi32>
      %eq3A_2570 = vector.broadcast %select_n3A_2543 : i32 to vector<16xi32>
      %eq3A_2571 = arith.cmpi eq, %add3A_2569, %eq3A_2570 : vector<16xi32>
      %jit3A_2572 = arith.constant 1.000000e+00 : f32
      %broadcast_in_dim3A_2573 = vector.broadcast %jit3A_2572 : f32 to vector<16xf32>
      %select_n3A_2574 = arith.select %eq3A_2571, %get3A_2566, %broadcast_in_dim3A_2573 : vector<16xi1>, vector<16xf32>
      %mul3A_2575 = arith.mulf %mul3A_2559, %select_n3A_2574 : vector<16xf32>
      %get3A_2576 = arith.constant 11 : i32
      %get3A_2577 = arith.constant 4 : i32
      %get3A_2578 = arith.index_cast %get3A_2576 : i32 to index
      %get3A_2579 = arith.index_cast %get3A_2577 : i32 to index
      %get3A_2580 = arith.constant 32 : index
      %get3A_2581 = tpu.vector_load %arg6[%get3A_2578, %get3A_2579, %get3A_2580] {strides = array<i32>} : memref<20x8x128xf32, #tpu.memory_space<vmem>>, vector<1x1x16xf32>,
      %get3A_2582 = vector.shape_cast %get3A_2581 : vector<1x1x16xf32> to vector<16xf32>
      %add3A_2583 = arith.constant 32 : i32
      %add3A_2584 = vector.broadcast %add3A_2583 : i32 to vector<16xi32>
      %add3A_2585 = arith.addi %add3A_2584, %iota3A : vector<16xi32>
      %eq3A_2586 = vector.broadcast %select_n3A_2543 : i32 to vector<16xi32>
      %eq3A_2587 = arith.cmpi eq, %add3A_2585, %eq3A_2586 : vector<16xi32>
      %jit3A_2588 = arith.constant 1.000000e+00 : f32
      %broadcast_in_dim3A_2589 = vector.broadcast %jit3A_2588 : f32 to vector<16xf32>
      %select_n3A_2590 = arith.select %eq3A_2587, %get3A_2582, %broadcast_in_dim3A_2589 : vector<16xi1>, vector<16xf32>
      %mul3A_2591 = arith.mulf %mul3A_2575, %select_n3A_2590 : vector<16xf32>
      %get3A_2592 = arith.constant 11 : i32
      %get3A_2593 = arith.constant 4 : i32
      %get3A_2594 = arith.index_cast %get3A_2592 : i32 to index
      %get3A_2595 = arith.index_cast %get3A_2593 : i32 to index
      %get3A_2596 = arith.constant 48 : index
      %get3A_2597 = tpu.vector_load %arg6[%get3A_2594, %get3A_2595, %get3A_2596] {strides = array<i32>} : memref<20x8x128xf32, #tpu.memory_space<vmem>>, vector<1x1x16xf32>,
      %get3A_2598 = vector.shape_cast %get3A_2597 : vector<1x1x16xf32> to vector<16xf32>
      %add3A_2599 = arith.constant 48 : i32
      %add3A_2600 = vector.broadcast %add3A_2599 : i32 to vector<16xi32>
      %add3A_2601 = arith.addi %add3A_2600, %iota3A : vector<16xi32>
      %eq3A_2602 = vector.broadcast %select_n3A_2543 : i32 to vector<16xi32>
      %eq3A_2603 = arith.cmpi eq, %add3A_2601, %eq3A_2602 : vector<16xi32>
      %jit3A_2604 = arith.constant 1.000000e+00 : f32
      %broadcast_in_dim3A_2605 = vector.broadcast %jit3A_2604 : f32 to vector<16xf32>
      %select_n3A_2606 = arith.select %eq3A_2603, %get3A_2598, %broadcast_in_dim3A_2605 : vector<16xi1>, vector<16xf32>
      %mul3A_2607 = arith.mulf %mul3A_2591, %select_n3A_2606 : vector<16xf32>
      %get3A_2608 = arith.constant 11 : i32
      %get3A_2609 = arith.constant 4 : i32
      %get3A_2610 = arith.index_cast %get3A_2608 : i32 to index
      %get3A_2611 = arith.index_cast %get3A_2609 : i32 to index
      %get3A_2612 = arith.constant 64 : index
      %get3A_2613 = tpu.vector_load %arg6[%get3A_2610, %get3A_2611, %get3A_2612] {strides = array<i32>} : memref<20x8x128xf32, #tpu.memory_space<vmem>>, vector<1x1x16xf32>,
      %get3A_2614 = vector.shape_cast %get3A_2613 : vector<1x1x16xf32> to vector<16xf32>
      %add3A_2615 = arith.constant 64 : i32
      %add3A_2616 = vector.broadcast %add3A_2615 : i32 to vector<16xi32>
      %add3A_2617 = arith.addi %add3A_2616, %iota3A : vector<16xi32>
      %eq3A_2618 = vector.broadcast %select_n3A_2543 : i32 to vector<16xi32>
      %eq3A_2619 = arith.cmpi eq, %add3A_2617, %eq3A_2618 : vector<16xi32>
      %jit3A_2620 = arith.constant 1.000000e+00 : f32
      %broadcast_in_dim3A_2621 = vector.broadcast %jit3A_2620 : f32 to vector<16xf32>
      %select_n3A_2622 = arith.select %eq3A_2619, %get3A_2614, %broadcast_in_dim3A_2621 : vector<16xi1>, vector<16xf32>
      %mul3A_2623 = arith.mulf %mul3A_2607, %select_n3A_2622 : vector<16xf32>
      %get3A_2624 = arith.constant 11 : i32
      %get3A_2625 = arith.constant 4 : i32
      %get3A_2626 = arith.index_cast %get3A_2624 : i32 to index
      %get3A_2627 = arith.index_cast %get3A_2625 : i32 to index
      %get3A_2628 = arith.constant 80 : index
      %get3A_2629 = tpu.vector_load %arg6[%get3A_2626, %get3A_2627, %get3A_2628] {strides = array<i32>} : memref<20x8x128xf32, #tpu.memory_space<vmem>>, vector<1x1x16xf32>,
      %get3A_2630 = vector.shape_cast %get3A_2629 : vector<1x1x16xf32> to vector<16xf32>
      %add3A_2631 = arith.constant 80 : i32
      %add3A_2632 = vector.broadcast %add3A_2631 : i32 to vector<16xi32>
      %add3A_2633 = arith.addi %add3A_2632, %iota3A : vector<16xi32>
      %eq3A_2634 = vector.broadcast %select_n3A_2543 : i32 to vector<16xi32>
      %eq3A_2635 = arith.cmpi eq, %add3A_2633, %eq3A_2634 : vector<16xi32>
      %jit3A_2636 = arith.constant 1.000000e+00 : f32
      %broadcast_in_dim3A_2637 = vector.broadcast %jit3A_2636 : f32 to vector<16xf32>
      %select_n3A_2638 = arith.select %eq3A_2635, %get3A_2630, %broadcast_in_dim3A_2637 : vector<16xi1>, vector<16xf32>
      %mul3A_2639 = arith.mulf %mul3A_2623, %select_n3A_2638 : vector<16xf32>
      %get3A_2640 = arith.constant 11 : i32
      %get3A_2641 = arith.constant 4 : i32
      %get3A_2642 = arith.index_cast %get3A_2640 : i32 to index
      %get3A_2643 = arith.index_cast %get3A_2641 : i32 to index
      %get3A_2644 = arith.constant 96 : index
      %get3A_2645 = tpu.vector_load %arg6[%get3A_2642, %get3A_2643, %get3A_2644] {strides = array<i32>} : memref<20x8x128xf32, #tpu.memory_space<vmem>>, vector<1x1x16xf32>,
      %get3A_2646 = vector.shape_cast %get3A_2645 : vector<1x1x16xf32> to vector<16xf32>
      %add3A_2647 = arith.constant 96 : i32
      %add3A_2648 = vector.broadcast %add3A_2647 : i32 to vector<16xi32>
      %add3A_2649 = arith.addi %add3A_2648, %iota3A : vector<16xi32>
      %eq3A_2650 = vector.broadcast %select_n3A_2543 : i32 to vector<16xi32>
      %eq3A_2651 = arith.cmpi eq, %add3A_2649, %eq3A_2650 : vector<16xi32>
      %jit3A_2652 = arith.constant 1.000000e+00 : f32
      %broadcast_in_dim3A_2653 = vector.broadcast %jit3A_2652 : f32 to vector<16xf32>
      %select_n3A_2654 = arith.select %eq3A_2651, %get3A_2646, %broadcast_in_dim3A_2653 : vector<16xi1>, vector<16xf32>
      %mul3A_2655 = arith.mulf %mul3A_2639, %select_n3A_2654 : vector<16xf32>
      %get3A_2656 = arith.constant 11 : i32
      %get3A_2657 = arith.constant 4 : i32
      %get3A_2658 = arith.index_cast %get3A_2656 : i32 to index
      %get3A_2659 = arith.index_cast %get3A_2657 : i32 to index
      %get3A_2660 = arith.constant 112 : index
      %get3A_2661 = tpu.vector_load %arg6[%get3A_2658, %get3A_2659, %get3A_2660] {strides = array<i32>} : memref<20x8x128xf32, #tpu.memory_space<vmem>>, vector<1x1x16xf32>,
      %get3A_2662 = vector.shape_cast %get3A_2661 : vector<1x1x16xf32> to vector<16xf32>
      %add3A_2663 = arith.constant 112 : i32
      %add3A_2664 = vector.broadcast %add3A_2663 : i32 to vector<16xi32>
      %add3A_2665 = arith.addi %add3A_2664, %iota3A : vector<16xi32>
      %eq3A_2666 = vector.broadcast %select_n3A_2543 : i32 to vector<16xi32>
      %eq3A_2667 = arith.cmpi eq, %add3A_2665, %eq3A_2666 : vector<16xi32>
      %jit3A_2668 = arith.constant 1.000000e+00 : f32
      %broadcast_in_dim3A_2669 = vector.broadcast %jit3A_2668 : f32 to vector<16xf32>
      %select_n3A_2670 = arith.select %eq3A_2667, %get3A_2662, %broadcast_in_dim3A_2669 : vector<16xi1>, vector<16xf32>
      %mul3A_2671 = arith.mulf %mul3A_2655, %select_n3A_2670 : vector<16xf32>
      %jit3A_2672 = arith.constant 1.000000e+00 : f32
      %jit3A_2673 = arith.constant 0.000000e+00 : f32
      %select_n3A_2674 = arith.select %ge3A_2537, %jit3A_2672, %jit3A_2673 : f32
      %add3A_2675 = arith.addf %add3A_2533, %select_n3A_2674 : f32
      %slice3A_2676 = vector.extract_strided_slice %get3A_5 {offsets = [12], sizes = [1], strides = [1]} : vector<16xi32> to vector<1xi32>
      %squeeze3A_2677 = vector.extract %slice3A_2676[0] : i32 from vector<1xi32>
      %ge3A_2678 = arith.constant 0 : i32
      %ge3A_2679 = arith.cmpi sge, %squeeze3A_2677, %ge3A_2678 : i32
      %max3A_2680 = arith.constant 0 : i32
      %max3A_2681 = arith.maxsi %squeeze3A_2677, %max3A_2680 : i32
      %and3A_2682 = arith.constant 127 : i32
      %and3A_2683 = arith.andi %max3A_2681, %and3A_2682 : i32
      %jit3A_2684 = arith.constant 128 : i32
      %select_n3A_2685 = arith.select %ge3A_2679, %and3A_2683, %jit3A_2684 : i32
      %get3A_2686 = arith.constant 12 : i32
      %get3A_2687 = arith.constant 5 : i32
      %get3A_2688 = arith.index_cast %get3A_2686 : i32 to index
      %get3A_2689 = arith.index_cast %get3A_2687 : i32 to index
      %get3A_2690 = arith.constant 0 : index
      %get3A_2691 = tpu.vector_load %arg6[%get3A_2688, %get3A_2689, %get3A_2690] {strides = array<i32>} : memref<20x8x128xf32, #tpu.memory_space<vmem>>, vector<1x1x16xf32>,
      %get3A_2692 = vector.shape_cast %get3A_2691 : vector<1x1x16xf32> to vector<16xf32>
      %add3A_2693 = arith.constant 0 : i32
      %add3A_2694 = vector.broadcast %add3A_2693 : i32 to vector<16xi32>
      %add3A_2695 = arith.addi %add3A_2694, %iota3A : vector<16xi32>
      %eq3A_2696 = vector.broadcast %select_n3A_2685 : i32 to vector<16xi32>
      %eq3A_2697 = arith.cmpi eq, %add3A_2695, %eq3A_2696 : vector<16xi32>
      %jit3A_2698 = arith.constant 1.000000e+00 : f32
      %broadcast_in_dim3A_2699 = vector.broadcast %jit3A_2698 : f32 to vector<16xf32>
      %select_n3A_2700 = arith.select %eq3A_2697, %get3A_2692, %broadcast_in_dim3A_2699 : vector<16xi1>, vector<16xf32>
      %mul3A_2701 = arith.mulf %mul3A_2671, %select_n3A_2700 : vector<16xf32>
      %get3A_2702 = arith.constant 12 : i32
      %get3A_2703 = arith.constant 5 : i32
      %get3A_2704 = arith.index_cast %get3A_2702 : i32 to index
      %get3A_2705 = arith.index_cast %get3A_2703 : i32 to index
      %get3A_2706 = arith.constant 16 : index
      %get3A_2707 = tpu.vector_load %arg6[%get3A_2704, %get3A_2705, %get3A_2706] {strides = array<i32>} : memref<20x8x128xf32, #tpu.memory_space<vmem>>, vector<1x1x16xf32>,
      %get3A_2708 = vector.shape_cast %get3A_2707 : vector<1x1x16xf32> to vector<16xf32>
      %add3A_2709 = arith.constant 16 : i32
      %add3A_2710 = vector.broadcast %add3A_2709 : i32 to vector<16xi32>
      %add3A_2711 = arith.addi %add3A_2710, %iota3A : vector<16xi32>
      %eq3A_2712 = vector.broadcast %select_n3A_2685 : i32 to vector<16xi32>
      %eq3A_2713 = arith.cmpi eq, %add3A_2711, %eq3A_2712 : vector<16xi32>
      %jit3A_2714 = arith.constant 1.000000e+00 : f32
      %broadcast_in_dim3A_2715 = vector.broadcast %jit3A_2714 : f32 to vector<16xf32>
      %select_n3A_2716 = arith.select %eq3A_2713, %get3A_2708, %broadcast_in_dim3A_2715 : vector<16xi1>, vector<16xf32>
      %mul3A_2717 = arith.mulf %mul3A_2701, %select_n3A_2716 : vector<16xf32>
      %get3A_2718 = arith.constant 12 : i32
      %get3A_2719 = arith.constant 5 : i32
      %get3A_2720 = arith.index_cast %get3A_2718 : i32 to index
      %get3A_2721 = arith.index_cast %get3A_2719 : i32 to index
      %get3A_2722 = arith.constant 32 : index
      %get3A_2723 = tpu.vector_load %arg6[%get3A_2720, %get3A_2721, %get3A_2722] {strides = array<i32>} : memref<20x8x128xf32, #tpu.memory_space<vmem>>, vector<1x1x16xf32>,
      %get3A_2724 = vector.shape_cast %get3A_2723 : vector<1x1x16xf32> to vector<16xf32>
      %add3A_2725 = arith.constant 32 : i32
      %add3A_2726 = vector.broadcast %add3A_2725 : i32 to vector<16xi32>
      %add3A_2727 = arith.addi %add3A_2726, %iota3A : vector<16xi32>
      %eq3A_2728 = vector.broadcast %select_n3A_2685 : i32 to vector<16xi32>
      %eq3A_2729 = arith.cmpi eq, %add3A_2727, %eq3A_2728 : vector<16xi32>
      %jit3A_2730 = arith.constant 1.000000e+00 : f32
      %broadcast_in_dim3A_2731 = vector.broadcast %jit3A_2730 : f32 to vector<16xf32>
      %select_n3A_2732 = arith.select %eq3A_2729, %get3A_2724, %broadcast_in_dim3A_2731 : vector<16xi1>, vector<16xf32>
      %mul3A_2733 = arith.mulf %mul3A_2717, %select_n3A_2732 : vector<16xf32>
      %get3A_2734 = arith.constant 12 : i32
      %get3A_2735 = arith.constant 5 : i32
      %get3A_2736 = arith.index_cast %get3A_2734 : i32 to index
      %get3A_2737 = arith.index_cast %get3A_2735 : i32 to index
      %get3A_2738 = arith.constant 48 : index
      %get3A_2739 = tpu.vector_load %arg6[%get3A_2736, %get3A_2737, %get3A_2738] {strides = array<i32>} : memref<20x8x128xf32, #tpu.memory_space<vmem>>, vector<1x1x16xf32>,
      %get3A_2740 = vector.shape_cast %get3A_2739 : vector<1x1x16xf32> to vector<16xf32>
      %add3A_2741 = arith.constant 48 : i32
      %add3A_2742 = vector.broadcast %add3A_2741 : i32 to vector<16xi32>
      %add3A_2743 = arith.addi %add3A_2742, %iota3A : vector<16xi32>
      %eq3A_2744 = vector.broadcast %select_n3A_2685 : i32 to vector<16xi32>
      %eq3A_2745 = arith.cmpi eq, %add3A_2743, %eq3A_2744 : vector<16xi32>
      %jit3A_2746 = arith.constant 1.000000e+00 : f32
      %broadcast_in_dim3A_2747 = vector.broadcast %jit3A_2746 : f32 to vector<16xf32>
      %select_n3A_2748 = arith.select %eq3A_2745, %get3A_2740, %broadcast_in_dim3A_2747 : vector<16xi1>, vector<16xf32>
      %mul3A_2749 = arith.mulf %mul3A_2733, %select_n3A_2748 : vector<16xf32>
      %get3A_2750 = arith.constant 12 : i32
      %get3A_2751 = arith.constant 5 : i32
      %get3A_2752 = arith.index_cast %get3A_2750 : i32 to index
      %get3A_2753 = arith.index_cast %get3A_2751 : i32 to index
      %get3A_2754 = arith.constant 64 : index
      %get3A_2755 = tpu.vector_load %arg6[%get3A_2752, %get3A_2753, %get3A_2754] {strides = array<i32>} : memref<20x8x128xf32, #tpu.memory_space<vmem>>, vector<1x1x16xf32>,
      %get3A_2756 = vector.shape_cast %get3A_2755 : vector<1x1x16xf32> to vector<16xf32>
      %add3A_2757 = arith.constant 64 : i32
      %add3A_2758 = vector.broadcast %add3A_2757 : i32 to vector<16xi32>
      %add3A_2759 = arith.addi %add3A_2758, %iota3A : vector<16xi32>
      %eq3A_2760 = vector.broadcast %select_n3A_2685 : i32 to vector<16xi32>
      %eq3A_2761 = arith.cmpi eq, %add3A_2759, %eq3A_2760 : vector<16xi32>
      %jit3A_2762 = arith.constant 1.000000e+00 : f32
      %broadcast_in_dim3A_2763 = vector.broadcast %jit3A_2762 : f32 to vector<16xf32>
      %select_n3A_2764 = arith.select %eq3A_2761, %get3A_2756, %broadcast_in_dim3A_2763 : vector<16xi1>, vector<16xf32>
      %mul3A_2765 = arith.mulf %mul3A_2749, %select_n3A_2764 : vector<16xf32>
      %get3A_2766 = arith.constant 12 : i32
      %get3A_2767 = arith.constant 5 : i32
      %get3A_2768 = arith.index_cast %get3A_2766 : i32 to index
      %get3A_2769 = arith.index_cast %get3A_2767 : i32 to index
      %get3A_2770 = arith.constant 80 : index
      %get3A_2771 = tpu.vector_load %arg6[%get3A_2768, %get3A_2769, %get3A_2770] {strides = array<i32>} : memref<20x8x128xf32, #tpu.memory_space<vmem>>, vector<1x1x16xf32>,
      %get3A_2772 = vector.shape_cast %get3A_2771 : vector<1x1x16xf32> to vector<16xf32>
      %add3A_2773 = arith.constant 80 : i32
      %add3A_2774 = vector.broadcast %add3A_2773 : i32 to vector<16xi32>
      %add3A_2775 = arith.addi %add3A_2774, %iota3A : vector<16xi32>
      %eq3A_2776 = vector.broadcast %select_n3A_2685 : i32 to vector<16xi32>
      %eq3A_2777 = arith.cmpi eq, %add3A_2775, %eq3A_2776 : vector<16xi32>
      %jit3A_2778 = arith.constant 1.000000e+00 : f32
      %broadcast_in_dim3A_2779 = vector.broadcast %jit3A_2778 : f32 to vector<16xf32>
      %select_n3A_2780 = arith.select %eq3A_2777, %get3A_2772, %broadcast_in_dim3A_2779 : vector<16xi1>, vector<16xf32>
      %mul3A_2781 = arith.mulf %mul3A_2765, %select_n3A_2780 : vector<16xf32>
      %get3A_2782 = arith.constant 12 : i32
      %get3A_2783 = arith.constant 5 : i32
      %get3A_2784 = arith.index_cast %get3A_2782 : i32 to index
      %get3A_2785 = arith.index_cast %get3A_2783 : i32 to index
      %get3A_2786 = arith.constant 96 : index
      %get3A_2787 = tpu.vector_load %arg6[%get3A_2784, %get3A_2785, %get3A_2786] {strides = array<i32>} : memref<20x8x128xf32, #tpu.memory_space<vmem>>, vector<1x1x16xf32>,
      %get3A_2788 = vector.shape_cast %get3A_2787 : vector<1x1x16xf32> to vector<16xf32>
      %add3A_2789 = arith.constant 96 : i32
      %add3A_2790 = vector.broadcast %add3A_2789 : i32 to vector<16xi32>
      %add3A_2791 = arith.addi %add3A_2790, %iota3A : vector<16xi32>
      %eq3A_2792 = vector.broadcast %select_n3A_2685 : i32 to vector<16xi32>
      %eq3A_2793 = arith.cmpi eq, %add3A_2791, %eq3A_2792 : vector<16xi32>
      %jit3A_2794 = arith.constant 1.000000e+00 : f32
      %broadcast_in_dim3A_2795 = vector.broadcast %jit3A_2794 : f32 to vector<16xf32>
      %select_n3A_2796 = arith.select %eq3A_2793, %get3A_2788, %broadcast_in_dim3A_2795 : vector<16xi1>, vector<16xf32>
      %mul3A_2797 = arith.mulf %mul3A_2781, %select_n3A_2796 : vector<16xf32>
      %get3A_2798 = arith.constant 12 : i32
      %get3A_2799 = arith.constant 5 : i32
      %get3A_2800 = arith.index_cast %get3A_2798 : i32 to index
      %get3A_2801 = arith.index_cast %get3A_2799 : i32 to index
      %get3A_2802 = arith.constant 112 : index
      %get3A_2803 = tpu.vector_load %arg6[%get3A_2800, %get3A_2801, %get3A_2802] {strides = array<i32>} : memref<20x8x128xf32, #tpu.memory_space<vmem>>, vector<1x1x16xf32>,
      %get3A_2804 = vector.shape_cast %get3A_2803 : vector<1x1x16xf32> to vector<16xf32>
      %add3A_2805 = arith.constant 112 : i32
      %add3A_2806 = vector.broadcast %add3A_2805 : i32 to vector<16xi32>
      %add3A_2807 = arith.addi %add3A_2806, %iota3A : vector<16xi32>
      %eq3A_2808 = vector.broadcast %select_n3A_2685 : i32 to vector<16xi32>
      %eq3A_2809 = arith.cmpi eq, %add3A_2807, %eq3A_2808 : vector<16xi32>
      %jit3A_2810 = arith.constant 1.000000e+00 : f32
      %broadcast_in_dim3A_2811 = vector.broadcast %jit3A_2810 : f32 to vector<16xf32>
      %select_n3A_2812 = arith.select %eq3A_2809, %get3A_2804, %broadcast_in_dim3A_2811 : vector<16xi1>, vector<16xf32>
      %mul3A_2813 = arith.mulf %mul3A_2797, %select_n3A_2812 : vector<16xf32>
      %jit3A_2814 = arith.constant 1.000000e+00 : f32
      %jit3A_2815 = arith.constant 0.000000e+00 : f32
      %select_n3A_2816 = arith.select %ge3A_2679, %jit3A_2814, %jit3A_2815 : f32
      %add3A_2817 = arith.addf %add3A_2675, %select_n3A_2816 : f32
      %slice3A_2818 = vector.extract_strided_slice %get3A_5 {offsets = [13], sizes = [1], strides = [1]} : vector<16xi32> to vector<1xi32>
      %squeeze3A_2819 = vector.extract %slice3A_2818[0] : i32 from vector<1xi32>
      %ge3A_2820 = arith.constant 0 : i32
      %ge3A_2821 = arith.cmpi sge, %squeeze3A_2819, %ge3A_2820 : i32
      %max3A_2822 = arith.constant 0 : i32
      %max3A_2823 = arith.maxsi %squeeze3A_2819, %max3A_2822 : i32
      %and3A_2824 = arith.constant 127 : i32
      %and3A_2825 = arith.andi %max3A_2823, %and3A_2824 : i32
      %jit3A_2826 = arith.constant 128 : i32
      %select_n3A_2827 = arith.select %ge3A_2821, %and3A_2825, %jit3A_2826 : i32
      %get3A_2828 = arith.constant 13 : i32
      %get3A_2829 = arith.constant 6 : i32
      %get3A_2830 = arith.index_cast %get3A_2828 : i32 to index
      %get3A_2831 = arith.index_cast %get3A_2829 : i32 to index
      %get3A_2832 = arith.constant 0 : index
      %get3A_2833 = tpu.vector_load %arg6[%get3A_2830, %get3A_2831, %get3A_2832] {strides = array<i32>} : memref<20x8x128xf32, #tpu.memory_space<vmem>>, vector<1x1x16xf32>,
      %get3A_2834 = vector.shape_cast %get3A_2833 : vector<1x1x16xf32> to vector<16xf32>
      %add3A_2835 = arith.constant 0 : i32
      %add3A_2836 = vector.broadcast %add3A_2835 : i32 to vector<16xi32>
      %add3A_2837 = arith.addi %add3A_2836, %iota3A : vector<16xi32>
      %eq3A_2838 = vector.broadcast %select_n3A_2827 : i32 to vector<16xi32>
      %eq3A_2839 = arith.cmpi eq, %add3A_2837, %eq3A_2838 : vector<16xi32>
      %jit3A_2840 = arith.constant 1.000000e+00 : f32
      %broadcast_in_dim3A_2841 = vector.broadcast %jit3A_2840 : f32 to vector<16xf32>
      %select_n3A_2842 = arith.select %eq3A_2839, %get3A_2834, %broadcast_in_dim3A_2841 : vector<16xi1>, vector<16xf32>
      %mul3A_2843 = arith.mulf %mul3A_2813, %select_n3A_2842 : vector<16xf32>
      %get3A_2844 = arith.constant 13 : i32
      %get3A_2845 = arith.constant 6 : i32
      %get3A_2846 = arith.index_cast %get3A_2844 : i32 to index
      %get3A_2847 = arith.index_cast %get3A_2845 : i32 to index
      %get3A_2848 = arith.constant 16 : index
      %get3A_2849 = tpu.vector_load %arg6[%get3A_2846, %get3A_2847, %get3A_2848] {strides = array<i32>} : memref<20x8x128xf32, #tpu.memory_space<vmem>>, vector<1x1x16xf32>,
      %get3A_2850 = vector.shape_cast %get3A_2849 : vector<1x1x16xf32> to vector<16xf32>
      %add3A_2851 = arith.constant 16 : i32
      %add3A_2852 = vector.broadcast %add3A_2851 : i32 to vector<16xi32>
      %add3A_2853 = arith.addi %add3A_2852, %iota3A : vector<16xi32>
      %eq3A_2854 = vector.broadcast %select_n3A_2827 : i32 to vector<16xi32>
      %eq3A_2855 = arith.cmpi eq, %add3A_2853, %eq3A_2854 : vector<16xi32>
      %jit3A_2856 = arith.constant 1.000000e+00 : f32
      %broadcast_in_dim3A_2857 = vector.broadcast %jit3A_2856 : f32 to vector<16xf32>
      %select_n3A_2858 = arith.select %eq3A_2855, %get3A_2850, %broadcast_in_dim3A_2857 : vector<16xi1>, vector<16xf32>
      %mul3A_2859 = arith.mulf %mul3A_2843, %select_n3A_2858 : vector<16xf32>
      %get3A_2860 = arith.constant 13 : i32
      %get3A_2861 = arith.constant 6 : i32
      %get3A_2862 = arith.index_cast %get3A_2860 : i32 to index
      %get3A_2863 = arith.index_cast %get3A_2861 : i32 to index
      %get3A_2864 = arith.constant 32 : index
      %get3A_2865 = tpu.vector_load %arg6[%get3A_2862, %get3A_2863, %get3A_2864] {strides = array<i32>} : memref<20x8x128xf32, #tpu.memory_space<vmem>>, vector<1x1x16xf32>,
      %get3A_2866 = vector.shape_cast %get3A_2865 : vector<1x1x16xf32> to vector<16xf32>
      %add3A_2867 = arith.constant 32 : i32
      %add3A_2868 = vector.broadcast %add3A_2867 : i32 to vector<16xi32>
      %add3A_2869 = arith.addi %add3A_2868, %iota3A : vector<16xi32>
      %eq3A_2870 = vector.broadcast %select_n3A_2827 : i32 to vector<16xi32>
      %eq3A_2871 = arith.cmpi eq, %add3A_2869, %eq3A_2870 : vector<16xi32>
      %jit3A_2872 = arith.constant 1.000000e+00 : f32
      %broadcast_in_dim3A_2873 = vector.broadcast %jit3A_2872 : f32 to vector<16xf32>
      %select_n3A_2874 = arith.select %eq3A_2871, %get3A_2866, %broadcast_in_dim3A_2873 : vector<16xi1>, vector<16xf32>
      %mul3A_2875 = arith.mulf %mul3A_2859, %select_n3A_2874 : vector<16xf32>
      %get3A_2876 = arith.constant 13 : i32
      %get3A_2877 = arith.constant 6 : i32
      %get3A_2878 = arith.index_cast %get3A_2876 : i32 to index
      %get3A_2879 = arith.index_cast %get3A_2877 : i32 to index
      %get3A_2880 = arith.constant 48 : index
      %get3A_2881 = tpu.vector_load %arg6[%get3A_2878, %get3A_2879, %get3A_2880] {strides = array<i32>} : memref<20x8x128xf32, #tpu.memory_space<vmem>>, vector<1x1x16xf32>,
      %get3A_2882 = vector.shape_cast %get3A_2881 : vector<1x1x16xf32> to vector<16xf32>
      %add3A_2883 = arith.constant 48 : i32
      %add3A_2884 = vector.broadcast %add3A_2883 : i32 to vector<16xi32>
      %add3A_2885 = arith.addi %add3A_2884, %iota3A : vector<16xi32>
      %eq3A_2886 = vector.broadcast %select_n3A_2827 : i32 to vector<16xi32>
      %eq3A_2887 = arith.cmpi eq, %add3A_2885, %eq3A_2886 : vector<16xi32>
      %jit3A_2888 = arith.constant 1.000000e+00 : f32
      %broadcast_in_dim3A_2889 = vector.broadcast %jit3A_2888 : f32 to vector<16xf32>
      %select_n3A_2890 = arith.select %eq3A_2887, %get3A_2882, %broadcast_in_dim3A_2889 : vector<16xi1>, vector<16xf32>
      %mul3A_2891 = arith.mulf %mul3A_2875, %select_n3A_2890 : vector<16xf32>
      %get3A_2892 = arith.constant 13 : i32
      %get3A_2893 = arith.constant 6 : i32
      %get3A_2894 = arith.index_cast %get3A_2892 : i32 to index
      %get3A_2895 = arith.index_cast %get3A_2893 : i32 to index
      %get3A_2896 = arith.constant 64 : index
      %get3A_2897 = tpu.vector_load %arg6[%get3A_2894, %get3A_2895, %get3A_2896] {strides = array<i32>} : memref<20x8x128xf32, #tpu.memory_space<vmem>>, vector<1x1x16xf32>,
      %get3A_2898 = vector.shape_cast %get3A_2897 : vector<1x1x16xf32> to vector<16xf32>
      %add3A_2899 = arith.constant 64 : i32
      %add3A_2900 = vector.broadcast %add3A_2899 : i32 to vector<16xi32>
      %add3A_2901 = arith.addi %add3A_2900, %iota3A : vector<16xi32>
      %eq3A_2902 = vector.broadcast %select_n3A_2827 : i32 to vector<16xi32>
      %eq3A_2903 = arith.cmpi eq, %add3A_2901, %eq3A_2902 : vector<16xi32>
      %jit3A_2904 = arith.constant 1.000000e+00 : f32
      %broadcast_in_dim3A_2905 = vector.broadcast %jit3A_2904 : f32 to vector<16xf32>
      %select_n3A_2906 = arith.select %eq3A_2903, %get3A_2898, %broadcast_in_dim3A_2905 : vector<16xi1>, vector<16xf32>
      %mul3A_2907 = arith.mulf %mul3A_2891, %select_n3A_2906 : vector<16xf32>
      %get3A_2908 = arith.constant 13 : i32
      %get3A_2909 = arith.constant 6 : i32
      %get3A_2910 = arith.index_cast %get3A_2908 : i32 to index
      %get3A_2911 = arith.index_cast %get3A_2909 : i32 to index
      %get3A_2912 = arith.constant 80 : index
      %get3A_2913 = tpu.vector_load %arg6[%get3A_2910, %get3A_2911, %get3A_2912] {strides = array<i32>} : memref<20x8x128xf32, #tpu.memory_space<vmem>>, vector<1x1x16xf32>,
      %get3A_2914 = vector.shape_cast %get3A_2913 : vector<1x1x16xf32> to vector<16xf32>
      %add3A_2915 = arith.constant 80 : i32
      %add3A_2916 = vector.broadcast %add3A_2915 : i32 to vector<16xi32>
      %add3A_2917 = arith.addi %add3A_2916, %iota3A : vector<16xi32>
      %eq3A_2918 = vector.broadcast %select_n3A_2827 : i32 to vector<16xi32>
      %eq3A_2919 = arith.cmpi eq, %add3A_2917, %eq3A_2918 : vector<16xi32>
      %jit3A_2920 = arith.constant 1.000000e+00 : f32
      %broadcast_in_dim3A_2921 = vector.broadcast %jit3A_2920 : f32 to vector<16xf32>
      %select_n3A_2922 = arith.select %eq3A_2919, %get3A_2914, %broadcast_in_dim3A_2921 : vector<16xi1>, vector<16xf32>
      %mul3A_2923 = arith.mulf %mul3A_2907, %select_n3A_2922 : vector<16xf32>
      %get3A_2924 = arith.constant 13 : i32
      %get3A_2925 = arith.constant 6 : i32
      %get3A_2926 = arith.index_cast %get3A_2924 : i32 to index
      %get3A_2927 = arith.index_cast %get3A_2925 : i32 to index
      %get3A_2928 = arith.constant 96 : index
      %get3A_2929 = tpu.vector_load %arg6[%get3A_2926, %get3A_2927, %get3A_2928] {strides = array<i32>} : memref<20x8x128xf32, #tpu.memory_space<vmem>>, vector<1x1x16xf32>,
      %get3A_2930 = vector.shape_cast %get3A_2929 : vector<1x1x16xf32> to vector<16xf32>
      %add3A_2931 = arith.constant 96 : i32
      %add3A_2932 = vector.broadcast %add3A_2931 : i32 to vector<16xi32>
      %add3A_2933 = arith.addi %add3A_2932, %iota3A : vector<16xi32>
      %eq3A_2934 = vector.broadcast %select_n3A_2827 : i32 to vector<16xi32>
      %eq3A_2935 = arith.cmpi eq, %add3A_2933, %eq3A_2934 : vector<16xi32>
      %jit3A_2936 = arith.constant 1.000000e+00 : f32
      %broadcast_in_dim3A_2937 = vector.broadcast %jit3A_2936 : f32 to vector<16xf32>
      %select_n3A_2938 = arith.select %eq3A_2935, %get3A_2930, %broadcast_in_dim3A_2937 : vector<16xi1>, vector<16xf32>
      %mul3A_2939 = arith.mulf %mul3A_2923, %select_n3A_2938 : vector<16xf32>
      %get3A_2940 = arith.constant 13 : i32
      %get3A_2941 = arith.constant 6 : i32
      %get3A_2942 = arith.index_cast %get3A_2940 : i32 to index
      %get3A_2943 = arith.index_cast %get3A_2941 : i32 to index
      %get3A_2944 = arith.constant 112 : index
      %get3A_2945 = tpu.vector_load %arg6[%get3A_2942, %get3A_2943, %get3A_2944] {strides = array<i32>} : memref<20x8x128xf32, #tpu.memory_space<vmem>>, vector<1x1x16xf32>,
      %get3A_2946 = vector.shape_cast %get3A_2945 : vector<1x1x16xf32> to vector<16xf32>
      %add3A_2947 = arith.constant 112 : i32
      %add3A_2948 = vector.broadcast %add3A_2947 : i32 to vector<16xi32>
      %add3A_2949 = arith.addi %add3A_2948, %iota3A : vector<16xi32>
      %eq3A_2950 = vector.broadcast %select_n3A_2827 : i32 to vector<16xi32>
      %eq3A_2951 = arith.cmpi eq, %add3A_2949, %eq3A_2950 : vector<16xi32>
      %jit3A_2952 = arith.constant 1.000000e+00 : f32
      %broadcast_in_dim3A_2953 = vector.broadcast %jit3A_2952 : f32 to vector<16xf32>
      %select_n3A_2954 = arith.select %eq3A_2951, %get3A_2946, %broadcast_in_dim3A_2953 : vector<16xi1>, vector<16xf32>
      %mul3A_2955 = arith.mulf %mul3A_2939, %select_n3A_2954 : vector<16xf32>
      %jit3A_2956 = arith.constant 1.000000e+00 : f32
      %jit3A_2957 = arith.constant 0.000000e+00 : f32
      %select_n3A_2958 = arith.select %ge3A_2821, %jit3A_2956, %jit3A_2957 : f32
      %add3A_2959 = arith.addf %add3A_2817, %select_n3A_2958 : f32
      %slice3A_2960 = vector.extract_strided_slice %get3A_5 {offsets = [14], sizes = [1], strides = [1]} : vector<16xi32> to vector<1xi32>
      %squeeze3A_2961 = vector.extract %slice3A_2960[0] : i32 from vector<1xi32>
      %ge3A_2962 = arith.constant 0 : i32
      %ge3A_2963 = arith.cmpi sge, %squeeze3A_2961, %ge3A_2962 : i32
      %max3A_2964 = arith.constant 0 : i32
      %max3A_2965 = arith.maxsi %squeeze3A_2961, %max3A_2964 : i32
      %and3A_2966 = arith.constant 127 : i32
      %and3A_2967 = arith.andi %max3A_2965, %and3A_2966 : i32
      %jit3A_2968 = arith.constant 128 : i32
      %select_n3A_2969 = arith.select %ge3A_2963, %and3A_2967, %jit3A_2968 : i32
      %get3A_2970 = arith.constant 14 : i32
      %get3A_2971 = arith.constant 7 : i32
      %get3A_2972 = arith.index_cast %get3A_2970 : i32 to index
      %get3A_2973 = arith.index_cast %get3A_2971 : i32 to index
      %get3A_2974 = arith.constant 0 : index
      %get3A_2975 = tpu.vector_load %arg6[%get3A_2972, %get3A_2973, %get3A_2974] {strides = array<i32>} : memref<20x8x128xf32, #tpu.memory_space<vmem>>, vector<1x1x16xf32>,
      %get3A_2976 = vector.shape_cast %get3A_2975 : vector<1x1x16xf32> to vector<16xf32>
      %add3A_2977 = arith.constant 0 : i32
      %add3A_2978 = vector.broadcast %add3A_2977 : i32 to vector<16xi32>
      %add3A_2979 = arith.addi %add3A_2978, %iota3A : vector<16xi32>
      %eq3A_2980 = vector.broadcast %select_n3A_2969 : i32 to vector<16xi32>
      %eq3A_2981 = arith.cmpi eq, %add3A_2979, %eq3A_2980 : vector<16xi32>
      %jit3A_2982 = arith.constant 1.000000e+00 : f32
      %broadcast_in_dim3A_2983 = vector.broadcast %jit3A_2982 : f32 to vector<16xf32>
      %select_n3A_2984 = arith.select %eq3A_2981, %get3A_2976, %broadcast_in_dim3A_2983 : vector<16xi1>, vector<16xf32>
      %mul3A_2985 = arith.mulf %mul3A_2955, %select_n3A_2984 : vector<16xf32>
      %get3A_2986 = arith.constant 14 : i32
      %get3A_2987 = arith.constant 7 : i32
      %get3A_2988 = arith.index_cast %get3A_2986 : i32 to index
      %get3A_2989 = arith.index_cast %get3A_2987 : i32 to index
      %get3A_2990 = arith.constant 16 : index
      %get3A_2991 = tpu.vector_load %arg6[%get3A_2988, %get3A_2989, %get3A_2990] {strides = array<i32>} : memref<20x8x128xf32, #tpu.memory_space<vmem>>, vector<1x1x16xf32>,
      %get3A_2992 = vector.shape_cast %get3A_2991 : vector<1x1x16xf32> to vector<16xf32>
      %add3A_2993 = arith.constant 16 : i32
      %add3A_2994 = vector.broadcast %add3A_2993 : i32 to vector<16xi32>
      %add3A_2995 = arith.addi %add3A_2994, %iota3A : vector<16xi32>
      %eq3A_2996 = vector.broadcast %select_n3A_2969 : i32 to vector<16xi32>
      %eq3A_2997 = arith.cmpi eq, %add3A_2995, %eq3A_2996 : vector<16xi32>
      %jit3A_2998 = arith.constant 1.000000e+00 : f32
      %broadcast_in_dim3A_2999 = vector.broadcast %jit3A_2998 : f32 to vector<16xf32>
      %select_n3A_3000 = arith.select %eq3A_2997, %get3A_2992, %broadcast_in_dim3A_2999 : vector<16xi1>, vector<16xf32>
      %mul3A_3001 = arith.mulf %mul3A_2985, %select_n3A_3000 : vector<16xf32>
      %get3A_3002 = arith.constant 14 : i32
      %get3A_3003 = arith.constant 7 : i32
      %get3A_3004 = arith.index_cast %get3A_3002 : i32 to index
      %get3A_3005 = arith.index_cast %get3A_3003 : i32 to index
      %get3A_3006 = arith.constant 32 : index
      %get3A_3007 = tpu.vector_load %arg6[%get3A_3004, %get3A_3005, %get3A_3006] {strides = array<i32>} : memref<20x8x128xf32, #tpu.memory_space<vmem>>, vector<1x1x16xf32>,
      %get3A_3008 = vector.shape_cast %get3A_3007 : vector<1x1x16xf32> to vector<16xf32>
      %add3A_3009 = arith.constant 32 : i32
      %add3A_3010 = vector.broadcast %add3A_3009 : i32 to vector<16xi32>
      %add3A_3011 = arith.addi %add3A_3010, %iota3A : vector<16xi32>
      %eq3A_3012 = vector.broadcast %select_n3A_2969 : i32 to vector<16xi32>
      %eq3A_3013 = arith.cmpi eq, %add3A_3011, %eq3A_3012 : vector<16xi32>
      %jit3A_3014 = arith.constant 1.000000e+00 : f32
      %broadcast_in_dim3A_3015 = vector.broadcast %jit3A_3014 : f32 to vector<16xf32>
      %select_n3A_3016 = arith.select %eq3A_3013, %get3A_3008, %broadcast_in_dim3A_3015 : vector<16xi1>, vector<16xf32>
      %mul3A_3017 = arith.mulf %mul3A_3001, %select_n3A_3016 : vector<16xf32>
      %get3A_3018 = arith.constant 14 : i32
      %get3A_3019 = arith.constant 7 : i32
      %get3A_3020 = arith.index_cast %get3A_3018 : i32 to index
      %get3A_3021 = arith.index_cast %get3A_3019 : i32 to index
      %get3A_3022 = arith.constant 48 : index
      %get3A_3023 = tpu.vector_load %arg6[%get3A_3020, %get3A_3021, %get3A_3022] {strides = array<i32>} : memref<20x8x128xf32, #tpu.memory_space<vmem>>, vector<1x1x16xf32>,
      %get3A_3024 = vector.shape_cast %get3A_3023 : vector<1x1x16xf32> to vector<16xf32>
      %add3A_3025 = arith.constant 48 : i32
      %add3A_3026 = vector.broadcast %add3A_3025 : i32 to vector<16xi32>
      %add3A_3027 = arith.addi %add3A_3026, %iota3A : vector<16xi32>
      %eq3A_3028 = vector.broadcast %select_n3A_2969 : i32 to vector<16xi32>
      %eq3A_3029 = arith.cmpi eq, %add3A_3027, %eq3A_3028 : vector<16xi32>
      %jit3A_3030 = arith.constant 1.000000e+00 : f32
      %broadcast_in_dim3A_3031 = vector.broadcast %jit3A_3030 : f32 to vector<16xf32>
      %select_n3A_3032 = arith.select %eq3A_3029, %get3A_3024, %broadcast_in_dim3A_3031 : vector<16xi1>, vector<16xf32>
      %mul3A_3033 = arith.mulf %mul3A_3017, %select_n3A_3032 : vector<16xf32>
      %get3A_3034 = arith.constant 14 : i32
      %get3A_3035 = arith.constant 7 : i32
      %get3A_3036 = arith.index_cast %get3A_3034 : i32 to index
      %get3A_3037 = arith.index_cast %get3A_3035 : i32 to index
      %get3A_3038 = arith.constant 64 : index
      %get3A_3039 = tpu.vector_load %arg6[%get3A_3036, %get3A_3037, %get3A_3038] {strides = array<i32>} : memref<20x8x128xf32, #tpu.memory_space<vmem>>, vector<1x1x16xf32>,
      %get3A_3040 = vector.shape_cast %get3A_3039 : vector<1x1x16xf32> to vector<16xf32>
      %add3A_3041 = arith.constant 64 : i32
      %add3A_3042 = vector.broadcast %add3A_3041 : i32 to vector<16xi32>
      %add3A_3043 = arith.addi %add3A_3042, %iota3A : vector<16xi32>
      %eq3A_3044 = vector.broadcast %select_n3A_2969 : i32 to vector<16xi32>
      %eq3A_3045 = arith.cmpi eq, %add3A_3043, %eq3A_3044 : vector<16xi32>
      %jit3A_3046 = arith.constant 1.000000e+00 : f32
      %broadcast_in_dim3A_3047 = vector.broadcast %jit3A_3046 : f32 to vector<16xf32>
      %select_n3A_3048 = arith.select %eq3A_3045, %get3A_3040, %broadcast_in_dim3A_3047 : vector<16xi1>, vector<16xf32>
      %mul3A_3049 = arith.mulf %mul3A_3033, %select_n3A_3048 : vector<16xf32>
      %get3A_3050 = arith.constant 14 : i32
      %get3A_3051 = arith.constant 7 : i32
      %get3A_3052 = arith.index_cast %get3A_3050 : i32 to index
      %get3A_3053 = arith.index_cast %get3A_3051 : i32 to index
      %get3A_3054 = arith.constant 80 : index
      %get3A_3055 = tpu.vector_load %arg6[%get3A_3052, %get3A_3053, %get3A_3054] {strides = array<i32>} : memref<20x8x128xf32, #tpu.memory_space<vmem>>, vector<1x1x16xf32>,
      %get3A_3056 = vector.shape_cast %get3A_3055 : vector<1x1x16xf32> to vector<16xf32>
      %add3A_3057 = arith.constant 80 : i32
      %add3A_3058 = vector.broadcast %add3A_3057 : i32 to vector<16xi32>
      %add3A_3059 = arith.addi %add3A_3058, %iota3A : vector<16xi32>
      %eq3A_3060 = vector.broadcast %select_n3A_2969 : i32 to vector<16xi32>
      %eq3A_3061 = arith.cmpi eq, %add3A_3059, %eq3A_3060 : vector<16xi32>
      %jit3A_3062 = arith.constant 1.000000e+00 : f32
      %broadcast_in_dim3A_3063 = vector.broadcast %jit3A_3062 : f32 to vector<16xf32>
      %select_n3A_3064 = arith.select %eq3A_3061, %get3A_3056, %broadcast_in_dim3A_3063 : vector<16xi1>, vector<16xf32>
      %mul3A_3065 = arith.mulf %mul3A_3049, %select_n3A_3064 : vector<16xf32>
      %get3A_3066 = arith.constant 14 : i32
      %get3A_3067 = arith.constant 7 : i32
      %get3A_3068 = arith.index_cast %get3A_3066 : i32 to index
      %get3A_3069 = arith.index_cast %get3A_3067 : i32 to index
      %get3A_3070 = arith.constant 96 : index
      %get3A_3071 = tpu.vector_load %arg6[%get3A_3068, %get3A_3069, %get3A_3070] {strides = array<i32>} : memref<20x8x128xf32, #tpu.memory_space<vmem>>, vector<1x1x16xf32>,
      %get3A_3072 = vector.shape_cast %get3A_3071 : vector<1x1x16xf32> to vector<16xf32>
      %add3A_3073 = arith.constant 96 : i32
      %add3A_3074 = vector.broadcast %add3A_3073 : i32 to vector<16xi32>
      %add3A_3075 = arith.addi %add3A_3074, %iota3A : vector<16xi32>
      %eq3A_3076 = vector.broadcast %select_n3A_2969 : i32 to vector<16xi32>
      %eq3A_3077 = arith.cmpi eq, %add3A_3075, %eq3A_3076 : vector<16xi32>
      %jit3A_3078 = arith.constant 1.000000e+00 : f32
      %broadcast_in_dim3A_3079 = vector.broadcast %jit3A_3078 : f32 to vector<16xf32>
      %select_n3A_3080 = arith.select %eq3A_3077, %get3A_3072, %broadcast_in_dim3A_3079 : vector<16xi1>, vector<16xf32>
      %mul3A_3081 = arith.mulf %mul3A_3065, %select_n3A_3080 : vector<16xf32>
      %get3A_3082 = arith.constant 14 : i32
      %get3A_3083 = arith.constant 7 : i32
      %get3A_3084 = arith.index_cast %get3A_3082 : i32 to index
      %get3A_3085 = arith.index_cast %get3A_3083 : i32 to index
      %get3A_3086 = arith.constant 112 : index
      %get3A_3087 = tpu.vector_load %arg6[%get3A_3084, %get3A_3085, %get3A_3086] {strides = array<i32>} : memref<20x8x128xf32, #tpu.memory_space<vmem>>, vector<1x1x16xf32>,
      %get3A_3088 = vector.shape_cast %get3A_3087 : vector<1x1x16xf32> to vector<16xf32>
      %add3A_3089 = arith.constant 112 : i32
      %add3A_3090 = vector.broadcast %add3A_3089 : i32 to vector<16xi32>
      %add3A_3091 = arith.addi %add3A_3090, %iota3A : vector<16xi32>
      %eq3A_3092 = vector.broadcast %select_n3A_2969 : i32 to vector<16xi32>
      %eq3A_3093 = arith.cmpi eq, %add3A_3091, %eq3A_3092 : vector<16xi32>
      %jit3A_3094 = arith.constant 1.000000e+00 : f32
      %broadcast_in_dim3A_3095 = vector.broadcast %jit3A_3094 : f32 to vector<16xf32>
      %select_n3A_3096 = arith.select %eq3A_3093, %get3A_3088, %broadcast_in_dim3A_3095 : vector<16xi1>, vector<16xf32>
      %mul3A_3097 = arith.mulf %mul3A_3081, %select_n3A_3096 : vector<16xf32>
      %jit3A_3098 = arith.constant 1.000000e+00 : f32
      %jit3A_3099 = arith.constant 0.000000e+00 : f32
      %select_n3A_3100 = arith.select %ge3A_2963, %jit3A_3098, %jit3A_3099 : f32
      %add3A_3101 = arith.addf %add3A_2959, %select_n3A_3100 : f32
      %bitcast_convert_type3A_3102 = tpu.bitcast %mul3A_3097 : vector<16xf32> -> vector<16xi32>
      %shift_right_arithmetic3A_3103 = arith.constant 23 : i32
      %shift_right_arithmetic3A_3104 = vector.broadcast %shift_right_arithmetic3A_3103 : i32 to vector<16xi32>
      %shift_right_arithmetic3A_3105 = arith.shrsi %bitcast_convert_type3A_3102, %shift_right_arithmetic3A_3104 : vector<16xi32>
      %sub3A_3106 = arith.constant 127 : i32
      %sub3A_3107 = vector.broadcast %sub3A_3106 : i32 to vector<16xi32>
      %sub3A_3108 = arith.subi %shift_right_arithmetic3A_3105, %sub3A_3107 : vector<16xi32>
      %and3A_3109 = arith.constant 8388607 : i32
      %and3A_3110 = vector.broadcast %and3A_3109 : i32 to vector<16xi32>
      %and3A_3111 = arith.andi %bitcast_convert_type3A_3102, %and3A_3110 : vector<16xi32>
      %or3A_3112 = arith.constant 1065353216 : i32
      %or3A_3113 = vector.broadcast %or3A_3112 : i32 to vector<16xi32>
      %or3A_3114 = arith.ori %and3A_3111, %or3A_3113 : vector<16xi32>
      %bitcast_convert_type3A_3115 = tpu.bitcast %or3A_3114 : vector<16xi32> -> vector<16xf32>
      %gt3A_3116 = arith.constant 1.41421354 : f32
      %gt3A_3117 = vector.broadcast %gt3A_3116 : f32 to vector<16xf32>
      %gt3A_3118 = arith.cmpf ogt, %bitcast_convert_type3A_3115, %gt3A_3117 : vector<16xf32>
      %mul3A_3119 = arith.constant 5.000000e-01 : f32
      %mul3A_3120 = vector.broadcast %mul3A_3119 : f32 to vector<16xf32>
      %mul3A_3121 = arith.mulf %bitcast_convert_type3A_3115, %mul3A_3120 : vector<16xf32>
      %select_n3A_3122 = arith.select %gt3A_3118, %mul3A_3121, %bitcast_convert_type3A_3115 : vector<16xi1>, vector<16xf32>
      %add3A_3123 = arith.constant 1 : i32
      %add3A_3124 = vector.broadcast %add3A_3123 : i32 to vector<16xi32>
      %add3A_3125 = arith.addi %sub3A_3108, %add3A_3124 : vector<16xi32>
      %select_n3A_3126 = arith.select %gt3A_3118, %add3A_3125, %sub3A_3108 : vector<16xi1>, vector<16xi32>
      %convert_element_type3A_3127 = arith.sitofp %select_n3A_3126 : vector<16xi32> to vector<16xf32>
      %sub3A_3128 = arith.constant 1.000000e+00 : f32
      %sub3A_3129 = vector.broadcast %sub3A_3128 : f32 to vector<16xf32>
      %sub3A_3130 = arith.subf %select_n3A_3122, %sub3A_3129 : vector<16xf32>
      %mul3A_3131 = arith.mulf %sub3A_3130, %sub3A_3130 : vector<16xf32>
      %broadcast_in_dim3A_3132 = arith.constant 0.0703768358 : f32
      %broadcast_in_dim3A_3133 = vector.broadcast %broadcast_in_dim3A_3132 : f32 to vector<16xf32>
      %mul3A_3134 = arith.mulf %broadcast_in_dim3A_3133, %sub3A_3130 : vector<16xf32>
      %add3A_3135 = arith.constant -0.115146101 : f32
      %add3A_3136 = vector.broadcast %add3A_3135 : f32 to vector<16xf32>
      %add3A_3137 = arith.addf %mul3A_3134, %add3A_3136 : vector<16xf32>
      %mul3A_3138 = arith.mulf %add3A_3137, %sub3A_3130 : vector<16xf32>
      %add3A_3139 = arith.constant 0.116769984 : f32
      %add3A_3140 = vector.broadcast %add3A_3139 : f32 to vector<16xf32>
      %add3A_3141 = arith.addf %mul3A_3138, %add3A_3140 : vector<16xf32>
      %mul3A_3142 = arith.mulf %add3A_3141, %sub3A_3130 : vector<16xf32>
      %add3A_3143 = arith.constant -0.12420141 : f32
      %add3A_3144 = vector.broadcast %add3A_3143 : f32 to vector<16xf32>
      %add3A_3145 = arith.addf %mul3A_3142, %add3A_3144 : vector<16xf32>
      %mul3A_3146 = arith.mulf %add3A_3145, %sub3A_3130 : vector<16xf32>
      %add3A_3147 = arith.constant 0.142493233 : f32
      %add3A_3148 = vector.broadcast %add3A_3147 : f32 to vector<16xf32>
      %add3A_3149 = arith.addf %mul3A_3146, %add3A_3148 : vector<16xf32>
      %mul3A_3150 = arith.mulf %add3A_3149, %sub3A_3130 : vector<16xf32>
      %add3A_3151 = arith.constant -0.166680574 : f32
      %add3A_3152 = vector.broadcast %add3A_3151 : f32 to vector<16xf32>
      %add3A_3153 = arith.addf %mul3A_3150, %add3A_3152 : vector<16xf32>
      %mul3A_3154 = arith.mulf %add3A_3153, %sub3A_3130 : vector<16xf32>
      %add3A_3155 = arith.constant 0.200007141 : f32
      %add3A_3156 = vector.broadcast %add3A_3155 : f32 to vector<16xf32>
      %add3A_3157 = arith.addf %mul3A_3154, %add3A_3156 : vector<16xf32>
      %mul3A_3158 = arith.mulf %add3A_3157, %sub3A_3130 : vector<16xf32>
      %add3A_3159 = arith.constant -0.24999994 : f32
      %add3A_3160 = vector.broadcast %add3A_3159 : f32 to vector<16xf32>
      %add3A_3161 = arith.addf %mul3A_3158, %add3A_3160 : vector<16xf32>
      %mul3A_3162 = arith.mulf %add3A_3161, %sub3A_3130 : vector<16xf32>
      %add3A_3163 = arith.constant 0.333333313 : f32
      %add3A_3164 = vector.broadcast %add3A_3163 : f32 to vector<16xf32>
      %add3A_3165 = arith.addf %mul3A_3162, %add3A_3164 : vector<16xf32>
      %mul3A_3166 = arith.mulf %sub3A_3130, %mul3A_3131 : vector<16xf32>
      %mul3A_3167 = arith.mulf %mul3A_3166, %add3A_3165 : vector<16xf32>
      %mul3A_3168 = arith.constant 5.000000e-01 : f32
      %mul3A_3169 = vector.broadcast %mul3A_3168 : f32 to vector<16xf32>
      %mul3A_3170 = arith.mulf %mul3A_3169, %mul3A_3131 : vector<16xf32>
      %sub3A_3171 = arith.subf %mul3A_3167, %mul3A_3170 : vector<16xf32>
      %add3A_3172 = arith.addf %sub3A_3130, %sub3A_3171 : vector<16xf32>
      %mul3A_3173 = arith.constant 0.693147182 : f32
      %mul3A_3174 = vector.broadcast %mul3A_3173 : f32 to vector<16xf32>
      %mul3A_3175 = arith.mulf %convert_element_type3A_3127, %mul3A_3174 : vector<16xf32>
      %add3A_3176 = arith.addf %add3A_3172, %mul3A_3175 : vector<16xf32>
      %add3A_3177 = arith.addf %add3A_2389, %add3A_3176 : vector<16xf32>
      %broadcast_in_dim3A_3178 = arith.constant 1.000000e+00 : f32
      %broadcast_in_dim3A_3179 = vector.broadcast %broadcast_in_dim3A_3178 : f32 to vector<16xf32>
      %slice3A_3180 = vector.extract_strided_slice %get3A_5 {offsets = [15], sizes = [1], strides = [1]} : vector<16xi32> to vector<1xi32>
      %squeeze3A_3181 = vector.extract %slice3A_3180[0] : i32 from vector<1xi32>
      %ge3A_3182 = arith.constant 0 : i32
      %ge3A_3183 = arith.cmpi sge, %squeeze3A_3181, %ge3A_3182 : i32
      %max3A_3184 = arith.constant 0 : i32
      %max3A_3185 = arith.maxsi %squeeze3A_3181, %max3A_3184 : i32
      %and3A_3186 = arith.constant 127 : i32
      %and3A_3187 = arith.andi %max3A_3185, %and3A_3186 : i32
      %jit3A_3188 = arith.constant 128 : i32
      %select_n3A_3189 = arith.select %ge3A_3183, %and3A_3187, %jit3A_3188 : i32
      %get3A_3190 = arith.constant 15 : i32
      %get3A_3191 = arith.constant 0 : i32
      %get3A_3192 = arith.index_cast %get3A_3190 : i32 to index
      %get3A_3193 = arith.index_cast %get3A_3191 : i32 to index
      %get3A_3194 = arith.constant 0 : index
      %get3A_3195 = tpu.vector_load %arg6[%get3A_3192, %get3A_3193, %get3A_3194] {strides = array<i32>} : memref<20x8x128xf32, #tpu.memory_space<vmem>>, vector<1x1x16xf32>,
      %get3A_3196 = vector.shape_cast %get3A_3195 : vector<1x1x16xf32> to vector<16xf32>
      %add3A_3197 = arith.constant 0 : i32
      %add3A_3198 = vector.broadcast %add3A_3197 : i32 to vector<16xi32>
      %add3A_3199 = arith.addi %add3A_3198, %iota3A : vector<16xi32>
      %eq3A_3200 = vector.broadcast %select_n3A_3189 : i32 to vector<16xi32>
      %eq3A_3201 = arith.cmpi eq, %add3A_3199, %eq3A_3200 : vector<16xi32>
      %jit3A_3202 = arith.constant 1.000000e+00 : f32
      %broadcast_in_dim3A_3203 = vector.broadcast %jit3A_3202 : f32 to vector<16xf32>
      %select_n3A_3204 = arith.select %eq3A_3201, %get3A_3196, %broadcast_in_dim3A_3203 : vector<16xi1>, vector<16xf32>
      %mul3A_3205 = arith.mulf %broadcast_in_dim3A_3179, %select_n3A_3204 : vector<16xf32>
      %get3A_3206 = arith.constant 15 : i32
      %get3A_3207 = arith.constant 0 : i32
      %get3A_3208 = arith.index_cast %get3A_3206 : i32 to index
      %get3A_3209 = arith.index_cast %get3A_3207 : i32 to index
      %get3A_3210 = arith.constant 16 : index
      %get3A_3211 = tpu.vector_load %arg6[%get3A_3208, %get3A_3209, %get3A_3210] {strides = array<i32>} : memref<20x8x128xf32, #tpu.memory_space<vmem>>, vector<1x1x16xf32>,
      %get3A_3212 = vector.shape_cast %get3A_3211 : vector<1x1x16xf32> to vector<16xf32>
      %add3A_3213 = arith.constant 16 : i32
      %add3A_3214 = vector.broadcast %add3A_3213 : i32 to vector<16xi32>
      %add3A_3215 = arith.addi %add3A_3214, %iota3A : vector<16xi32>
      %eq3A_3216 = vector.broadcast %select_n3A_3189 : i32 to vector<16xi32>
      %eq3A_3217 = arith.cmpi eq, %add3A_3215, %eq3A_3216 : vector<16xi32>
      %jit3A_3218 = arith.constant 1.000000e+00 : f32
      %broadcast_in_dim3A_3219 = vector.broadcast %jit3A_3218 : f32 to vector<16xf32>
      %select_n3A_3220 = arith.select %eq3A_3217, %get3A_3212, %broadcast_in_dim3A_3219 : vector<16xi1>, vector<16xf32>
      %mul3A_3221 = arith.mulf %mul3A_3205, %select_n3A_3220 : vector<16xf32>
      %get3A_3222 = arith.constant 15 : i32
      %get3A_3223 = arith.constant 0 : i32
      %get3A_3224 = arith.index_cast %get3A_3222 : i32 to index
      %get3A_3225 = arith.index_cast %get3A_3223 : i32 to index
      %get3A_3226 = arith.constant 32 : index
      %get3A_3227 = tpu.vector_load %arg6[%get3A_3224, %get3A_3225, %get3A_3226] {strides = array<i32>} : memref<20x8x128xf32, #tpu.memory_space<vmem>>, vector<1x1x16xf32>,
      %get3A_3228 = vector.shape_cast %get3A_3227 : vector<1x1x16xf32> to vector<16xf32>
      %add3A_3229 = arith.constant 32 : i32
      %add3A_3230 = vector.broadcast %add3A_3229 : i32 to vector<16xi32>
      %add3A_3231 = arith.addi %add3A_3230, %iota3A : vector<16xi32>
      %eq3A_3232 = vector.broadcast %select_n3A_3189 : i32 to vector<16xi32>
      %eq3A_3233 = arith.cmpi eq, %add3A_3231, %eq3A_3232 : vector<16xi32>
      %jit3A_3234 = arith.constant 1.000000e+00 : f32
      %broadcast_in_dim3A_3235 = vector.broadcast %jit3A_3234 : f32 to vector<16xf32>
      %select_n3A_3236 = arith.select %eq3A_3233, %get3A_3228, %broadcast_in_dim3A_3235 : vector<16xi1>, vector<16xf32>
      %mul3A_3237 = arith.mulf %mul3A_3221, %select_n3A_3236 : vector<16xf32>
      %get3A_3238 = arith.constant 15 : i32
      %get3A_3239 = arith.constant 0 : i32
      %get3A_3240 = arith.index_cast %get3A_3238 : i32 to index
      %get3A_3241 = arith.index_cast %get3A_3239 : i32 to index
      %get3A_3242 = arith.constant 48 : index
      %get3A_3243 = tpu.vector_load %arg6[%get3A_3240, %get3A_3241, %get3A_3242] {strides = array<i32>} : memref<20x8x128xf32, #tpu.memory_space<vmem>>, vector<1x1x16xf32>,
      %get3A_3244 = vector.shape_cast %get3A_3243 : vector<1x1x16xf32> to vector<16xf32>
      %add3A_3245 = arith.constant 48 : i32
      %add3A_3246 = vector.broadcast %add3A_3245 : i32 to vector<16xi32>
      %add3A_3247 = arith.addi %add3A_3246, %iota3A : vector<16xi32>
      %eq3A_3248 = vector.broadcast %select_n3A_3189 : i32 to vector<16xi32>
      %eq3A_3249 = arith.cmpi eq, %add3A_3247, %eq3A_3248 : vector<16xi32>
      %jit3A_3250 = arith.constant 1.000000e+00 : f32
      %broadcast_in_dim3A_3251 = vector.broadcast %jit3A_3250 : f32 to vector<16xf32>
      %select_n3A_3252 = arith.select %eq3A_3249, %get3A_3244, %broadcast_in_dim3A_3251 : vector<16xi1>, vector<16xf32>
      %mul3A_3253 = arith.mulf %mul3A_3237, %select_n3A_3252 : vector<16xf32>
      %get3A_3254 = arith.constant 15 : i32
      %get3A_3255 = arith.constant 0 : i32
      %get3A_3256 = arith.index_cast %get3A_3254 : i32 to index
      %get3A_3257 = arith.index_cast %get3A_3255 : i32 to index
      %get3A_3258 = arith.constant 64 : index
      %get3A_3259 = tpu.vector_load %arg6[%get3A_3256, %get3A_3257, %get3A_3258] {strides = array<i32>} : memref<20x8x128xf32, #tpu.memory_space<vmem>>, vector<1x1x16xf32>,
      %get3A_3260 = vector.shape_cast %get3A_3259 : vector<1x1x16xf32> to vector<16xf32>
      %add3A_3261 = arith.constant 64 : i32
      %add3A_3262 = vector.broadcast %add3A_3261 : i32 to vector<16xi32>
      %add3A_3263 = arith.addi %add3A_3262, %iota3A : vector<16xi32>
      %eq3A_3264 = vector.broadcast %select_n3A_3189 : i32 to vector<16xi32>
      %eq3A_3265 = arith.cmpi eq, %add3A_3263, %eq3A_3264 : vector<16xi32>
      %jit3A_3266 = arith.constant 1.000000e+00 : f32
      %broadcast_in_dim3A_3267 = vector.broadcast %jit3A_3266 : f32 to vector<16xf32>
      %select_n3A_3268 = arith.select %eq3A_3265, %get3A_3260, %broadcast_in_dim3A_3267 : vector<16xi1>, vector<16xf32>
      %mul3A_3269 = arith.mulf %mul3A_3253, %select_n3A_3268 : vector<16xf32>
      %get3A_3270 = arith.constant 15 : i32
      %get3A_3271 = arith.constant 0 : i32
      %get3A_3272 = arith.index_cast %get3A_3270 : i32 to index
      %get3A_3273 = arith.index_cast %get3A_3271 : i32 to index
      %get3A_3274 = arith.constant 80 : index
      %get3A_3275 = tpu.vector_load %arg6[%get3A_3272, %get3A_3273, %get3A_3274] {strides = array<i32>} : memref<20x8x128xf32, #tpu.memory_space<vmem>>, vector<1x1x16xf32>,
      %get3A_3276 = vector.shape_cast %get3A_3275 : vector<1x1x16xf32> to vector<16xf32>
      %add3A_3277 = arith.constant 80 : i32
      %add3A_3278 = vector.broadcast %add3A_3277 : i32 to vector<16xi32>
      %add3A_3279 = arith.addi %add3A_3278, %iota3A : vector<16xi32>
      %eq3A_3280 = vector.broadcast %select_n3A_3189 : i32 to vector<16xi32>
      %eq3A_3281 = arith.cmpi eq, %add3A_3279, %eq3A_3280 : vector<16xi32>
      %jit3A_3282 = arith.constant 1.000000e+00 : f32
      %broadcast_in_dim3A_3283 = vector.broadcast %jit3A_3282 : f32 to vector<16xf32>
      %select_n3A_3284 = arith.select %eq3A_3281, %get3A_3276, %broadcast_in_dim3A_3283 : vector<16xi1>, vector<16xf32>
      %mul3A_3285 = arith.mulf %mul3A_3269, %select_n3A_3284 : vector<16xf32>
      %get3A_3286 = arith.constant 15 : i32
      %get3A_3287 = arith.constant 0 : i32
      %get3A_3288 = arith.index_cast %get3A_3286 : i32 to index
      %get3A_3289 = arith.index_cast %get3A_3287 : i32 to index
      %get3A_3290 = arith.constant 96 : index
      %get3A_3291 = tpu.vector_load %arg6[%get3A_3288, %get3A_3289, %get3A_3290] {strides = array<i32>} : memref<20x8x128xf32, #tpu.memory_space<vmem>>, vector<1x1x16xf32>,
      %get3A_3292 = vector.shape_cast %get3A_3291 : vector<1x1x16xf32> to vector<16xf32>
      %add3A_3293 = arith.constant 96 : i32
      %add3A_3294 = vector.broadcast %add3A_3293 : i32 to vector<16xi32>
      %add3A_3295 = arith.addi %add3A_3294, %iota3A : vector<16xi32>
      %eq3A_3296 = vector.broadcast %select_n3A_3189 : i32 to vector<16xi32>
      %eq3A_3297 = arith.cmpi eq, %add3A_3295, %eq3A_3296 : vector<16xi32>
      %jit3A_3298 = arith.constant 1.000000e+00 : f32
      %broadcast_in_dim3A_3299 = vector.broadcast %jit3A_3298 : f32 to vector<16xf32>
      %select_n3A_3300 = arith.select %eq3A_3297, %get3A_3292, %broadcast_in_dim3A_3299 : vector<16xi1>, vector<16xf32>
      %mul3A_3301 = arith.mulf %mul3A_3285, %select_n3A_3300 : vector<16xf32>
      %get3A_3302 = arith.constant 15 : i32
      %get3A_3303 = arith.constant 0 : i32
      %get3A_3304 = arith.index_cast %get3A_3302 : i32 to index
      %get3A_3305 = arith.index_cast %get3A_3303 : i32 to index
      %get3A_3306 = arith.constant 112 : index
      %get3A_3307 = tpu.vector_load %arg6[%get3A_3304, %get3A_3305, %get3A_3306] {strides = array<i32>} : memref<20x8x128xf32, #tpu.memory_space<vmem>>, vector<1x1x16xf32>,
      %get3A_3308 = vector.shape_cast %get3A_3307 : vector<1x1x16xf32> to vector<16xf32>
      %add3A_3309 = arith.constant 112 : i32
      %add3A_3310 = vector.broadcast %add3A_3309 : i32 to vector<16xi32>
      %add3A_3311 = arith.addi %add3A_3310, %iota3A : vector<16xi32>
      %eq3A_3312 = vector.broadcast %select_n3A_3189 : i32 to vector<16xi32>
      %eq3A_3313 = arith.cmpi eq, %add3A_3311, %eq3A_3312 : vector<16xi32>
      %jit3A_3314 = arith.constant 1.000000e+00 : f32
      %broadcast_in_dim3A_3315 = vector.broadcast %jit3A_3314 : f32 to vector<16xf32>
      %select_n3A_3316 = arith.select %eq3A_3313, %get3A_3308, %broadcast_in_dim3A_3315 : vector<16xi1>, vector<16xf32>
      %mul3A_3317 = arith.mulf %mul3A_3301, %select_n3A_3316 : vector<16xf32>
      %jit3A_3318 = arith.constant 1.000000e+00 : f32
      %jit3A_3319 = arith.constant 0.000000e+00 : f32
      %select_n3A_3320 = arith.select %ge3A_3183, %jit3A_3318, %jit3A_3319 : f32
      %add3A_3321 = arith.addf %add3A_3101, %select_n3A_3320 : f32
      %slice3A_3322 = vector.extract_strided_slice %get3A_8 {offsets = [0], sizes = [1], strides = [1]} : vector<16xi32> to vector<1xi32>
      %squeeze3A_3323 = vector.extract %slice3A_3322[0] : i32 from vector<1xi32>
      %ge3A_3324 = arith.constant 0 : i32
      %ge3A_3325 = arith.cmpi sge, %squeeze3A_3323, %ge3A_3324 : i32
      %max3A_3326 = arith.constant 0 : i32
      %max3A_3327 = arith.maxsi %squeeze3A_3323, %max3A_3326 : i32
      %and3A_3328 = arith.constant 127 : i32
      %and3A_3329 = arith.andi %max3A_3327, %and3A_3328 : i32
      %jit3A_3330 = arith.constant 128 : i32
      %select_n3A_3331 = arith.select %ge3A_3325, %and3A_3329, %jit3A_3330 : i32
      %get3A_3332 = arith.constant 16 : i32
      %get3A_3333 = arith.constant 1 : i32
      %get3A_3334 = arith.index_cast %get3A_3332 : i32 to index
      %get3A_3335 = arith.index_cast %get3A_3333 : i32 to index
      %get3A_3336 = arith.constant 0 : index
      %get3A_3337 = tpu.vector_load %arg6[%get3A_3334, %get3A_3335, %get3A_3336] {strides = array<i32>} : memref<20x8x128xf32, #tpu.memory_space<vmem>>, vector<1x1x16xf32>,
      %get3A_3338 = vector.shape_cast %get3A_3337 : vector<1x1x16xf32> to vector<16xf32>
      %add3A_3339 = arith.constant 0 : i32
      %add3A_3340 = vector.broadcast %add3A_3339 : i32 to vector<16xi32>
      %add3A_3341 = arith.addi %add3A_3340, %iota3A : vector<16xi32>
      %eq3A_3342 = vector.broadcast %select_n3A_3331 : i32 to vector<16xi32>
      %eq3A_3343 = arith.cmpi eq, %add3A_3341, %eq3A_3342 : vector<16xi32>
      %jit3A_3344 = arith.constant 1.000000e+00 : f32
      %broadcast_in_dim3A_3345 = vector.broadcast %jit3A_3344 : f32 to vector<16xf32>
      %select_n3A_3346 = arith.select %eq3A_3343, %get3A_3338, %broadcast_in_dim3A_3345 : vector<16xi1>, vector<16xf32>
      %mul3A_3347 = arith.mulf %mul3A_3317, %select_n3A_3346 : vector<16xf32>
      %get3A_3348 = arith.constant 16 : i32
      %get3A_3349 = arith.constant 1 : i32
      %get3A_3350 = arith.index_cast %get3A_3348 : i32 to index
      %get3A_3351 = arith.index_cast %get3A_3349 : i32 to index
      %get3A_3352 = arith.constant 16 : index
      %get3A_3353 = tpu.vector_load %arg6[%get3A_3350, %get3A_3351, %get3A_3352] {strides = array<i32>} : memref<20x8x128xf32, #tpu.memory_space<vmem>>, vector<1x1x16xf32>,
      %get3A_3354 = vector.shape_cast %get3A_3353 : vector<1x1x16xf32> to vector<16xf32>
      %add3A_3355 = arith.constant 16 : i32
      %add3A_3356 = vector.broadcast %add3A_3355 : i32 to vector<16xi32>
      %add3A_3357 = arith.addi %add3A_3356, %iota3A : vector<16xi32>
      %eq3A_3358 = vector.broadcast %select_n3A_3331 : i32 to vector<16xi32>
      %eq3A_3359 = arith.cmpi eq, %add3A_3357, %eq3A_3358 : vector<16xi32>
      %jit3A_3360 = arith.constant 1.000000e+00 : f32
      %broadcast_in_dim3A_3361 = vector.broadcast %jit3A_3360 : f32 to vector<16xf32>
      %select_n3A_3362 = arith.select %eq3A_3359, %get3A_3354, %broadcast_in_dim3A_3361 : vector<16xi1>, vector<16xf32>
      %mul3A_3363 = arith.mulf %mul3A_3347, %select_n3A_3362 : vector<16xf32>
      %get3A_3364 = arith.constant 16 : i32
      %get3A_3365 = arith.constant 1 : i32
      %get3A_3366 = arith.index_cast %get3A_3364 : i32 to index
      %get3A_3367 = arith.index_cast %get3A_3365 : i32 to index
      %get3A_3368 = arith.constant 32 : index
      %get3A_3369 = tpu.vector_load %arg6[%get3A_3366, %get3A_3367, %get3A_3368] {strides = array<i32>} : memref<20x8x128xf32, #tpu.memory_space<vmem>>, vector<1x1x16xf32>,
      %get3A_3370 = vector.shape_cast %get3A_3369 : vector<1x1x16xf32> to vector<16xf32>
      %add3A_3371 = arith.constant 32 : i32
      %add3A_3372 = vector.broadcast %add3A_3371 : i32 to vector<16xi32>
      %add3A_3373 = arith.addi %add3A_3372, %iota3A : vector<16xi32>
      %eq3A_3374 = vector.broadcast %select_n3A_3331 : i32 to vector<16xi32>
      %eq3A_3375 = arith.cmpi eq, %add3A_3373, %eq3A_3374 : vector<16xi32>
      %jit3A_3376 = arith.constant 1.000000e+00 : f32
      %broadcast_in_dim3A_3377 = vector.broadcast %jit3A_3376 : f32 to vector<16xf32>
      %select_n3A_3378 = arith.select %eq3A_3375, %get3A_3370, %broadcast_in_dim3A_3377 : vector<16xi1>, vector<16xf32>
      %mul3A_3379 = arith.mulf %mul3A_3363, %select_n3A_3378 : vector<16xf32>
      %get3A_3380 = arith.constant 16 : i32
      %get3A_3381 = arith.constant 1 : i32
      %get3A_3382 = arith.index_cast %get3A_3380 : i32 to index
      %get3A_3383 = arith.index_cast %get3A_3381 : i32 to index
      %get3A_3384 = arith.constant 48 : index
      %get3A_3385 = tpu.vector_load %arg6[%get3A_3382, %get3A_3383, %get3A_3384] {strides = array<i32>} : memref<20x8x128xf32, #tpu.memory_space<vmem>>, vector<1x1x16xf32>,
      %get3A_3386 = vector.shape_cast %get3A_3385 : vector<1x1x16xf32> to vector<16xf32>
      %add3A_3387 = arith.constant 48 : i32
      %add3A_3388 = vector.broadcast %add3A_3387 : i32 to vector<16xi32>
      %add3A_3389 = arith.addi %add3A_3388, %iota3A : vector<16xi32>
      %eq3A_3390 = vector.broadcast %select_n3A_3331 : i32 to vector<16xi32>
      %eq3A_3391 = arith.cmpi eq, %add3A_3389, %eq3A_3390 : vector<16xi32>
      %jit3A_3392 = arith.constant 1.000000e+00 : f32
      %broadcast_in_dim3A_3393 = vector.broadcast %jit3A_3392 : f32 to vector<16xf32>
      %select_n3A_3394 = arith.select %eq3A_3391, %get3A_3386, %broadcast_in_dim3A_3393 : vector<16xi1>, vector<16xf32>
      %mul3A_3395 = arith.mulf %mul3A_3379, %select_n3A_3394 : vector<16xf32>
      %get3A_3396 = arith.constant 16 : i32
      %get3A_3397 = arith.constant 1 : i32
      %get3A_3398 = arith.index_cast %get3A_3396 : i32 to index
      %get3A_3399 = arith.index_cast %get3A_3397 : i32 to index
      %get3A_3400 = arith.constant 64 : index
      %get3A_3401 = tpu.vector_load %arg6[%get3A_3398, %get3A_3399, %get3A_3400] {strides = array<i32>} : memref<20x8x128xf32, #tpu.memory_space<vmem>>, vector<1x1x16xf32>,
      %get3A_3402 = vector.shape_cast %get3A_3401 : vector<1x1x16xf32> to vector<16xf32>
      %add3A_3403 = arith.constant 64 : i32
      %add3A_3404 = vector.broadcast %add3A_3403 : i32 to vector<16xi32>
      %add3A_3405 = arith.addi %add3A_3404, %iota3A : vector<16xi32>
      %eq3A_3406 = vector.broadcast %select_n3A_3331 : i32 to vector<16xi32>
      %eq3A_3407 = arith.cmpi eq, %add3A_3405, %eq3A_3406 : vector<16xi32>
      %jit3A_3408 = arith.constant 1.000000e+00 : f32
      %broadcast_in_dim3A_3409 = vector.broadcast %jit3A_3408 : f32 to vector<16xf32>
      %select_n3A_3410 = arith.select %eq3A_3407, %get3A_3402, %broadcast_in_dim3A_3409 : vector<16xi1>, vector<16xf32>
      %mul3A_3411 = arith.mulf %mul3A_3395, %select_n3A_3410 : vector<16xf32>
      %get3A_3412 = arith.constant 16 : i32
      %get3A_3413 = arith.constant 1 : i32
      %get3A_3414 = arith.index_cast %get3A_3412 : i32 to index
      %get3A_3415 = arith.index_cast %get3A_3413 : i32 to index
      %get3A_3416 = arith.constant 80 : index
      %get3A_3417 = tpu.vector_load %arg6[%get3A_3414, %get3A_3415, %get3A_3416] {strides = array<i32>} : memref<20x8x128xf32, #tpu.memory_space<vmem>>, vector<1x1x16xf32>,
      %get3A_3418 = vector.shape_cast %get3A_3417 : vector<1x1x16xf32> to vector<16xf32>
      %add3A_3419 = arith.constant 80 : i32
      %add3A_3420 = vector.broadcast %add3A_3419 : i32 to vector<16xi32>
      %add3A_3421 = arith.addi %add3A_3420, %iota3A : vector<16xi32>
      %eq3A_3422 = vector.broadcast %select_n3A_3331 : i32 to vector<16xi32>
      %eq3A_3423 = arith.cmpi eq, %add3A_3421, %eq3A_3422 : vector<16xi32>
      %jit3A_3424 = arith.constant 1.000000e+00 : f32
      %broadcast_in_dim3A_3425 = vector.broadcast %jit3A_3424 : f32 to vector<16xf32>
      %select_n3A_3426 = arith.select %eq3A_3423, %get3A_3418, %broadcast_in_dim3A_3425 : vector<16xi1>, vector<16xf32>
      %mul3A_3427 = arith.mulf %mul3A_3411, %select_n3A_3426 : vector<16xf32>
      %get3A_3428 = arith.constant 16 : i32
      %get3A_3429 = arith.constant 1 : i32
      %get3A_3430 = arith.index_cast %get3A_3428 : i32 to index
      %get3A_3431 = arith.index_cast %get3A_3429 : i32 to index
      %get3A_3432 = arith.constant 96 : index
      %get3A_3433 = tpu.vector_load %arg6[%get3A_3430, %get3A_3431, %get3A_3432] {strides = array<i32>} : memref<20x8x128xf32, #tpu.memory_space<vmem>>, vector<1x1x16xf32>,
      %get3A_3434 = vector.shape_cast %get3A_3433 : vector<1x1x16xf32> to vector<16xf32>
      %add3A_3435 = arith.constant 96 : i32
      %add3A_3436 = vector.broadcast %add3A_3435 : i32 to vector<16xi32>
      %add3A_3437 = arith.addi %add3A_3436, %iota3A : vector<16xi32>
      %eq3A_3438 = vector.broadcast %select_n3A_3331 : i32 to vector<16xi32>
      %eq3A_3439 = arith.cmpi eq, %add3A_3437, %eq3A_3438 : vector<16xi32>
      %jit3A_3440 = arith.constant 1.000000e+00 : f32
      %broadcast_in_dim3A_3441 = vector.broadcast %jit3A_3440 : f32 to vector<16xf32>
      %select_n3A_3442 = arith.select %eq3A_3439, %get3A_3434, %broadcast_in_dim3A_3441 : vector<16xi1>, vector<16xf32>
      %mul3A_3443 = arith.mulf %mul3A_3427, %select_n3A_3442 : vector<16xf32>
      %get3A_3444 = arith.constant 16 : i32
      %get3A_3445 = arith.constant 1 : i32
      %get3A_3446 = arith.index_cast %get3A_3444 : i32 to index
      %get3A_3447 = arith.index_cast %get3A_3445 : i32 to index
      %get3A_3448 = arith.constant 112 : index
      %get3A_3449 = tpu.vector_load %arg6[%get3A_3446, %get3A_3447, %get3A_3448] {strides = array<i32>} : memref<20x8x128xf32, #tpu.memory_space<vmem>>, vector<1x1x16xf32>,
      %get3A_3450 = vector.shape_cast %get3A_3449 : vector<1x1x16xf32> to vector<16xf32>
      %add3A_3451 = arith.constant 112 : i32
      %add3A_3452 = vector.broadcast %add3A_3451 : i32 to vector<16xi32>
      %add3A_3453 = arith.addi %add3A_3452, %iota3A : vector<16xi32>
      %eq3A_3454 = vector.broadcast %select_n3A_3331 : i32 to vector<16xi32>
      %eq3A_3455 = arith.cmpi eq, %add3A_3453, %eq3A_3454 : vector<16xi32>
      %jit3A_3456 = arith.constant 1.000000e+00 : f32
      %broadcast_in_dim3A_3457 = vector.broadcast %jit3A_3456 : f32 to vector<16xf32>
      %select_n3A_3458 = arith.select %eq3A_3455, %get3A_3450, %broadcast_in_dim3A_3457 : vector<16xi1>, vector<16xf32>
      %mul3A_3459 = arith.mulf %mul3A_3443, %select_n3A_3458 : vector<16xf32>
      %jit3A_3460 = arith.constant 1.000000e+00 : f32
      %jit3A_3461 = arith.constant 0.000000e+00 : f32
      %select_n3A_3462 = arith.select %ge3A_3325, %jit3A_3460, %jit3A_3461 : f32
      %add3A_3463 = arith.addf %add3A_3321, %select_n3A_3462 : f32
      %slice3A_3464 = vector.extract_strided_slice %get3A_8 {offsets = [1], sizes = [1], strides = [1]} : vector<16xi32> to vector<1xi32>
      %squeeze3A_3465 = vector.extract %slice3A_3464[0] : i32 from vector<1xi32>
      %ge3A_3466 = arith.constant 0 : i32
      %ge3A_3467 = arith.cmpi sge, %squeeze3A_3465, %ge3A_3466 : i32
      %max3A_3468 = arith.constant 0 : i32
      %max3A_3469 = arith.maxsi %squeeze3A_3465, %max3A_3468 : i32
      %and3A_3470 = arith.constant 127 : i32
      %and3A_3471 = arith.andi %max3A_3469, %and3A_3470 : i32
      %jit3A_3472 = arith.constant 128 : i32
      %select_n3A_3473 = arith.select %ge3A_3467, %and3A_3471, %jit3A_3472 : i32
      %get3A_3474 = arith.constant 17 : i32
      %get3A_3475 = arith.constant 2 : i32
      %get3A_3476 = arith.index_cast %get3A_3474 : i32 to index
      %get3A_3477 = arith.index_cast %get3A_3475 : i32 to index
      %get3A_3478 = arith.constant 0 : index
      %get3A_3479 = tpu.vector_load %arg6[%get3A_3476, %get3A_3477, %get3A_3478] {strides = array<i32>} : memref<20x8x128xf32, #tpu.memory_space<vmem>>, vector<1x1x16xf32>,
      %get3A_3480 = vector.shape_cast %get3A_3479 : vector<1x1x16xf32> to vector<16xf32>
      %add3A_3481 = arith.constant 0 : i32
      %add3A_3482 = vector.broadcast %add3A_3481 : i32 to vector<16xi32>
      %add3A_3483 = arith.addi %add3A_3482, %iota3A : vector<16xi32>
      %eq3A_3484 = vector.broadcast %select_n3A_3473 : i32 to vector<16xi32>
      %eq3A_3485 = arith.cmpi eq, %add3A_3483, %eq3A_3484 : vector<16xi32>
      %jit3A_3486 = arith.constant 1.000000e+00 : f32
      %broadcast_in_dim3A_3487 = vector.broadcast %jit3A_3486 : f32 to vector<16xf32>
      %select_n3A_3488 = arith.select %eq3A_3485, %get3A_3480, %broadcast_in_dim3A_3487 : vector<16xi1>, vector<16xf32>
      %mul3A_3489 = arith.mulf %mul3A_3459, %select_n3A_3488 : vector<16xf32>
      %get3A_3490 = arith.constant 17 : i32
      %get3A_3491 = arith.constant 2 : i32
      %get3A_3492 = arith.index_cast %get3A_3490 : i32 to index
      %get3A_3493 = arith.index_cast %get3A_3491 : i32 to index
      %get3A_3494 = arith.constant 16 : index
      %get3A_3495 = tpu.vector_load %arg6[%get3A_3492, %get3A_3493, %get3A_3494] {strides = array<i32>} : memref<20x8x128xf32, #tpu.memory_space<vmem>>, vector<1x1x16xf32>,
      %get3A_3496 = vector.shape_cast %get3A_3495 : vector<1x1x16xf32> to vector<16xf32>
      %add3A_3497 = arith.constant 16 : i32
      %add3A_3498 = vector.broadcast %add3A_3497 : i32 to vector<16xi32>
      %add3A_3499 = arith.addi %add3A_3498, %iota3A : vector<16xi32>
      %eq3A_3500 = vector.broadcast %select_n3A_3473 : i32 to vector<16xi32>
      %eq3A_3501 = arith.cmpi eq, %add3A_3499, %eq3A_3500 : vector<16xi32>
      %jit3A_3502 = arith.constant 1.000000e+00 : f32
      %broadcast_in_dim3A_3503 = vector.broadcast %jit3A_3502 : f32 to vector<16xf32>
      %select_n3A_3504 = arith.select %eq3A_3501, %get3A_3496, %broadcast_in_dim3A_3503 : vector<16xi1>, vector<16xf32>
      %mul3A_3505 = arith.mulf %mul3A_3489, %select_n3A_3504 : vector<16xf32>
      %get3A_3506 = arith.constant 17 : i32
      %get3A_3507 = arith.constant 2 : i32
      %get3A_3508 = arith.index_cast %get3A_3506 : i32 to index
      %get3A_3509 = arith.index_cast %get3A_3507 : i32 to index
      %get3A_3510 = arith.constant 32 : index
      %get3A_3511 = tpu.vector_load %arg6[%get3A_3508, %get3A_3509, %get3A_3510] {strides = array<i32>} : memref<20x8x128xf32, #tpu.memory_space<vmem>>, vector<1x1x16xf32>,
      %get3A_3512 = vector.shape_cast %get3A_3511 : vector<1x1x16xf32> to vector<16xf32>
      %add3A_3513 = arith.constant 32 : i32
      %add3A_3514 = vector.broadcast %add3A_3513 : i32 to vector<16xi32>
      %add3A_3515 = arith.addi %add3A_3514, %iota3A : vector<16xi32>
      %eq3A_3516 = vector.broadcast %select_n3A_3473 : i32 to vector<16xi32>
      %eq3A_3517 = arith.cmpi eq, %add3A_3515, %eq3A_3516 : vector<16xi32>
      %jit3A_3518 = arith.constant 1.000000e+00 : f32
      %broadcast_in_dim3A_3519 = vector.broadcast %jit3A_3518 : f32 to vector<16xf32>
      %select_n3A_3520 = arith.select %eq3A_3517, %get3A_3512, %broadcast_in_dim3A_3519 : vector<16xi1>, vector<16xf32>
      %mul3A_3521 = arith.mulf %mul3A_3505, %select_n3A_3520 : vector<16xf32>
      %get3A_3522 = arith.constant 17 : i32
      %get3A_3523 = arith.constant 2 : i32
      %get3A_3524 = arith.index_cast %get3A_3522 : i32 to index
      %get3A_3525 = arith.index_cast %get3A_3523 : i32 to index
      %get3A_3526 = arith.constant 48 : index
      %get3A_3527 = tpu.vector_load %arg6[%get3A_3524, %get3A_3525, %get3A_3526] {strides = array<i32>} : memref<20x8x128xf32, #tpu.memory_space<vmem>>, vector<1x1x16xf32>,
      %get3A_3528 = vector.shape_cast %get3A_3527 : vector<1x1x16xf32> to vector<16xf32>
      %add3A_3529 = arith.constant 48 : i32
      %add3A_3530 = vector.broadcast %add3A_3529 : i32 to vector<16xi32>
      %add3A_3531 = arith.addi %add3A_3530, %iota3A : vector<16xi32>
      %eq3A_3532 = vector.broadcast %select_n3A_3473 : i32 to vector<16xi32>
      %eq3A_3533 = arith.cmpi eq, %add3A_3531, %eq3A_3532 : vector<16xi32>
      %jit3A_3534 = arith.constant 1.000000e+00 : f32
      %broadcast_in_dim3A_3535 = vector.broadcast %jit3A_3534 : f32 to vector<16xf32>
      %select_n3A_3536 = arith.select %eq3A_3533, %get3A_3528, %broadcast_in_dim3A_3535 : vector<16xi1>, vector<16xf32>
      %mul3A_3537 = arith.mulf %mul3A_3521, %select_n3A_3536 : vector<16xf32>
      %get3A_3538 = arith.constant 17 : i32
      %get3A_3539 = arith.constant 2 : i32
      %get3A_3540 = arith.index_cast %get3A_3538 : i32 to index
      %get3A_3541 = arith.index_cast %get3A_3539 : i32 to index
      %get3A_3542 = arith.constant 64 : index
      %get3A_3543 = tpu.vector_load %arg6[%get3A_3540, %get3A_3541, %get3A_3542] {strides = array<i32>} : memref<20x8x128xf32, #tpu.memory_space<vmem>>, vector<1x1x16xf32>,
      %get3A_3544 = vector.shape_cast %get3A_3543 : vector<1x1x16xf32> to vector<16xf32>
      %add3A_3545 = arith.constant 64 : i32
      %add3A_3546 = vector.broadcast %add3A_3545 : i32 to vector<16xi32>
      %add3A_3547 = arith.addi %add3A_3546, %iota3A : vector<16xi32>
      %eq3A_3548 = vector.broadcast %select_n3A_3473 : i32 to vector<16xi32>
      %eq3A_3549 = arith.cmpi eq, %add3A_3547, %eq3A_3548 : vector<16xi32>
      %jit3A_3550 = arith.constant 1.000000e+00 : f32
      %broadcast_in_dim3A_3551 = vector.broadcast %jit3A_3550 : f32 to vector<16xf32>
      %select_n3A_3552 = arith.select %eq3A_3549, %get3A_3544, %broadcast_in_dim3A_3551 : vector<16xi1>, vector<16xf32>
      %mul3A_3553 = arith.mulf %mul3A_3537, %select_n3A_3552 : vector<16xf32>
      %get3A_3554 = arith.constant 17 : i32
      %get3A_3555 = arith.constant 2 : i32
      %get3A_3556 = arith.index_cast %get3A_3554 : i32 to index
      %get3A_3557 = arith.index_cast %get3A_3555 : i32 to index
      %get3A_3558 = arith.constant 80 : index
      %get3A_3559 = tpu.vector_load %arg6[%get3A_3556, %get3A_3557, %get3A_3558] {strides = array<i32>} : memref<20x8x128xf32, #tpu.memory_space<vmem>>, vector<1x1x16xf32>,
      %get3A_3560 = vector.shape_cast %get3A_3559 : vector<1x1x16xf32> to vector<16xf32>
      %add3A_3561 = arith.constant 80 : i32
      %add3A_3562 = vector.broadcast %add3A_3561 : i32 to vector<16xi32>
      %add3A_3563 = arith.addi %add3A_3562, %iota3A : vector<16xi32>
      %eq3A_3564 = vector.broadcast %select_n3A_3473 : i32 to vector<16xi32>
      %eq3A_3565 = arith.cmpi eq, %add3A_3563, %eq3A_3564 : vector<16xi32>
      %jit3A_3566 = arith.constant 1.000000e+00 : f32
      %broadcast_in_dim3A_3567 = vector.broadcast %jit3A_3566 : f32 to vector<16xf32>
      %select_n3A_3568 = arith.select %eq3A_3565, %get3A_3560, %broadcast_in_dim3A_3567 : vector<16xi1>, vector<16xf32>
      %mul3A_3569 = arith.mulf %mul3A_3553, %select_n3A_3568 : vector<16xf32>
      %get3A_3570 = arith.constant 17 : i32
      %get3A_3571 = arith.constant 2 : i32
      %get3A_3572 = arith.index_cast %get3A_3570 : i32 to index
      %get3A_3573 = arith.index_cast %get3A_3571 : i32 to index
      %get3A_3574 = arith.constant 96 : index
      %get3A_3575 = tpu.vector_load %arg6[%get3A_3572, %get3A_3573, %get3A_3574] {strides = array<i32>} : memref<20x8x128xf32, #tpu.memory_space<vmem>>, vector<1x1x16xf32>,
      %get3A_3576 = vector.shape_cast %get3A_3575 : vector<1x1x16xf32> to vector<16xf32>
      %add3A_3577 = arith.constant 96 : i32
      %add3A_3578 = vector.broadcast %add3A_3577 : i32 to vector<16xi32>
      %add3A_3579 = arith.addi %add3A_3578, %iota3A : vector<16xi32>
      %eq3A_3580 = vector.broadcast %select_n3A_3473 : i32 to vector<16xi32>
      %eq3A_3581 = arith.cmpi eq, %add3A_3579, %eq3A_3580 : vector<16xi32>
      %jit3A_3582 = arith.constant 1.000000e+00 : f32
      %broadcast_in_dim3A_3583 = vector.broadcast %jit3A_3582 : f32 to vector<16xf32>
      %select_n3A_3584 = arith.select %eq3A_3581, %get3A_3576, %broadcast_in_dim3A_3583 : vector<16xi1>, vector<16xf32>
      %mul3A_3585 = arith.mulf %mul3A_3569, %select_n3A_3584 : vector<16xf32>
      %get3A_3586 = arith.constant 17 : i32
      %get3A_3587 = arith.constant 2 : i32
      %get3A_3588 = arith.index_cast %get3A_3586 : i32 to index
      %get3A_3589 = arith.index_cast %get3A_3587 : i32 to index
      %get3A_3590 = arith.constant 112 : index
      %get3A_3591 = tpu.vector_load %arg6[%get3A_3588, %get3A_3589, %get3A_3590] {strides = array<i32>} : memref<20x8x128xf32, #tpu.memory_space<vmem>>, vector<1x1x16xf32>,
      %get3A_3592 = vector.shape_cast %get3A_3591 : vector<1x1x16xf32> to vector<16xf32>
      %add3A_3593 = arith.constant 112 : i32
      %add3A_3594 = vector.broadcast %add3A_3593 : i32 to vector<16xi32>
      %add3A_3595 = arith.addi %add3A_3594, %iota3A : vector<16xi32>
      %eq3A_3596 = vector.broadcast %select_n3A_3473 : i32 to vector<16xi32>
      %eq3A_3597 = arith.cmpi eq, %add3A_3595, %eq3A_3596 : vector<16xi32>
      %jit3A_3598 = arith.constant 1.000000e+00 : f32
      %broadcast_in_dim3A_3599 = vector.broadcast %jit3A_3598 : f32 to vector<16xf32>
      %select_n3A_3600 = arith.select %eq3A_3597, %get3A_3592, %broadcast_in_dim3A_3599 : vector<16xi1>, vector<16xf32>
      %mul3A_3601 = arith.mulf %mul3A_3585, %select_n3A_3600 : vector<16xf32>
      %jit3A_3602 = arith.constant 1.000000e+00 : f32
      %jit3A_3603 = arith.constant 0.000000e+00 : f32
      %select_n3A_3604 = arith.select %ge3A_3467, %jit3A_3602, %jit3A_3603 : f32
      %add3A_3605 = arith.addf %add3A_3463, %select_n3A_3604 : f32
      %slice3A_3606 = vector.extract_strided_slice %get3A_8 {offsets = [2], sizes = [1], strides = [1]} : vector<16xi32> to vector<1xi32>
      %squeeze3A_3607 = vector.extract %slice3A_3606[0] : i32 from vector<1xi32>
      %ge3A_3608 = arith.constant 0 : i32
      %ge3A_3609 = arith.cmpi sge, %squeeze3A_3607, %ge3A_3608 : i32
      %max3A_3610 = arith.constant 0 : i32
      %max3A_3611 = arith.maxsi %squeeze3A_3607, %max3A_3610 : i32
      %and3A_3612 = arith.constant 127 : i32
      %and3A_3613 = arith.andi %max3A_3611, %and3A_3612 : i32
      %jit3A_3614 = arith.constant 128 : i32
      %select_n3A_3615 = arith.select %ge3A_3609, %and3A_3613, %jit3A_3614 : i32
      %get3A_3616 = arith.constant 18 : i32
      %get3A_3617 = arith.constant 3 : i32
      %get3A_3618 = arith.index_cast %get3A_3616 : i32 to index
      %get3A_3619 = arith.index_cast %get3A_3617 : i32 to index
      %get3A_3620 = arith.constant 0 : index
      %get3A_3621 = tpu.vector_load %arg6[%get3A_3618, %get3A_3619, %get3A_3620] {strides = array<i32>} : memref<20x8x128xf32, #tpu.memory_space<vmem>>, vector<1x1x16xf32>,
      %get3A_3622 = vector.shape_cast %get3A_3621 : vector<1x1x16xf32> to vector<16xf32>
      %add3A_3623 = arith.constant 0 : i32
      %add3A_3624 = vector.broadcast %add3A_3623 : i32 to vector<16xi32>
      %add3A_3625 = arith.addi %add3A_3624, %iota3A : vector<16xi32>
      %eq3A_3626 = vector.broadcast %select_n3A_3615 : i32 to vector<16xi32>
      %eq3A_3627 = arith.cmpi eq, %add3A_3625, %eq3A_3626 : vector<16xi32>
      %jit3A_3628 = arith.constant 1.000000e+00 : f32
      %broadcast_in_dim3A_3629 = vector.broadcast %jit3A_3628 : f32 to vector<16xf32>
      %select_n3A_3630 = arith.select %eq3A_3627, %get3A_3622, %broadcast_in_dim3A_3629 : vector<16xi1>, vector<16xf32>
      %mul3A_3631 = arith.mulf %mul3A_3601, %select_n3A_3630 : vector<16xf32>
      %get3A_3632 = arith.constant 18 : i32
      %get3A_3633 = arith.constant 3 : i32
      %get3A_3634 = arith.index_cast %get3A_3632 : i32 to index
      %get3A_3635 = arith.index_cast %get3A_3633 : i32 to index
      %get3A_3636 = arith.constant 16 : index
      %get3A_3637 = tpu.vector_load %arg6[%get3A_3634, %get3A_3635, %get3A_3636] {strides = array<i32>} : memref<20x8x128xf32, #tpu.memory_space<vmem>>, vector<1x1x16xf32>,
      %get3A_3638 = vector.shape_cast %get3A_3637 : vector<1x1x16xf32> to vector<16xf32>
      %add3A_3639 = arith.constant 16 : i32
      %add3A_3640 = vector.broadcast %add3A_3639 : i32 to vector<16xi32>
      %add3A_3641 = arith.addi %add3A_3640, %iota3A : vector<16xi32>
      %eq3A_3642 = vector.broadcast %select_n3A_3615 : i32 to vector<16xi32>
      %eq3A_3643 = arith.cmpi eq, %add3A_3641, %eq3A_3642 : vector<16xi32>
      %jit3A_3644 = arith.constant 1.000000e+00 : f32
      %broadcast_in_dim3A_3645 = vector.broadcast %jit3A_3644 : f32 to vector<16xf32>
      %select_n3A_3646 = arith.select %eq3A_3643, %get3A_3638, %broadcast_in_dim3A_3645 : vector<16xi1>, vector<16xf32>
      %mul3A_3647 = arith.mulf %mul3A_3631, %select_n3A_3646 : vector<16xf32>
      %get3A_3648 = arith.constant 18 : i32
      %get3A_3649 = arith.constant 3 : i32
      %get3A_3650 = arith.index_cast %get3A_3648 : i32 to index
      %get3A_3651 = arith.index_cast %get3A_3649 : i32 to index
      %get3A_3652 = arith.constant 32 : index
      %get3A_3653 = tpu.vector_load %arg6[%get3A_3650, %get3A_3651, %get3A_3652] {strides = array<i32>} : memref<20x8x128xf32, #tpu.memory_space<vmem>>, vector<1x1x16xf32>,
      %get3A_3654 = vector.shape_cast %get3A_3653 : vector<1x1x16xf32> to vector<16xf32>
      %add3A_3655 = arith.constant 32 : i32
      %add3A_3656 = vector.broadcast %add3A_3655 : i32 to vector<16xi32>
      %add3A_3657 = arith.addi %add3A_3656, %iota3A : vector<16xi32>
      %eq3A_3658 = vector.broadcast %select_n3A_3615 : i32 to vector<16xi32>
      %eq3A_3659 = arith.cmpi eq, %add3A_3657, %eq3A_3658 : vector<16xi32>
      %jit3A_3660 = arith.constant 1.000000e+00 : f32
      %broadcast_in_dim3A_3661 = vector.broadcast %jit3A_3660 : f32 to vector<16xf32>
      %select_n3A_3662 = arith.select %eq3A_3659, %get3A_3654, %broadcast_in_dim3A_3661 : vector<16xi1>, vector<16xf32>
      %mul3A_3663 = arith.mulf %mul3A_3647, %select_n3A_3662 : vector<16xf32>
      %get3A_3664 = arith.constant 18 : i32
      %get3A_3665 = arith.constant 3 : i32
      %get3A_3666 = arith.index_cast %get3A_3664 : i32 to index
      %get3A_3667 = arith.index_cast %get3A_3665 : i32 to index
      %get3A_3668 = arith.constant 48 : index
      %get3A_3669 = tpu.vector_load %arg6[%get3A_3666, %get3A_3667, %get3A_3668] {strides = array<i32>} : memref<20x8x128xf32, #tpu.memory_space<vmem>>, vector<1x1x16xf32>,
      %get3A_3670 = vector.shape_cast %get3A_3669 : vector<1x1x16xf32> to vector<16xf32>
      %add3A_3671 = arith.constant 48 : i32
      %add3A_3672 = vector.broadcast %add3A_3671 : i32 to vector<16xi32>
      %add3A_3673 = arith.addi %add3A_3672, %iota3A : vector<16xi32>
      %eq3A_3674 = vector.broadcast %select_n3A_3615 : i32 to vector<16xi32>
      %eq3A_3675 = arith.cmpi eq, %add3A_3673, %eq3A_3674 : vector<16xi32>
      %jit3A_3676 = arith.constant 1.000000e+00 : f32
      %broadcast_in_dim3A_3677 = vector.broadcast %jit3A_3676 : f32 to vector<16xf32>
      %select_n3A_3678 = arith.select %eq3A_3675, %get3A_3670, %broadcast_in_dim3A_3677 : vector<16xi1>, vector<16xf32>
      %mul3A_3679 = arith.mulf %mul3A_3663, %select_n3A_3678 : vector<16xf32>
      %get3A_3680 = arith.constant 18 : i32
      %get3A_3681 = arith.constant 3 : i32
      %get3A_3682 = arith.index_cast %get3A_3680 : i32 to index
      %get3A_3683 = arith.index_cast %get3A_3681 : i32 to index
      %get3A_3684 = arith.constant 64 : index
      %get3A_3685 = tpu.vector_load %arg6[%get3A_3682, %get3A_3683, %get3A_3684] {strides = array<i32>} : memref<20x8x128xf32, #tpu.memory_space<vmem>>, vector<1x1x16xf32>,
      %get3A_3686 = vector.shape_cast %get3A_3685 : vector<1x1x16xf32> to vector<16xf32>
      %add3A_3687 = arith.constant 64 : i32
      %add3A_3688 = vector.broadcast %add3A_3687 : i32 to vector<16xi32>
      %add3A_3689 = arith.addi %add3A_3688, %iota3A : vector<16xi32>
      %eq3A_3690 = vector.broadcast %select_n3A_3615 : i32 to vector<16xi32>
      %eq3A_3691 = arith.cmpi eq, %add3A_3689, %eq3A_3690 : vector<16xi32>
      %jit3A_3692 = arith.constant 1.000000e+00 : f32
      %broadcast_in_dim3A_3693 = vector.broadcast %jit3A_3692 : f32 to vector<16xf32>
      %select_n3A_3694 = arith.select %eq3A_3691, %get3A_3686, %broadcast_in_dim3A_3693 : vector<16xi1>, vector<16xf32>
      %mul3A_3695 = arith.mulf %mul3A_3679, %select_n3A_3694 : vector<16xf32>
      %get3A_3696 = arith.constant 18 : i32
      %get3A_3697 = arith.constant 3 : i32
      %get3A_3698 = arith.index_cast %get3A_3696 : i32 to index
      %get3A_3699 = arith.index_cast %get3A_3697 : i32 to index
      %get3A_3700 = arith.constant 80 : index
      %get3A_3701 = tpu.vector_load %arg6[%get3A_3698, %get3A_3699, %get3A_3700] {strides = array<i32>} : memref<20x8x128xf32, #tpu.memory_space<vmem>>, vector<1x1x16xf32>,
      %get3A_3702 = vector.shape_cast %get3A_3701 : vector<1x1x16xf32> to vector<16xf32>
      %add3A_3703 = arith.constant 80 : i32
      %add3A_3704 = vector.broadcast %add3A_3703 : i32 to vector<16xi32>
      %add3A_3705 = arith.addi %add3A_3704, %iota3A : vector<16xi32>
      %eq3A_3706 = vector.broadcast %select_n3A_3615 : i32 to vector<16xi32>
      %eq3A_3707 = arith.cmpi eq, %add3A_3705, %eq3A_3706 : vector<16xi32>
      %jit3A_3708 = arith.constant 1.000000e+00 : f32
      %broadcast_in_dim3A_3709 = vector.broadcast %jit3A_3708 : f32 to vector<16xf32>
      %select_n3A_3710 = arith.select %eq3A_3707, %get3A_3702, %broadcast_in_dim3A_3709 : vector<16xi1>, vector<16xf32>
      %mul3A_3711 = arith.mulf %mul3A_3695, %select_n3A_3710 : vector<16xf32>
      %get3A_3712 = arith.constant 18 : i32
      %get3A_3713 = arith.constant 3 : i32
      %get3A_3714 = arith.index_cast %get3A_3712 : i32 to index
      %get3A_3715 = arith.index_cast %get3A_3713 : i32 to index
      %get3A_3716 = arith.constant 96 : index
      %get3A_3717 = tpu.vector_load %arg6[%get3A_3714, %get3A_3715, %get3A_3716] {strides = array<i32>} : memref<20x8x128xf32, #tpu.memory_space<vmem>>, vector<1x1x16xf32>,
      %get3A_3718 = vector.shape_cast %get3A_3717 : vector<1x1x16xf32> to vector<16xf32>
      %add3A_3719 = arith.constant 96 : i32
      %add3A_3720 = vector.broadcast %add3A_3719 : i32 to vector<16xi32>
      %add3A_3721 = arith.addi %add3A_3720, %iota3A : vector<16xi32>
      %eq3A_3722 = vector.broadcast %select_n3A_3615 : i32 to vector<16xi32>
      %eq3A_3723 = arith.cmpi eq, %add3A_3721, %eq3A_3722 : vector<16xi32>
      %jit3A_3724 = arith.constant 1.000000e+00 : f32
      %broadcast_in_dim3A_3725 = vector.broadcast %jit3A_3724 : f32 to vector<16xf32>
      %select_n3A_3726 = arith.select %eq3A_3723, %get3A_3718, %broadcast_in_dim3A_3725 : vector<16xi1>, vector<16xf32>
      %mul3A_3727 = arith.mulf %mul3A_3711, %select_n3A_3726 : vector<16xf32>
      %get3A_3728 = arith.constant 18 : i32
      %get3A_3729 = arith.constant 3 : i32
      %get3A_3730 = arith.index_cast %get3A_3728 : i32 to index
      %get3A_3731 = arith.index_cast %get3A_3729 : i32 to index
      %get3A_3732 = arith.constant 112 : index
      %get3A_3733 = tpu.vector_load %arg6[%get3A_3730, %get3A_3731, %get3A_3732] {strides = array<i32>} : memref<20x8x128xf32, #tpu.memory_space<vmem>>, vector<1x1x16xf32>,
      %get3A_3734 = vector.shape_cast %get3A_3733 : vector<1x1x16xf32> to vector<16xf32>
      %add3A_3735 = arith.constant 112 : i32
      %add3A_3736 = vector.broadcast %add3A_3735 : i32 to vector<16xi32>
      %add3A_3737 = arith.addi %add3A_3736, %iota3A : vector<16xi32>
      %eq3A_3738 = vector.broadcast %select_n3A_3615 : i32 to vector<16xi32>
      %eq3A_3739 = arith.cmpi eq, %add3A_3737, %eq3A_3738 : vector<16xi32>
      %jit3A_3740 = arith.constant 1.000000e+00 : f32
      %broadcast_in_dim3A_3741 = vector.broadcast %jit3A_3740 : f32 to vector<16xf32>
      %select_n3A_3742 = arith.select %eq3A_3739, %get3A_3734, %broadcast_in_dim3A_3741 : vector<16xi1>, vector<16xf32>
      %mul3A_3743 = arith.mulf %mul3A_3727, %select_n3A_3742 : vector<16xf32>
      %jit3A_3744 = arith.constant 1.000000e+00 : f32
      %jit3A_3745 = arith.constant 0.000000e+00 : f32
      %select_n3A_3746 = arith.select %ge3A_3609, %jit3A_3744, %jit3A_3745 : f32
      %add3A_3747 = arith.addf %add3A_3605, %select_n3A_3746 : f32
      %slice3A_3748 = vector.extract_strided_slice %get3A_8 {offsets = [3], sizes = [1], strides = [1]} : vector<16xi32> to vector<1xi32>
      %squeeze3A_3749 = vector.extract %slice3A_3748[0] : i32 from vector<1xi32>
      %ge3A_3750 = arith.constant 0 : i32
      %ge3A_3751 = arith.cmpi sge, %squeeze3A_3749, %ge3A_3750 : i32
      %max3A_3752 = arith.constant 0 : i32
      %max3A_3753 = arith.maxsi %squeeze3A_3749, %max3A_3752 : i32
      %and3A_3754 = arith.constant 127 : i32
      %and3A_3755 = arith.andi %max3A_3753, %and3A_3754 : i32
      %jit3A_3756 = arith.constant 128 : i32
      %select_n3A_3757 = arith.select %ge3A_3751, %and3A_3755, %jit3A_3756 : i32
      %get3A_3758 = arith.constant 19 : i32
      %get3A_3759 = arith.constant 4 : i32
      %get3A_3760 = arith.index_cast %get3A_3758 : i32 to index
      %get3A_3761 = arith.index_cast %get3A_3759 : i32 to index
      %get3A_3762 = arith.constant 0 : index
      %get3A_3763 = tpu.vector_load %arg6[%get3A_3760, %get3A_3761, %get3A_3762] {strides = array<i32>} : memref<20x8x128xf32, #tpu.memory_space<vmem>>, vector<1x1x16xf32>,
      %get3A_3764 = vector.shape_cast %get3A_3763 : vector<1x1x16xf32> to vector<16xf32>
      %add3A_3765 = arith.constant 0 : i32
      %add3A_3766 = vector.broadcast %add3A_3765 : i32 to vector<16xi32>
      %add3A_3767 = arith.addi %add3A_3766, %iota3A : vector<16xi32>
      %eq3A_3768 = vector.broadcast %select_n3A_3757 : i32 to vector<16xi32>
      %eq3A_3769 = arith.cmpi eq, %add3A_3767, %eq3A_3768 : vector<16xi32>
      %jit3A_3770 = arith.constant 1.000000e+00 : f32
      %broadcast_in_dim3A_3771 = vector.broadcast %jit3A_3770 : f32 to vector<16xf32>
      %select_n3A_3772 = arith.select %eq3A_3769, %get3A_3764, %broadcast_in_dim3A_3771 : vector<16xi1>, vector<16xf32>
      %mul3A_3773 = arith.mulf %mul3A_3743, %select_n3A_3772 : vector<16xf32>
      %get3A_3774 = arith.constant 19 : i32
      %get3A_3775 = arith.constant 4 : i32
      %get3A_3776 = arith.index_cast %get3A_3774 : i32 to index
      %get3A_3777 = arith.index_cast %get3A_3775 : i32 to index
      %get3A_3778 = arith.constant 16 : index
      %get3A_3779 = tpu.vector_load %arg6[%get3A_3776, %get3A_3777, %get3A_3778] {strides = array<i32>} : memref<20x8x128xf32, #tpu.memory_space<vmem>>, vector<1x1x16xf32>,
      %get3A_3780 = vector.shape_cast %get3A_3779 : vector<1x1x16xf32> to vector<16xf32>
      %add3A_3781 = arith.constant 16 : i32
      %add3A_3782 = vector.broadcast %add3A_3781 : i32 to vector<16xi32>
      %add3A_3783 = arith.addi %add3A_3782, %iota3A : vector<16xi32>
      %eq3A_3784 = vector.broadcast %select_n3A_3757 : i32 to vector<16xi32>
      %eq3A_3785 = arith.cmpi eq, %add3A_3783, %eq3A_3784 : vector<16xi32>
      %jit3A_3786 = arith.constant 1.000000e+00 : f32
      %broadcast_in_dim3A_3787 = vector.broadcast %jit3A_3786 : f32 to vector<16xf32>
      %select_n3A_3788 = arith.select %eq3A_3785, %get3A_3780, %broadcast_in_dim3A_3787 : vector<16xi1>, vector<16xf32>
      %mul3A_3789 = arith.mulf %mul3A_3773, %select_n3A_3788 : vector<16xf32>
      %get3A_3790 = arith.constant 19 : i32
      %get3A_3791 = arith.constant 4 : i32
      %get3A_3792 = arith.index_cast %get3A_3790 : i32 to index
      %get3A_3793 = arith.index_cast %get3A_3791 : i32 to index
      %get3A_3794 = arith.constant 32 : index
      %get3A_3795 = tpu.vector_load %arg6[%get3A_3792, %get3A_3793, %get3A_3794] {strides = array<i32>} : memref<20x8x128xf32, #tpu.memory_space<vmem>>, vector<1x1x16xf32>,
      %get3A_3796 = vector.shape_cast %get3A_3795 : vector<1x1x16xf32> to vector<16xf32>
      %add3A_3797 = arith.constant 32 : i32
      %add3A_3798 = vector.broadcast %add3A_3797 : i32 to vector<16xi32>
      %add3A_3799 = arith.addi %add3A_3798, %iota3A : vector<16xi32>
      %eq3A_3800 = vector.broadcast %select_n3A_3757 : i32 to vector<16xi32>
      %eq3A_3801 = arith.cmpi eq, %add3A_3799, %eq3A_3800 : vector<16xi32>
      %jit3A_3802 = arith.constant 1.000000e+00 : f32
      %broadcast_in_dim3A_3803 = vector.broadcast %jit3A_3802 : f32 to vector<16xf32>
      %select_n3A_3804 = arith.select %eq3A_3801, %get3A_3796, %broadcast_in_dim3A_3803 : vector<16xi1>, vector<16xf32>
      %mul3A_3805 = arith.mulf %mul3A_3789, %select_n3A_3804 : vector<16xf32>
      %get3A_3806 = arith.constant 19 : i32
      %get3A_3807 = arith.constant 4 : i32
      %get3A_3808 = arith.index_cast %get3A_3806 : i32 to index
      %get3A_3809 = arith.index_cast %get3A_3807 : i32 to index
      %get3A_3810 = arith.constant 48 : index
      %get3A_3811 = tpu.vector_load %arg6[%get3A_3808, %get3A_3809, %get3A_3810] {strides = array<i32>} : memref<20x8x128xf32, #tpu.memory_space<vmem>>, vector<1x1x16xf32>,
      %get3A_3812 = vector.shape_cast %get3A_3811 : vector<1x1x16xf32> to vector<16xf32>
      %add3A_3813 = arith.constant 48 : i32
      %add3A_3814 = vector.broadcast %add3A_3813 : i32 to vector<16xi32>
      %add3A_3815 = arith.addi %add3A_3814, %iota3A : vector<16xi32>
      %eq3A_3816 = vector.broadcast %select_n3A_3757 : i32 to vector<16xi32>
      %eq3A_3817 = arith.cmpi eq, %add3A_3815, %eq3A_3816 : vector<16xi32>
      %jit3A_3818 = arith.constant 1.000000e+00 : f32
      %broadcast_in_dim3A_3819 = vector.broadcast %jit3A_3818 : f32 to vector<16xf32>
      %select_n3A_3820 = arith.select %eq3A_3817, %get3A_3812, %broadcast_in_dim3A_3819 : vector<16xi1>, vector<16xf32>
      %mul3A_3821 = arith.mulf %mul3A_3805, %select_n3A_3820 : vector<16xf32>
      %get3A_3822 = arith.constant 19 : i32
      %get3A_3823 = arith.constant 4 : i32
      %get3A_3824 = arith.index_cast %get3A_3822 : i32 to index
      %get3A_3825 = arith.index_cast %get3A_3823 : i32 to index
      %get3A_3826 = arith.constant 64 : index
      %get3A_3827 = tpu.vector_load %arg6[%get3A_3824, %get3A_3825, %get3A_3826] {strides = array<i32>} : memref<20x8x128xf32, #tpu.memory_space<vmem>>, vector<1x1x16xf32>,
      %get3A_3828 = vector.shape_cast %get3A_3827 : vector<1x1x16xf32> to vector<16xf32>
      %add3A_3829 = arith.constant 64 : i32
      %add3A_3830 = vector.broadcast %add3A_3829 : i32 to vector<16xi32>
      %add3A_3831 = arith.addi %add3A_3830, %iota3A : vector<16xi32>
      %eq3A_3832 = vector.broadcast %select_n3A_3757 : i32 to vector<16xi32>
      %eq3A_3833 = arith.cmpi eq, %add3A_3831, %eq3A_3832 : vector<16xi32>
      %jit3A_3834 = arith.constant 1.000000e+00 : f32
      %broadcast_in_dim3A_3835 = vector.broadcast %jit3A_3834 : f32 to vector<16xf32>
      %select_n3A_3836 = arith.select %eq3A_3833, %get3A_3828, %broadcast_in_dim3A_3835 : vector<16xi1>, vector<16xf32>
      %mul3A_3837 = arith.mulf %mul3A_3821, %select_n3A_3836 : vector<16xf32>
      %get3A_3838 = arith.constant 19 : i32
      %get3A_3839 = arith.constant 4 : i32
      %get3A_3840 = arith.index_cast %get3A_3838 : i32 to index
      %get3A_3841 = arith.index_cast %get3A_3839 : i32 to index
      %get3A_3842 = arith.constant 80 : index
      %get3A_3843 = tpu.vector_load %arg6[%get3A_3840, %get3A_3841, %get3A_3842] {strides = array<i32>} : memref<20x8x128xf32, #tpu.memory_space<vmem>>, vector<1x1x16xf32>,
      %get3A_3844 = vector.shape_cast %get3A_3843 : vector<1x1x16xf32> to vector<16xf32>
      %add3A_3845 = arith.constant 80 : i32
      %add3A_3846 = vector.broadcast %add3A_3845 : i32 to vector<16xi32>
      %add3A_3847 = arith.addi %add3A_3846, %iota3A : vector<16xi32>
      %eq3A_3848 = vector.broadcast %select_n3A_3757 : i32 to vector<16xi32>
      %eq3A_3849 = arith.cmpi eq, %add3A_3847, %eq3A_3848 : vector<16xi32>
      %jit3A_3850 = arith.constant 1.000000e+00 : f32
      %broadcast_in_dim3A_3851 = vector.broadcast %jit3A_3850 : f32 to vector<16xf32>
      %select_n3A_3852 = arith.select %eq3A_3849, %get3A_3844, %broadcast_in_dim3A_3851 : vector<16xi1>, vector<16xf32>
      %mul3A_3853 = arith.mulf %mul3A_3837, %select_n3A_3852 : vector<16xf32>
      %get3A_3854 = arith.constant 19 : i32
      %get3A_3855 = arith.constant 4 : i32
      %get3A_3856 = arith.index_cast %get3A_3854 : i32 to index
      %get3A_3857 = arith.index_cast %get3A_3855 : i32 to index
      %get3A_3858 = arith.constant 96 : index
      %get3A_3859 = tpu.vector_load %arg6[%get3A_3856, %get3A_3857, %get3A_3858] {strides = array<i32>} : memref<20x8x128xf32, #tpu.memory_space<vmem>>, vector<1x1x16xf32>,
      %get3A_3860 = vector.shape_cast %get3A_3859 : vector<1x1x16xf32> to vector<16xf32>
      %add3A_3861 = arith.constant 96 : i32
      %add3A_3862 = vector.broadcast %add3A_3861 : i32 to vector<16xi32>
      %add3A_3863 = arith.addi %add3A_3862, %iota3A : vector<16xi32>
      %eq3A_3864 = vector.broadcast %select_n3A_3757 : i32 to vector<16xi32>
      %eq3A_3865 = arith.cmpi eq, %add3A_3863, %eq3A_3864 : vector<16xi32>
      %jit3A_3866 = arith.constant 1.000000e+00 : f32
      %broadcast_in_dim3A_3867 = vector.broadcast %jit3A_3866 : f32 to vector<16xf32>
      %select_n3A_3868 = arith.select %eq3A_3865, %get3A_3860, %broadcast_in_dim3A_3867 : vector<16xi1>, vector<16xf32>
      %mul3A_3869 = arith.mulf %mul3A_3853, %select_n3A_3868 : vector<16xf32>
      %get3A_3870 = arith.constant 19 : i32
      %get3A_3871 = arith.constant 4 : i32
      %get3A_3872 = arith.index_cast %get3A_3870 : i32 to index
      %get3A_3873 = arith.index_cast %get3A_3871 : i32 to index
      %get3A_3874 = arith.constant 112 : index
      %get3A_3875 = tpu.vector_load %arg6[%get3A_3872, %get3A_3873, %get3A_3874] {strides = array<i32>} : memref<20x8x128xf32, #tpu.memory_space<vmem>>, vector<1x1x16xf32>,
      %get3A_3876 = vector.shape_cast %get3A_3875 : vector<1x1x16xf32> to vector<16xf32>
      %add3A_3877 = arith.constant 112 : i32
      %add3A_3878 = vector.broadcast %add3A_3877 : i32 to vector<16xi32>
      %add3A_3879 = arith.addi %add3A_3878, %iota3A : vector<16xi32>
      %eq3A_3880 = vector.broadcast %select_n3A_3757 : i32 to vector<16xi32>
      %eq3A_3881 = arith.cmpi eq, %add3A_3879, %eq3A_3880 : vector<16xi32>
      %jit3A_3882 = arith.constant 1.000000e+00 : f32
      %broadcast_in_dim3A_3883 = vector.broadcast %jit3A_3882 : f32 to vector<16xf32>
      %select_n3A_3884 = arith.select %eq3A_3881, %get3A_3876, %broadcast_in_dim3A_3883 : vector<16xi1>, vector<16xf32>
      %mul3A_3885 = arith.mulf %mul3A_3869, %select_n3A_3884 : vector<16xf32>
      %jit3A_3886 = arith.constant 1.000000e+00 : f32
      %jit3A_3887 = arith.constant 0.000000e+00 : f32
      %select_n3A_3888 = arith.select %ge3A_3751, %jit3A_3886, %jit3A_3887 : f32
      %add3A_3889 = arith.addf %add3A_3747, %select_n3A_3888 : f32
      %bitcast_convert_type3A_3890 = tpu.bitcast %mul3A_3885 : vector<16xf32> -> vector<16xi32>
      %shift_right_arithmetic3A_3891 = arith.constant 23 : i32
      %shift_right_arithmetic3A_3892 = vector.broadcast %shift_right_arithmetic3A_3891 : i32 to vector<16xi32>
      %shift_right_arithmetic3A_3893 = arith.shrsi %bitcast_convert_type3A_3890, %shift_right_arithmetic3A_3892 : vector<16xi32>
      %sub3A_3894 = arith.constant 127 : i32
      %sub3A_3895 = vector.broadcast %sub3A_3894 : i32 to vector<16xi32>
      %sub3A_3896 = arith.subi %shift_right_arithmetic3A_3893, %sub3A_3895 : vector<16xi32>
      %and3A_3897 = arith.constant 8388607 : i32
      %and3A_3898 = vector.broadcast %and3A_3897 : i32 to vector<16xi32>
      %and3A_3899 = arith.andi %bitcast_convert_type3A_3890, %and3A_3898 : vector<16xi32>
      %or3A_3900 = arith.constant 1065353216 : i32
      %or3A_3901 = vector.broadcast %or3A_3900 : i32 to vector<16xi32>
      %or3A_3902 = arith.ori %and3A_3899, %or3A_3901 : vector<16xi32>
      %bitcast_convert_type3A_3903 = tpu.bitcast %or3A_3902 : vector<16xi32> -> vector<16xf32>
      %gt3A_3904 = arith.constant 1.41421354 : f32
      %gt3A_3905 = vector.broadcast %gt3A_3904 : f32 to vector<16xf32>
      %gt3A_3906 = arith.cmpf ogt, %bitcast_convert_type3A_3903, %gt3A_3905 : vector<16xf32>
      %mul3A_3907 = arith.constant 5.000000e-01 : f32
      %mul3A_3908 = vector.broadcast %mul3A_3907 : f32 to vector<16xf32>
      %mul3A_3909 = arith.mulf %bitcast_convert_type3A_3903, %mul3A_3908 : vector<16xf32>
      %select_n3A_3910 = arith.select %gt3A_3906, %mul3A_3909, %bitcast_convert_type3A_3903 : vector<16xi1>, vector<16xf32>
      %add3A_3911 = arith.constant 1 : i32
      %add3A_3912 = vector.broadcast %add3A_3911 : i32 to vector<16xi32>
      %add3A_3913 = arith.addi %sub3A_3896, %add3A_3912 : vector<16xi32>
      %select_n3A_3914 = arith.select %gt3A_3906, %add3A_3913, %sub3A_3896 : vector<16xi1>, vector<16xi32>
      %convert_element_type3A_3915 = arith.sitofp %select_n3A_3914 : vector<16xi32> to vector<16xf32>
      %sub3A_3916 = arith.constant 1.000000e+00 : f32
      %sub3A_3917 = vector.broadcast %sub3A_3916 : f32 to vector<16xf32>
      %sub3A_3918 = arith.subf %select_n3A_3910, %sub3A_3917 : vector<16xf32>
      %mul3A_3919 = arith.mulf %sub3A_3918, %sub3A_3918 : vector<16xf32>
      %broadcast_in_dim3A_3920 = arith.constant 0.0703768358 : f32
      %broadcast_in_dim3A_3921 = vector.broadcast %broadcast_in_dim3A_3920 : f32 to vector<16xf32>
      %mul3A_3922 = arith.mulf %broadcast_in_dim3A_3921, %sub3A_3918 : vector<16xf32>
      %add3A_3923 = arith.constant -0.115146101 : f32
      %add3A_3924 = vector.broadcast %add3A_3923 : f32 to vector<16xf32>
      %add3A_3925 = arith.addf %mul3A_3922, %add3A_3924 : vector<16xf32>
      %mul3A_3926 = arith.mulf %add3A_3925, %sub3A_3918 : vector<16xf32>
      %add3A_3927 = arith.constant 0.116769984 : f32
      %add3A_3928 = vector.broadcast %add3A_3927 : f32 to vector<16xf32>
      %add3A_3929 = arith.addf %mul3A_3926, %add3A_3928 : vector<16xf32>
      %mul3A_3930 = arith.mulf %add3A_3929, %sub3A_3918 : vector<16xf32>
      %add3A_3931 = arith.constant -0.12420141 : f32
      %add3A_3932 = vector.broadcast %add3A_3931 : f32 to vector<16xf32>
      %add3A_3933 = arith.addf %mul3A_3930, %add3A_3932 : vector<16xf32>
      %mul3A_3934 = arith.mulf %add3A_3933, %sub3A_3918 : vector<16xf32>
      %add3A_3935 = arith.constant 0.142493233 : f32
      %add3A_3936 = vector.broadcast %add3A_3935 : f32 to vector<16xf32>
      %add3A_3937 = arith.addf %mul3A_3934, %add3A_3936 : vector<16xf32>
      %mul3A_3938 = arith.mulf %add3A_3937, %sub3A_3918 : vector<16xf32>
      %add3A_3939 = arith.constant -0.166680574 : f32
      %add3A_3940 = vector.broadcast %add3A_3939 : f32 to vector<16xf32>
      %add3A_3941 = arith.addf %mul3A_3938, %add3A_3940 : vector<16xf32>
      %mul3A_3942 = arith.mulf %add3A_3941, %sub3A_3918 : vector<16xf32>
      %add3A_3943 = arith.constant 0.200007141 : f32
      %add3A_3944 = vector.broadcast %add3A_3943 : f32 to vector<16xf32>
      %add3A_3945 = arith.addf %mul3A_3942, %add3A_3944 : vector<16xf32>
      %mul3A_3946 = arith.mulf %add3A_3945, %sub3A_3918 : vector<16xf32>
      %add3A_3947 = arith.constant -0.24999994 : f32
      %add3A_3948 = vector.broadcast %add3A_3947 : f32 to vector<16xf32>
      %add3A_3949 = arith.addf %mul3A_3946, %add3A_3948 : vector<16xf32>
      %mul3A_3950 = arith.mulf %add3A_3949, %sub3A_3918 : vector<16xf32>
      %add3A_3951 = arith.constant 0.333333313 : f32
      %add3A_3952 = vector.broadcast %add3A_3951 : f32 to vector<16xf32>
      %add3A_3953 = arith.addf %mul3A_3950, %add3A_3952 : vector<16xf32>
      %mul3A_3954 = arith.mulf %sub3A_3918, %mul3A_3919 : vector<16xf32>
      %mul3A_3955 = arith.mulf %mul3A_3954, %add3A_3953 : vector<16xf32>
      %mul3A_3956 = arith.constant 5.000000e-01 : f32
      %mul3A_3957 = vector.broadcast %mul3A_3956 : f32 to vector<16xf32>
      %mul3A_3958 = arith.mulf %mul3A_3957, %mul3A_3919 : vector<16xf32>
      %sub3A_3959 = arith.subf %mul3A_3955, %mul3A_3958 : vector<16xf32>
      %add3A_3960 = arith.addf %sub3A_3918, %sub3A_3959 : vector<16xf32>
      %mul3A_3961 = arith.constant 0.693147182 : f32
      %mul3A_3962 = vector.broadcast %mul3A_3961 : f32 to vector<16xf32>
      %mul3A_3963 = arith.mulf %convert_element_type3A_3915, %mul3A_3962 : vector<16xf32>
      %add3A_3964 = arith.addf %add3A_3960, %mul3A_3963 : vector<16xf32>
      %add3A_3965 = arith.addf %add3A_3177, %add3A_3964 : vector<16xf32>
      %slice3A_3966 = vector.extract_strided_slice %add3A_3965 {offsets = [0], sizes = [1], strides = [1]} : vector<16xf32> to vector<1xf32>
      %squeeze3A_3967 = vector.extract %slice3A_3966[0] : f32 from vector<1xf32>
      %slice3A_3968 = vector.extract_strided_slice %add3A_3965 {offsets = [1], sizes = [1], strides = [1]} : vector<16xf32> to vector<1xf32>
      %squeeze3A_3969 = vector.extract %slice3A_3968[0] : f32 from vector<1xf32>
      %add3A_3970 = arith.addf %squeeze3A_3967, %squeeze3A_3969 : f32
      %slice3A_3971 = vector.extract_strided_slice %add3A_3965 {offsets = [2], sizes = [1], strides = [1]} : vector<16xf32> to vector<1xf32>
      %squeeze3A_3972 = vector.extract %slice3A_3971[0] : f32 from vector<1xf32>
      %add3A_3973 = arith.addf %add3A_3970, %squeeze3A_3972 : f32
      %slice3A_3974 = vector.extract_strided_slice %add3A_3965 {offsets = [3], sizes = [1], strides = [1]} : vector<16xf32> to vector<1xf32>
      %squeeze3A_3975 = vector.extract %slice3A_3974[0] : f32 from vector<1xf32>
      %add3A_3976 = arith.addf %add3A_3973, %squeeze3A_3975 : f32
      %slice3A_3977 = vector.extract_strided_slice %add3A_3965 {offsets = [4], sizes = [1], strides = [1]} : vector<16xf32> to vector<1xf32>
      %squeeze3A_3978 = vector.extract %slice3A_3977[0] : f32 from vector<1xf32>
      %add3A_3979 = arith.addf %add3A_3976, %squeeze3A_3978 : f32
      %slice3A_3980 = vector.extract_strided_slice %add3A_3965 {offsets = [5], sizes = [1], strides = [1]} : vector<16xf32> to vector<1xf32>
      %squeeze3A_3981 = vector.extract %slice3A_3980[0] : f32 from vector<1xf32>
      %add3A_3982 = arith.addf %add3A_3979, %squeeze3A_3981 : f32
      %slice3A_3983 = vector.extract_strided_slice %add3A_3965 {offsets = [6], sizes = [1], strides = [1]} : vector<16xf32> to vector<1xf32>
      %squeeze3A_3984 = vector.extract %slice3A_3983[0] : f32 from vector<1xf32>
      %add3A_3985 = arith.addf %add3A_3982, %squeeze3A_3984 : f32
      %slice3A_3986 = vector.extract_strided_slice %add3A_3965 {offsets = [7], sizes = [1], strides = [1]} : vector<16xf32> to vector<1xf32>
      %squeeze3A_3987 = vector.extract %slice3A_3986[0] : f32 from vector<1xf32>
      %add3A_3988 = arith.addf %add3A_3985, %squeeze3A_3987 : f32
      %slice3A_3989 = vector.extract_strided_slice %add3A_3965 {offsets = [8], sizes = [1], strides = [1]} : vector<16xf32> to vector<1xf32>
      %squeeze3A_3990 = vector.extract %slice3A_3989[0] : f32 from vector<1xf32>
      %add3A_3991 = arith.addf %add3A_3988, %squeeze3A_3990 : f32
      %slice3A_3992 = vector.extract_strided_slice %add3A_3965 {offsets = [9], sizes = [1], strides = [1]} : vector<16xf32> to vector<1xf32>
      %squeeze3A_3993 = vector.extract %slice3A_3992[0] : f32 from vector<1xf32>
      %add3A_3994 = arith.addf %add3A_3991, %squeeze3A_3993 : f32
      %slice3A_3995 = vector.extract_strided_slice %add3A_3965 {offsets = [10], sizes = [1], strides = [1]} : vector<16xf32> to vector<1xf32>
      %squeeze3A_3996 = vector.extract %slice3A_3995[0] : f32 from vector<1xf32>
      %add3A_3997 = arith.addf %add3A_3994, %squeeze3A_3996 : f32
      %slice3A_3998 = vector.extract_strided_slice %add3A_3965 {offsets = [11], sizes = [1], strides = [1]} : vector<16xf32> to vector<1xf32>
      %squeeze3A_3999 = vector.extract %slice3A_3998[0] : f32 from vector<1xf32>
      %add3A_4000 = arith.addf %add3A_3997, %squeeze3A_3999 : f32
      %slice3A_4001 = vector.extract_strided_slice %add3A_3965 {offsets = [12], sizes = [1], strides = [1]} : vector<16xf32> to vector<1xf32>
      %squeeze3A_4002 = vector.extract %slice3A_4001[0] : f32 from vector<1xf32>
      %add3A_4003 = arith.addf %add3A_4000, %squeeze3A_4002 : f32
      %slice3A_4004 = vector.extract_strided_slice %add3A_3965 {offsets = [13], sizes = [1], strides = [1]} : vector<16xf32> to vector<1xf32>
      %squeeze3A_4005 = vector.extract %slice3A_4004[0] : f32 from vector<1xf32>
      %add3A_4006 = arith.addf %add3A_4003, %squeeze3A_4005 : f32
      %slice3A_4007 = vector.extract_strided_slice %add3A_3965 {offsets = [14], sizes = [1], strides = [1]} : vector<16xf32> to vector<1xf32>
      %squeeze3A_4008 = vector.extract %slice3A_4007[0] : f32 from vector<1xf32>
      %add3A_4009 = arith.addf %add3A_4006, %squeeze3A_4008 : f32
      %slice3A_4010 = vector.extract_strided_slice %add3A_3965 {offsets = [15], sizes = [1], strides = [1]} : vector<16xf32> to vector<1xf32>
      %squeeze3A_4011 = vector.extract %slice3A_4010[0] : f32 from vector<1xf32>
      %add3A_4012 = arith.addf %add3A_4009, %squeeze3A_4011 : f32
      %broadcast_in_dim3A_4013 = vector.broadcast %add3A_4012 : f32 to vector<16xf32>
      %broadcast_in_dim3A_4014 = vector.broadcast %add3A_3889 : f32 to vector<16xf32>
      %div3A = arith.divf %broadcast_in_dim3A_4013, %broadcast_in_dim3A_4014 : vector<16xf32>
      %swap3A = arith.constant 0 : index
      %swap3A_4015 = tpu.vector_load %arg7[%swap3A] {strides = array<i32>} : memref<16xf32, #tpu.memory_space<vmem>>, vector<16xf32>,
      %swap3A_4016 = vector.shape_cast %swap3A_4015 : vector<16xf32> to vector<16xf32>
      %swap3A_4017 = vector.shape_cast %div3A : vector<16xf32> to vector<16xf32>
      tpu.vector_store %arg7[%swap3A], %swap3A_4017 {strides = array<i32>} : memref<16xf32, #tpu.memory_space<vmem>>, vector<16xf32>,
      "tpu.region"() ({
        %run_scoped3A = tpu.sem_alloc : memref<!tpu.dma_semaphore, #tpu.memory_space<semaphore_mem>>
        tpu.enqueue_dma source(%arg7 : memref<16xf32, #tpu.memory_space<vmem>>) target(%arg4 : memref<16xf32, #tpu.memory_space<hbm>>) target_semaphore(%run_scoped3A : memref<!tpu.dma_semaphore, #tpu.memory_space<semaphore_mem>>)
        tpu.wait_dma2 semaphore(%run_scoped3A : memref<!tpu.dma_semaphore, #tpu.memory_space<semaphore_mem>>) src(%arg7 : memref<16xf32, #tpu.memory_space<vmem>>) dst(%arg4 : memref<16xf32, #tpu.memory_space<hbm>>)
        tpu.yield
      }) : () -> ()
    } else {
    }
    return
  }
}

</mosaic_0001>

<sc_bundles>
// kernel: kernel.3.cloned.1.call-start
scs
__scs_entry_jumppad:
0x0: {  	(pc) =	sbr.rel $0x88, $3  }
0x1: {  	(tag) =	ssettag $0x0;
	lr =	simm.s32 $0x1  }
0x2: {  	[smem:$0x3F9F] =	sst lr;
	_ =	strace $0xD0000000  }
0x3: {  	_ = 	snop  }
0x4: {  	_ = 	snop  }
0x5: {  	_ = 	snop  }
0x6: {  	_ = 	snop  }
0x7: {  	_ = 	snop  }
__scs_overlays_trampoline_lowered:
0x8: {  	[smem:$0x3FAE] =	sst s0  }
0x9: {  	[smem:$0x3FAF] =	sst s1  }
0xa: {  	[smem:$0x3FB0] =	sst s2  }
0xb: {  	[smem:$0x3FB1] =	sst s3  }
0xc: {  	[smem:$0x3FB2] =	sst s4  }
0xd: {  	[smem:$0x3FB3] =	sst s5  }
0xe: {  	[smem:$0x3FB4] =	sst s6  }
0xf: {  	[smem:$0x3FB5] =	sst s7  }
0x10: {  	[smem:$0x3FB6] =	sst s8  }
0x11: {  	[smem:$0x3FB7] =	sst s9;
	s0 =	simm.s32 @!p0 $0x0  }
0x12: {  	s1 =	sld [smem:$0x3F9D];
	s0 =	simm.s32 @p0 $0x1  }
0x13: {  	[smem:$0x3FB8] =	sst s0;
	s0 =	simm.s32 @!p1 $0x0  }
0x14: {  	s2 =	sld [smem:$0x3F9C];
	s0 =	simm.s32 @p1 $0x1  }
0x15: {  	[smem:$0x3FB9] =	sst s0;
	s0 =	simm.s32 @!p2 $0x0  }
0x16: {  	s3 =	sld [smem:$0x3FDB];
	s0 =	simm.s32 @p2 $0x1  }
0x17: {  	s4 =	simm.s32 $0x1BF5;
	[smem:$0x3FBB] =	sst s0  }
0x18: {  	s0 =	sld [smem:$0x3F9E];
	_ =	swait.ge [sflag:s4], $0x0  }
0x19: {  	s7 =	sld [smem:$0x3F9F]  }
0x1a: {  	s8 =	sadd.s32 $0xFFFFE003, lr  }
0x1b: {  	s9 =	sadd.s32 $0xFFFFFEF7, lr;
	s5 =	simm.s32 $0xFFFFFFFF;
	p2 =	slt.u32 s8, $0xFFFFF086  }
0x1c: {  	p1 =	slt.u32 s9, $0xF7A;
	s5 =	simm.s32 @!p2 $0x0  }
0x1d: {  	s5 =	simm.s32 @p1 $0x1;
	p0 =	seq.s32 s7, s2  }
0x1e: {  	s7 =	smul.u32 @!p0 $0xF7A, s2;
	p2 =	seq.s32 @!p0 s5, $0x0  }
0x1f: {  	s9 =	smul.u32 $0xF7A, s1;
	s8 =	simm.s32 @!p0 $0x1BF5;
	p2 =	por !p2, p0  }
0x20: {  	[sflag:s8] =	ssyncset.s32 @!p0 $0xFFFFF086;
	s6 =	sadd.s32 @!p0 s3, s7;
	s7 =	simm.s32 @!p0 $0x108  }
0x21: {  	s3 =	sadd.s32 s3, s9;
	s6 =	sadd.s32 @!p0 $0x88, s6;
	s7 =	simm.s32 @p2 $0x1082  }
0x22: {  	[simem:s7], [sflag:s8] =	dma.local @!p0 [hbm:s6], $0xF7A  }
0x23: {  	s9 =	sor.u32 $0xD0000000, s2;
	s6 =	simm.s32 $0x108;
	_ =	swait.ge @!p0 [sflag:s8], $0x0  }
0x24: {  	s3 =	sadd.s32 $0x88, s3;
	s6 =	simm.s32 @!p1 $0x1082;
	[sflag:s4] =	ssyncset.s32 $0xFFFFF086  }
0x25: {  	[simem:s6], [sflag:s4] =	dma.local [hbm:s3], $0xF7A  }
0x26: {  	[smem:$0x3F9F] =	sst s1;
	(tag) =	ssettag s2;
	_ =	strace s9  }
0x27: {  	s1 =	sld [smem:$0x3FAF]  }
0x28: {  	s2 =	sld [smem:$0x3FB0]  }
0x29: {  	s4 =	sld [smem:$0x3FB2]  }
0x2a: {  	p0 =	seq.s32 s5, $0x0;
	s5 =	sld [smem:$0x3FB3]  }
0x2b: {  	s6 =	sld [smem:$0x3FB4]  }
0x2c: {  	s7 =	sld [smem:$0x3FB5]  }
0x2d: {  	s3 =	simm.s32 $0x108;
	s8 =	sld [smem:$0x3FB6]  }
0x2e: {  	s3 =	simm.s32 @!p0 $0x1082;
	s9 =	sld [smem:$0x3FB7]  }
0x2f: {  	lr =	sadd.s32 s0, s3;
	s0 =	sld [smem:$0x3FAE]  }
0x30: {  	s3 =	sld [smem:$0x3FB1]  }
0x31: {  	[smem:$0x3FBA] =	sst s10  }
0x32: {  	s10 =	sld [smem:$0x3FB8];
	_ =	sdelay $0x3  }
0x33: {  	p0 =	seq.s32 s10, $0x1;
	s10 =	sld [smem:$0x3FBA];
	_ =	sdelay $0x3  }
0x34: {  	[smem:$0x3FBA] =	sst s10  }
0x35: {  	s10 =	sld [smem:$0x3FB9];
	_ =	sdelay $0x3  }
0x36: {  	p1 =	seq.s32 s10, $0x1;
	s10 =	sld [smem:$0x3FBA];
	_ =	sdelay $0x3  }
0x37: {  	[smem:$0x3FBA] =	sst s10  }
0x38: {  	s10 =	sld [smem:$0x3FBB]  }
0x39: {  	_ = 	snop;
	(pc) =	sbr.ind lr, $3  }
0x3a: {  	_ = 	snop  }
0x3b: {  	_ = 	snop  }
0x3c: {  	p2 =	seq.s32 s10, $0x1;
	s10 =	sld [smem:$0x3FBA]  }
0x3d: {  	_ =	shalt  }
0x3e: {  	_ =	shalt  }
0x3f: {  	_ =	shalt  }
0x40: {  	_ =	shalt  }
0x41: {  	_ =	shalt  }
0x42: {  	_ =	shalt  }
0x43: {  	_ =	shalt  }
0x44: {  	_ =	shalt  }
0x45: {  	_ =	shalt  }
0x46: {  	_ =	shalt  }
0x47: {  	_ =	shalt  }
0x48: {  	_ =	shalt  }
0x49: {  	_ =	shalt  }
0x4a: {  	_ =	shalt  }
0x4b: {  	_ =	shalt  }
0x4c: {  	_ =	shalt  }
0x4d: {  	_ =	shalt  }
0x4e: {  	_ =	shalt  }
0x4f: {  	_ =	shalt  }
0x50: {  	_ =	shalt  }
0x51: {  	_ =	shalt  }
0x52: {  	_ =	shalt  }
0x53: {  	_ =	shalt  }
0x54: {  	_ =	shalt  }
0x55: {  	_ =	shalt  }
0x56: {  	_ =	shalt  }
0x57: {  	_ =	shalt  }
0x58: {  	_ =	shalt  }
0x59: {  	_ =	shalt  }
0x5a: {  	_ =	shalt  }
0x5b: {  	_ =	shalt  }
0x5c: {  	_ =	shalt  }
0x5d: {  	_ =	shalt  }
0x5e: {  	_ =	shalt  }
0x5f: {  	_ =	shalt  }
0x60: {  	_ =	shalt  }
0x61: {  	_ =	shalt  }
0x62: {  	_ =	shalt  }
0x63: {  	_ =	shalt  }
0x64: {  	_ =	shalt  }
0x65: {  	_ =	shalt  }
0x66: {  	_ =	shalt  }
0x67: {  	_ =	shalt  }
0x68: {  	_ =	shalt  }
0x69: {  	_ =	shalt  }
0x6a: {  	_ =	shalt  }
0x6b: {  	_ =	shalt  }
0x6c: {  	_ =	shalt  }
0x6d: {  	_ =	shalt  }
0x6e: {  	_ =	shalt  }
0x6f: {  	_ =	shalt  }
0x70: {  	_ =	shalt  }
0x71: {  	_ =	shalt  }
0x72: {  	_ =	shalt  }
0x73: {  	_ =	shalt  }
0x74: {  	_ =	shalt  }
0x75: {  	_ =	shalt  }
0x76: {  	_ =	shalt  }
0x77: {  	_ =	shalt  }
0x78: {  	_ =	shalt  }
0x79: {  	_ =	shalt  }
0x7a: {  	_ =	shalt  }
0x7b: {  	_ =	shalt  }
0x7c: {  	_ =	shalt  }
0x7d: {  	_ =	shalt  }
0x7e: {  	_ =	shalt  }
0x7f: {  	_ =	shalt  }
0x80: {  	_ =	shalt  }
0x81: {  	_ =	shalt  }
0x82: {  	_ =	shalt  }
0x83: {  	_ =	shalt  }
0x84: {  	_ =	shalt  }
0x85: {  	_ =	shalt  }
0x86: {  	_ =	shalt  }
0x87: {  	_ =	shalt  }
.Lfunc_end0:
.L_simem_size_0:
called_computation_lowered:
.L_overlay_start_0:
0x88: {  	s2 =	sld [smem:$0x3FD9]  }
0x89: {  	s3 =	sld [smem:$0x3FFE];
	_ =	sdelay $0x1  }
0x8a: {  	s1 =	srdreg.scid  }
0x8b: {  	s0 =	sand.u32 $0x1, s1  }
0x8c: {  	s17 =	sshll.u32 s0, $0xA;
	s2 =	sadd.s32 s3, s2  }
0x8d: {  	s2 =	sadd.s32 s2, s17  }
0x8e: {  	[smem:$0x3FC6] =	sst s2  }
0x8f: {  	_ = 	snop  }
0x90: {  	s2 =	sld [smem:$0x3FC9]  }
0x91: {  	s18 =	sld [smem:$0x3FD0];
	(tm) =	ssettm $0x1  }
0x92: {  	s4 =	sld [smem:$0x3FFB];
	_ =	sdelay $0x3  }
0x93: {  	_ =	strace s4  }
0x94: {  	s4 =	sld [smem:$0x3FFC];
	_ =	sdelay $0x3  }
0x95: {  	_ =	strace s4  }
0x96: {  	s4 =	sld [smem:$0x3FFD];
	_ =	sdelay $0x3  }
0x97: {  	_ =	strace s4  }
0x98: {  	_ =	strace $0x8FFFFFFF  }
0x99: {  	s19 =	sld [smem:$0x3FDB];
	_ =	sdelay $0x1  }
0x9a: {  	s5 =	simm.s32 $_scs_section_size  }
0x9b: {  	s6 =	simm.s32 $_size__tile_overlayer_lowered;
	s7 =	simm.s32 $_tile_overlayer_lowered  }
0x9c: {  	s22 =	simm.s32 $0x1BFF;
	s21 =	sshll.u32 s7, $0x1;
	s4 =	sadd.s32 s5, s19  }
0x9d: {  	s8 =	simm.s32 $0x0;
	s20 =	sshll.u32 s6, $0x1;
	s6 =	sadd.s32 s21, s4  }
0x9e: {  	[timem:s8], [sflag:s22] =	dma.local [hbm:s6], s20  }
0x9f: {  	_ =	swait.ge [sflag:s22], s20  }
0xa0: {  	s5 =	ssub.s32 $0x0, s20;
	[sflag:s22] =	ssyncset.done $0x0  }
0xa1: {  	[sflag:s22] =	ssyncadd.s32 s5;
	_ =	sdelay $0x1  }
0xa2: {  	s23 =	simm.s32 $0x1B8B  }
0xa3: {  	_ =	swait.ge [sflag:s23], $0x1  }
0xa4: {  	[sflag:s23] =	ssyncset.done $0x0  }
0xa5: {  	s25 =	simm.s32 $0x1B8E;
	s24 =	sld [smem:$0x3FFE];
	[sflag:s23] =	ssyncadd.s32 $0xFFFFFFFF  }
0xa6: {  	s26 =	simm.s32 $execute0_lowered;
	[smem:$0x3FD2] =	sst s25  }
0xa7: {  	s6 =	sshll.u32 s26, $0x1;
	_ =	strace $0x80000046;
	[dreg:$0x1] =	wrdreg $0xFFFFFFFF  }
0xa8: {  	s28 =	simm.s32 $_size_execute0_lowered;
	s4 =	sadd.s32 s4, s6;
	[dreg:$0x0] =	wrdreg $0x0  }
0xa9: {  	s6 =	sshll.u32 s28, $0x1;
	[dreg:$0x2] =	wrdreg s4  }
0xaa: {  	[dreg:$0x3] =	wrdreg s6  }
0xab: {  	[dreg:$0x4] =	wrdreg $0xC0  }
0xac: {  	_ =	task [dreg:s8], $0x5FFFF  }
0xad: {  	[dreg:$0x1] =	wrdreg $0xFFFFFFFF  }
0xae: {  	[dreg:$0x0] =	wrdreg $0x60  }
0xaf: {  	[dreg:$0x2] =	wrdreg s2  }
0xb0: {  	[dreg:$0x3] =	wrdreg s24  }
0xb1: {  	[dreg:$0x4] =	wrdreg s18  }
0xb2: {  	[dreg:$0x5] =	wrdreg $0x9  }
0xb3: {  	_ =	task.clear_ibuf [dreg:s8], $0x6FFFF;
	_ =	strace $0x90000046  }
0xb4: {  	s29 =	simm.s32 $0x9;
	_ =	strace $0x80000048  }
0xb5: {  	_ =	swait.ge [sflag:s29], $0x1  }
0xb6: {  	[sflag:s29] =	ssyncadd.s32 $0xFFFFFFFF  }
0xb7: {  	_ =	strace $0x90000048  }
0xb8: {  	_ =	sfence  }
0xb9: {  	s30 =	sld [smem:$0x0];
	_ =	sdelay $0x2  }
0xba: {  	s31 =	sshll.u32 s1, $0xD;
	s1 =	sshrl.u32 s1, $0x2  }
0xbb: {  	s3 =	sand.u32 $0x4000, s31;
	s1 =	sadd.s32 s1, s30  }
0xbc: {  	s0 =	sor.u32 s3, s0;
	s1 =	sshll.u32 s1, $0x11  }
0xbd: {  	s0 =	sor.u32 s1, s0  }
0xbe: {  	s0 =	sadd.s32 $0x8F2B, s0  }
0xbf: {  	[sflag:s0] =	ssyncadd.remote.s32 $0x1  }
0xc0: {  	_ =	sfence.sel $0xFFFF  }
0xc1: {  	[dreg:$0x0] =	wrdreg $0xFFFFFFFF;
	(pc) =	sbr.abs _section_cstart, $3  }
0xc2: {  	[dreg:$0x1] =	wrdreg $0xFFFFFFFF  }
0xc3: {  	_ =	task.clear_ibuf [dreg:s8], $0x2FFFF;
	_ =	strace $0x9FFFFFFF  }
0xc4: {  	(tm) =	ssettm $0x7FFFFFFF  }
0xc5: {  	_ =	shalt  }
tec
execute0_lowered:
.L_overlay_start_1:
0x0: {  	(tag) =	ssettag $0x1  }
0x1: {  	s0 =	rddreg [dreg:$0x2];
	s2 =	srdreg.scid  }
0x2: {  	s31 =	stileid.u32;
	[dreg:$0x5] =	wrdreg s0;
	s0 =	sand.u32 $0x1, s2  }
0x3: {  	s2 =	sor.u32 s31, s0  }
0x4: {  	p0 =	sne.s32 s2, $0x0  }
.Ltmp0:
0x5: {  	_ = 	snop;
	(pc) =	sbr.rel @p0 .LBB2_3-.Ltmp0, $4  }
0x6: {  	_ = 	snop  }
0x7: {  	s3 =	simm.s32 $0x0  }
0x8: {  	[smem:$0x7FF] =	sst s3  }
0x9: {  	s1 =	rddreg [dreg:$0x1];
	_ =	strace $0x80000047  }
0xa: {  	s1 =	sadd.s32 $0x400, s1;
	s2 =	rddreg [dreg:$0x0]  }
0xb: {  	s14 =	simm.s32 $0x80;
	[dreg:$0x4] =	wrdreg s1  }
0xc: {  	s15 =	simm.s32 $0x480;
	[dreg:$0x14] =	wrdreg s14  }
0xd: {  	s16 =	simm.s32 $0x880;
	[dreg:$0x15] =	wrdreg s15  }
0xe: {  	s17 =	simm.s32 $0xC80;
	[dreg:$0x16] =	wrdreg s16  }
0xf: {  	s18 =	simm.s32 $0x1080;
	[dreg:$0x17] =	wrdreg s17  }
0x10: {  	s19 =	simm.s32 $0x1480;
	[dreg:$0x18] =	wrdreg s18  }
0x11: {  	s20 =	simm.s32 $0x1880;
	[dreg:$0x19] =	wrdreg s19  }
0x12: {  	s21 =	simm.s32 $0x1C80;
	[dreg:$0x1a] =	wrdreg s20  }
0x13: {  	s22 =	simm.s32 $0x2080;
	[dreg:$0x1b] =	wrdreg s21  }
0x14: {  	s23 =	simm.s32 $0x2480;
	[dreg:$0x1c] =	wrdreg s22  }
0x15: {  	s24 =	simm.s32 $0x2880;
	[dreg:$0x1d] =	wrdreg s23  }
0x16: {  	s25 =	simm.s32 $0x2C80;
	[dreg:$0x1e] =	wrdreg s24  }
0x17: {  	s26 =	simm.s32 $0x3080;
	[dreg:$0x1f] =	wrdreg s25  }
0x18: {  	s28 =	sadd.s32 $0x49500, s2;
	[smem:$0x7FA] =	sst s26  }
0x19: {  	s29 =	sadd.s32 $0x92A00, s2;
	[dreg:$0x6] =	wrdreg s28  }
0x1a: {  	s30 =	sadd.s32 $0xDBF00, s2;
	[dreg:$0x7] =	wrdreg s29  }
0x1b: {  	s31 =	sadd.s32 $0x125400, s2;
	[dreg:$0x8] =	wrdreg s30  }
0x1c: {  	s4 =	sadd.s32 $0x16E900, s2;
	[dreg:$0x9] =	wrdreg s31  }
0x1d: {  	s5 =	sadd.s32 $0x1B7E00, s2;
	[dreg:$0xa] =	wrdreg s4  }
0x1e: {  	s6 =	sadd.s32 $0x219A00, s2;
	[dreg:$0xb] =	wrdreg s5  }
0x1f: {  	s7 =	sadd.s32 $0x262F00, s2;
	[dreg:$0xc] =	wrdreg s6  }
0x20: {  	s8 =	sadd.s32 $0x2AC400, s2;
	[dreg:$0xd] =	wrdreg s7  }
0x21: {  	s9 =	sadd.s32 $0x2F5900, s2;
	[dreg:$0xe] =	wrdreg s8  }
0x22: {  	s10 =	sadd.s32 $0x33EE00, s2;
	[dreg:$0xf] =	wrdreg s9  }
0x23: {  	s11 =	sadd.s32 $0x388300, s2;
	[dreg:$0x10] =	wrdreg s10  }
0x24: {  	s12 =	sadd.s32 $0x3D1800, s2;
	[dreg:$0x11] =	wrdreg s11  }
0x25: {  	s13 =	sadd.s32 $0x41AD00, s2;
	[dreg:$0x12] =	wrdreg s12  }
0x26: {  	s0 =	ssub.s32 $0x2, s0;
	v0 =	vlaneseq.u32;
	[dreg:$0x13] =	wrdreg s13;
	s29 =	simm.s32 $0x3480  }
0x27: {  	v8 =	vimm.s32 $0xFFFFFF81;
	v1 =	vor.u32 $0x10, v0;
	s22 =	simm.s32 $0x1;
	s30 =	simm.s32 $0x3880;
	[smem:$0x7FB] =	sst s29  }
0x28: {  	v2 =	vor.u32 $0x20, v0;
	v3 =	vor.u32 $0x30, v0;
	v4 =	vor.u32 $0x40, v0;
	s28 =	sshrl.u32 s0, $0x1;
	s31 =	simm.s32 $0x5080;
	[smem:$0x7FC] =	sst s30  }
0x29: {  	v5 =	vor.u32 $0x50, v0;
	v6 =	vor.u32 $0x60, v0;
	v7 =	vor.u32 $0x70, v0;
	s13 =	simm.s32 $0xC3800;
	s2 =	ssub.s32 s0, s28;
	[smem:$0x7FD] =	sst s31  }
.LBB2_2:
0x2a: {  	[smem:$0x7F9] =	sst s2  }
0x2b: {  	s0 =	rddreg [dreg:$0x4];
	s12 =	simm.s32 $0x2  }
0x2c: {  	[tilespmem:s3], [sflag:$0x2] =	stream.linear.gather [hbm4b:s0+s3], $0x80, $0x38;
	[tilespmem:$0x5100] =	vst v63  }
0x2d: {  	_ =	swait.ge [sflag:s12], $0x80  }
0x2e: {  	[sflag:s12] =	ssyncset.done $0x0  }
0x2f: {  	[sflag:s12] =	ssyncadd.s32 $0xFFFFFF80  }
0x30: {  	v10 =	vld [tilespmem:$0x0];
	_ =	sdelay $0x4  }
0x31: {  	(v2sf) =	vpush v10, $0x0  }
0x32: {  	(v2sf) =	vpush v10, $0x1;
	_ =	sdelay $0x1  }
0x33: {  	(v2sf) =	vpush v10, $0x2;
	_ =	sdelay $0x1  }
0x34: {  	(v2sf) =	vpush v10, $0x3  }
0x35: {  	s14 =	rddreg [dreg:$0x14]  }
0x36: {  	s15 =	rddreg [dreg:$0x6]  }
0x37: {  	s16 =	rddreg [dreg:$0x15]  }
0x38: {  	s18 =	rddreg [dreg:$0x7]  }
0x39: {  	s19 =	rddreg [dreg:$0x16];
	(v2sf) =	vpush v10, $0x4  }
0x3a: {  	s21 =	rddreg [dreg:$0x8];
	(v2sf) =	vpush v10, $0x5  }
0x3b: {  	s23 =	rddreg [dreg:$0x17]  }
0x3c: {  	s25 =	rddreg [dreg:$0x9]  }
0x3d: {  	s26 =	rddreg [dreg:$0x18]  }
0x3e: {  	s4 =	rddreg [dreg:$0x0];
	s11 =	spop (v2sf)  }
0x3f: {  	[smem:$0x7DC] =	sst s11;
	p0 =	sgt.s32 s11, $0x0;
	s30 =	spop (v2sf)  }
0x40: {  	s2 =	simm.s32 $0x0;
	s11 =	simm.s32 @!p0 $0x0;
	[smem:$0x7DD] =	sst s30  }
0x41: {  	(v2sf) =	vpush v10, $0x6;
	p0 =	sgt.s32 s30, $0x0;
	s29 =	spop (v2sf);
	s1 =	sand.u32 $0xFFFFF80, s11  }
0x42: {  	s30 =	simm.s32 @!p0 $0x0;
	[smem:$0x7DE] =	sst s29;
	p0 =	sgt.s32 s29, $0x0  }
0x43: {  	s31 =	spop (v2sf);
	s1 =	sadd.s32 s4, s1;
	s17 =	sand.u32 $0xFFFFF80, s30  }
0x44: {  	s29 =	simm.s32 @!p0 $0x0;
	[smem:$0x7DF] =	sst s31;
	p0 =	sgt.s32 s31, $0x0  }
0x45: {  	v9 =	vld [tilespmem:$0x10];
	[tilespmem:s14], [sflag:$0x1] =	stream.linear.gather [hbm4b:s1+s3], $0x400, $0x38  }
0x46: {  	s0 =	sadd.s32 s17, s15;
	s20 =	sand.u32 $0xFFFFF80, s29;
	s31 =	simm.s32 @!p0 $0x0  }
0x47: {  	[tilespmem:s16], [sflag:$0x1] =	stream.linear.gather [hbm4b:s0+s3], $0x400, $0x38;
	[tilespmem:$0x5100] =	vst v63  }
0x48: {  	(v2sf) =	vpush v10, $0x7;
	s24 =	sand.u32 $0xFFFFF80, s31;
	s0 =	sadd.s32 s20, s18;
	s20 =	spop (v2sf)  }
0x49: {  	[smem:$0x7E0] =	sst s20;
	p0 =	sgt.s32 s20, $0x0;
	s18 =	spop (v2sf)  }
0x4a: {  	[tilespmem:s19], [sflag:$0x1] =	stream.linear.gather [hbm4b:s0+s3], $0x400, $0x38;
	[tilespmem:$0x5100] =	vst v63  }
0x4b: {  	(v2sf) =	vpush v10, $0x8;
	s20 =	simm.s32 @!p0 $0x0;
	p0 =	sgt.s32 s18, $0x0;
	s9 =	smov.u32 s18  }
0x4c: {  	s0 =	sadd.s32 s24, s21;
	s28 =	sand.u32 $0xFFFFF80, s20;
	s9 =	simm.s32 @!p0 $0x0  }
0x4d: {  	[tilespmem:s23], [sflag:$0x1] =	stream.linear.gather [hbm4b:s0+s3], $0x400, $0x38;
	[tilespmem:$0x5100] =	vst v63  }
0x4e: {  	s5 =	rddreg [dreg:$0xa];
	s0 =	sadd.s32 s28, s25;
	s7 =	sand.u32 $0xFFFFF80, s9  }
0x4f: {  	[tilespmem:s26], [sflag:$0x1] =	stream.linear.gather [hbm4b:s0+s2], $0x400, $0x38;
	[tilespmem:$0x5100] =	vst v63  }
0x50: {  	s6 =	rddreg [dreg:$0x19];
	s15 =	spop (v2sf);
	s0 =	sadd.s32 s7, s5  }
0x51: {  	[tilespmem:s6], [sflag:$0x1] =	stream.linear.gather [hbm4b:s0+s2], $0x400, $0x38;
	[tilespmem:$0x5100] =	vst v63  }
0x52: {  	(v2sf) =	vpush v10, $0x9;
	p0 =	sgt.s32 s15, $0x0;
	s6 =	smov.u32 s15  }
0x53: {  	s6 =	simm.s32 @!p0 $0x0  }
0x54: {  	s8 =	rddreg [dreg:$0xb];
	s12 =	sand.u32 $0xFFFFF80, s6  }
0x55: {  	s10 =	rddreg [dreg:$0x1a];
	s0 =	sadd.s32 s12, s8  }
0x56: {  	(v2sf) =	vpush v10, $0xA;
	[tilespmem:s10], [sflag:$0x1] =	stream.linear.gather [hbm4b:s0+s2], $0x400, $0x38;
	[tilespmem:$0x5100] =	vst v63  }
0x57: {  	s10 =	spop (v2sf)  }
0x58: {  	p0 =	sgt.s32 s10, $0x0;
	s5 =	smov.u32 s10  }
0x59: {  	s14 =	rddreg [dreg:$0xc];
	s5 =	simm.s32 @!p0 $0x0  }
0x5a: {  	s16 =	rddreg [dreg:$0x1b];
	s1 =	spop (v2sf);
	s17 =	sand.u32 $0xFFFFF80, s5  }
0x5b: {  	(v2sf) =	vpush v10, $0xB;
	p0 =	sgt.s32 s1, $0x0;
	s0 =	sadd.s32 s17, s14;
	s14 =	smov.u32 s1  }
0x5c: {  	[tilespmem:s16], [sflag:$0x1] =	stream.linear.gather [hbm4b:s0+s2], $0x400, $0x38;
	[tilespmem:$0x5100] =	vst v63  }
0x5d: {  	s14 =	simm.s32 @!p0 $0x0  }
0x5e: {  	s19 =	rddreg [dreg:$0xd];
	s7 =	sand.u32 $0xFFFFF80, s14  }
0x5f: {  	s21 =	rddreg [dreg:$0x1c];
	s0 =	sadd.s32 s7, s19  }
0x60: {  	(v2sf) =	vpush v10, $0xC;
	[tilespmem:s21], [sflag:$0x1] =	stream.linear.gather [hbm4b:s0+s2], $0x400, $0x38;
	[tilespmem:$0x5100] =	vst v63  }
0x61: {  	s21 =	spop (v2sf)  }
0x62: {  	p0 =	sgt.s32 s21, $0x0;
	s19 =	smov.u32 s21  }
0x63: {  	(v2sf) =	vpush v10, $0xD;
	s19 =	simm.s32 @!p0 $0x0  }
0x64: {  	s23 =	rddreg [dreg:$0xe];
	s8 =	sand.u32 $0xFFFFF80, s19  }
0x65: {  	s24 =	rddreg [dreg:$0x1d];
	s3 =	sadd.s32 s8, s23;
	s8 =	spop (v2sf)  }
0x66: {  	(v2sf) =	vpush v10, $0xE;
	[tilespmem:s24], [sflag:$0x1] =	stream.linear.gather [hbm4b:s3+s2], $0x400, $0x38;
	[tilespmem:$0x5100] =	vst v63  }
0x67: {  	p0 =	sgt.s32 s8, $0x0;
	s17 =	smov.u32 s8  }
0x68: {  	s17 =	simm.s32 @!p0 $0x0  }
0x69: {  	s25 =	rddreg [dreg:$0xf];
	s12 =	sand.u32 $0xFFFFF80, s17  }
0x6a: {  	s26 =	rddreg [dreg:$0x1e];
	s3 =	sadd.s32 s12, s25;
	s12 =	spop (v2sf)  }
0x6b: {  	[tilespmem:s26], [sflag:$0x1] =	stream.linear.gather [hbm4b:s3+s2], $0x400, $0x38;
	[tilespmem:$0x5100] =	vst v63  }
0x6c: {  	(v2sf) =	vpush v10, $0xF;
	p0 =	sgt.s32 s12, $0x0;
	s16 =	smov.u32 s12  }
0x6d: {  	s28 =	rddreg [dreg:$0x10];
	s16 =	simm.s32 @!p0 $0x0  }
0x6e: {  	s0 =	rddreg [dreg:$0x1f];
	s24 =	sand.u32 $0xFFFFF80, s16  }
0x6f: {  	s23 =	rddreg [dreg:$0x11];
	s7 =	spop (v2sf);
	s3 =	sadd.s32 s24, s28  }
0x70: {  	[tilespmem:s0], [sflag:$0x1] =	stream.linear.gather [hbm4b:s3+s2], $0x400, $0x38;
	[tilespmem:$0x5100] =	vst v63  }
0x71: {  	s25 =	sld [smem:$0x7FA];
	p0 =	sgt.s32 s7, $0x0;
	s3 =	smov.u32 s7  }
0x72: {  	s28 =	sld [smem:$0x7FB];
	s0 =	spop (v2sf);
	s3 =	simm.s32 @!p0 $0x0  }
0x73: {  	[smem:$0x7E2] =	sst s0;
	p0 =	sgt.s32 s0, $0x0;
	s26 =	sand.u32 $0xFFFFF80, s3  }
0x74: {  	s0 =	simm.s32 @!p0 $0x0;
	s24 =	sadd.s32 s26, s23;
	s26 =	rddreg [dreg:$0x12]  }
0x75: {  	[smem:$0x7E1] =	sst s0;
	s23 =	sand.u32 $0xFFFFF80, s0;
	s0 =	spop (v2sf)  }
0x76: {  	[tilespmem:s25], [sflag:$0x1] =	stream.linear.gather [hbm4b:s24+s2], $0x400, $0x38;
	[tilespmem:$0x5100] =	vst v63  }
0x77: {  	[smem:$0x7E9] =	sst s0  }
0x78: {  	(v2sf) =	vpush v9, $0x0;
	s24 =	sadd.s32 s23, s26;
	p0 =	sgt.s32 s0, $0x0;
	s26 =	rddreg [dreg:$0x13]  }
0x79: {  	s23 =	sld [smem:$0x7FC];
	s0 =	simm.s32 @!p0 $0x0  }
0x7a: {  	[tilespmem:s28], [sflag:$0x1] =	stream.linear.gather [hbm4b:s24+s2], $0x400, $0x38;
	[tilespmem:$0x5100] =	vst v63  }
0x7b: {  	[smem:$0x7E8] =	sst s0;
	s28 =	sand.u32 $0xFFFFF80, s0;
	s0 =	spop (v2sf)  }
0x7c: {  	s24 =	sadd.s32 s28, s26;
	p0 =	sgt.s32 s0, $0x0  }
0x7d: {  	[tilespmem:s23], [sflag:$0x1] =	stream.linear.gather [hbm4b:s24+s2], $0x400, $0x38;
	[tilespmem:$0x5100] =	vst v63  }
0x7e: {  	[smem:$0x7E4] =	sst s0;
	s0 =	simm.s32 @!p0 $0x0  }
0x7f: {  	[smem:$0x7E3] =	sst s0;
	s0 =	sshll.u32 s0, $0x3  }
0x80: {  	s25 =	sand.u32 $0xFFFFFC00, s0  }
0x81: {  	s25 =	sadd.s32 $0x23E4800, s25  }
0x82: {  	s25 =	sshrl.u32 s25, $0x3  }
0x83: {  	(v2sf) =	vpush v9, $0x1;
	s23 =	simm.s32 $0x3C80;
	s0 =	simm.s32 $0x400;
	s25 =	sadd.s32 s4, s25  }
0x84: {  	[tilespmem:s23], [sflag:$0x1] =	stream.strided.gather [hbm4b:s25+s0], $0x0, s13, s0, $0x38;
	[tilespmem:$0x5100] =	vst v63  }
0x85: {  	_ = 	snop  }
0x86: {  	[tilespmem:s23], [sflag:$0x1] =	stream.linear.gather [hbm4b:s25+s2], $0x280, $0x38;
	[tilespmem:$0x5100] =	vst v63  }
0x87: {  	s25 =	spop (v2sf)  }
0x88: {  	p0 =	sgt.s32 s25, $0x0  }
0x89: {  	[smem:$0x7E5] =	sst s25;
	s25 =	simm.s32 @!p0 $0x0  }
0x8a: {  	s24 =	sshll.u32 s25, $0x3  }
0x8b: {  	s26 =	sand.u32 $0xFFFFFC00, s24  }
0x8c: {  	s26 =	sadd.s32 $0x262F000, s26  }
0x8d: {  	s26 =	sshrl.u32 s26, $0x3  }
0x8e: {  	(v2sf) =	vpush v9, $0x2;
	s28 =	simm.s32 $0x4080;
	s26 =	sadd.s32 s4, s26  }
0x8f: {  	[tilespmem:s28], [sflag:$0x1] =	stream.strided.gather [hbm4b:s26+s0], $0x0, s13, s0, $0x38;
	[tilespmem:$0x5100] =	vst v63  }
0x90: {  	_ = 	snop  }
0x91: {  	[tilespmem:s28], [sflag:$0x1] =	stream.linear.gather [hbm4b:s26+s2], $0x280, $0x38;
	[tilespmem:$0x5100] =	vst v63  }
0x92: {  	s26 =	spop (v2sf)  }
0x93: {  	p0 =	sgt.s32 s26, $0x0  }
0x94: {  	[smem:$0x7E6] =	sst s26;
	s26 =	simm.s32 @!p0 $0x0  }
0x95: {  	s28 =	sshll.u32 s26, $0x3  }
0x96: {  	s28 =	sand.u32 $0xFFFFFC00, s28  }
0x97: {  	s28 =	sadd.s32 $0x2879800, s28  }
0x98: {  	s28 =	sshrl.u32 s28, $0x3  }
0x99: {  	(v2sf) =	vpush v9, $0x3;
	s23 =	simm.s32 $0x4480;
	s28 =	sadd.s32 s4, s28  }
0x9a: {  	[tilespmem:s23], [sflag:$0x1] =	stream.strided.gather [hbm4b:s28+s0], $0x0, s13, s0, $0x38;
	[tilespmem:$0x5100] =	vst v63  }
0x9b: {  	_ = 	snop  }
0x9c: {  	[tilespmem:s23], [sflag:$0x1] =	stream.linear.gather [hbm4b:s28+s2], $0x280, $0x38;
	[tilespmem:$0x5100] =	vst v63  }
0x9d: {  	s28 =	spop (v2sf)  }
0x9e: {  	p0 =	sgt.s32 s28, $0x0  }
0x9f: {  	[smem:$0x7E7] =	sst s28;
	s28 =	simm.s32 @!p0 $0x0  }
0xa0: {  	s23 =	sshll.u32 s28, $0x3  }
0xa1: {  	s24 =	sand.u32 $0xFFFFFC00, s23  }
0xa2: {  	s24 =	sadd.s32 $0x2AC4000, s24  }
0xa3: {  	s24 =	sshrl.u32 s24, $0x3  }
0xa4: {  	s23 =	simm.s32 $0x4880;
	s24 =	sadd.s32 s4, s24  }
0xa5: {  	[tilespmem:s23], [sflag:$0x1] =	stream.strided.gather [hbm4b:s24+s0], $0x0, s13, s0, $0x38;
	[tilespmem:$0x5100] =	vst v63  }
0xa6: {  	_ = 	snop  }
0xa7: {  	[tilespmem:s23], [sflag:$0x1] =	stream.linear.gather [hbm4b:s24+s2], $0x280, $0x38;
	[tilespmem:$0x5100] =	vst v63  }
0xa8: {  	s23 =	spop (v2sf)  }
0xa9: {  	p0 =	sgt.s32 s23, $0x0  }
0xaa: {  	[smem:$0x7EA] =	sst s23;
	s23 =	simm.s32 @!p0 $0x0  }
0xab: {  	s24 =	sshll.u32 s23, $0x3  }
0xac: {  	s24 =	sand.u32 $0xFFFFFC00, s24  }
0xad: {  	s24 =	sadd.s32 $0x2D0E800, s24  }
0xae: {  	s24 =	sshrl.u32 s24, $0x3  }
0xaf: {  	s24 =	sadd.s32 s4, s24;
	s4 =	simm.s32 $0x4C80  }
0xb0: {  	[tilespmem:s4], [sflag:$0x1] =	stream.strided.gather [hbm4b:s24+s0], $0x0, s13, s0, $0x38;
	[tilespmem:$0x5100] =	vst v63  }
0xb1: {  	_ = 	snop  }
0xb2: {  	[tilespmem:s4], [sflag:$0x1] =	stream.linear.gather [hbm4b:s24+s2], $0x280, $0x38;
	[tilespmem:$0x5100] =	vst v63  }
0xb3: {  	_ =	swait.ge [sflag:s22], $0x400  }
0xb4: {  	[sflag:s22] =	ssyncset.done $0x0  }
0xb5: {  	[sflag:s22] =	ssyncadd.s32 $0xFFFFFC00  }
0xb6: {  	_ =	swait.ge [sflag:s22], $0x400  }
0xb7: {  	[sflag:s22] =	ssyncset.done $0x0  }
0xb8: {  	[sflag:s22] =	ssyncadd.s32 $0xFFFFFC00  }
0xb9: {  	_ =	swait.ge [sflag:s22], $0x400  }
0xba: {  	[sflag:s22] =	ssyncset.done $0x0  }
0xbb: {  	[sflag:s22] =	ssyncadd.s32 $0xFFFFFC00  }
0xbc: {  	_ =	swait.ge [sflag:s22], $0x400  }
0xbd: {  	[sflag:s22] =	ssyncset.done $0x0  }
0xbe: {  	[sflag:s22] =	ssyncadd.s32 $0xFFFFFC00  }
0xbf: {  	_ =	swait.ge [sflag:s22], $0x400  }
0xc0: {  	[sflag:s22] =	ssyncset.done $0x0  }
0xc1: {  	[sflag:s22] =	ssyncadd.s32 $0xFFFFFC00  }
0xc2: {  	_ =	swait.ge [sflag:s22], $0x400  }
0xc3: {  	[sflag:s22] =	ssyncset.done $0x0  }
0xc4: {  	[sflag:s22] =	ssyncadd.s32 $0xFFFFFC00  }
0xc5: {  	_ =	swait.ge [sflag:s22], $0x400  }
0xc6: {  	[sflag:s22] =	ssyncset.done $0x0  }
0xc7: {  	[sflag:s22] =	ssyncadd.s32 $0xFFFFFC00  }
0xc8: {  	_ =	swait.ge [sflag:s22], $0x400  }
0xc9: {  	[sflag:s22] =	ssyncset.done $0x0  }
0xca: {  	[sflag:s22] =	ssyncadd.s32 $0xFFFFFC00  }
0xcb: {  	_ =	swait.ge [sflag:s22], $0x400  }
0xcc: {  	[sflag:s22] =	ssyncset.done $0x0  }
0xcd: {  	[sflag:s22] =	ssyncadd.s32 $0xFFFFFC00  }
0xce: {  	_ =	swait.ge [sflag:s22], $0x400  }
0xcf: {  	[sflag:s22] =	ssyncset.done $0x0  }
0xd0: {  	[sflag:s22] =	ssyncadd.s32 $0xFFFFFC00  }
0xd1: {  	_ =	swait.ge [sflag:s22], $0x400  }
0xd2: {  	[sflag:s22] =	ssyncset.done $0x0  }
0xd3: {  	[sflag:s22] =	ssyncadd.s32 $0xFFFFFC00  }
0xd4: {  	_ =	swait.ge [sflag:s22], $0x400  }
0xd5: {  	[sflag:s22] =	ssyncset.done $0x0  }
0xd6: {  	[sflag:s22] =	ssyncadd.s32 $0xFFFFFC00  }
0xd7: {  	_ =	swait.ge [sflag:s22], $0x400  }
0xd8: {  	[sflag:s22] =	ssyncset.done $0x0  }
0xd9: {  	[sflag:s22] =	ssyncadd.s32 $0xFFFFFC00  }
0xda: {  	_ =	swait.ge [sflag:s22], $0x400  }
0xdb: {  	[sflag:s22] =	ssyncset.done $0x0  }
0xdc: {  	[sflag:s22] =	ssyncadd.s32 $0xFFFFFC00  }
0xdd: {  	_ =	swait.ge [sflag:s22], $0x400  }
0xde: {  	[sflag:s22] =	ssyncset.done $0x0  }
0xdf: {  	[sflag:s22] =	ssyncadd.s32 $0xFFFFFC00  }
0xe0: {  	_ =	swait.ge [sflag:s22], $0x280  }
0xe1: {  	[sflag:s22] =	ssyncset.done $0x0  }
0xe2: {  	[sflag:s22] =	ssyncadd.s32 $0xFFFFFD80  }
0xe3: {  	_ =	swait.ge [sflag:s22], $0x280  }
0xe4: {  	[sflag:s22] =	ssyncset.done $0x0  }
0xe5: {  	[sflag:s22] =	ssyncadd.s32 $0xFFFFFD80  }
0xe6: {  	_ =	swait.ge [sflag:s22], $0x280  }
0xe7: {  	[sflag:s22] =	ssyncset.done $0x0  }
0xe8: {  	[sflag:s22] =	ssyncadd.s32 $0xFFFFFD80  }
0xe9: {  	_ =	swait.ge [sflag:s22], $0x280  }
0xea: {  	[sflag:s22] =	ssyncset.done $0x0  }
0xeb: {  	[sflag:s22] =	ssyncadd.s32 $0xFFFFFD80  }
0xec: {  	_ =	swait.ge [sflag:s22], $0x280  }
0xed: {  	[sflag:s22] =	ssyncset.done $0x0;
	s4 =	sld [smem:$0x7DC]  }
0xee: {  	[sflag:s22] =	ssyncadd.s32 $0xFFFFFD80  }
0xef: {  	p2 =	sgt.s32 s18, $0xFFFFFFFF;
	s9 =	sand.u32 $0x7F, s9;
	v9 =	vld [tilespmem:$0x100]  }
0xf0: {  	s11 =	sand.u32 $0x7F, s11;
	s9 =	simm.s32 @!p2 $0x80;
	v10 =	vld [tilespmem:$0x110];
	p0 =	sgt.s32 s4, $0xFFFFFFFF  }
0xf1: {  	p3 =	sgt.s32 s15, $0xFFFFFFFF;
	v22 =	vmov s9;
	s6 =	sand.u32 $0x7F, s6;
	v11 =	vld [tilespmem:$0x120];
	s11 =	simm.s32 @!p0 $0x80  }
0xf2: {  	vm10 =	veq.s32 v22, v0;
	s6 =	simm.s32 @!p3 $0x80;
	v13 =	vld [tilespmem:$0x130];
	v12 =	vmov s11  }
0xf3: {  	v17 =	vmov s6;
	s24 =	sld [smem:$0x7DE];
	v23 =	vld [tilespmem:$0x1780];
	vm0 =	veq.s32 v12, v0;
	vm1 =	veq.s32 v12, v1  }
0xf4: {  	v24 =	vld [tilespmem:$0x1790];
	s4 =	sld [smem:$0x7E0];
	vm11 =	veq.s32 v12, v2;
	vm12 =	veq.s32 v12, v3;
	vm13 =	veq.s32 v12, v4  }
0xf5: {  	v26 =	vld [tilespmem:$0x17A0];
	vm14 =	veq.s32 v12, v5;
	v9 =	vnsel vm0, $0x3F800000, v9;
	v10 =	vnsel vm1, $0x3F800000, v10  }
0xf6: {  	s11 =	sld [smem:$0x7DD];
	vm15 =	veq.s32 v12, v6;
	vm4 =	veq.s32 v12, v7;
	v9 =	vmul.f32 v10, v9;
	v10 =	vld [tilespmem:$0x140]  }
0xf7: {  	v33 =	vld [tilespmem:$0x160];
	p6 =	sgt.s32 s24, $0xFFFFFFFF;
	p4 =	sgt.s32 s4, $0xFFFFFFFF;
	s4 =	sand.u32 $0x7F, s29;
	v11 =	vnsel vm11, $0x3F800000, v11;
	v13 =	vnsel vm12, $0x3F800000, v13;
	vm11 =	veq.s32 v22, v1  }
0xf8: {  	s2 =	sld [smem:$0x7DF];
	s0 =	simm.s32 @!p0 $0x0;
	s4 =	simm.s32 @!p6 $0x80;
	v23 =	vnsel vm10, $0x3F800000, v23;
	vm12 =	veq.s32 v22, v2;
	v9 =	vmul.f32 v11, v9;
	v11 =	vld [tilespmem:$0x150]  }
0xf9: {  	v34 =	vld [tilespmem:$0x590];
	s0 =	simm.s32 @p0 $0x1;
	vm10 =	veq.s32 v22, v7;
	p0 =	sgt.s32 s11, $0xFFFFFFFF;
	s11 =	sand.u32 $0x7F, s30;
	v18 =	vmov s4;
	v24 =	vnsel vm11, $0x3F800000, v24  }
0xfa: {  	v20 =	vld [tilespmem:$0x5B0];
	[smem:$0x7EB] =	sst s0;
	v26 =	vnsel vm12, $0x3F800000, v26;
	vm12 =	veq.s32 v17, v0;
	s0 =	simm.s32 @!p0 $0x0;
	s11 =	simm.s32 @!p0 $0x80;
	v9 =	vmul.f32 v13, v9  }
0xfb: {  	v21 =	vld [tilespmem:$0x5C0];
	v23 =	vmul.f32 v24, v23;
	s0 =	simm.s32 @p0 $0x1;
	v19 =	vmov s11;
	v10 =	vnsel vm13, $0x3F800000, v10  }
0xfc: {  	p5 =	sgt.s32 s2, $0xFFFFFFFF;
	vm11 =	veq.s32 v18, v3;
	[smem:$0x7EC] =	sst s0;
	s0 =	simm.s32 @!p6 $0x0;
	vm5 =	veq.s32 v19, v0;
	v9 =	vmul.f32 v10, v9;
	v10 =	vld [tilespmem:$0x170]  }
0xfd: {  	v37 =	vld [tilespmem:$0x5D0];
	s4 =	sand.u32 $0x7F, s14;
	p0 =	sgt.s32 s1, $0xFFFFFFFF;
	vm6 =	veq.s32 v19, v1;
	vm7 =	veq.s32 v19, v2;
	s0 =	simm.s32 @p6 $0x1;
	v11 =	vnsel vm14, $0x3F800000, v11  }
0xfe: {  	s1 =	sand.u32 $0x7F, s31;
	vm8 =	veq.s32 v19, v3;
	vm9 =	veq.s32 v19, v4;
	[smem:$0x7ED] =	sst s0;
	s0 =	simm.s32 @!p5 $0x0;
	v9 =	vmul.f32 v11, v9;
	v11 =	vld [tilespmem:$0x580]  }
0xff: {  	v28 =	vld [tilespmem:$0x5F0];
	s1 =	simm.s32 @!p5 $0x80;
	s4 =	simm.s32 @!p0 $0x80;
	vm2 =	veq.s32 v19, v5;
	v23 =	vmul.f32 v26, v23;
	v13 =	vnsel vm15, $0x3F800000, v33;
	s0 =	simm.s32 @p5 $0x1  }
0x100: {  	v35 =	vld [tilespmem:$0x5A0];
	v16 =	vmov s1;
	v15 =	vmov s4;
	[smem:$0x7EE] =	sst s0;
	s0 =	simm.s32 @!p4 $0x0;
	v9 =	vmul.f32 v13, v9  }
0x101: {  	v27 =	vld [tilespmem:$0x5E0];
	v36 =	vnsel vm8, $0x3F800000, v20;
	v21 =	vnsel vm9, $0x3F800000, v21;
	s0 =	simm.s32 @p4 $0x1;
	v10 =	vnsel vm4, $0x3F800000, v10  }
0x102: {  	v38 =	vld [tilespmem:$0x17B0];
	v20 =	vnsel vm2, $0x3F800000, v37;
	vm15 =	veq.s32 v19, v7;
	[smem:$0x7EF] =	sst s0;
	s0 =	simm.s32 @!p2 $0x0;
	v9 =	vmul.f32 v10, v9  }
0x103: {  	p1 =	sgt.s32 s10, $0xFFFFFFFF;
	v39 =	vld [tilespmem:$0x17C0];
	s1 =	sand.u32 $0x7F, s5;
	vm8 =	veq.s32 v22, v6;
	vm9 =	veq.s32 v18, v2;
	s0 =	simm.s32 @p2 $0x1;
	v10 =	vnsel vm5, $0x3F800000, v11  }
0x104: {  	v40 =	vld [tilespmem:$0xA00];
	s1 =	simm.s32 @!p1 $0x80;
	vm13 =	veq.s32 v19, v6;
	v43 =	vnsel vm15, $0x3F800000, v28;
	[smem:$0x7F0] =	sst s0;
	s0 =	simm.s32 @!p3 $0x0;
	v9 =	vmul.f32 v10, v9  }
0x105: {  	v41 =	vld [tilespmem:$0x17D0];
	s2 =	sand.u32 $0x7F, s20;
	vm15 =	veq.s32 v18, v5;
	v14 =	vmov s1;
	s0 =	simm.s32 @p3 $0x1;
	v11 =	vnsel vm6, $0x3F800000, v34  }
0x106: {  	v54 =	vld [tilespmem:$0x1C30];
	s2 =	simm.s32 @!p4 $0x80;
	v27 =	vnsel vm13, $0x3F800000, v27;
	vm13 =	veq.s32 v18, v4;
	[smem:$0x7F1] =	sst s0;
	s0 =	simm.s32 @!p1 $0x0;
	v9 =	vmul.f32 v11, v9  }
0x107: {  	v42 =	vld [tilespmem:$0xA10];
	s1 =	sand.u32 $0x7F, s16;
	vm14 =	veq.s32 v22, v3;
	vm4 =	veq.s32 v22, v4;
	s0 =	simm.s32 @p1 $0x1;
	p1 =	sgt.s32 s21, $0xFFFFFFFF;
	v11 =	vnsel vm7, $0x3F800000, v35  }
0x108: {  	v44 =	vld [tilespmem:$0x17E0];
	v24 =	vnsel vm4, $0x3F800000, v39;
	vm4 =	veq.s32 v17, v2;
	[smem:$0x7F2] =	sst s0;
	s0 =	simm.s32 @!p0 $0x0;
	s5 =	simm.s32 @!p1 $0x0;
	v9 =	vmul.f32 v11, v9  }
0x109: {  	v45 =	vld [tilespmem:$0xA20];
	vm5 =	veq.s32 v18, v0;
	vm6 =	veq.s32 v22, v5;
	v10 =	vmov s2;
	s2 =	sand.u32 $0x7F, s17;
	s0 =	simm.s32 @p0 $0x1;
	s5 =	simm.s32 @p1 $0x1  }
0x10a: {  	v46 =	vld [tilespmem:$0x17F0];
	v26 =	vnsel vm6, $0x3F800000, v41;
	vm6 =	veq.s32 v17, v3;
	p0 =	sgt.s32 s8, $0xFFFFFFFF;
	[smem:$0x7F3] =	sst s0;
	s0 =	sand.u32 $0x7F, s19;
	v25 =	vmul.f32 v36, v9  }
0x10b: {  	v50 =	vld [tilespmem:$0x1C10];
	v60 =	vnsel vm6, $0x3F800000, v54;
	vm6 =	veq.s32 v14, v1;
	vm7 =	veq.s32 v18, v1;
	[smem:$0x7F4] =	sst s5;
	s0 =	simm.s32 @!p1 $0x80;
	p1 =	sgt.s32 s12, $0xFFFFFFFF  }
0x10c: {  	v47 =	vld [tilespmem:$0xA30];
	s5 =	simm.s32 @!p0 $0x0;
	s2 =	simm.s32 @!p0 $0x80;
	v19 =	vnsel vm7, $0x3F800000, v42;
	vm7 =	veq.s32 v18, v7;
	s1 =	simm.s32 @!p1 $0x80;
	v21 =	vmul.f32 v21, v25  }
0x10d: {  	v48 =	vld [tilespmem:$0x1C00];
	s5 =	simm.s32 @p0 $0x1;
	p0 =	sgt.s32 s7, $0xFFFFFFFF;
	v13 =	vmov s2;
	v11 =	vmov s0;
	s0 =	sand.u32 $0x7F, s3;
	v12 =	vmov s1  }
0x10e: {  	v63 =	vld [tilespmem:$0x1C70];
	s0 =	simm.s32 @!p0 $0x80;
	vm3 =	veq.s32 v11, v0;
	v25 =	vnsel vm14, $0x3F800000, v38;
	v20 =	vmul.f32 v20, v21  }
0x10f: {  	v49 =	vld [tilespmem:$0xA40];
	v9 =	vmov s0;
	vm14 =	veq.s32 v17, v1;
	v23 =	vmul.f32 v25, v23  }
0x110: {  	v51 =	vld [tilespmem:$0xA50];
	v25 =	vnsel vm8, $0x3F800000, v44;
	v22 =	vnsel vm14, $0x3F800000, v50;
	v20 =	vmul.f32 v27, v20  }
0x111: {  	v52 =	vld [tilespmem:$0x1C20];
	vm8 =	veq.s32 v17, v4;
	vm14 =	veq.s32 v17, v7;
	v21 =	vnsel vm5, $0x3F800000, v40  }
0x112: {  	v31 =	vld [tilespmem:$0x1C90];
	vm5 =	veq.s32 v18, v6;
	v23 =	vmul.f32 v24, v23;
	v20 =	vmul.f32 v43, v20  }
0x113: {  	v53 =	vld [tilespmem:$0xA60];
	v33 =	vnsel vm14, $0x3F800000, v63;
	vm14 =	veq.s32 v14, v5;
	v24 =	vnsel vm10, $0x3F800000, v46  }
0x114: {  	v28 =	vld [tilespmem:$0xEB0];
	vm10 =	veq.s32 v17, v5;
	v23 =	vmul.f32 v26, v23;
	v20 =	vmul.f32 v21, v20  }
0x115: {  	v55 =	vld [tilespmem:$0xA70];
	v27 =	vnsel vm9, $0x3F800000, v45;
	vm9 =	veq.s32 v16, v0;
	v26 =	vnsel vm12, $0x3F800000, v48  }
0x116: {  	v59 =	vld [tilespmem:$0xE90];
	vm12 =	veq.s32 v17, v6;
	v23 =	vmul.f32 v25, v23;
	v19 =	vmul.f32 v19, v20  }
0x117: {  	v56 =	vld [tilespmem:$0x1C40];
	v17 =	vnsel vm6, $0x3F800000, v31;
	vm6 =	veq.s32 v14, v7;
	v25 =	vnsel vm15, $0x3F800000, v51  }
0x118: {  	v57 =	vld [tilespmem:$0xE80];
	vm15 =	veq.s32 v16, v3;
	v23 =	vmul.f32 v24, v23;
	v19 =	vmul.f32 v27, v19  }
0x119: {  	v58 =	vld [tilespmem:$0x1C50];
	v21 =	vnsel vm11, $0x3F800000, v47;
	vm11 =	veq.s32 v16, v1;
	v34 =	vnsel vm15, $0x3F800000, v28  }
0x11a: {  	v61 =	vld [tilespmem:$0x1C60];
	vm15 =	veq.s32 v10, v1;
	v23 =	vmul.f32 v26, v23;
	v19 =	vmul.f32 v21, v19  }
0x11b: {  	v62 =	vld [tilespmem:$0xEA0];
	v24 =	vnsel vm4, $0x3F800000, v52;
	v18 =	vnsel vm11, $0x3F800000, v59;
	v20 =	vnsel vm13, $0x3F800000, v49  }
0x11c: {  	v37 =	vld [tilespmem:$0x1CB0];
	vm4 =	veq.s32 v14, v0;
	v22 =	vmul.f32 v22, v23;
	v19 =	vmul.f32 v20, v19  }
0x11d: {  	v29 =	vld [tilespmem:$0x1C80];
	vm11 =	veq.s32 v16, v7;
	vm13 =	veq.s32 v16, v2;
	v23 =	vnsel vm8, $0x3F800000, v56  }
0x11e: {  	v42 =	vld [tilespmem:$0x1310];
	vm8 =	veq.s32 v14, v2;
	v22 =	vmul.f32 v24, v22;
	v19 =	vmul.f32 v25, v19  }
0x11f: {  	v30 =	vld [tilespmem:$0xEC0];
	v21 =	vnsel vm5, $0x3F800000, v53;
	vm5 =	veq.s32 v16, v4;
	v24 =	vnsel vm10, $0x3F800000, v58  }
0x120: {  	v32 =	vld [tilespmem:$0xED0];
	vm10 =	veq.s32 v14, v3;
	v19 =	vmul.f32 v21, v19;
	v21 =	vmul.f32 v60, v22  }
0x121: {  	v36 =	vld [tilespmem:$0xEE0];
	v20 =	vnsel vm7, $0x3F800000, v55;
	vm7 =	veq.s32 v16, v5;
	v43 =	vnsel vm10, $0x3F800000, v37  }
0x122: {  	v39 =	vld [tilespmem:$0x1CC0];
	vm10 =	veq.s32 v15, v1;
	v19 =	vmul.f32 v20, v19;
	v21 =	vmul.f32 v23, v21  }
0x123: {  	v41 =	vld [tilespmem:$0x1CD0];
	v25 =	vnsel vm9, $0x3F800000, v57;
	vm9 =	veq.s32 v16, v6;
	v16 =	vnsel vm15, $0x3F800000, v42  }
0x124: {  	v50 =	vld [tilespmem:$0x2110];
	vm15 =	veq.s32 v10, v7;
	v19 =	vmul.f32 v25, v19;
	v21 =	vmul.f32 v24, v21  }
0x125: {  	v35 =	vld [tilespmem:$0x1CA0];
	v22 =	vnsel vm12, $0x3F800000, v61;
	vm12 =	veq.s32 v14, v4;
	v20 =	vnsel vm13, $0x3F800000, v62  }
0x126: {  	v54 =	vld [tilespmem:$0x2130];
	v23 =	vnsel vm9, $0x3F800000, v36;
	v18 =	vmul.f32 v18, v19;
	v21 =	vmul.f32 v22, v21  }
0x127: {  	v38 =	vld [tilespmem:$0xEF0];
	vm13 =	veq.s32 v10, v0;
	vm9 =	veq.s32 v10, v4;
	v24 =	vnsel vm4, $0x3F800000, v29  }
0x128: {  	v44 =	vld [tilespmem:$0x1CE0];
	vm4 =	veq.s32 v14, v6;
	v18 =	vmul.f32 v20, v18;
	v21 =	vmul.f32 v33, v21  }
0x129: {  	v52 =	vld [tilespmem:$0x2120];
	v14 =	vnsel vm10, $0x3F800000, v50;
	vm10 =	veq.s32 v13, v2;
	v19 =	vnsel vm5, $0x3F800000, v30  }
0x12a: {  	v40 =	vld [tilespmem:$0x1300];
	v22 =	vnsel vm8, $0x3F800000, v35;
	v18 =	vmul.f32 v34, v18;
	v21 =	vmul.f32 v24, v21  }
0x12b: {  	v46 =	vld [tilespmem:$0x1CF0];
	vm5 =	veq.s32 v10, v2;
	vm8 =	veq.s32 v15, v0;
	v20 =	vnsel vm7, $0x3F800000, v32  }
0x12c: {  	v45 =	vld [tilespmem:$0x1320];
	vm7 =	veq.s32 v10, v3;
	v18 =	vmul.f32 v19, v18;
	v17 =	vmul.f32 v17, v21  }
0x12d: {  	v48 =	vld [tilespmem:$0x2100];
	v19 =	vnsel vm11, $0x3F800000, v38;
	v21 =	vnsel vm12, $0x3F800000, v39;
	vm12 =	veq.s32 v15, v2  }
0x12e: {  	v56 =	vld [tilespmem:$0x2140];
	vm11 =	veq.s32 v10, v5;
	v57 =	vnsel vm12, $0x3F800000, v52;
	vm12 =	veq.s32 v13, v3  }
0x12f: {  	v51 =	vld [tilespmem:$0x1350];
	v18 =	vmul.f32 v20, v18;
	v17 =	vmul.f32 v22, v17;
	v20 =	vnsel vm13, $0x3F800000, v40  }
0x130: {  	v47 =	vld [tilespmem:$0x1330];
	v22 =	vnsel vm14, $0x3F800000, v41;
	vm13 =	veq.s32 v10, v6;
	vm14 =	veq.s32 v15, v3  }
0x131: {  	v49 =	vld [tilespmem:$0x1340];
	v10 =	vnsel vm14, $0x3F800000, v54;
	vm14 =	veq.s32 v13, v4;
	v18 =	vmul.f32 v23, v18  }
0x132: {  	v62 =	vld [tilespmem:$0x2170];
	v17 =	vmul.f32 v43, v17;
	v23 =	vnsel vm4, $0x3F800000, v44;
	vm4 =	veq.s32 v15, v4  }
0x133: {  	v32 =	vld [tilespmem:$0x2A00];
	v61 =	vnsel vm4, $0x3F800000, v56;
	vm4 =	veq.s32 v13, v5;
	v18 =	vmul.f32 v19, v18  }
0x134: {  	v33 =	vld [tilespmem:$0x2A10];
	v17 =	vmul.f32 v21, v17;
	v19 =	vnsel vm5, $0x3F800000, v45;
	v21 =	vnsel vm6, $0x3F800000, v46  }
0x135: {  	v53 =	vld [tilespmem:$0x1360];
	vm5 =	veq.s32 v15, v5;
	vm6 =	veq.s32 v15, v6;
	v18 =	vmul.f32 v20, v18  }
0x136: {  	v58 =	vld [tilespmem:$0x2150];
	v17 =	vmul.f32 v22, v17;
	v20 =	vnsel vm7, $0x3F800000, v47;
	v22 =	vnsel vm8, $0x3F800000, v48  }
0x137: {  	v40 =	vld [tilespmem:$0x2A40];
	vm7 =	veq.s32 v15, v7;
	vm8 =	veq.s32 v13, v0;
	v16 =	vmul.f32 v16, v18  }
0x138: {  	v60 =	vld [tilespmem:$0x2160];
	v17 =	vmul.f32 v23, v17;
	v18 =	vnsel vm9, $0x3F800000, v49;
	vm9 =	veq.s32 v13, v1  }
0x139: {  	v35 =	vld [tilespmem:$0x2590];
	v24 =	vnsel vm8, $0x3F800000, v32;
	v23 =	vnsel vm7, $0x3F800000, v62;
	v25 =	vnsel vm9, $0x3F800000, v33  }
0x13a: {  	v55 =	vld [tilespmem:$0x1370];
	vm9 =	veq.s32 v11, v5;
	v16 =	vmul.f32 v19, v16;
	v17 =	vmul.f32 v21, v17  }
0x13b: {  	v37 =	vld [tilespmem:$0x25A0];
	v19 =	vnsel vm11, $0x3F800000, v51;
	v21 =	vnsel vm5, $0x3F800000, v58;
	v24 =	vmul.f32 v25, v24  }
0x13c: {  	s10 =	sld [smem:$0x7E1];
	v39 =	vld [tilespmem:$0x25B0];
	vm11 =	veq.s32 v11, v1;
	v25 =	vnsel vm14, $0x3F800000, v40;
	vm5 =	veq.s32 v11, v4  }
0x13d: {  	s14 =	sld [smem:$0x7E4];
	v44 =	vld [tilespmem:$0x2A60];
	vm14 =	veq.s32 v12, v1;
	v16 =	vmul.f32 v20, v16;
	v17 =	vmul.f32 v22, v17  }
0x13e: {  	s12 =	sld [smem:$0x7E3];
	s3 =	simm.s32 @!p1 $0x0;
	v27 =	vnsel vm11, $0x3F800000, v35;
	v20 =	vnsel vm13, $0x3F800000, v53;
	v22 =	vnsel vm6, $0x3F800000, v60  }
0x13f: {  	s11 =	sld [smem:$0x7E2];
	s3 =	simm.s32 @p1 $0x1;
	vm13 =	veq.s32 v11, v2;
	v16 =	vmul.f32 v18, v16;
	v14 =	vmul.f32 v14, v17  }
0x140: {  	[smem:$0x7F6] =	sst s3;
	s3 =	simm.s32 @!p0 $0x0;
	v63 =	vld [tilespmem:$0x2580];
	vm6 =	veq.s32 v13, v6;
	v26 =	vnsel vm13, $0x3F800000, v37;
	v18 =	vnsel vm15, $0x3F800000, v55  }
0x141: {  	s1 =	sand.u32 $0x7F, s12;
	s3 =	simm.s32 @p0 $0x1;
	p0 =	sgt.s32 s14, $0xFFFFFFFF;
	v45 =	vld [tilespmem:$0x3C80];
	vm15 =	veq.s32 v11, v3;
	v16 =	vmul.f32 v19, v16;
	v14 =	vmul.f32 v57, v14  }
0x142: {  	s1 =	simm.s32 @!p0 $0x80;
	v46 =	vld [tilespmem:$0x3C90];
	v49 =	vnsel vm6, $0x3F800000, v44;
	vm6 =	veq.s32 v12, v3;
	v28 =	vnsel vm15, $0x3F800000, v39  }
0x143: {  	s15 =	sld [smem:$0x7E5];
	v52 =	vld [tilespmem:$0x3CB0];
	v19 =	vmov s1;
	v16 =	vmul.f32 v20, v16;
	v59 =	vmul.f32 v10, v14  }
0x144: {  	p4 =	sgt.s32 s11, $0xFFFFFFFF;
	s0 =	sand.u32 $0x7F, s10;
	vm7 =	veq.s32 v19, v0;
	vm8 =	veq.s32 v19, v1;
	vm11 =	veq.s32 v19, v2  }
0x145: {  	s16 =	sld [smem:$0x7E6];
	s0 =	simm.s32 @!p4 $0x80;
	v36 =	vld [tilespmem:$0x2A20];
	vm13 =	veq.s32 v19, v3;
	v10 =	vmul.f32 v18, v16;
	v16 =	vmul.f32 v61, v59  }
0x146: {  	p5 =	sgt.s32 s15, $0xFFFFFFFF;
	vm15 =	veq.s32 v19, v4;
	v14 =	vmov s0;
	s0 =	sand.u32 $0x7F, s25;
	v20 =	vnsel vm3, $0x3F800000, v63  }
0x147: {  	v38 =	vld [tilespmem:$0x2A30];
	v51 =	vnsel vm7, $0x3F800000, v45;
	v53 =	vnsel vm8, $0x3F800000, v46;
	s0 =	simm.s32 @!p5 $0x80;
	v21 =	vmul.f32 v21, v16  }
0x148: {  	p3 =	sgt.s32 s16, $0xFFFFFFFF;
	s17 =	sld [smem:$0x7E7];
	v31 =	vld [tilespmem:$0x2ED0];
	v58 =	vnsel vm13, $0x3F800000, v52;
	vm7 =	veq.s32 v19, v6;
	v17 =	vmov s0;
	s0 =	sand.u32 $0x7F, s26  }
0x149: {  	v42 =	vld [tilespmem:$0x2A50];
	vm8 =	veq.s32 v12, v4;
	s0 =	simm.s32 @!p3 $0x80;
	vm13 =	veq.s32 v17, v1;
	v21 =	vmul.f32 v22, v21  }
0x14a: {  	v50 =	vld [tilespmem:$0x2E80];
	v18 =	vand.u32 $0x7FFFFF, v10;
	v16 =	vmov s0;
	v22 =	vnsel vm10, $0x3F800000, v36  }
0x14b: {  	p2 =	sgt.s32 s17, $0xFFFFFFFF;
	v41 =	vld [tilespmem:$0x25C0];
	s0 =	sand.u32 $0x7F, s28;
	v18 =	vor.u32 $0x3F800000, v18;
	v22 =	vmul.f32 v22, v24;
	v21 =	vmul.f32 v23, v21  }
0x14c: {  	v48 =	vld [tilespmem:$0x3CA0];
	s0 =	simm.s32 @!p2 $0x80;
	v34 =	vmul.f32 $5.000000000e-01, v18;
	vm0 =	vgt.f32 v18, $1.414213540e+00;
	v23 =	vnsel vm12, $0x3F800000, v38  }
0x14d: {  	v54 =	vld [tilespmem:$0x2E90];
	v15 =	vmov s0;
	v22 =	vmul.f32 v23, v22;
	v20 =	vmul.f32 v20, v21  }
0x14e: {  	v43 =	vld [tilespmem:$0x25D0];
	vm10 =	veq.s32 v13, v7;
	v13 =	vmul.f32 v53, v51;
	v24 =	vnsel vm4, $0x3F800000, v42  }
0x14f: {  	v47 =	vld [tilespmem:$0x2A70];
	vm12 =	veq.s32 v12, v0;
	v22 =	vmul.f32 v25, v22;
	v20 =	vmul.f32 v27, v20  }
0x150: {  	v55 =	vld [tilespmem:$0x3CC0];
	vm4 =	veq.s32 v12, v2;
	v18 =	vsel vm0, v34, v18;
	v23 =	vnsel vm12, $0x3F800000, v50  }
0x151: {  	v60 =	vld [tilespmem:$0x3CE0];
	v22 =	vmul.f32 v24, v22;
	v24 =	vnsel vm11, $0x3F800000, v48;
	v20 =	vmul.f32 v26, v20  }
0x152: {  	v57 =	vld [tilespmem:$0x3CD0];
	vm12 =	veq.s32 v17, v0;
	v21 =	vnsel vm5, $0x3F800000, v41;
	v13 =	vmul.f32 v24, v13  }
0x153: {  	v34 =	vld [tilespmem:$0x4110];
	vm5 =	veq.s32 v19, v5;
	v25 =	vnsel vm14, $0x3F800000, v54;
	v20 =	vmul.f32 v28, v20  }
0x154: {  	v59 =	vld [tilespmem:$0x2EB0];
	vm14 =	veq.s32 v12, v6;
	v27 =	vnsel vm9, $0x3F800000, v43;
	v13 =	vmul.f32 v58, v13  }
0x155: {  	v63 =	vld [tilespmem:$0x3CF0];
	v20 =	vmul.f32 v21, v20;
	v21 =	vmul.f32 v49, v22;
	v22 =	vnsel vm15, $0x3F800000, v55  }
0x156: {  	v46 =	vld [tilespmem:$0x3330];
	vm9 =	veq.s32 v11, v6;
	v28 =	vnsel vm10, $0x3F800000, v47;
	v13 =	vmul.f32 v22, v13  }
0x157: {  	v56 =	vld [tilespmem:$0x2EA0];
	vm11 =	veq.s32 v12, v5;
	v24 =	vnsel vm5, $0x3F800000, v57;
	v21 =	vmul.f32 v28, v21  }
0x158: {  	v32 =	vld [tilespmem:$0x4100];
	v40 =	vnsel vm13, $0x3F800000, v34;
	vm13 =	veq.s32 v9, v3;
	v13 =	vmul.f32 v24, v13  }
0x159: {  	v51 =	vld [tilespmem:$0x3340];
	v26 =	vnsel vm6, $0x3F800000, v59;
	v21 =	vmul.f32 v23, v21;
	v23 =	vnsel vm7, $0x3F800000, v60  }
0x15a: {  	v62 =	vld [tilespmem:$0x2EC0];
	vm6 =	veq.s32 v17, v2;
	vm10 =	veq.s32 v19, v7;
	v13 =	vmul.f32 v23, v13  }
0x15b: {  	v33 =	vld [tilespmem:$0x2EE0];
	v53 =	vnsel vm13, $0x3F800000, v46;
	v36 =	vnsel vm10, $0x3F800000, v63;
	v21 =	vmul.f32 v25, v21  }
0x15c: {  	v37 =	vld [tilespmem:$0x4120];
	vm5 =	veq.s32 v9, v4;
	v28 =	vnsel vm4, $0x3F800000, v56;
	v13 =	vmul.f32 v36, v13  }
0x15d: {  	v35 =	vld [tilespmem:$0x2EF0];
	v20 =	vmul.f32 v27, v20;
	v27 =	vnsel vm12, $0x3F800000, v32;
	v21 =	vmul.f32 v28, v21  }
0x15e: {  	v39 =	vld [tilespmem:$0x4130];
	vm13 =	veq.s32 v9, v7;
	v58 =	vnsel vm5, $0x3F800000, v51;
	v13 =	vmul.f32 v27, v13  }
0x15f: {  	v42 =	vld [tilespmem:$0x4140];
	vm5 =	veq.s32 v14, v1;
	vm10 =	veq.s32 v17, v4;
	v21 =	vmul.f32 v26, v21  }
0x160: {  	v43 =	vld [tilespmem:$0x3320];
	vm15 =	veq.s32 v12, v7;
	v22 =	vnsel vm8, $0x3F800000, v62;
	v12 =	vmul.f32 v40, v13  }
0x161: {  	v38 =	vld [tilespmem:$0x3300];
	vm8 =	veq.s32 v17, v3;
	v26 =	vnsel vm6, $0x3F800000, v37;
	v21 =	vmul.f32 v22, v21  }
0x162: {  	v44 =	vld [tilespmem:$0x4150];
	vm12 =	veq.s32 v17, v5;
	v24 =	vnsel vm11, $0x3F800000, v31;
	v12 =	vmul.f32 v26, v12  }
0x163: {  	v61 =	vld [tilespmem:$0x25E0];
	vm4 =	veq.s32 v17, v7;
	v21 =	vmul.f32 v24, v21;
	v24 =	vnsel vm8, $0x3F800000, v39  }
0x164: {  	v47 =	vld [tilespmem:$0x4160];
	vm11 =	veq.s32 v9, v2;
	vm7 =	veq.s32 v9, v0;
	v12 =	vmul.f32 v24, v12  }
0x165: {  	v50 =	vnsel vm11, $0x3F800000, v43;
	vm11 =	veq.s32 v16, v3;
	v13 =	vnsel vm10, $0x3F800000, v42  }
0x166: {  	v49 =	vld [tilespmem:$0x4170];
	v23 =	vnsel vm14, $0x3F800000, v33;
	v45 =	vnsel vm7, $0x3F800000, v38;
	v12 =	vmul.f32 v13, v12  }
0x167: {  	v41 =	vld [tilespmem:$0x3310];
	vm14 =	veq.s32 v17, v6;
	v26 =	vnsel vm12, $0x3F800000, v44;
	v21 =	vmul.f32 v23, v21  }
0x168: {  	v52 =	vld [tilespmem:$0x4580];
	vm7 =	veq.s32 v16, v1;
	v22 =	vnsel vm15, $0x3F800000, v35;
	v12 =	vmul.f32 v26, v12  }
0x169: {  	v57 =	vld [tilespmem:$0x45A0];
	v25 =	vnsel vm9, $0x3F800000, v61;
	v24 =	vnsel vm14, $0x3F800000, v47;
	v21 =	vmul.f32 v22, v21  }
0x16a: {  	v54 =	vld [tilespmem:$0x4590];
	vm9 =	veq.s32 v9, v1;
	vm15 =	veq.s32 v11, v7;
	v11 =	vmul.f32 v24, v12  }
0x16b: {  	v59 =	vld [tilespmem:$0x3360];
	v20 =	vmul.f32 v25, v20;
	v13 =	vnsel vm4, $0x3F800000, v49;
	v21 =	vmul.f32 v45, v21  }
0x16c: {  	v48 =	vld [tilespmem:$0x25F0];
	v19 =	vnsel vm9, $0x3F800000, v41;
	vm6 =	veq.s32 v16, v0;
	v13 =	vmul.f32 v13, v11  }
0x16d: {  	v30 =	vld [tilespmem:$0x45D0];
	vm9 =	veq.s32 v16, v2;
	v60 =	vnsel vm6, $0x3F800000, v52;
	v19 =	vmul.f32 v19, v21  }
0x16e: {  	v61 =	vld [tilespmem:$0x45B0];
	v29 =	vnsel vm9, $0x3F800000, v57;
	vm9 =	veq.s32 v14, v3;
	v13 =	vmul.f32 v60, v13  }
0x16f: {  	v63 =	vld [tilespmem:$0x45C0];
	vm10 =	veq.s32 v9, v6;
	v12 =	vnsel vm7, $0x3F800000, v54;
	v19 =	vmul.f32 v50, v19  }
0x170: {  	v56 =	vld [tilespmem:$0x3350];
	vm6 =	veq.s32 v16, v7;
	v31 =	vnsel vm10, $0x3F800000, v59;
	v13 =	vmul.f32 v12, v13  }
0x171: {  	v32 =	vld [tilespmem:$0x3780];
	vm10 =	veq.s32 v15, v1;
	v55 =	vnsel vm15, $0x3F800000, v48;
	v19 =	vmul.f32 v53, v19  }
0x172: {  	v33 =	vld [tilespmem:$0x45E0];
	vm12 =	veq.s32 v16, v4;
	v12 =	vmul.f32 v55, v20;
	v20 =	vmul.f32 v29, v13  }
0x173: {  	v36 =	vld [tilespmem:$0x45F0];
	v11 =	vadd.f32 $-1.000000000e+00, v18;
	v18 =	vmul.f32 v58, v19;
	v19 =	vnsel vm11, $0x3F800000, v61  }
0x174: {  	v28 =	vld [tilespmem:$0x3370];
	vm15 =	veq.s32 v14, v0;
	vm8 =	veq.s32 v9, v5;
	v19 =	vmul.f32 v19, v20  }
0x175: {  	v41 =	vld [tilespmem:$0x4A10];
	v9 =	vnsel vm12, $0x3F800000, v63;
	vm12 =	veq.s32 v15, v2;
	v21 =	vnsel vm8, $0x3F800000, v56  }
0x176: {  	v35 =	vld [tilespmem:$0x3790];
	vm14 =	veq.s32 v16, v5;
	v27 =	vmul.f32 v21, v18;
	v9 =	vmul.f32 v9, v19  }
0x177: {  	v37 =	vnsel vm14, $0x3F800000, v30;
	v23 =	vnsel vm15, $0x3F800000, v32;
	vm14 =	veq.s32 v15, v3  }
0x178: {  	v39 =	vld [tilespmem:$0x4A00];
	vm4 =	veq.s32 v16, v6;
	v17 =	vmul.f32 v31, v27;
	v9 =	vmul.f32 v37, v9  }
0x179: {  	s18 =	sld [smem:$0x7E8];
	v48 =	vld [tilespmem:$0x37F0];
	vm15 =	veq.s32 v14, v6;
	v18 =	vnsel vm13, $0x3F800000, v28;
	v20 =	vnsel vm4, $0x3F800000, v33  }
0x17a: {  	s19 =	sld [smem:$0x7E9];
	v38 =	vld [tilespmem:$0x37A0];
	v16 =	vnsel vm10, $0x3F800000, v41;
	v17 =	vmul.f32 v18, v17;
	v9 =	vmul.f32 v20, v9  }
0x17b: {  	v43 =	vld [tilespmem:$0x4A20];
	v24 =	vnsel vm5, $0x3F800000, v35;
	vm7 =	veq.s32 v14, v2;
	v19 =	vnsel vm6, $0x3F800000, v36  }
0x17c: {  	s2 =	simm.s32 @!p0 $0x0;
	v40 =	vld [tilespmem:$0x37B0];
	vm8 =	veq.s32 v15, v0;
	v17 =	vmul.f32 v23, v17;
	v9 =	vmul.f32 v19, v9  }
0x17d: {  	s2 =	simm.s32 @p0 $0x1;
	p0 =	sgt.s32 s19, $0xFFFFFFFF;
	s0 =	sand.u32 $0x7F, s18;
	v42 =	vld [tilespmem:$0x37C0];
	vm5 =	veq.s32 v14, v7;
	v62 =	vmul.f32 $7.037683580e-02, v11;
	v18 =	vnsel vm8, $0x3F800000, v39  }
0x17e: {  	s0 =	simm.s32 @!p0 $0x80;
	v45 =	vld [tilespmem:$0x4A30];
	v53 =	vnsel vm5, $0x3F800000, v48;
	v17 =	vmul.f32 v24, v17;
	v9 =	vmul.f32 v18, v9  }
0x17f: {  	v44 =	vld [tilespmem:$0x37D0];
	v55 =	vmov s0;
	vm11 =	veq.s32 v14, v4;
	v21 =	vnsel vm7, $0x3F800000, v38  }
0x180: {  	s20 =	sld [smem:$0x7EA];
	v47 =	vld [tilespmem:$0x4A40];
	vm10 =	veq.s32 v55, v1;
	v17 =	vmul.f32 v21, v17;
	v9 =	vmul.f32 v16, v9  }
0x181: {  	v46 =	vld [tilespmem:$0x37E0];
	v13 =	vadd.f32 $-1.151461010e-01, v62;
	v23 =	vnsel vm9, $0x3F800000, v40;
	v19 =	vnsel vm12, $0x3F800000, v43  }
0x182: {  	v49 =	vld [tilespmem:$0x4A50];
	v34 =	vand.u32 $0x7FFFFF, v12;
	v17 =	vmul.f32 v23, v17;
	v9 =	vmul.f32 v19, v9  }
0x183: {  	p1 =	sgt.s32 s20, $0xFFFFFFFF;
	s0 =	sand.u32 $0x7F, s23;
	vm13 =	veq.s32 v14, v5;
	v20 =	vnsel vm11, $0x3F800000, v42;
	v18 =	vnsel vm14, $0x3F800000, v45  }
0x184: {  	v51 =	vld [tilespmem:$0x4A60];
	s0 =	simm.s32 @!p1 $0x80;
	vm4 =	veq.s32 v15, v4;
	v17 =	vmul.f32 v20, v17;
	v9 =	vmul.f32 v18, v9  }
0x185: {  	v54 =	vld [tilespmem:$0x4A70];
	v61 =	vmov s0;
	v52 =	vnsel vm4, $0x3F800000, v47;
	v21 =	vnsel vm13, $0x3F800000, v44  }
0x186: {  	v50 =	vld [tilespmem:$0x3C00];
	vm6 =	veq.s32 v15, v5;
	v17 =	vmul.f32 v21, v17;
	v9 =	vmul.f32 v52, v9  }
0x187: {  	v57 =	vld [tilespmem:$0x4E80];
	vm7 =	veq.s32 v55, v0;
	v23 =	vnsel vm15, $0x3F800000, v46;
	v19 =	vnsel vm6, $0x3F800000, v49  }
0x188: {  	v56 =	vld [tilespmem:$0x3C10];
	vm8 =	veq.s32 v15, v6;
	v17 =	vmul.f32 v23, v17;
	v9 =	vmul.f32 v19, v9  }
0x189: {  	v59 =	vld [tilespmem:$0x4E90];
	v22 =	vor.u32 $0x3F800000, v34;
	vm5 =	veq.s32 v61, v3;
	v18 =	vnsel vm8, $0x3F800000, v51  }
0x18a: {  	v58 =	vld [tilespmem:$0x3C20];
	vm9 =	veq.s32 v15, v7;
	v16 =	vmul.f32 v53, v17;
	v9 =	vmul.f32 v18, v9  }
0x18b: {  	v60 =	vld [tilespmem:$0x3C30];
	v13 =	vmul.f32 v13, v11;
	v14 =	vnsel vm9, $0x3F800000, v54;
	v21 =	vnsel vm7, $0x3F800000, v50  }
0x18c: {  	v62 =	vld [tilespmem:$0x4EA0];
	vm11 =	veq.s32 v61, v0;
	v16 =	vmul.f32 v21, v16;
	v9 =	vmul.f32 v14, v9  }
0x18d: {  	v63 =	vld [tilespmem:$0x3C40];
	vm12 =	veq.s32 v55, v2;
	v20 =	vnsel vm10, $0x3F800000, v56;
	v19 =	vnsel vm11, $0x3F800000, v57  }
0x18e: {  	v24 =	vld [tilespmem:$0x4EB0];
	vm13 =	veq.s32 v61, v1;
	v16 =	vmul.f32 v20, v16;
	v9 =	vmul.f32 v19, v9  }
0x18f: {  	v25 =	vld [tilespmem:$0x3C50];
	vm14 =	veq.s32 v55, v3;
	v15 =	vnsel vm13, $0x3F800000, v59;
	v23 =	vnsel vm12, $0x3F800000, v58  }
0x190: {  	v26 =	vld [tilespmem:$0x4EC0];
	vm15 =	veq.s32 v61, v2;
	v16 =	vmul.f32 v23, v16;
	v9 =	vmul.f32 v15, v9  }
0x191: {  	v28 =	vld [tilespmem:$0x4ED0];
	vm4 =	veq.s32 v55, v4;
	v18 =	vnsel vm14, $0x3F800000, v60;
	v14 =	vnsel vm15, $0x3F800000, v62  }
0x192: {  	v27 =	vld [tilespmem:$0x3C60];
	v13 =	vadd.f32 $1.167699840e-01, v13;
	v16 =	vmul.f32 v18, v16;
	v9 =	vmul.f32 v14, v9  }
0x193: {  	v30 =	vld [tilespmem:$0x4EE0];
	vm6 =	veq.s32 v55, v5;
	v20 =	vnsel vm4, $0x3F800000, v63;
	v19 =	vnsel vm5, $0x3F800000, v24  }
0x194: {  	v29 =	vld [tilespmem:$0x3C70];
	vm7 =	veq.s32 v61, v4;
	v16 =	vmul.f32 v20, v16;
	v9 =	vmul.f32 v19, v9  }
0x195: {  	vm9 =	veq.s32 v61, v5;
	v23 =	vnsel vm6, $0x3F800000, v25;
	v15 =	vnsel vm7, $0x3F800000, v26  }
0x196: {  	v31 =	vld [tilespmem:$0x4EF0];
	vm8 =	veq.s32 v55, v6;
	v16 =	vmul.f32 v23, v16;
	v9 =	vmul.f32 v15, v9  }
0x197: {  	vm12 =	veq.s32 v61, v6;
	v18 =	vnsel vm8, $0x3F800000, v27;
	v14 =	vnsel vm9, $0x3F800000, v28  }
0x198: {  	vm11 =	veq.s32 v55, v7;
	v16 =	vmul.f32 v18, v16;
	v9 =	vmul.f32 v14, v9  }
0x199: {  	v13 =	vmul.f32 v13, v11;
	v33 =	vnsel vm12, $0x3F800000, v30;
	v17 =	vnsel vm11, $0x3F800000, v29  }
0x19a: {  	vm13 =	veq.s32 v61, v7;
	v16 =	vmul.f32 v17, v16;
	v9 =	vmul.f32 v33, v9  }
0x19b: {  	v32 =	vmul.f32 $5.000000000e-01, v22;
	v13 =	vadd.f32 $-1.242014100e-01, v13;
	v15 =	vnsel vm13, $0x3F800000, v31  }
0x19c: {  	vm10 =	vgt.f32 v22, $1.414213540e+00;
	v17 =	vand.u32 $0x7FFFFF, v16;
	v9 =	vmul.f32 v15, v9  }
0x19d: {  	v13 =	vmul.f32 v13, v11;
	v14 =	vsel vm10, v32, v22;
	v34 =	vor.u32 $0x3F800000, v17  }
0x19e: {  	v14 =	vadd.f32 $-1.000000000e+00, v14;
	v36 =	vmul.f32 $5.000000000e-01, v34;
	v37 =	vand.u32 $0x7FFFFF, v9  }
0x19f: {  	v13 =	vadd.f32 $1.424932330e-01, v13;
	vm14 =	vgt.f32 v34, $1.414213540e+00;
	v19 =	vor.u32 $0x3F800000, v37  }
0x1a0: {  	v35 =	vmul.f32 $7.037683580e-02, v14;
	v15 =	vsel vm14, v36, v34;
	v38 =	vmul.f32 $5.000000000e-01, v19  }
0x1a1: {  	v15 =	vadd.f32 $-1.000000000e+00, v15;
	vm15 =	vgt.f32 v19, $1.414213540e+00  }
0x1a2: {  	v13 =	vmul.f32 v13, v11;
	v17 =	vadd.f32 $-1.151461010e-01, v35;
	v18 =	vsel vm15, v38, v19  }
0x1a3: {  	v39 =	vmul.f32 $7.037683580e-02, v15;
	v18 =	vadd.f32 $-1.000000000e+00, v18  }
0x1a4: {  	v13 =	vadd.f32 $-1.666805740e-01, v13;
	v17 =	vmul.f32 v17, v14  }
0x1a5: {  	v19 =	vadd.f32 $-1.151461010e-01, v39;
	v40 =	vmul.f32 $7.037683580e-02, v18  }
0x1a6: {  	v13 =	vmul.f32 v13, v11;
	v17 =	vadd.f32 $1.167699840e-01, v17  }
0x1a7: {  	v19 =	vmul.f32 v19, v15;
	v20 =	vadd.f32 $-1.151461010e-01, v40  }
0x1a8: {  	v13 =	vadd.f32 $2.000071410e-01, v13;
	v17 =	vmul.f32 v17, v14  }
0x1a9: {  	v19 =	vadd.f32 $1.167699840e-01, v19;
	v20 =	vmul.f32 v20, v18  }
0x1aa: {  	v13 =	vmul.f32 v13, v11;
	v17 =	vadd.f32 $-1.242014100e-01, v17  }
0x1ab: {  	v19 =	vmul.f32 v19, v15;
	v20 =	vadd.f32 $1.167699840e-01, v20  }
0x1ac: {  	v13 =	vadd.f32 $-2.499999400e-01, v13;
	v17 =	vmul.f32 v17, v14  }
0x1ad: {  	v19 =	vadd.f32 $-1.242014100e-01, v19;
	v20 =	vmul.f32 v20, v18  }
0x1ae: {  	v42 =	vmul.f32 v11, v11;
	v13 =	vmul.f32 v13, v11;
	v17 =	vadd.f32 $1.424932330e-01, v17  }
0x1af: {  	v10 =	vshra.s32 v10, $0x17;
	v19 =	vmul.f32 v19, v15;
	v20 =	vadd.f32 $-1.242014100e-01, v20  }
0x1b0: {  	v44 =	vmul.f32 v42, v11;
	v13 =	vadd.f32 $3.333333130e-01, v13;
	v17 =	vmul.f32 v17, v14  }
0x1b1: {  	v41 =	vsel vm0, $0xFFFFFF82, v8;
	v19 =	vadd.f32 $1.424932330e-01, v19;
	v20 =	vmul.f32 v20, v18  }
0x1b2: {  	v46 =	vmul.f32 $5.000000000e-01, v42;
	v13 =	vmul.f32 v13, v44;
	v17 =	vadd.f32 $-1.666805740e-01, v17  }
0x1b3: {  	v10 =	vadd.s32 v10, v41;
	v19 =	vmul.f32 v19, v15;
	v20 =	vadd.f32 $1.424932330e-01, v20  }
0x1b4: {  	v10 =	vcvt.s32.f32 v10;
	v13 =	vsub.f32 v13, v46;
	v17 =	vmul.f32 v17, v14  }
0x1b5: {  	v19 =	vadd.f32 $-1.666805740e-01, v19;
	v20 =	vmul.f32 v20, v18  }
0x1b6: {  	v10 =	vmul.f32 $6.931471820e-01, v10;
	v11 =	vadd.f32 v13, v11;
	v17 =	vadd.f32 $2.000071410e-01, v17  }
0x1b7: {  	v12 =	vshra.s32 v12, $0x17;
	v19 =	vmul.f32 v19, v15;
	v20 =	vadd.f32 $-1.666805740e-01, v20  }
0x1b8: {  	v43 =	vsel vm10, $0xFFFFFF82, v8;
	v10 =	vadd.f32 v11, v10;
	v17 =	vmul.f32 v17, v14  }
0x1b9: {  	v11 =	vadd.s32 v12, v43;
	v19 =	vadd.f32 $2.000071410e-01, v19;
	v20 =	vmul.f32 v20, v18  }
0x1ba: {  	v11 =	vcvt.s32.f32 v11;
	v16 =	vshra.s32 v16, $0x17;
	v17 =	vadd.f32 $-2.499999400e-01, v17  }
0x1bb: {  	v47 =	vmul.f32 v14, v14;
	v19 =	vmul.f32 v19, v15;
	v20 =	vadd.f32 $2.000071410e-01, v20  }
0x1bc: {  	v11 =	vmul.f32 $6.931471820e-01, v11;
	v45 =	vsel vm14, $0xFFFFFF82, v8;
	v17 =	vmul.f32 v17, v14  }
0x1bd: {  	v48 =	vmul.f32 v47, v14;
	v19 =	vadd.f32 $-2.499999400e-01, v19;
	v20 =	vmul.f32 v20, v18  }
0x1be: {  	v50 =	vmul.f32 $5.000000000e-01, v47;
	v49 =	vmul.f32 v15, v15;
	v17 =	vadd.f32 $3.333333130e-01, v17  }
0x1bf: {  	v57 =	vadd.s32 v16, v45;
	v19 =	vmul.f32 v19, v15;
	v20 =	vadd.f32 $-2.499999400e-01, v20  }
0x1c0: {  	v9 =	vshra.s32 v9, $0x17;
	v51 =	vmul.f32 v49, v15;
	v17 =	vmul.f32 v17, v48  }
0x1c1: {  	v52 =	vmul.f32 v18, v18;
	v19 =	vadd.f32 $3.333333130e-01, v19;
	v20 =	vmul.f32 v20, v18  }
0x1c2: {  	v59 =	vsel vm15, $0xFFFFFF82, v8;
	v13 =	vmul.f32 $5.000000000e-01, v49;
	v53 =	vsub.f32 v17, v50  }
0x1c3: {  	s24 =	sld [smem:$0x7ED];
	v56 =	vmul.f32 v52, v18;
	v54 =	vmul.f32 v19, v51;
	v55 =	vadd.f32 $3.333333130e-01, v20  }
0x1c4: {  	s21 =	sld [smem:$0x7EB];
	v9 =	vadd.s32 v9, v59;
	v60 =	vmul.f32 $5.000000000e-01, v52;
	v12 =	vadd.f32 v53, v14  }
0x1c5: {  	s29 =	sld [smem:$0x7F1];
	v14 =	vcvt.s32.f32 v57;
	v13 =	vsub.f32 v54, v13;
	v58 =	vmul.f32 v55, v56  }
0x1c6: {  	s30 =	sld [smem:$0x7F2];
	v9 =	vcvt.s32.f32 v9;
	v11 =	vadd.f32 v12, v11  }
0x1c7: {  	s31 =	sld [smem:$0x7F3];
	v14 =	vmul.f32 $6.931471820e-01, v14;
	v61 =	vadd.f32 v13, v15;
	v62 =	vsub.f32 v58, v60  }
0x1c8: {  	s23 =	sld [smem:$0x7EC];
	v10 =	vadd.f32 v11, v10  }
0x1c9: {  	[smem:$0x7F5] =	sst s5;
	v9 =	vmul.f32 $6.931471820e-01, v9;
	v11 =	vadd.f32 v61, v14;
	v63 =	vadd.f32 v62, v18  }
0x1ca: {  	p6 =	seq.s32 s21, $0x1;
	s4 =	sld [smem:$0x7F5];
	s0 =	simm.f32 $1.000000000e+00  }
0x1cb: {  	s1 =	simm.f32 $1.000000000e+00;
	s0 =	simm.s32 @!p6 $0x0;
	p6 =	seq.s32 s23, $0x1;
	v10 =	vadd.f32 v11, v10;
	v9 =	vadd.f32 v63, v9  }
0x1cc: {  	s25 =	sld [smem:$0x7EE];
	s1 =	simm.s32 @!p6 $0x0  }
0x1cd: {  	p6 =	seq.s32 s24, $0x1;
	s0 =	sadd.f32 s1, s0;
	s1 =	simm.f32 $1.000000000e+00;
	v9 =	vadd.f32 v9, v10  }
0x1ce: {  	s26 =	sld [smem:$0x7EF];
	s1 =	simm.s32 @!p6 $0x0  }
0x1cf: {  	p6 =	seq.s32 s25, $0x1;
	s0 =	sadd.f32 s0, s1;
	s1 =	simm.f32 $1.000000000e+00;
	(v2sf) =	vpush v9, $0x0  }
0x1d0: {  	s28 =	sld [smem:$0x7F0];
	s1 =	simm.s32 @!p6 $0x0;
	(v2sf) =	vpush v9, $0x1  }
0x1d1: {  	p6 =	seq.s32 s26, $0x1;
	s0 =	sadd.f32 s0, s1;
	s1 =	simm.f32 $1.000000000e+00  }
0x1d2: {  	s7 =	sld [smem:$0x7F6];
	s1 =	simm.s32 @!p6 $0x0;
	(v2sf) =	vpush v9, $0x2  }
0x1d3: {  	p6 =	seq.s32 s28, $0x1;
	s0 =	sadd.f32 s0, s1;
	s1 =	simm.f32 $1.000000000e+00  }
0x1d4: {  	[smem:$0x7F7] =	sst s3;
	s1 =	simm.s32 @!p6 $0x0;
	(v2sf) =	vpush v9, $0x3  }
0x1d5: {  	p6 =	seq.s32 s29, $0x1;
	s0 =	sadd.f32 s0, s1;
	s1 =	simm.f32 $1.000000000e+00  }
0x1d6: {  	s3 =	sld [smem:$0x7F4];
	s1 =	simm.s32 @!p6 $0x0;
	(v2sf) =	vpush v9, $0x4  }
0x1d7: {  	p6 =	seq.s32 s30, $0x1;
	s0 =	sadd.f32 s0, s1;
	s1 =	simm.f32 $1.000000000e+00  }
0x1d8: {  	s9 =	sld [smem:$0x7F7];
	s1 =	simm.s32 @!p6 $0x0;
	(v2sf) =	vpush v9, $0x5  }
0x1d9: {  	p6 =	seq.s32 s31, $0x1;
	s0 =	sadd.f32 s0, s1;
	s1 =	simm.f32 $1.000000000e+00  }
0x1da: {  	[smem:$0x7F8] =	sst s2;
	s1 =	simm.s32 @!p6 $0x0;
	(v2sf) =	vpush v9, $0x6  }
0x1db: {  	p6 =	seq.s32 s3, $0x1;
	s0 =	sadd.f32 s0, s1;
	s1 =	simm.f32 $1.000000000e+00  }
0x1dc: {  	s14 =	sld [smem:$0x7F8];
	s1 =	simm.s32 @!p6 $0x0;
	(v2sf) =	vpush v9, $0x7  }
0x1dd: {  	p6 =	seq.s32 s4, $0x1;
	s0 =	sadd.f32 s0, s1;
	s1 =	simm.f32 $1.000000000e+00  }
0x1de: {  	s1 =	simm.s32 @!p6 $0x0;
	p6 =	seq.s32 s7, $0x1;
	s5 =	spop (v2sf);
	(v2sf) =	vpush v9, $0x8  }
0x1df: {  	s0 =	sadd.f32 s0, s1;
	s1 =	simm.f32 $1.000000000e+00;
	s6 =	spop (v2sf)  }
0x1e0: {  	s1 =	simm.s32 @!p6 $0x0;
	p6 =	seq.s32 s9, $0x1;
	(v2sf) =	vpush v9, $0x9;
	s2 =	sadd.f32 s6, s5  }
0x1e1: {  	s0 =	sadd.f32 s0, s1;
	s1 =	simm.f32 $1.000000000e+00;
	s8 =	spop (v2sf)  }
0x1e2: {  	s1 =	simm.s32 @!p6 $0x0;
	(v2sf) =	vpush v9, $0xA;
	s2 =	sadd.f32 s2, s8  }
0x1e3: {  	s0 =	sadd.f32 s0, s1;
	s1 =	simm.f32 $1.000000000e+00;
	s10 =	spop (v2sf)  }
0x1e4: {  	s1 =	simm.s32 @!p4 $0x0;
	(v2sf) =	vpush v9, $0xB;
	s2 =	sadd.f32 s2, s10  }
0x1e5: {  	s0 =	sadd.f32 s0, s1;
	s1 =	simm.f32 $1.000000000e+00;
	s11 =	spop (v2sf)  }
0x1e6: {  	s1 =	simm.s32 @!p0 $0x0;
	p0 =	seq.s32 s14, $0x1;
	(v2sf) =	vpush v9, $0xC;
	s2 =	sadd.f32 s2, s11  }
0x1e7: {  	s0 =	sadd.f32 s0, s1;
	s1 =	simm.f32 $1.000000000e+00;
	s12 =	spop (v2sf)  }
0x1e8: {  	s1 =	simm.s32 @!p0 $0x0;
	(v2sf) =	vpush v9, $0xD;
	s2 =	sadd.f32 s2, s12  }
0x1e9: {  	s0 =	sadd.f32 s0, s1;
	s1 =	simm.f32 $1.000000000e+00;
	s15 =	spop (v2sf)  }
0x1ea: {  	s1 =	simm.s32 @!p5 $0x0;
	(v2sf) =	vpush v9, $0xE;
	s2 =	sadd.f32 s2, s15  }
0x1eb: {  	s0 =	sadd.f32 s0, s1;
	s1 =	simm.f32 $1.000000000e+00;
	s16 =	spop (v2sf)  }
0x1ec: {  	s1 =	simm.s32 @!p3 $0x0;
	(v2sf) =	vpush v9, $0xF;
	s2 =	sadd.f32 s2, s16  }
0x1ed: {  	s0 =	sadd.f32 s0, s1;
	s1 =	simm.f32 $1.000000000e+00;
	s17 =	spop (v2sf)  }
0x1ee: {  	s1 =	simm.s32 @!p2 $0x0;
	s2 =	sadd.f32 s2, s17  }
0x1ef: {  	s0 =	sadd.f32 s0, s1;
	s1 =	simm.f32 $1.000000000e+00;
	s18 =	spop (v2sf)  }
0x1f0: {  	s1 =	simm.s32 @!p1 $0x0;
	s2 =	sadd.f32 s2, s18  }
0x1f1: {  	s0 =	sadd.f32 s0, s1;
	s19 =	spop (v2sf)  }
0x1f2: {  	s1 =	sadd.f32 s2, s19  }
0x1f3: {  	v9 =	vmov s0;
	s21 =	spop (v2sf)  }
0x1f4: {  	(erf) = vrcp.f32 v9;
	s0 =	sadd.f32 s1, s21  }
0x1f5: {  	s23 =	spop (v2sf)  }
0x1f6: {  	s0 =	sadd.f32 s0, s23  }
0x1f7: {  	s24 =	spop (v2sf)  }
0x1f8: {  	s0 =	sadd.f32 s0, s24  }
0x1f9: {  	s25 =	spop (v2sf)  }
0x1fa: {  	s0 =	sadd.f32 s0, s25  }
0x1fb: {  	s20 =	sld [smem:$0x7F9];
	s26 =	spop (v2sf)  }
0x1fc: {  	s0 =	sadd.f32 s0, s26  }
0x1fd: {  	v9 =	vpop (erf)  }
0x1fe: {  	s29 =	sld [smem:$0x7FD];
	v9 =	vmul.f32 s0, v9  }
0x1ff: {  	s28 =	rddreg [dreg:$0x5];
	p0 =	sne.s32 s20, $0x1  }
.Ltmp1:
0x200: {  	s30 =	simm.s32 $0x2;
	s3 =	simm.s32 $0x0;
	[tilespmem:$0x5080] =	vst v9;
	(pc) =	sbr.rel @p0 .LBB2_2-.Ltmp1, $4  }
0x201: {  	[hbm4b:s28+s3] =	stream.linear.scatter [tilespmem:s29], [sflag:$0x2], $0x80, $0x38;
	[tilespmem:$0x5100] =	vst v63  }
0x202: {  	_ =	swait.ge [sflag:s30], $0x80  }
0x203: {  	s31 =	simm.s32 $0x2;
	[sflag:s30] =	ssyncset.done $0x0  }
0x204: {  	s2 =	sadd.s32 $0xFFFFFFFF, s20;
	[sflag:s31] =	ssyncadd.s32 $0xFFFFFF80  }
.LBB2_3:
0x205: {  	_ =	sfence.sel $0x180000  }
0x206: {  	[bflag:$0x0] =	sbarrier.arrive $0xFFFF  }
0x207: {  	_ =	strace $0x90000047  }
0x208: {  	s0 =	stileid.u32;
	[bflag:$0x2] =	sbarrier.arrive $0xFFFF  }
0x209: {  	p0 =	sne.s32 s0, $0x0;
	s0 =	rddreg [dreg:$0x3]  }
0x20a: {  	s0 =	sadd.s32 @!p0 $0x100000, s0  }
0x20b: {  	[sflag:s0] =	ssyncadd.tile.s32 @!p0 $0x1;
	_ =	shalt  }
.Lfunc_end2:
_tile_overlayer_lowered:
.L_overlay_start_2:
0x20c: {  	(tag) =	ssettag $0x2  }
0x20d: {  	s0 =	rddreg [dreg:$0x0];
	s2 =	stileid.u32  }
0x20e: {  	s1 =	rddreg [dreg:$0x1];
	p0 =	sne.s32 s2, $0x0  }
0x20f: {  	s3 =	rddreg [dreg:$0x2];
	[bflag:$0x3] =	sbarrier.arrive $0xFFFF;
	s2 =	simm.s32 @!p0 $0x1C02  }
0x210: {  	[timem:s3], [sflag:s2] =	dma.local @!p0 [hbm:s0], s1  }
0x211: {  	s0 =	simm.s32 @!p0 $0x2  }
0x212: {  	_ =	swait.ge @!p0 [sflag:s0], s1  }
0x213: {  	s1 =	ssub.s32 @!p0 $0x0, s1;
	[sflag:s0] =	ssyncset.done @!p0 $0x0  }
0x214: {  	[sflag:s0] =	ssyncadd.s32 @!p0 s1  }
0x215: {  	[bflag:$0x3] =	sbarrier.arrive $0xFFFF  }
0x216: {  	_ =	shalt  }

</sc_bundles>
